<compile_context>
chip_gen: v7x
topology: tpu7x:2x2x1
jax: 0.10.2.dev20260603
libtpu: 0.0.44.dev20260713+nightly
codegen_flags: <defaults>
</compile_context>

<pallas_src>
import functools

import jax
import jax.numpy as jnp
from jax import lax
from jax.experimental import pallas as pl
from jax.experimental.pallas import tpu as pltpu
from jax.experimental.pallas import tpu_sc as plsc

_BATCH = 1024
_OUT = 20
_K = 130107
_BK = 2048

_NC = 2
_NS = 16
_NW = _NC * _NS
_KSC = 4096
_KPT = _KSC // _NW
_KCH = 32
_NKC = _KPT // _KCH
_NMC = _BATCH // 16

_CONTRACT = (((1,), (0,)), ((), ()))


def _sc_body(xt_hbm, w_hbm, out_hbm, x_v, w_v, acc_v):
    wid = lax.axis_index("s") * _NC + lax.axis_index("c")
    base = wid * _KPT
    pltpu.sync_copy(w_hbm.at[:, pl.ds(base, _KPT)], w_v)

    def kc_body(kc, _):
        pltpu.sync_copy(xt_hbm.at[pl.ds(base + kc * _KCH, _KCH)], x_v)
        first = kc == 0

        def mc_body(mc, _):
            off = mc * 16
            accs = [
                jnp.where(first, 0.0, acc_v[j, pl.ds(off, 16)])
                for j in range(_OUT)
            ]
            for kg in range(_KCH // 16):
                wv = [
                    w_v[j, pl.ds(kc * _KCH + kg * 16, 16)]
                    for j in range(_OUT)
                ]
                for k in range(16):
                    xv = x_v[kg * 16 + k, pl.ds(off, 16)]
                    for j in range(_OUT):
                        accs[j] = accs[j] + xv * wv[j][k]
            for j in range(_OUT):
                acc_v[j, pl.ds(off, 16)] = accs[j]
            return 0

        lax.fori_loop(0, _NMC, mc_body, 0)
        return 0

    lax.fori_loop(0, _NKC, kc_body, 0)
    pltpu.sync_copy(acc_v, out_hbm.at[wid])


def _sc_partial(Xt, W):
    mesh = plsc.VectorSubcoreMesh(core_axis_name="c", subcore_axis_name="s")
    fn = functools.partial(
        pl.kernel,
        mesh=mesh,
        out_type=jax.ShapeDtypeStruct((_NW, _OUT, _BATCH), jnp.float32),
        scratch_types=[
            pltpu.VMEM((_KCH, _BATCH), jnp.float32),
            pltpu.VMEM((_OUT, _KPT), jnp.float32),
            pltpu.VMEM((_OUT, _BATCH), jnp.float32),
        ],
    )(_sc_body)
    return fn(Xt, W)


def _tc_body(xt_ref, w_ref, o_ref, *, nk, bk, k_total):
    k = pl.program_id(0)

    @pl.when(k == 0)
    def _init():
        o_ref[...] = jnp.zeros_like(o_ref)

    @pl.when(k < nk - 1)
    def _full():
        o_ref[...] += jax.lax.dot_general(
            w_ref[...], xt_ref[...], _CONTRACT,
            preferred_element_type=jnp.float32)

    @pl.when(k == nk - 1)
    def _tail():
        valid = k_total - _KSC - (nk - 1) * bk
        xm = jax.lax.broadcasted_iota(jnp.int32, xt_ref.shape, 0) < valid
        wm = jax.lax.broadcasted_iota(jnp.int32, w_ref.shape, 1) < valid
        x = jnp.where(xm, xt_ref[...], 0.0)
        w = jnp.where(wm, w_ref[...], 0.0)
        o_ref[...] += jax.lax.dot_general(
            w, x, _CONTRACT, preferred_element_type=jnp.float32)


def _tc_partial(Xt, W):
    nk = pl.cdiv(_K - _KSC, _BK)
    off = _KSC // _BK
    body = functools.partial(_tc_body, nk=nk, bk=_BK, k_total=_K)
    return pl.pallas_call(
        body,
        grid=(nk,),
        in_specs=[
            pl.BlockSpec((_BK, _BATCH), lambda k: (k + off, 0)),
            pl.BlockSpec((_OUT, _BK), lambda k: (0, k + off)),
        ],
        out_specs=pl.BlockSpec((_OUT, _BATCH), lambda k: (0, 0)),
        out_shape=jax.ShapeDtypeStruct((_OUT, _BATCH), jnp.float32),
        compiler_params=pltpu.CompilerParams(
            dimension_semantics=("arbitrary",)),
    )(Xt, W)


def _ep_body(tc_ref, sc_ref, b_ref, o_ref):
    logits = tc_ref[...] + jnp.sum(sc_ref[...], axis=0) + b_ref[...]
    m = jnp.max(logits, axis=0, keepdims=True)
    e = jnp.exp(logits - m)
    o_ref[...] = e / jnp.sum(e, axis=0, keepdims=True)


def _epilogue(tc_p, sc_p, b):
    return pl.pallas_call(
        _ep_body,
        out_shape=jax.ShapeDtypeStruct((_OUT, _BATCH), jnp.float32),
    )(tc_p, sc_p, b.reshape(_OUT, 1))


def kernel(X, W, b):
    Xt = X.T
    sc_p = _sc_partial(Xt, W)
    tc_p = _tc_partial(Xt, W)
    return _epilogue(tc_p, sc_p, b).T

# --- scband reference (transcript-rebuilt; emitter-appended) ---
"""Pipeline reference for scband-sparse-linear-88527865905781 (READ-ONLY COPY).

The authoritative reference and input builder live on the scoring server;
editing this copy changes nothing except your own understanding.
"""

import jax, jax.numpy as jnp
import numpy as np

INPUT_DIM = 130107
OUTPUT_DIM = 20
BATCH = 1024

def setup_inputs(seed: int = 0) -> dict:
    key = jax.random.key(seed)
    k1, k2, k3 = jax.random.split(key, 3)
    X = jax.random.uniform(k1, (BATCH, INPUT_DIM), dtype=jnp.float32)
    # Parameters of the inner SpaRedLinear layer (standard linear init)
    bound = 1.0 / np.sqrt(INPUT_DIM)
    W = jax.random.uniform(k2, (OUTPUT_DIM, INPUT_DIM), dtype=jnp.float32, minval=-bound, maxval=bound)
    b = jax.random.uniform(k3, (OUTPUT_DIM,), dtype=jnp.float32, minval=-bound, maxval=bound)
    return {"X": X, "W": W, "b": b}

def reference(X, W, b):
    # SpaRedLinear forward: affine map over (possibly sparse) high-dim features
    logits = X @ W.T + b
    # SparseLinear forward applies softmax over output classes
    return jax.nn.softmax(logits, axis=-1)

if __name__ == "__main__":
    import jax
    _d = setup_inputs()
    print(jax.jit(kernel)(*tuple(_d.values())))

</pallas_src>

<mosaic_0001>
#map = affine_map<(d0, d1) -> (0, 0)>
#map1 = affine_map<(d0, d1) -> (0, 0, 0)>
module attributes {stable_mosaic.version = 14 : i64} {
  func.func @_sc_body(%arg0: i32, %arg1: i32, %arg2: memref<130107x1024xf32, #tpu.memory_space<hbm>>, %arg3: memref<20x130107xf32, #tpu.memory_space<hbm>>, %arg4: memref<32x20x1024xf32, #tpu.memory_space<hbm>>, %arg5: memref<32x1024xf32, #tpu.memory_space<vmem>>, %arg6: memref<20x128xf32, #tpu.memory_space<vmem>>, %arg7: memref<20x1024xf32, #tpu.memory_space<vmem>>) attributes {dimension_semantics = [#tpu.dimension_semantics<core_parallel>, #tpu.dimension_semantics<subcore_parallel>], iteration_bounds = array<i64: 2, 16>, scalar_prefetch = 0 : i64, scratch_operands = 3 : i64, tpu.core_type = #tpu.core_type<sc_vector_subcore>, window_params = [{transform_indices = #map}, {transform_indices = #map}, {transform_indices = #map1}]} {
    %mul3A = arith.constant 2 : i32
    %mul3A_0 = arith.muli %arg1, %mul3A : i32
    %add3A = arith.addi %mul3A_0, %arg0 : i32
    %mul3A_1 = arith.constant 128 : i32
    %mul3A_2 = arith.muli %add3A, %mul3A_1 : i32
    "tpu.region"() ({
      %run_scoped3A = tpu.sem_alloc : memref<!tpu.dma_semaphore, #tpu.memory_space<semaphore_mem>>
      %dma_start3A = arith.constant 0 : i32
      %dma_start3A_9 = tpu.memref_slice %arg3[%dma_start3A, %mul3A_2] : memref<20x130107xf32, #tpu.memory_space<hbm>> -> memref<20x128xf32, #tpu.memory_space<hbm>>
      %dma_start3A_10 = arith.constant 0 : i32
      %dma_start3A_11 = tpu.memref_slice %arg3[%dma_start3A_10, %mul3A_2] : memref<20x130107xf32, #tpu.memory_space<hbm>> -> memref<20x128xf32, #tpu.memory_space<hbm>>
      tpu.enqueue_dma source(%dma_start3A_11 : memref<20x128xf32, #tpu.memory_space<hbm>>) target(%arg6 : memref<20x128xf32, #tpu.memory_space<vmem>>) target_semaphore(%run_scoped3A : memref<!tpu.dma_semaphore, #tpu.memory_space<semaphore_mem>>)
      %dma_wait3A = arith.constant 0 : i32
      %dma_wait3A_12 = tpu.memref_slice %arg3[%dma_wait3A, %mul3A_2] : memref<20x130107xf32, #tpu.memory_space<hbm>> -> memref<20x128xf32, #tpu.memory_space<hbm>>
      %dma_wait3A_13 = arith.constant 0 : i32
      %dma_wait3A_14 = tpu.memref_slice %arg3[%dma_wait3A_13, %mul3A_2] : memref<20x130107xf32, #tpu.memory_space<hbm>> -> memref<20x128xf32, #tpu.memory_space<hbm>>
      tpu.wait_dma2 semaphore(%run_scoped3A : memref<!tpu.dma_semaphore, #tpu.memory_space<semaphore_mem>>) src(%dma_wait3A_14 : memref<20x128xf32, #tpu.memory_space<hbm>>) dst(%arg6 : memref<20x128xf32, #tpu.memory_space<vmem>>)
      tpu.yield
    }) : () -> ()
    %scan3A = arith.constant 0 : i32
    %scan3A_3 = arith.constant 0 : i32
    %scan3A_4 = arith.constant 4 : i32
    %scan3A_5 = arith.addi %scan3A_3, %scan3A_4 : i32
    %scan3A_6 = arith.constant 1 : i32
    %scan3A_7 = scf.for %scan3A_9 = %scan3A_3 to %scan3A_5 step %scan3A_6 iter_args(%scan3A_10 = %scan3A) -> (i32)  : i32 {
      %mul3A_11 = arith.constant 32 : i32
      %mul3A_12 = arith.muli %scan3A_9, %mul3A_11 : i32
      %add3A_13 = arith.addi %mul3A_2, %mul3A_12 : i32
      "tpu.region"() ({
        %run_scoped3A = tpu.sem_alloc : memref<!tpu.dma_semaphore, #tpu.memory_space<semaphore_mem>>
        %dma_start3A = arith.constant 0 : i32
        %dma_start3A_23 = tpu.memref_slice %arg2[%add3A_13, %dma_start3A] : memref<130107x1024xf32, #tpu.memory_space<hbm>> -> memref<32x1024xf32, #tpu.memory_space<hbm>>
        %dma_start3A_24 = arith.constant 0 : i32
        %dma_start3A_25 = tpu.memref_slice %arg2[%add3A_13, %dma_start3A_24] : memref<130107x1024xf32, #tpu.memory_space<hbm>> -> memref<32x1024xf32, #tpu.memory_space<hbm>>
        tpu.enqueue_dma source(%dma_start3A_25 : memref<32x1024xf32, #tpu.memory_space<hbm>>) target(%arg5 : memref<32x1024xf32, #tpu.memory_space<vmem>>) target_semaphore(%run_scoped3A : memref<!tpu.dma_semaphore, #tpu.memory_space<semaphore_mem>>)
        %dma_wait3A = arith.constant 0 : i32
        %dma_wait3A_26 = tpu.memref_slice %arg2[%add3A_13, %dma_wait3A] : memref<130107x1024xf32, #tpu.memory_space<hbm>> -> memref<32x1024xf32, #tpu.memory_space<hbm>>
        %dma_wait3A_27 = arith.constant 0 : i32
        %dma_wait3A_28 = tpu.memref_slice %arg2[%add3A_13, %dma_wait3A_27] : memref<130107x1024xf32, #tpu.memory_space<hbm>> -> memref<32x1024xf32, #tpu.memory_space<hbm>>
        tpu.wait_dma2 semaphore(%run_scoped3A : memref<!tpu.dma_semaphore, #tpu.memory_space<semaphore_mem>>) src(%dma_wait3A_28 : memref<32x1024xf32, #tpu.memory_space<hbm>>) dst(%arg5 : memref<32x1024xf32, #tpu.memory_space<vmem>>)
        tpu.yield
      }) : () -> ()
      %eq3A = arith.constant 0 : i32
      %eq3A_14 = arith.cmpi eq, %scan3A_9, %eq3A : i32
      %scan3A_15 = arith.constant 0 : i32
      %scan3A_16 = arith.constant 0 : i32
      %scan3A_17 = arith.constant 64 : i32
      %scan3A_18 = arith.addi %scan3A_16, %scan3A_17 : i32
      %scan3A_19 = arith.constant 1 : i32
      %scan3A_20 = scf.for %scan3A_23 = %scan3A_16 to %scan3A_18 step %scan3A_19 iter_args(%scan3A_24 = %scan3A_15) -> (i32)  : i32 {
        %mul3A_25 = arith.constant 16 : i32
        %mul3A_26 = arith.muli %scan3A_23, %mul3A_25 : i32
        %get3A = arith.constant 0 : i32
        %get3A_27 = arith.index_cast %get3A : i32 to index
        %get3A_28 = arith.index_cast %mul3A_26 : i32 to index
        %get3A_29 = tpu.vector_load %arg7[%get3A_27, %get3A_28] {strides = array<i32>} : memref<20x1024xf32, #tpu.memory_space<vmem>>, vector<1x16xf32>,
        %get3A_30 = vector.shape_cast %get3A_29 : vector<1x16xf32> to vector<16xf32>
        %jit3A = arith.constant 0.000000e+00 : f32
        %broadcast_in_dim3A = vector.broadcast %jit3A : f32 to vector<16xf32>
        %select_n3A = arith.select %eq3A_14, %broadcast_in_dim3A, %get3A_30 : vector<16xf32>
        %get3A_31 = arith.constant 1 : i32
        %get3A_32 = arith.index_cast %get3A_31 : i32 to index
        %get3A_33 = arith.index_cast %mul3A_26 : i32 to index
        %get3A_34 = tpu.vector_load %arg7[%get3A_32, %get3A_33] {strides = array<i32>} : memref<20x1024xf32, #tpu.memory_space<vmem>>, vector<1x16xf32>,
        %get3A_35 = vector.shape_cast %get3A_34 : vector<1x16xf32> to vector<16xf32>
        %jit3A_36 = arith.constant 0.000000e+00 : f32
        %broadcast_in_dim3A_37 = vector.broadcast %jit3A_36 : f32 to vector<16xf32>
        %select_n3A_38 = arith.select %eq3A_14, %broadcast_in_dim3A_37, %get3A_35 : vector<16xf32>
        %get3A_39 = arith.constant 2 : i32
        %get3A_40 = arith.index_cast %get3A_39 : i32 to index
        %get3A_41 = arith.index_cast %mul3A_26 : i32 to index
        %get3A_42 = tpu.vector_load %arg7[%get3A_40, %get3A_41] {strides = array<i32>} : memref<20x1024xf32, #tpu.memory_space<vmem>>, vector<1x16xf32>,
        %get3A_43 = vector.shape_cast %get3A_42 : vector<1x16xf32> to vector<16xf32>
        %jit3A_44 = arith.constant 0.000000e+00 : f32
        %broadcast_in_dim3A_45 = vector.broadcast %jit3A_44 : f32 to vector<16xf32>
        %select_n3A_46 = arith.select %eq3A_14, %broadcast_in_dim3A_45, %get3A_43 : vector<16xf32>
        %get3A_47 = arith.constant 3 : i32
        %get3A_48 = arith.index_cast %get3A_47 : i32 to index
        %get3A_49 = arith.index_cast %mul3A_26 : i32 to index
        %get3A_50 = tpu.vector_load %arg7[%get3A_48, %get3A_49] {strides = array<i32>} : memref<20x1024xf32, #tpu.memory_space<vmem>>, vector<1x16xf32>,
        %get3A_51 = vector.shape_cast %get3A_50 : vector<1x16xf32> to vector<16xf32>
        %jit3A_52 = arith.constant 0.000000e+00 : f32
        %broadcast_in_dim3A_53 = vector.broadcast %jit3A_52 : f32 to vector<16xf32>
        %select_n3A_54 = arith.select %eq3A_14, %broadcast_in_dim3A_53, %get3A_51 : vector<16xf32>
        %get3A_55 = arith.constant 4 : i32
        %get3A_56 = arith.index_cast %get3A_55 : i32 to index
        %get3A_57 = arith.index_cast %mul3A_26 : i32 to index
        %get3A_58 = tpu.vector_load %arg7[%get3A_56, %get3A_57] {strides = array<i32>} : memref<20x1024xf32, #tpu.memory_space<vmem>>, vector<1x16xf32>,
        %get3A_59 = vector.shape_cast %get3A_58 : vector<1x16xf32> to vector<16xf32>
        %jit3A_60 = arith.constant 0.000000e+00 : f32
        %broadcast_in_dim3A_61 = vector.broadcast %jit3A_60 : f32 to vector<16xf32>
        %select_n3A_62 = arith.select %eq3A_14, %broadcast_in_dim3A_61, %get3A_59 : vector<16xf32>
        %get3A_63 = arith.constant 5 : i32
        %get3A_64 = arith.index_cast %get3A_63 : i32 to index
        %get3A_65 = arith.index_cast %mul3A_26 : i32 to index
        %get3A_66 = tpu.vector_load %arg7[%get3A_64, %get3A_65] {strides = array<i32>} : memref<20x1024xf32, #tpu.memory_space<vmem>>, vector<1x16xf32>,
        %get3A_67 = vector.shape_cast %get3A_66 : vector<1x16xf32> to vector<16xf32>
        %jit3A_68 = arith.constant 0.000000e+00 : f32
        %broadcast_in_dim3A_69 = vector.broadcast %jit3A_68 : f32 to vector<16xf32>
        %select_n3A_70 = arith.select %eq3A_14, %broadcast_in_dim3A_69, %get3A_67 : vector<16xf32>
        %get3A_71 = arith.constant 6 : i32
        %get3A_72 = arith.index_cast %get3A_71 : i32 to index
        %get3A_73 = arith.index_cast %mul3A_26 : i32 to index
        %get3A_74 = tpu.vector_load %arg7[%get3A_72, %get3A_73] {strides = array<i32>} : memref<20x1024xf32, #tpu.memory_space<vmem>>, vector<1x16xf32>,
        %get3A_75 = vector.shape_cast %get3A_74 : vector<1x16xf32> to vector<16xf32>
        %jit3A_76 = arith.constant 0.000000e+00 : f32
        %broadcast_in_dim3A_77 = vector.broadcast %jit3A_76 : f32 to vector<16xf32>
        %select_n3A_78 = arith.select %eq3A_14, %broadcast_in_dim3A_77, %get3A_75 : vector<16xf32>
        %get3A_79 = arith.constant 7 : i32
        %get3A_80 = arith.index_cast %get3A_79 : i32 to index
        %get3A_81 = arith.index_cast %mul3A_26 : i32 to index
        %get3A_82 = tpu.vector_load %arg7[%get3A_80, %get3A_81] {strides = array<i32>} : memref<20x1024xf32, #tpu.memory_space<vmem>>, vector<1x16xf32>,
        %get3A_83 = vector.shape_cast %get3A_82 : vector<1x16xf32> to vector<16xf32>
        %jit3A_84 = arith.constant 0.000000e+00 : f32
        %broadcast_in_dim3A_85 = vector.broadcast %jit3A_84 : f32 to vector<16xf32>
        %select_n3A_86 = arith.select %eq3A_14, %broadcast_in_dim3A_85, %get3A_83 : vector<16xf32>
        %get3A_87 = arith.constant 8 : i32
        %get3A_88 = arith.index_cast %get3A_87 : i32 to index
        %get3A_89 = arith.index_cast %mul3A_26 : i32 to index
        %get3A_90 = tpu.vector_load %arg7[%get3A_88, %get3A_89] {strides = array<i32>} : memref<20x1024xf32, #tpu.memory_space<vmem>>, vector<1x16xf32>,
        %get3A_91 = vector.shape_cast %get3A_90 : vector<1x16xf32> to vector<16xf32>
        %jit3A_92 = arith.constant 0.000000e+00 : f32
        %broadcast_in_dim3A_93 = vector.broadcast %jit3A_92 : f32 to vector<16xf32>
        %select_n3A_94 = arith.select %eq3A_14, %broadcast_in_dim3A_93, %get3A_91 : vector<16xf32>
        %get3A_95 = arith.constant 9 : i32
        %get3A_96 = arith.index_cast %get3A_95 : i32 to index
        %get3A_97 = arith.index_cast %mul3A_26 : i32 to index
        %get3A_98 = tpu.vector_load %arg7[%get3A_96, %get3A_97] {strides = array<i32>} : memref<20x1024xf32, #tpu.memory_space<vmem>>, vector<1x16xf32>,
        %get3A_99 = vector.shape_cast %get3A_98 : vector<1x16xf32> to vector<16xf32>
        %jit3A_100 = arith.constant 0.000000e+00 : f32
        %broadcast_in_dim3A_101 = vector.broadcast %jit3A_100 : f32 to vector<16xf32>
        %select_n3A_102 = arith.select %eq3A_14, %broadcast_in_dim3A_101, %get3A_99 : vector<16xf32>
        %get3A_103 = arith.constant 10 : i32
        %get3A_104 = arith.index_cast %get3A_103 : i32 to index
        %get3A_105 = arith.index_cast %mul3A_26 : i32 to index
        %get3A_106 = tpu.vector_load %arg7[%get3A_104, %get3A_105] {strides = array<i32>} : memref<20x1024xf32, #tpu.memory_space<vmem>>, vector<1x16xf32>,
        %get3A_107 = vector.shape_cast %get3A_106 : vector<1x16xf32> to vector<16xf32>
        %jit3A_108 = arith.constant 0.000000e+00 : f32
        %broadcast_in_dim3A_109 = vector.broadcast %jit3A_108 : f32 to vector<16xf32>
        %select_n3A_110 = arith.select %eq3A_14, %broadcast_in_dim3A_109, %get3A_107 : vector<16xf32>
        %get3A_111 = arith.constant 11 : i32
        %get3A_112 = arith.index_cast %get3A_111 : i32 to index
        %get3A_113 = arith.index_cast %mul3A_26 : i32 to index
        %get3A_114 = tpu.vector_load %arg7[%get3A_112, %get3A_113] {strides = array<i32>} : memref<20x1024xf32, #tpu.memory_space<vmem>>, vector<1x16xf32>,
        %get3A_115 = vector.shape_cast %get3A_114 : vector<1x16xf32> to vector<16xf32>
        %jit3A_116 = arith.constant 0.000000e+00 : f32
        %broadcast_in_dim3A_117 = vector.broadcast %jit3A_116 : f32 to vector<16xf32>
        %select_n3A_118 = arith.select %eq3A_14, %broadcast_in_dim3A_117, %get3A_115 : vector<16xf32>
        %get3A_119 = arith.constant 12 : i32
        %get3A_120 = arith.index_cast %get3A_119 : i32 to index
        %get3A_121 = arith.index_cast %mul3A_26 : i32 to index
        %get3A_122 = tpu.vector_load %arg7[%get3A_120, %get3A_121] {strides = array<i32>} : memref<20x1024xf32, #tpu.memory_space<vmem>>, vector<1x16xf32>,
        %get3A_123 = vector.shape_cast %get3A_122 : vector<1x16xf32> to vector<16xf32>
        %jit3A_124 = arith.constant 0.000000e+00 : f32
        %broadcast_in_dim3A_125 = vector.broadcast %jit3A_124 : f32 to vector<16xf32>
        %select_n3A_126 = arith.select %eq3A_14, %broadcast_in_dim3A_125, %get3A_123 : vector<16xf32>
        %get3A_127 = arith.constant 13 : i32
        %get3A_128 = arith.index_cast %get3A_127 : i32 to index
        %get3A_129 = arith.index_cast %mul3A_26 : i32 to index
        %get3A_130 = tpu.vector_load %arg7[%get3A_128, %get3A_129] {strides = array<i32>} : memref<20x1024xf32, #tpu.memory_space<vmem>>, vector<1x16xf32>,
        %get3A_131 = vector.shape_cast %get3A_130 : vector<1x16xf32> to vector<16xf32>
        %jit3A_132 = arith.constant 0.000000e+00 : f32
        %broadcast_in_dim3A_133 = vector.broadcast %jit3A_132 : f32 to vector<16xf32>
        %select_n3A_134 = arith.select %eq3A_14, %broadcast_in_dim3A_133, %get3A_131 : vector<16xf32>
        %get3A_135 = arith.constant 14 : i32
        %get3A_136 = arith.index_cast %get3A_135 : i32 to index
        %get3A_137 = arith.index_cast %mul3A_26 : i32 to index
        %get3A_138 = tpu.vector_load %arg7[%get3A_136, %get3A_137] {strides = array<i32>} : memref<20x1024xf32, #tpu.memory_space<vmem>>, vector<1x16xf32>,
        %get3A_139 = vector.shape_cast %get3A_138 : vector<1x16xf32> to vector<16xf32>
        %jit3A_140 = arith.constant 0.000000e+00 : f32
        %broadcast_in_dim3A_141 = vector.broadcast %jit3A_140 : f32 to vector<16xf32>
        %select_n3A_142 = arith.select %eq3A_14, %broadcast_in_dim3A_141, %get3A_139 : vector<16xf32>
        %get3A_143 = arith.constant 15 : i32
        %get3A_144 = arith.index_cast %get3A_143 : i32 to index
        %get3A_145 = arith.index_cast %mul3A_26 : i32 to index
        %get3A_146 = tpu.vector_load %arg7[%get3A_144, %get3A_145] {strides = array<i32>} : memref<20x1024xf32, #tpu.memory_space<vmem>>, vector<1x16xf32>,
        %get3A_147 = vector.shape_cast %get3A_146 : vector<1x16xf32> to vector<16xf32>
        %jit3A_148 = arith.constant 0.000000e+00 : f32
        %broadcast_in_dim3A_149 = vector.broadcast %jit3A_148 : f32 to vector<16xf32>
        %select_n3A_150 = arith.select %eq3A_14, %broadcast_in_dim3A_149, %get3A_147 : vector<16xf32>
        %get3A_151 = arith.constant 16 : i32
        %get3A_152 = arith.index_cast %get3A_151 : i32 to index
        %get3A_153 = arith.index_cast %mul3A_26 : i32 to index
        %get3A_154 = tpu.vector_load %arg7[%get3A_152, %get3A_153] {strides = array<i32>} : memref<20x1024xf32, #tpu.memory_space<vmem>>, vector<1x16xf32>,
        %get3A_155 = vector.shape_cast %get3A_154 : vector<1x16xf32> to vector<16xf32>
        %jit3A_156 = arith.constant 0.000000e+00 : f32
        %broadcast_in_dim3A_157 = vector.broadcast %jit3A_156 : f32 to vector<16xf32>
        %select_n3A_158 = arith.select %eq3A_14, %broadcast_in_dim3A_157, %get3A_155 : vector<16xf32>
        %get3A_159 = arith.constant 17 : i32
        %get3A_160 = arith.index_cast %get3A_159 : i32 to index
        %get3A_161 = arith.index_cast %mul3A_26 : i32 to index
        %get3A_162 = tpu.vector_load %arg7[%get3A_160, %get3A_161] {strides = array<i32>} : memref<20x1024xf32, #tpu.memory_space<vmem>>, vector<1x16xf32>,
        %get3A_163 = vector.shape_cast %get3A_162 : vector<1x16xf32> to vector<16xf32>
        %jit3A_164 = arith.constant 0.000000e+00 : f32
        %broadcast_in_dim3A_165 = vector.broadcast %jit3A_164 : f32 to vector<16xf32>
        %select_n3A_166 = arith.select %eq3A_14, %broadcast_in_dim3A_165, %get3A_163 : vector<16xf32>
        %get3A_167 = arith.constant 18 : i32
        %get3A_168 = arith.index_cast %get3A_167 : i32 to index
        %get3A_169 = arith.index_cast %mul3A_26 : i32 to index
        %get3A_170 = tpu.vector_load %arg7[%get3A_168, %get3A_169] {strides = array<i32>} : memref<20x1024xf32, #tpu.memory_space<vmem>>, vector<1x16xf32>,
        %get3A_171 = vector.shape_cast %get3A_170 : vector<1x16xf32> to vector<16xf32>
        %jit3A_172 = arith.constant 0.000000e+00 : f32
        %broadcast_in_dim3A_173 = vector.broadcast %jit3A_172 : f32 to vector<16xf32>
        %select_n3A_174 = arith.select %eq3A_14, %broadcast_in_dim3A_173, %get3A_171 : vector<16xf32>
        %get3A_175 = arith.constant 19 : i32
        %get3A_176 = arith.index_cast %get3A_175 : i32 to index
        %get3A_177 = arith.index_cast %mul3A_26 : i32 to index
        %get3A_178 = tpu.vector_load %arg7[%get3A_176, %get3A_177] {strides = array<i32>} : memref<20x1024xf32, #tpu.memory_space<vmem>>, vector<1x16xf32>,
        %get3A_179 = vector.shape_cast %get3A_178 : vector<1x16xf32> to vector<16xf32>
        %jit3A_180 = arith.constant 0.000000e+00 : f32
        %broadcast_in_dim3A_181 = vector.broadcast %jit3A_180 : f32 to vector<16xf32>
        %select_n3A_182 = arith.select %eq3A_14, %broadcast_in_dim3A_181, %get3A_179 : vector<16xf32>
        %mul3A_183 = arith.constant 32 : i32
        %mul3A_184 = arith.muli %scan3A_9, %mul3A_183 : i32
        %add3A_185 = arith.constant 0 : i32
        %add3A_186 = arith.addi %mul3A_184, %add3A_185 : i32
        %get3A_187 = arith.constant 0 : i32
        %get3A_188 = arith.index_cast %get3A_187 : i32 to index
        %get3A_189 = arith.index_cast %add3A_186 : i32 to index
        %get3A_190 = tpu.vector_load %arg6[%get3A_188, %get3A_189] {strides = array<i32>} : memref<20x128xf32, #tpu.memory_space<vmem>>, vector<1x16xf32>,
        %get3A_191 = vector.shape_cast %get3A_190 : vector<1x16xf32> to vector<16xf32>
        %mul3A_192 = arith.constant 32 : i32
        %mul3A_193 = arith.muli %scan3A_9, %mul3A_192 : i32
        %add3A_194 = arith.constant 0 : i32
        %add3A_195 = arith.addi %mul3A_193, %add3A_194 : i32
        %get3A_196 = arith.constant 1 : i32
        %get3A_197 = arith.index_cast %get3A_196 : i32 to index
        %get3A_198 = arith.index_cast %add3A_195 : i32 to index
        %get3A_199 = tpu.vector_load %arg6[%get3A_197, %get3A_198] {strides = array<i32>} : memref<20x128xf32, #tpu.memory_space<vmem>>, vector<1x16xf32>,
        %get3A_200 = vector.shape_cast %get3A_199 : vector<1x16xf32> to vector<16xf32>
        %mul3A_201 = arith.constant 32 : i32
        %mul3A_202 = arith.muli %scan3A_9, %mul3A_201 : i32
        %add3A_203 = arith.constant 0 : i32
        %add3A_204 = arith.addi %mul3A_202, %add3A_203 : i32
        %get3A_205 = arith.constant 2 : i32
        %get3A_206 = arith.index_cast %get3A_205 : i32 to index
        %get3A_207 = arith.index_cast %add3A_204 : i32 to index
        %get3A_208 = tpu.vector_load %arg6[%get3A_206, %get3A_207] {strides = array<i32>} : memref<20x128xf32, #tpu.memory_space<vmem>>, vector<1x16xf32>,
        %get3A_209 = vector.shape_cast %get3A_208 : vector<1x16xf32> to vector<16xf32>
        %mul3A_210 = arith.constant 32 : i32
        %mul3A_211 = arith.muli %scan3A_9, %mul3A_210 : i32
        %add3A_212 = arith.constant 0 : i32
        %add3A_213 = arith.addi %mul3A_211, %add3A_212 : i32
        %get3A_214 = arith.constant 3 : i32
        %get3A_215 = arith.index_cast %get3A_214 : i32 to index
        %get3A_216 = arith.index_cast %add3A_213 : i32 to index
        %get3A_217 = tpu.vector_load %arg6[%get3A_215, %get3A_216] {strides = array<i32>} : memref<20x128xf32, #tpu.memory_space<vmem>>, vector<1x16xf32>,
        %get3A_218 = vector.shape_cast %get3A_217 : vector<1x16xf32> to vector<16xf32>
        %mul3A_219 = arith.constant 32 : i32
        %mul3A_220 = arith.muli %scan3A_9, %mul3A_219 : i32
        %add3A_221 = arith.constant 0 : i32
        %add3A_222 = arith.addi %mul3A_220, %add3A_221 : i32
        %get3A_223 = arith.constant 4 : i32
        %get3A_224 = arith.index_cast %get3A_223 : i32 to index
        %get3A_225 = arith.index_cast %add3A_222 : i32 to index
        %get3A_226 = tpu.vector_load %arg6[%get3A_224, %get3A_225] {strides = array<i32>} : memref<20x128xf32, #tpu.memory_space<vmem>>, vector<1x16xf32>,
        %get3A_227 = vector.shape_cast %get3A_226 : vector<1x16xf32> to vector<16xf32>
        %mul3A_228 = arith.constant 32 : i32
        %mul3A_229 = arith.muli %scan3A_9, %mul3A_228 : i32
        %add3A_230 = arith.constant 0 : i32
        %add3A_231 = arith.addi %mul3A_229, %add3A_230 : i32
        %get3A_232 = arith.constant 5 : i32
        %get3A_233 = arith.index_cast %get3A_232 : i32 to index
        %get3A_234 = arith.index_cast %add3A_231 : i32 to index
        %get3A_235 = tpu.vector_load %arg6[%get3A_233, %get3A_234] {strides = array<i32>} : memref<20x128xf32, #tpu.memory_space<vmem>>, vector<1x16xf32>,
        %get3A_236 = vector.shape_cast %get3A_235 : vector<1x16xf32> to vector<16xf32>
        %mul3A_237 = arith.constant 32 : i32
        %mul3A_238 = arith.muli %scan3A_9, %mul3A_237 : i32
        %add3A_239 = arith.constant 0 : i32
        %add3A_240 = arith.addi %mul3A_238, %add3A_239 : i32
        %get3A_241 = arith.constant 6 : i32
        %get3A_242 = arith.index_cast %get3A_241 : i32 to index
        %get3A_243 = arith.index_cast %add3A_240 : i32 to index
        %get3A_244 = tpu.vector_load %arg6[%get3A_242, %get3A_243] {strides = array<i32>} : memref<20x128xf32, #tpu.memory_space<vmem>>, vector<1x16xf32>,
        %get3A_245 = vector.shape_cast %get3A_244 : vector<1x16xf32> to vector<16xf32>
        %mul3A_246 = arith.constant 32 : i32
        %mul3A_247 = arith.muli %scan3A_9, %mul3A_246 : i32
        %add3A_248 = arith.constant 0 : i32
        %add3A_249 = arith.addi %mul3A_247, %add3A_248 : i32
        %get3A_250 = arith.constant 7 : i32
        %get3A_251 = arith.index_cast %get3A_250 : i32 to index
        %get3A_252 = arith.index_cast %add3A_249 : i32 to index
        %get3A_253 = tpu.vector_load %arg6[%get3A_251, %get3A_252] {strides = array<i32>} : memref<20x128xf32, #tpu.memory_space<vmem>>, vector<1x16xf32>,
        %get3A_254 = vector.shape_cast %get3A_253 : vector<1x16xf32> to vector<16xf32>
        %mul3A_255 = arith.constant 32 : i32
        %mul3A_256 = arith.muli %scan3A_9, %mul3A_255 : i32
        %add3A_257 = arith.constant 0 : i32
        %add3A_258 = arith.addi %mul3A_256, %add3A_257 : i32
        %get3A_259 = arith.constant 8 : i32
        %get3A_260 = arith.index_cast %get3A_259 : i32 to index
        %get3A_261 = arith.index_cast %add3A_258 : i32 to index
        %get3A_262 = tpu.vector_load %arg6[%get3A_260, %get3A_261] {strides = array<i32>} : memref<20x128xf32, #tpu.memory_space<vmem>>, vector<1x16xf32>,
        %get3A_263 = vector.shape_cast %get3A_262 : vector<1x16xf32> to vector<16xf32>
        %mul3A_264 = arith.constant 32 : i32
        %mul3A_265 = arith.muli %scan3A_9, %mul3A_264 : i32
        %add3A_266 = arith.constant 0 : i32
        %add3A_267 = arith.addi %mul3A_265, %add3A_266 : i32
        %get3A_268 = arith.constant 9 : i32
        %get3A_269 = arith.index_cast %get3A_268 : i32 to index
        %get3A_270 = arith.index_cast %add3A_267 : i32 to index
        %get3A_271 = tpu.vector_load %arg6[%get3A_269, %get3A_270] {strides = array<i32>} : memref<20x128xf32, #tpu.memory_space<vmem>>, vector<1x16xf32>,
        %get3A_272 = vector.shape_cast %get3A_271 : vector<1x16xf32> to vector<16xf32>
        %mul3A_273 = arith.constant 32 : i32
        %mul3A_274 = arith.muli %scan3A_9, %mul3A_273 : i32
        %add3A_275 = arith.constant 0 : i32
        %add3A_276 = arith.addi %mul3A_274, %add3A_275 : i32
        %get3A_277 = arith.constant 10 : i32
        %get3A_278 = arith.index_cast %get3A_277 : i32 to index
        %get3A_279 = arith.index_cast %add3A_276 : i32 to index
        %get3A_280 = tpu.vector_load %arg6[%get3A_278, %get3A_279] {strides = array<i32>} : memref<20x128xf32, #tpu.memory_space<vmem>>, vector<1x16xf32>,
        %get3A_281 = vector.shape_cast %get3A_280 : vector<1x16xf32> to vector<16xf32>
        %mul3A_282 = arith.constant 32 : i32
        %mul3A_283 = arith.muli %scan3A_9, %mul3A_282 : i32
        %add3A_284 = arith.constant 0 : i32
        %add3A_285 = arith.addi %mul3A_283, %add3A_284 : i32
        %get3A_286 = arith.constant 11 : i32
        %get3A_287 = arith.index_cast %get3A_286 : i32 to index
        %get3A_288 = arith.index_cast %add3A_285 : i32 to index
        %get3A_289 = tpu.vector_load %arg6[%get3A_287, %get3A_288] {strides = array<i32>} : memref<20x128xf32, #tpu.memory_space<vmem>>, vector<1x16xf32>,
        %get3A_290 = vector.shape_cast %get3A_289 : vector<1x16xf32> to vector<16xf32>
        %mul3A_291 = arith.constant 32 : i32
        %mul3A_292 = arith.muli %scan3A_9, %mul3A_291 : i32
        %add3A_293 = arith.constant 0 : i32
        %add3A_294 = arith.addi %mul3A_292, %add3A_293 : i32
        %get3A_295 = arith.constant 12 : i32
        %get3A_296 = arith.index_cast %get3A_295 : i32 to index
        %get3A_297 = arith.index_cast %add3A_294 : i32 to index
        %get3A_298 = tpu.vector_load %arg6[%get3A_296, %get3A_297] {strides = array<i32>} : memref<20x128xf32, #tpu.memory_space<vmem>>, vector<1x16xf32>,
        %get3A_299 = vector.shape_cast %get3A_298 : vector<1x16xf32> to vector<16xf32>
        %mul3A_300 = arith.constant 32 : i32
        %mul3A_301 = arith.muli %scan3A_9, %mul3A_300 : i32
        %add3A_302 = arith.constant 0 : i32
        %add3A_303 = arith.addi %mul3A_301, %add3A_302 : i32
        %get3A_304 = arith.constant 13 : i32
        %get3A_305 = arith.index_cast %get3A_304 : i32 to index
        %get3A_306 = arith.index_cast %add3A_303 : i32 to index
        %get3A_307 = tpu.vector_load %arg6[%get3A_305, %get3A_306] {strides = array<i32>} : memref<20x128xf32, #tpu.memory_space<vmem>>, vector<1x16xf32>,
        %get3A_308 = vector.shape_cast %get3A_307 : vector<1x16xf32> to vector<16xf32>
        %mul3A_309 = arith.constant 32 : i32
        %mul3A_310 = arith.muli %scan3A_9, %mul3A_309 : i32
        %add3A_311 = arith.constant 0 : i32
        %add3A_312 = arith.addi %mul3A_310, %add3A_311 : i32
        %get3A_313 = arith.constant 14 : i32
        %get3A_314 = arith.index_cast %get3A_313 : i32 to index
        %get3A_315 = arith.index_cast %add3A_312 : i32 to index
        %get3A_316 = tpu.vector_load %arg6[%get3A_314, %get3A_315] {strides = array<i32>} : memref<20x128xf32, #tpu.memory_space<vmem>>, vector<1x16xf32>,
        %get3A_317 = vector.shape_cast %get3A_316 : vector<1x16xf32> to vector<16xf32>
        %mul3A_318 = arith.constant 32 : i32
        %mul3A_319 = arith.muli %scan3A_9, %mul3A_318 : i32
        %add3A_320 = arith.constant 0 : i32
        %add3A_321 = arith.addi %mul3A_319, %add3A_320 : i32
        %get3A_322 = arith.constant 15 : i32
        %get3A_323 = arith.index_cast %get3A_322 : i32 to index
        %get3A_324 = arith.index_cast %add3A_321 : i32 to index
        %get3A_325 = tpu.vector_load %arg6[%get3A_323, %get3A_324] {strides = array<i32>} : memref<20x128xf32, #tpu.memory_space<vmem>>, vector<1x16xf32>,
        %get3A_326 = vector.shape_cast %get3A_325 : vector<1x16xf32> to vector<16xf32>
        %mul3A_327 = arith.constant 32 : i32
        %mul3A_328 = arith.muli %scan3A_9, %mul3A_327 : i32
        %add3A_329 = arith.constant 0 : i32
        %add3A_330 = arith.addi %mul3A_328, %add3A_329 : i32
        %get3A_331 = arith.constant 16 : i32
        %get3A_332 = arith.index_cast %get3A_331 : i32 to index
        %get3A_333 = arith.index_cast %add3A_330 : i32 to index
        %get3A_334 = tpu.vector_load %arg6[%get3A_332, %get3A_333] {strides = array<i32>} : memref<20x128xf32, #tpu.memory_space<vmem>>, vector<1x16xf32>,
        %get3A_335 = vector.shape_cast %get3A_334 : vector<1x16xf32> to vector<16xf32>
        %mul3A_336 = arith.constant 32 : i32
        %mul3A_337 = arith.muli %scan3A_9, %mul3A_336 : i32
        %add3A_338 = arith.constant 0 : i32
        %add3A_339 = arith.addi %mul3A_337, %add3A_338 : i32
        %get3A_340 = arith.constant 17 : i32
        %get3A_341 = arith.index_cast %get3A_340 : i32 to index
        %get3A_342 = arith.index_cast %add3A_339 : i32 to index
        %get3A_343 = tpu.vector_load %arg6[%get3A_341, %get3A_342] {strides = array<i32>} : memref<20x128xf32, #tpu.memory_space<vmem>>, vector<1x16xf32>,
        %get3A_344 = vector.shape_cast %get3A_343 : vector<1x16xf32> to vector<16xf32>
        %mul3A_345 = arith.constant 32 : i32
        %mul3A_346 = arith.muli %scan3A_9, %mul3A_345 : i32
        %add3A_347 = arith.constant 0 : i32
        %add3A_348 = arith.addi %mul3A_346, %add3A_347 : i32
        %get3A_349 = arith.constant 18 : i32
        %get3A_350 = arith.index_cast %get3A_349 : i32 to index
        %get3A_351 = arith.index_cast %add3A_348 : i32 to index
        %get3A_352 = tpu.vector_load %arg6[%get3A_350, %get3A_351] {strides = array<i32>} : memref<20x128xf32, #tpu.memory_space<vmem>>, vector<1x16xf32>,
        %get3A_353 = vector.shape_cast %get3A_352 : vector<1x16xf32> to vector<16xf32>
        %mul3A_354 = arith.constant 32 : i32
        %mul3A_355 = arith.muli %scan3A_9, %mul3A_354 : i32
        %add3A_356 = arith.constant 0 : i32
        %add3A_357 = arith.addi %mul3A_355, %add3A_356 : i32
        %get3A_358 = arith.constant 19 : i32
        %get3A_359 = arith.index_cast %get3A_358 : i32 to index
        %get3A_360 = arith.index_cast %add3A_357 : i32 to index
        %get3A_361 = tpu.vector_load %arg6[%get3A_359, %get3A_360] {strides = array<i32>} : memref<20x128xf32, #tpu.memory_space<vmem>>, vector<1x16xf32>,
        %get3A_362 = vector.shape_cast %get3A_361 : vector<1x16xf32> to vector<16xf32>
        %get3A_363 = arith.constant 0 : i32
        %get3A_364 = arith.index_cast %get3A_363 : i32 to index
        %get3A_365 = arith.index_cast %mul3A_26 : i32 to index
        %get3A_366 = tpu.vector_load %arg5[%get3A_364, %get3A_365] {strides = array<i32>} : memref<32x1024xf32, #tpu.memory_space<vmem>>, vector<1x16xf32>,
        %get3A_367 = vector.shape_cast %get3A_366 : vector<1x16xf32> to vector<16xf32>
        %slice3A = vector.extract_strided_slice %get3A_191 {offsets = [0], sizes = [1], strides = [1]} : vector<16xf32> to vector<1xf32>
        %squeeze3A = vector.extract %slice3A[0] : f32 from vector<1xf32>
        %mul3A_368 = vector.broadcast %squeeze3A : f32 to vector<16xf32>
        %mul3A_369 = arith.mulf %get3A_367, %mul3A_368 : vector<16xf32>
        %add3A_370 = arith.addf %select_n3A, %mul3A_369 : vector<16xf32>
        %slice3A_371 = vector.extract_strided_slice %get3A_200 {offsets = [0], sizes = [1], strides = [1]} : vector<16xf32> to vector<1xf32>
        %squeeze3A_372 = vector.extract %slice3A_371[0] : f32 from vector<1xf32>
        %mul3A_373 = vector.broadcast %squeeze3A_372 : f32 to vector<16xf32>
        %mul3A_374 = arith.mulf %get3A_367, %mul3A_373 : vector<16xf32>
        %add3A_375 = arith.addf %select_n3A_38, %mul3A_374 : vector<16xf32>
        %slice3A_376 = vector.extract_strided_slice %get3A_209 {offsets = [0], sizes = [1], strides = [1]} : vector<16xf32> to vector<1xf32>
        %squeeze3A_377 = vector.extract %slice3A_376[0] : f32 from vector<1xf32>
        %mul3A_378 = vector.broadcast %squeeze3A_377 : f32 to vector<16xf32>
        %mul3A_379 = arith.mulf %get3A_367, %mul3A_378 : vector<16xf32>
        %add3A_380 = arith.addf %select_n3A_46, %mul3A_379 : vector<16xf32>
        %slice3A_381 = vector.extract_strided_slice %get3A_218 {offsets = [0], sizes = [1], strides = [1]} : vector<16xf32> to vector<1xf32>
        %squeeze3A_382 = vector.extract %slice3A_381[0] : f32 from vector<1xf32>
        %mul3A_383 = vector.broadcast %squeeze3A_382 : f32 to vector<16xf32>
        %mul3A_384 = arith.mulf %get3A_367, %mul3A_383 : vector<16xf32>
        %add3A_385 = arith.addf %select_n3A_54, %mul3A_384 : vector<16xf32>
        %slice3A_386 = vector.extract_strided_slice %get3A_227 {offsets = [0], sizes = [1], strides = [1]} : vector<16xf32> to vector<1xf32>
        %squeeze3A_387 = vector.extract %slice3A_386[0] : f32 from vector<1xf32>
        %mul3A_388 = vector.broadcast %squeeze3A_387 : f32 to vector<16xf32>
        %mul3A_389 = arith.mulf %get3A_367, %mul3A_388 : vector<16xf32>
        %add3A_390 = arith.addf %select_n3A_62, %mul3A_389 : vector<16xf32>
        %slice3A_391 = vector.extract_strided_slice %get3A_236 {offsets = [0], sizes = [1], strides = [1]} : vector<16xf32> to vector<1xf32>
        %squeeze3A_392 = vector.extract %slice3A_391[0] : f32 from vector<1xf32>
        %mul3A_393 = vector.broadcast %squeeze3A_392 : f32 to vector<16xf32>
        %mul3A_394 = arith.mulf %get3A_367, %mul3A_393 : vector<16xf32>
        %add3A_395 = arith.addf %select_n3A_70, %mul3A_394 : vector<16xf32>
        %slice3A_396 = vector.extract_strided_slice %get3A_245 {offsets = [0], sizes = [1], strides = [1]} : vector<16xf32> to vector<1xf32>
        %squeeze3A_397 = vector.extract %slice3A_396[0] : f32 from vector<1xf32>
        %mul3A_398 = vector.broadcast %squeeze3A_397 : f32 to vector<16xf32>
        %mul3A_399 = arith.mulf %get3A_367, %mul3A_398 : vector<16xf32>
        %add3A_400 = arith.addf %select_n3A_78, %mul3A_399 : vector<16xf32>
        %slice3A_401 = vector.extract_strided_slice %get3A_254 {offsets = [0], sizes = [1], strides = [1]} : vector<16xf32> to vector<1xf32>
        %squeeze3A_402 = vector.extract %slice3A_401[0] : f32 from vector<1xf32>
        %mul3A_403 = vector.broadcast %squeeze3A_402 : f32 to vector<16xf32>
        %mul3A_404 = arith.mulf %get3A_367, %mul3A_403 : vector<16xf32>
        %add3A_405 = arith.addf %select_n3A_86, %mul3A_404 : vector<16xf32>
        %slice3A_406 = vector.extract_strided_slice %get3A_263 {offsets = [0], sizes = [1], strides = [1]} : vector<16xf32> to vector<1xf32>
        %squeeze3A_407 = vector.extract %slice3A_406[0] : f32 from vector<1xf32>
        %mul3A_408 = vector.broadcast %squeeze3A_407 : f32 to vector<16xf32>
        %mul3A_409 = arith.mulf %get3A_367, %mul3A_408 : vector<16xf32>
        %add3A_410 = arith.addf %select_n3A_94, %mul3A_409 : vector<16xf32>
        %slice3A_411 = vector.extract_strided_slice %get3A_272 {offsets = [0], sizes = [1], strides = [1]} : vector<16xf32> to vector<1xf32>
        %squeeze3A_412 = vector.extract %slice3A_411[0] : f32 from vector<1xf32>
        %mul3A_413 = vector.broadcast %squeeze3A_412 : f32 to vector<16xf32>
        %mul3A_414 = arith.mulf %get3A_367, %mul3A_413 : vector<16xf32>
        %add3A_415 = arith.addf %select_n3A_102, %mul3A_414 : vector<16xf32>
        %slice3A_416 = vector.extract_strided_slice %get3A_281 {offsets = [0], sizes = [1], strides = [1]} : vector<16xf32> to vector<1xf32>
        %squeeze3A_417 = vector.extract %slice3A_416[0] : f32 from vector<1xf32>
        %mul3A_418 = vector.broadcast %squeeze3A_417 : f32 to vector<16xf32>
        %mul3A_419 = arith.mulf %get3A_367, %mul3A_418 : vector<16xf32>
        %add3A_420 = arith.addf %select_n3A_110, %mul3A_419 : vector<16xf32>
        %slice3A_421 = vector.extract_strided_slice %get3A_290 {offsets = [0], sizes = [1], strides = [1]} : vector<16xf32> to vector<1xf32>
        %squeeze3A_422 = vector.extract %slice3A_421[0] : f32 from vector<1xf32>
        %mul3A_423 = vector.broadcast %squeeze3A_422 : f32 to vector<16xf32>
        %mul3A_424 = arith.mulf %get3A_367, %mul3A_423 : vector<16xf32>
        %add3A_425 = arith.addf %select_n3A_118, %mul3A_424 : vector<16xf32>
        %slice3A_426 = vector.extract_strided_slice %get3A_299 {offsets = [0], sizes = [1], strides = [1]} : vector<16xf32> to vector<1xf32>
        %squeeze3A_427 = vector.extract %slice3A_426[0] : f32 from vector<1xf32>
        %mul3A_428 = vector.broadcast %squeeze3A_427 : f32 to vector<16xf32>
        %mul3A_429 = arith.mulf %get3A_367, %mul3A_428 : vector<16xf32>
        %add3A_430 = arith.addf %select_n3A_126, %mul3A_429 : vector<16xf32>
        %slice3A_431 = vector.extract_strided_slice %get3A_308 {offsets = [0], sizes = [1], strides = [1]} : vector<16xf32> to vector<1xf32>
        %squeeze3A_432 = vector.extract %slice3A_431[0] : f32 from vector<1xf32>
        %mul3A_433 = vector.broadcast %squeeze3A_432 : f32 to vector<16xf32>
        %mul3A_434 = arith.mulf %get3A_367, %mul3A_433 : vector<16xf32>
        %add3A_435 = arith.addf %select_n3A_134, %mul3A_434 : vector<16xf32>
        %slice3A_436 = vector.extract_strided_slice %get3A_317 {offsets = [0], sizes = [1], strides = [1]} : vector<16xf32> to vector<1xf32>
        %squeeze3A_437 = vector.extract %slice3A_436[0] : f32 from vector<1xf32>
        %mul3A_438 = vector.broadcast %squeeze3A_437 : f32 to vector<16xf32>
        %mul3A_439 = arith.mulf %get3A_367, %mul3A_438 : vector<16xf32>
        %add3A_440 = arith.addf %select_n3A_142, %mul3A_439 : vector<16xf32>
        %slice3A_441 = vector.extract_strided_slice %get3A_326 {offsets = [0], sizes = [1], strides = [1]} : vector<16xf32> to vector<1xf32>
        %squeeze3A_442 = vector.extract %slice3A_441[0] : f32 from vector<1xf32>
        %mul3A_443 = vector.broadcast %squeeze3A_442 : f32 to vector<16xf32>
        %mul3A_444 = arith.mulf %get3A_367, %mul3A_443 : vector<16xf32>
        %add3A_445 = arith.addf %select_n3A_150, %mul3A_444 : vector<16xf32>
        %slice3A_446 = vector.extract_strided_slice %get3A_335 {offsets = [0], sizes = [1], strides = [1]} : vector<16xf32> to vector<1xf32>
        %squeeze3A_447 = vector.extract %slice3A_446[0] : f32 from vector<1xf32>
        %mul3A_448 = vector.broadcast %squeeze3A_447 : f32 to vector<16xf32>
        %mul3A_449 = arith.mulf %get3A_367, %mul3A_448 : vector<16xf32>
        %add3A_450 = arith.addf %select_n3A_158, %mul3A_449 : vector<16xf32>
        %slice3A_451 = vector.extract_strided_slice %get3A_344 {offsets = [0], sizes = [1], strides = [1]} : vector<16xf32> to vector<1xf32>
        %squeeze3A_452 = vector.extract %slice3A_451[0] : f32 from vector<1xf32>
        %mul3A_453 = vector.broadcast %squeeze3A_452 : f32 to vector<16xf32>
        %mul3A_454 = arith.mulf %get3A_367, %mul3A_453 : vector<16xf32>
        %add3A_455 = arith.addf %select_n3A_166, %mul3A_454 : vector<16xf32>
        %slice3A_456 = vector.extract_strided_slice %get3A_353 {offsets = [0], sizes = [1], strides = [1]} : vector<16xf32> to vector<1xf32>
        %squeeze3A_457 = vector.extract %slice3A_456[0] : f32 from vector<1xf32>
        %mul3A_458 = vector.broadcast %squeeze3A_457 : f32 to vector<16xf32>
        %mul3A_459 = arith.mulf %get3A_367, %mul3A_458 : vector<16xf32>
        %add3A_460 = arith.addf %select_n3A_174, %mul3A_459 : vector<16xf32>
        %slice3A_461 = vector.extract_strided_slice %get3A_362 {offsets = [0], sizes = [1], strides = [1]} : vector<16xf32> to vector<1xf32>
        %squeeze3A_462 = vector.extract %slice3A_461[0] : f32 from vector<1xf32>
        %mul3A_463 = vector.broadcast %squeeze3A_462 : f32 to vector<16xf32>
        %mul3A_464 = arith.mulf %get3A_367, %mul3A_463 : vector<16xf32>
        %add3A_465 = arith.addf %select_n3A_182, %mul3A_464 : vector<16xf32>
        %get3A_466 = arith.constant 1 : i32
        %get3A_467 = arith.index_cast %get3A_466 : i32 to index
        %get3A_468 = arith.index_cast %mul3A_26 : i32 to index
        %get3A_469 = tpu.vector_load %arg5[%get3A_467, %get3A_468] {strides = array<i32>} : memref<32x1024xf32, #tpu.memory_space<vmem>>, vector<1x16xf32>,
        %get3A_470 = vector.shape_cast %get3A_469 : vector<1x16xf32> to vector<16xf32>
        %slice3A_471 = vector.extract_strided_slice %get3A_191 {offsets = [1], sizes = [1], strides = [1]} : vector<16xf32> to vector<1xf32>
        %squeeze3A_472 = vector.extract %slice3A_471[0] : f32 from vector<1xf32>
        %mul3A_473 = vector.broadcast %squeeze3A_472 : f32 to vector<16xf32>
        %mul3A_474 = arith.mulf %get3A_470, %mul3A_473 : vector<16xf32>
        %add3A_475 = arith.addf %add3A_370, %mul3A_474 : vector<16xf32>
        %slice3A_476 = vector.extract_strided_slice %get3A_200 {offsets = [1], sizes = [1], strides = [1]} : vector<16xf32> to vector<1xf32>
        %squeeze3A_477 = vector.extract %slice3A_476[0] : f32 from vector<1xf32>
        %mul3A_478 = vector.broadcast %squeeze3A_477 : f32 to vector<16xf32>
        %mul3A_479 = arith.mulf %get3A_470, %mul3A_478 : vector<16xf32>
        %add3A_480 = arith.addf %add3A_375, %mul3A_479 : vector<16xf32>
        %slice3A_481 = vector.extract_strided_slice %get3A_209 {offsets = [1], sizes = [1], strides = [1]} : vector<16xf32> to vector<1xf32>
        %squeeze3A_482 = vector.extract %slice3A_481[0] : f32 from vector<1xf32>
        %mul3A_483 = vector.broadcast %squeeze3A_482 : f32 to vector<16xf32>
        %mul3A_484 = arith.mulf %get3A_470, %mul3A_483 : vector<16xf32>
        %add3A_485 = arith.addf %add3A_380, %mul3A_484 : vector<16xf32>
        %slice3A_486 = vector.extract_strided_slice %get3A_218 {offsets = [1], sizes = [1], strides = [1]} : vector<16xf32> to vector<1xf32>
        %squeeze3A_487 = vector.extract %slice3A_486[0] : f32 from vector<1xf32>
        %mul3A_488 = vector.broadcast %squeeze3A_487 : f32 to vector<16xf32>
        %mul3A_489 = arith.mulf %get3A_470, %mul3A_488 : vector<16xf32>
        %add3A_490 = arith.addf %add3A_385, %mul3A_489 : vector<16xf32>
        %slice3A_491 = vector.extract_strided_slice %get3A_227 {offsets = [1], sizes = [1], strides = [1]} : vector<16xf32> to vector<1xf32>
        %squeeze3A_492 = vector.extract %slice3A_491[0] : f32 from vector<1xf32>
        %mul3A_493 = vector.broadcast %squeeze3A_492 : f32 to vector<16xf32>
        %mul3A_494 = arith.mulf %get3A_470, %mul3A_493 : vector<16xf32>
        %add3A_495 = arith.addf %add3A_390, %mul3A_494 : vector<16xf32>
        %slice3A_496 = vector.extract_strided_slice %get3A_236 {offsets = [1], sizes = [1], strides = [1]} : vector<16xf32> to vector<1xf32>
        %squeeze3A_497 = vector.extract %slice3A_496[0] : f32 from vector<1xf32>
        %mul3A_498 = vector.broadcast %squeeze3A_497 : f32 to vector<16xf32>
        %mul3A_499 = arith.mulf %get3A_470, %mul3A_498 : vector<16xf32>
        %add3A_500 = arith.addf %add3A_395, %mul3A_499 : vector<16xf32>
        %slice3A_501 = vector.extract_strided_slice %get3A_245 {offsets = [1], sizes = [1], strides = [1]} : vector<16xf32> to vector<1xf32>
        %squeeze3A_502 = vector.extract %slice3A_501[0] : f32 from vector<1xf32>
        %mul3A_503 = vector.broadcast %squeeze3A_502 : f32 to vector<16xf32>
        %mul3A_504 = arith.mulf %get3A_470, %mul3A_503 : vector<16xf32>
        %add3A_505 = arith.addf %add3A_400, %mul3A_504 : vector<16xf32>
        %slice3A_506 = vector.extract_strided_slice %get3A_254 {offsets = [1], sizes = [1], strides = [1]} : vector<16xf32> to vector<1xf32>
        %squeeze3A_507 = vector.extract %slice3A_506[0] : f32 from vector<1xf32>
        %mul3A_508 = vector.broadcast %squeeze3A_507 : f32 to vector<16xf32>
        %mul3A_509 = arith.mulf %get3A_470, %mul3A_508 : vector<16xf32>
        %add3A_510 = arith.addf %add3A_405, %mul3A_509 : vector<16xf32>
        %slice3A_511 = vector.extract_strided_slice %get3A_263 {offsets = [1], sizes = [1], strides = [1]} : vector<16xf32> to vector<1xf32>
        %squeeze3A_512 = vector.extract %slice3A_511[0] : f32 from vector<1xf32>
        %mul3A_513 = vector.broadcast %squeeze3A_512 : f32 to vector<16xf32>
        %mul3A_514 = arith.mulf %get3A_470, %mul3A_513 : vector<16xf32>
        %add3A_515 = arith.addf %add3A_410, %mul3A_514 : vector<16xf32>
        %slice3A_516 = vector.extract_strided_slice %get3A_272 {offsets = [1], sizes = [1], strides = [1]} : vector<16xf32> to vector<1xf32>
        %squeeze3A_517 = vector.extract %slice3A_516[0] : f32 from vector<1xf32>
        %mul3A_518 = vector.broadcast %squeeze3A_517 : f32 to vector<16xf32>
        %mul3A_519 = arith.mulf %get3A_470, %mul3A_518 : vector<16xf32>
        %add3A_520 = arith.addf %add3A_415, %mul3A_519 : vector<16xf32>
        %slice3A_521 = vector.extract_strided_slice %get3A_281 {offsets = [1], sizes = [1], strides = [1]} : vector<16xf32> to vector<1xf32>
        %squeeze3A_522 = vector.extract %slice3A_521[0] : f32 from vector<1xf32>
        %mul3A_523 = vector.broadcast %squeeze3A_522 : f32 to vector<16xf32>
        %mul3A_524 = arith.mulf %get3A_470, %mul3A_523 : vector<16xf32>
        %add3A_525 = arith.addf %add3A_420, %mul3A_524 : vector<16xf32>
        %slice3A_526 = vector.extract_strided_slice %get3A_290 {offsets = [1], sizes = [1], strides = [1]} : vector<16xf32> to vector<1xf32>
        %squeeze3A_527 = vector.extract %slice3A_526[0] : f32 from vector<1xf32>
        %mul3A_528 = vector.broadcast %squeeze3A_527 : f32 to vector<16xf32>
        %mul3A_529 = arith.mulf %get3A_470, %mul3A_528 : vector<16xf32>
        %add3A_530 = arith.addf %add3A_425, %mul3A_529 : vector<16xf32>
        %slice3A_531 = vector.extract_strided_slice %get3A_299 {offsets = [1], sizes = [1], strides = [1]} : vector<16xf32> to vector<1xf32>
        %squeeze3A_532 = vector.extract %slice3A_531[0] : f32 from vector<1xf32>
        %mul3A_533 = vector.broadcast %squeeze3A_532 : f32 to vector<16xf32>
        %mul3A_534 = arith.mulf %get3A_470, %mul3A_533 : vector<16xf32>
        %add3A_535 = arith.addf %add3A_430, %mul3A_534 : vector<16xf32>
        %slice3A_536 = vector.extract_strided_slice %get3A_308 {offsets = [1], sizes = [1], strides = [1]} : vector<16xf32> to vector<1xf32>
        %squeeze3A_537 = vector.extract %slice3A_536[0] : f32 from vector<1xf32>
        %mul3A_538 = vector.broadcast %squeeze3A_537 : f32 to vector<16xf32>
        %mul3A_539 = arith.mulf %get3A_470, %mul3A_538 : vector<16xf32>
        %add3A_540 = arith.addf %add3A_435, %mul3A_539 : vector<16xf32>
        %slice3A_541 = vector.extract_strided_slice %get3A_317 {offsets = [1], sizes = [1], strides = [1]} : vector<16xf32> to vector<1xf32>
        %squeeze3A_542 = vector.extract %slice3A_541[0] : f32 from vector<1xf32>
        %mul3A_543 = vector.broadcast %squeeze3A_542 : f32 to vector<16xf32>
        %mul3A_544 = arith.mulf %get3A_470, %mul3A_543 : vector<16xf32>
        %add3A_545 = arith.addf %add3A_440, %mul3A_544 : vector<16xf32>
        %slice3A_546 = vector.extract_strided_slice %get3A_326 {offsets = [1], sizes = [1], strides = [1]} : vector<16xf32> to vector<1xf32>
        %squeeze3A_547 = vector.extract %slice3A_546[0] : f32 from vector<1xf32>
        %mul3A_548 = vector.broadcast %squeeze3A_547 : f32 to vector<16xf32>
        %mul3A_549 = arith.mulf %get3A_470, %mul3A_548 : vector<16xf32>
        %add3A_550 = arith.addf %add3A_445, %mul3A_549 : vector<16xf32>
        %slice3A_551 = vector.extract_strided_slice %get3A_335 {offsets = [1], sizes = [1], strides = [1]} : vector<16xf32> to vector<1xf32>
        %squeeze3A_552 = vector.extract %slice3A_551[0] : f32 from vector<1xf32>
        %mul3A_553 = vector.broadcast %squeeze3A_552 : f32 to vector<16xf32>
        %mul3A_554 = arith.mulf %get3A_470, %mul3A_553 : vector<16xf32>
        %add3A_555 = arith.addf %add3A_450, %mul3A_554 : vector<16xf32>
        %slice3A_556 = vector.extract_strided_slice %get3A_344 {offsets = [1], sizes = [1], strides = [1]} : vector<16xf32> to vector<1xf32>
        %squeeze3A_557 = vector.extract %slice3A_556[0] : f32 from vector<1xf32>
        %mul3A_558 = vector.broadcast %squeeze3A_557 : f32 to vector<16xf32>
        %mul3A_559 = arith.mulf %get3A_470, %mul3A_558 : vector<16xf32>
        %add3A_560 = arith.addf %add3A_455, %mul3A_559 : vector<16xf32>
        %slice3A_561 = vector.extract_strided_slice %get3A_353 {offsets = [1], sizes = [1], strides = [1]} : vector<16xf32> to vector<1xf32>
        %squeeze3A_562 = vector.extract %slice3A_561[0] : f32 from vector<1xf32>
        %mul3A_563 = vector.broadcast %squeeze3A_562 : f32 to vector<16xf32>
        %mul3A_564 = arith.mulf %get3A_470, %mul3A_563 : vector<16xf32>
        %add3A_565 = arith.addf %add3A_460, %mul3A_564 : vector<16xf32>
        %slice3A_566 = vector.extract_strided_slice %get3A_362 {offsets = [1], sizes = [1], strides = [1]} : vector<16xf32> to vector<1xf32>
        %squeeze3A_567 = vector.extract %slice3A_566[0] : f32 from vector<1xf32>
        %mul3A_568 = vector.broadcast %squeeze3A_567 : f32 to vector<16xf32>
        %mul3A_569 = arith.mulf %get3A_470, %mul3A_568 : vector<16xf32>
        %add3A_570 = arith.addf %add3A_465, %mul3A_569 : vector<16xf32>
        %get3A_571 = arith.constant 2 : i32
        %get3A_572 = arith.index_cast %get3A_571 : i32 to index
        %get3A_573 = arith.index_cast %mul3A_26 : i32 to index
        %get3A_574 = tpu.vector_load %arg5[%get3A_572, %get3A_573] {strides = array<i32>} : memref<32x1024xf32, #tpu.memory_space<vmem>>, vector<1x16xf32>,
        %get3A_575 = vector.shape_cast %get3A_574 : vector<1x16xf32> to vector<16xf32>
        %slice3A_576 = vector.extract_strided_slice %get3A_191 {offsets = [2], sizes = [1], strides = [1]} : vector<16xf32> to vector<1xf32>
        %squeeze3A_577 = vector.extract %slice3A_576[0] : f32 from vector<1xf32>
        %mul3A_578 = vector.broadcast %squeeze3A_577 : f32 to vector<16xf32>
        %mul3A_579 = arith.mulf %get3A_575, %mul3A_578 : vector<16xf32>
        %add3A_580 = arith.addf %add3A_475, %mul3A_579 : vector<16xf32>
        %slice3A_581 = vector.extract_strided_slice %get3A_200 {offsets = [2], sizes = [1], strides = [1]} : vector<16xf32> to vector<1xf32>
        %squeeze3A_582 = vector.extract %slice3A_581[0] : f32 from vector<1xf32>
        %mul3A_583 = vector.broadcast %squeeze3A_582 : f32 to vector<16xf32>
        %mul3A_584 = arith.mulf %get3A_575, %mul3A_583 : vector<16xf32>
        %add3A_585 = arith.addf %add3A_480, %mul3A_584 : vector<16xf32>
        %slice3A_586 = vector.extract_strided_slice %get3A_209 {offsets = [2], sizes = [1], strides = [1]} : vector<16xf32> to vector<1xf32>
        %squeeze3A_587 = vector.extract %slice3A_586[0] : f32 from vector<1xf32>
        %mul3A_588 = vector.broadcast %squeeze3A_587 : f32 to vector<16xf32>
        %mul3A_589 = arith.mulf %get3A_575, %mul3A_588 : vector<16xf32>
        %add3A_590 = arith.addf %add3A_485, %mul3A_589 : vector<16xf32>
        %slice3A_591 = vector.extract_strided_slice %get3A_218 {offsets = [2], sizes = [1], strides = [1]} : vector<16xf32> to vector<1xf32>
        %squeeze3A_592 = vector.extract %slice3A_591[0] : f32 from vector<1xf32>
        %mul3A_593 = vector.broadcast %squeeze3A_592 : f32 to vector<16xf32>
        %mul3A_594 = arith.mulf %get3A_575, %mul3A_593 : vector<16xf32>
        %add3A_595 = arith.addf %add3A_490, %mul3A_594 : vector<16xf32>
        %slice3A_596 = vector.extract_strided_slice %get3A_227 {offsets = [2], sizes = [1], strides = [1]} : vector<16xf32> to vector<1xf32>
        %squeeze3A_597 = vector.extract %slice3A_596[0] : f32 from vector<1xf32>
        %mul3A_598 = vector.broadcast %squeeze3A_597 : f32 to vector<16xf32>
        %mul3A_599 = arith.mulf %get3A_575, %mul3A_598 : vector<16xf32>
        %add3A_600 = arith.addf %add3A_495, %mul3A_599 : vector<16xf32>
        %slice3A_601 = vector.extract_strided_slice %get3A_236 {offsets = [2], sizes = [1], strides = [1]} : vector<16xf32> to vector<1xf32>
        %squeeze3A_602 = vector.extract %slice3A_601[0] : f32 from vector<1xf32>
        %mul3A_603 = vector.broadcast %squeeze3A_602 : f32 to vector<16xf32>
        %mul3A_604 = arith.mulf %get3A_575, %mul3A_603 : vector<16xf32>
        %add3A_605 = arith.addf %add3A_500, %mul3A_604 : vector<16xf32>
        %slice3A_606 = vector.extract_strided_slice %get3A_245 {offsets = [2], sizes = [1], strides = [1]} : vector<16xf32> to vector<1xf32>
        %squeeze3A_607 = vector.extract %slice3A_606[0] : f32 from vector<1xf32>
        %mul3A_608 = vector.broadcast %squeeze3A_607 : f32 to vector<16xf32>
        %mul3A_609 = arith.mulf %get3A_575, %mul3A_608 : vector<16xf32>
        %add3A_610 = arith.addf %add3A_505, %mul3A_609 : vector<16xf32>
        %slice3A_611 = vector.extract_strided_slice %get3A_254 {offsets = [2], sizes = [1], strides = [1]} : vector<16xf32> to vector<1xf32>
        %squeeze3A_612 = vector.extract %slice3A_611[0] : f32 from vector<1xf32>
        %mul3A_613 = vector.broadcast %squeeze3A_612 : f32 to vector<16xf32>
        %mul3A_614 = arith.mulf %get3A_575, %mul3A_613 : vector<16xf32>
        %add3A_615 = arith.addf %add3A_510, %mul3A_614 : vector<16xf32>
        %slice3A_616 = vector.extract_strided_slice %get3A_263 {offsets = [2], sizes = [1], strides = [1]} : vector<16xf32> to vector<1xf32>
        %squeeze3A_617 = vector.extract %slice3A_616[0] : f32 from vector<1xf32>
        %mul3A_618 = vector.broadcast %squeeze3A_617 : f32 to vector<16xf32>
        %mul3A_619 = arith.mulf %get3A_575, %mul3A_618 : vector<16xf32>
        %add3A_620 = arith.addf %add3A_515, %mul3A_619 : vector<16xf32>
        %slice3A_621 = vector.extract_strided_slice %get3A_272 {offsets = [2], sizes = [1], strides = [1]} : vector<16xf32> to vector<1xf32>
        %squeeze3A_622 = vector.extract %slice3A_621[0] : f32 from vector<1xf32>
        %mul3A_623 = vector.broadcast %squeeze3A_622 : f32 to vector<16xf32>
        %mul3A_624 = arith.mulf %get3A_575, %mul3A_623 : vector<16xf32>
        %add3A_625 = arith.addf %add3A_520, %mul3A_624 : vector<16xf32>
        %slice3A_626 = vector.extract_strided_slice %get3A_281 {offsets = [2], sizes = [1], strides = [1]} : vector<16xf32> to vector<1xf32>
        %squeeze3A_627 = vector.extract %slice3A_626[0] : f32 from vector<1xf32>
        %mul3A_628 = vector.broadcast %squeeze3A_627 : f32 to vector<16xf32>
        %mul3A_629 = arith.mulf %get3A_575, %mul3A_628 : vector<16xf32>
        %add3A_630 = arith.addf %add3A_525, %mul3A_629 : vector<16xf32>
        %slice3A_631 = vector.extract_strided_slice %get3A_290 {offsets = [2], sizes = [1], strides = [1]} : vector<16xf32> to vector<1xf32>
        %squeeze3A_632 = vector.extract %slice3A_631[0] : f32 from vector<1xf32>
        %mul3A_633 = vector.broadcast %squeeze3A_632 : f32 to vector<16xf32>
        %mul3A_634 = arith.mulf %get3A_575, %mul3A_633 : vector<16xf32>
        %add3A_635 = arith.addf %add3A_530, %mul3A_634 : vector<16xf32>
        %slice3A_636 = vector.extract_strided_slice %get3A_299 {offsets = [2], sizes = [1], strides = [1]} : vector<16xf32> to vector<1xf32>
        %squeeze3A_637 = vector.extract %slice3A_636[0] : f32 from vector<1xf32>
        %mul3A_638 = vector.broadcast %squeeze3A_637 : f32 to vector<16xf32>
        %mul3A_639 = arith.mulf %get3A_575, %mul3A_638 : vector<16xf32>
        %add3A_640 = arith.addf %add3A_535, %mul3A_639 : vector<16xf32>
        %slice3A_641 = vector.extract_strided_slice %get3A_308 {offsets = [2], sizes = [1], strides = [1]} : vector<16xf32> to vector<1xf32>
        %squeeze3A_642 = vector.extract %slice3A_641[0] : f32 from vector<1xf32>
        %mul3A_643 = vector.broadcast %squeeze3A_642 : f32 to vector<16xf32>
        %mul3A_644 = arith.mulf %get3A_575, %mul3A_643 : vector<16xf32>
        %add3A_645 = arith.addf %add3A_540, %mul3A_644 : vector<16xf32>
        %slice3A_646 = vector.extract_strided_slice %get3A_317 {offsets = [2], sizes = [1], strides = [1]} : vector<16xf32> to vector<1xf32>
        %squeeze3A_647 = vector.extract %slice3A_646[0] : f32 from vector<1xf32>
        %mul3A_648 = vector.broadcast %squeeze3A_647 : f32 to vector<16xf32>
        %mul3A_649 = arith.mulf %get3A_575, %mul3A_648 : vector<16xf32>
        %add3A_650 = arith.addf %add3A_545, %mul3A_649 : vector<16xf32>
        %slice3A_651 = vector.extract_strided_slice %get3A_326 {offsets = [2], sizes = [1], strides = [1]} : vector<16xf32> to vector<1xf32>
        %squeeze3A_652 = vector.extract %slice3A_651[0] : f32 from vector<1xf32>
        %mul3A_653 = vector.broadcast %squeeze3A_652 : f32 to vector<16xf32>
        %mul3A_654 = arith.mulf %get3A_575, %mul3A_653 : vector<16xf32>
        %add3A_655 = arith.addf %add3A_550, %mul3A_654 : vector<16xf32>
        %slice3A_656 = vector.extract_strided_slice %get3A_335 {offsets = [2], sizes = [1], strides = [1]} : vector<16xf32> to vector<1xf32>
        %squeeze3A_657 = vector.extract %slice3A_656[0] : f32 from vector<1xf32>
        %mul3A_658 = vector.broadcast %squeeze3A_657 : f32 to vector<16xf32>
        %mul3A_659 = arith.mulf %get3A_575, %mul3A_658 : vector<16xf32>
        %add3A_660 = arith.addf %add3A_555, %mul3A_659 : vector<16xf32>
        %slice3A_661 = vector.extract_strided_slice %get3A_344 {offsets = [2], sizes = [1], strides = [1]} : vector<16xf32> to vector<1xf32>
        %squeeze3A_662 = vector.extract %slice3A_661[0] : f32 from vector<1xf32>
        %mul3A_663 = vector.broadcast %squeeze3A_662 : f32 to vector<16xf32>
        %mul3A_664 = arith.mulf %get3A_575, %mul3A_663 : vector<16xf32>
        %add3A_665 = arith.addf %add3A_560, %mul3A_664 : vector<16xf32>
        %slice3A_666 = vector.extract_strided_slice %get3A_353 {offsets = [2], sizes = [1], strides = [1]} : vector<16xf32> to vector<1xf32>
        %squeeze3A_667 = vector.extract %slice3A_666[0] : f32 from vector<1xf32>
        %mul3A_668 = vector.broadcast %squeeze3A_667 : f32 to vector<16xf32>
        %mul3A_669 = arith.mulf %get3A_575, %mul3A_668 : vector<16xf32>
        %add3A_670 = arith.addf %add3A_565, %mul3A_669 : vector<16xf32>
        %slice3A_671 = vector.extract_strided_slice %get3A_362 {offsets = [2], sizes = [1], strides = [1]} : vector<16xf32> to vector<1xf32>
        %squeeze3A_672 = vector.extract %slice3A_671[0] : f32 from vector<1xf32>
        %mul3A_673 = vector.broadcast %squeeze3A_672 : f32 to vector<16xf32>
        %mul3A_674 = arith.mulf %get3A_575, %mul3A_673 : vector<16xf32>
        %add3A_675 = arith.addf %add3A_570, %mul3A_674 : vector<16xf32>
        %get3A_676 = arith.constant 3 : i32
        %get3A_677 = arith.index_cast %get3A_676 : i32 to index
        %get3A_678 = arith.index_cast %mul3A_26 : i32 to index
        %get3A_679 = tpu.vector_load %arg5[%get3A_677, %get3A_678] {strides = array<i32>} : memref<32x1024xf32, #tpu.memory_space<vmem>>, vector<1x16xf32>,
        %get3A_680 = vector.shape_cast %get3A_679 : vector<1x16xf32> to vector<16xf32>
        %slice3A_681 = vector.extract_strided_slice %get3A_191 {offsets = [3], sizes = [1], strides = [1]} : vector<16xf32> to vector<1xf32>
        %squeeze3A_682 = vector.extract %slice3A_681[0] : f32 from vector<1xf32>
        %mul3A_683 = vector.broadcast %squeeze3A_682 : f32 to vector<16xf32>
        %mul3A_684 = arith.mulf %get3A_680, %mul3A_683 : vector<16xf32>
        %add3A_685 = arith.addf %add3A_580, %mul3A_684 : vector<16xf32>
        %slice3A_686 = vector.extract_strided_slice %get3A_200 {offsets = [3], sizes = [1], strides = [1]} : vector<16xf32> to vector<1xf32>
        %squeeze3A_687 = vector.extract %slice3A_686[0] : f32 from vector<1xf32>
        %mul3A_688 = vector.broadcast %squeeze3A_687 : f32 to vector<16xf32>
        %mul3A_689 = arith.mulf %get3A_680, %mul3A_688 : vector<16xf32>
        %add3A_690 = arith.addf %add3A_585, %mul3A_689 : vector<16xf32>
        %slice3A_691 = vector.extract_strided_slice %get3A_209 {offsets = [3], sizes = [1], strides = [1]} : vector<16xf32> to vector<1xf32>
        %squeeze3A_692 = vector.extract %slice3A_691[0] : f32 from vector<1xf32>
        %mul3A_693 = vector.broadcast %squeeze3A_692 : f32 to vector<16xf32>
        %mul3A_694 = arith.mulf %get3A_680, %mul3A_693 : vector<16xf32>
        %add3A_695 = arith.addf %add3A_590, %mul3A_694 : vector<16xf32>
        %slice3A_696 = vector.extract_strided_slice %get3A_218 {offsets = [3], sizes = [1], strides = [1]} : vector<16xf32> to vector<1xf32>
        %squeeze3A_697 = vector.extract %slice3A_696[0] : f32 from vector<1xf32>
        %mul3A_698 = vector.broadcast %squeeze3A_697 : f32 to vector<16xf32>
        %mul3A_699 = arith.mulf %get3A_680, %mul3A_698 : vector<16xf32>
        %add3A_700 = arith.addf %add3A_595, %mul3A_699 : vector<16xf32>
        %slice3A_701 = vector.extract_strided_slice %get3A_227 {offsets = [3], sizes = [1], strides = [1]} : vector<16xf32> to vector<1xf32>
        %squeeze3A_702 = vector.extract %slice3A_701[0] : f32 from vector<1xf32>
        %mul3A_703 = vector.broadcast %squeeze3A_702 : f32 to vector<16xf32>
        %mul3A_704 = arith.mulf %get3A_680, %mul3A_703 : vector<16xf32>
        %add3A_705 = arith.addf %add3A_600, %mul3A_704 : vector<16xf32>
        %slice3A_706 = vector.extract_strided_slice %get3A_236 {offsets = [3], sizes = [1], strides = [1]} : vector<16xf32> to vector<1xf32>
        %squeeze3A_707 = vector.extract %slice3A_706[0] : f32 from vector<1xf32>
        %mul3A_708 = vector.broadcast %squeeze3A_707 : f32 to vector<16xf32>
        %mul3A_709 = arith.mulf %get3A_680, %mul3A_708 : vector<16xf32>
        %add3A_710 = arith.addf %add3A_605, %mul3A_709 : vector<16xf32>
        %slice3A_711 = vector.extract_strided_slice %get3A_245 {offsets = [3], sizes = [1], strides = [1]} : vector<16xf32> to vector<1xf32>
        %squeeze3A_712 = vector.extract %slice3A_711[0] : f32 from vector<1xf32>
        %mul3A_713 = vector.broadcast %squeeze3A_712 : f32 to vector<16xf32>
        %mul3A_714 = arith.mulf %get3A_680, %mul3A_713 : vector<16xf32>
        %add3A_715 = arith.addf %add3A_610, %mul3A_714 : vector<16xf32>
        %slice3A_716 = vector.extract_strided_slice %get3A_254 {offsets = [3], sizes = [1], strides = [1]} : vector<16xf32> to vector<1xf32>
        %squeeze3A_717 = vector.extract %slice3A_716[0] : f32 from vector<1xf32>
        %mul3A_718 = vector.broadcast %squeeze3A_717 : f32 to vector<16xf32>
        %mul3A_719 = arith.mulf %get3A_680, %mul3A_718 : vector<16xf32>
        %add3A_720 = arith.addf %add3A_615, %mul3A_719 : vector<16xf32>
        %slice3A_721 = vector.extract_strided_slice %get3A_263 {offsets = [3], sizes = [1], strides = [1]} : vector<16xf32> to vector<1xf32>
        %squeeze3A_722 = vector.extract %slice3A_721[0] : f32 from vector<1xf32>
        %mul3A_723 = vector.broadcast %squeeze3A_722 : f32 to vector<16xf32>
        %mul3A_724 = arith.mulf %get3A_680, %mul3A_723 : vector<16xf32>
        %add3A_725 = arith.addf %add3A_620, %mul3A_724 : vector<16xf32>
        %slice3A_726 = vector.extract_strided_slice %get3A_272 {offsets = [3], sizes = [1], strides = [1]} : vector<16xf32> to vector<1xf32>
        %squeeze3A_727 = vector.extract %slice3A_726[0] : f32 from vector<1xf32>
        %mul3A_728 = vector.broadcast %squeeze3A_727 : f32 to vector<16xf32>
        %mul3A_729 = arith.mulf %get3A_680, %mul3A_728 : vector<16xf32>
        %add3A_730 = arith.addf %add3A_625, %mul3A_729 : vector<16xf32>
        %slice3A_731 = vector.extract_strided_slice %get3A_281 {offsets = [3], sizes = [1], strides = [1]} : vector<16xf32> to vector<1xf32>
        %squeeze3A_732 = vector.extract %slice3A_731[0] : f32 from vector<1xf32>
        %mul3A_733 = vector.broadcast %squeeze3A_732 : f32 to vector<16xf32>
        %mul3A_734 = arith.mulf %get3A_680, %mul3A_733 : vector<16xf32>
        %add3A_735 = arith.addf %add3A_630, %mul3A_734 : vector<16xf32>
        %slice3A_736 = vector.extract_strided_slice %get3A_290 {offsets = [3], sizes = [1], strides = [1]} : vector<16xf32> to vector<1xf32>
        %squeeze3A_737 = vector.extract %slice3A_736[0] : f32 from vector<1xf32>
        %mul3A_738 = vector.broadcast %squeeze3A_737 : f32 to vector<16xf32>
        %mul3A_739 = arith.mulf %get3A_680, %mul3A_738 : vector<16xf32>
        %add3A_740 = arith.addf %add3A_635, %mul3A_739 : vector<16xf32>
        %slice3A_741 = vector.extract_strided_slice %get3A_299 {offsets = [3], sizes = [1], strides = [1]} : vector<16xf32> to vector<1xf32>
        %squeeze3A_742 = vector.extract %slice3A_741[0] : f32 from vector<1xf32>
        %mul3A_743 = vector.broadcast %squeeze3A_742 : f32 to vector<16xf32>
        %mul3A_744 = arith.mulf %get3A_680, %mul3A_743 : vector<16xf32>
        %add3A_745 = arith.addf %add3A_640, %mul3A_744 : vector<16xf32>
        %slice3A_746 = vector.extract_strided_slice %get3A_308 {offsets = [3], sizes = [1], strides = [1]} : vector<16xf32> to vector<1xf32>
        %squeeze3A_747 = vector.extract %slice3A_746[0] : f32 from vector<1xf32>
        %mul3A_748 = vector.broadcast %squeeze3A_747 : f32 to vector<16xf32>
        %mul3A_749 = arith.mulf %get3A_680, %mul3A_748 : vector<16xf32>
        %add3A_750 = arith.addf %add3A_645, %mul3A_749 : vector<16xf32>
        %slice3A_751 = vector.extract_strided_slice %get3A_317 {offsets = [3], sizes = [1], strides = [1]} : vector<16xf32> to vector<1xf32>
        %squeeze3A_752 = vector.extract %slice3A_751[0] : f32 from vector<1xf32>
        %mul3A_753 = vector.broadcast %squeeze3A_752 : f32 to vector<16xf32>
        %mul3A_754 = arith.mulf %get3A_680, %mul3A_753 : vector<16xf32>
        %add3A_755 = arith.addf %add3A_650, %mul3A_754 : vector<16xf32>
        %slice3A_756 = vector.extract_strided_slice %get3A_326 {offsets = [3], sizes = [1], strides = [1]} : vector<16xf32> to vector<1xf32>
        %squeeze3A_757 = vector.extract %slice3A_756[0] : f32 from vector<1xf32>
        %mul3A_758 = vector.broadcast %squeeze3A_757 : f32 to vector<16xf32>
        %mul3A_759 = arith.mulf %get3A_680, %mul3A_758 : vector<16xf32>
        %add3A_760 = arith.addf %add3A_655, %mul3A_759 : vector<16xf32>
        %slice3A_761 = vector.extract_strided_slice %get3A_335 {offsets = [3], sizes = [1], strides = [1]} : vector<16xf32> to vector<1xf32>
        %squeeze3A_762 = vector.extract %slice3A_761[0] : f32 from vector<1xf32>
        %mul3A_763 = vector.broadcast %squeeze3A_762 : f32 to vector<16xf32>
        %mul3A_764 = arith.mulf %get3A_680, %mul3A_763 : vector<16xf32>
        %add3A_765 = arith.addf %add3A_660, %mul3A_764 : vector<16xf32>
        %slice3A_766 = vector.extract_strided_slice %get3A_344 {offsets = [3], sizes = [1], strides = [1]} : vector<16xf32> to vector<1xf32>
        %squeeze3A_767 = vector.extract %slice3A_766[0] : f32 from vector<1xf32>
        %mul3A_768 = vector.broadcast %squeeze3A_767 : f32 to vector<16xf32>
        %mul3A_769 = arith.mulf %get3A_680, %mul3A_768 : vector<16xf32>
        %add3A_770 = arith.addf %add3A_665, %mul3A_769 : vector<16xf32>
        %slice3A_771 = vector.extract_strided_slice %get3A_353 {offsets = [3], sizes = [1], strides = [1]} : vector<16xf32> to vector<1xf32>
        %squeeze3A_772 = vector.extract %slice3A_771[0] : f32 from vector<1xf32>
        %mul3A_773 = vector.broadcast %squeeze3A_772 : f32 to vector<16xf32>
        %mul3A_774 = arith.mulf %get3A_680, %mul3A_773 : vector<16xf32>
        %add3A_775 = arith.addf %add3A_670, %mul3A_774 : vector<16xf32>
        %slice3A_776 = vector.extract_strided_slice %get3A_362 {offsets = [3], sizes = [1], strides = [1]} : vector<16xf32> to vector<1xf32>
        %squeeze3A_777 = vector.extract %slice3A_776[0] : f32 from vector<1xf32>
        %mul3A_778 = vector.broadcast %squeeze3A_777 : f32 to vector<16xf32>
        %mul3A_779 = arith.mulf %get3A_680, %mul3A_778 : vector<16xf32>
        %add3A_780 = arith.addf %add3A_675, %mul3A_779 : vector<16xf32>
        %get3A_781 = arith.constant 4 : i32
        %get3A_782 = arith.index_cast %get3A_781 : i32 to index
        %get3A_783 = arith.index_cast %mul3A_26 : i32 to index
        %get3A_784 = tpu.vector_load %arg5[%get3A_782, %get3A_783] {strides = array<i32>} : memref<32x1024xf32, #tpu.memory_space<vmem>>, vector<1x16xf32>,
        %get3A_785 = vector.shape_cast %get3A_784 : vector<1x16xf32> to vector<16xf32>
        %slice3A_786 = vector.extract_strided_slice %get3A_191 {offsets = [4], sizes = [1], strides = [1]} : vector<16xf32> to vector<1xf32>
        %squeeze3A_787 = vector.extract %slice3A_786[0] : f32 from vector<1xf32>
        %mul3A_788 = vector.broadcast %squeeze3A_787 : f32 to vector<16xf32>
        %mul3A_789 = arith.mulf %get3A_785, %mul3A_788 : vector<16xf32>
        %add3A_790 = arith.addf %add3A_685, %mul3A_789 : vector<16xf32>
        %slice3A_791 = vector.extract_strided_slice %get3A_200 {offsets = [4], sizes = [1], strides = [1]} : vector<16xf32> to vector<1xf32>
        %squeeze3A_792 = vector.extract %slice3A_791[0] : f32 from vector<1xf32>
        %mul3A_793 = vector.broadcast %squeeze3A_792 : f32 to vector<16xf32>
        %mul3A_794 = arith.mulf %get3A_785, %mul3A_793 : vector<16xf32>
        %add3A_795 = arith.addf %add3A_690, %mul3A_794 : vector<16xf32>
        %slice3A_796 = vector.extract_strided_slice %get3A_209 {offsets = [4], sizes = [1], strides = [1]} : vector<16xf32> to vector<1xf32>
        %squeeze3A_797 = vector.extract %slice3A_796[0] : f32 from vector<1xf32>
        %mul3A_798 = vector.broadcast %squeeze3A_797 : f32 to vector<16xf32>
        %mul3A_799 = arith.mulf %get3A_785, %mul3A_798 : vector<16xf32>
        %add3A_800 = arith.addf %add3A_695, %mul3A_799 : vector<16xf32>
        %slice3A_801 = vector.extract_strided_slice %get3A_218 {offsets = [4], sizes = [1], strides = [1]} : vector<16xf32> to vector<1xf32>
        %squeeze3A_802 = vector.extract %slice3A_801[0] : f32 from vector<1xf32>
        %mul3A_803 = vector.broadcast %squeeze3A_802 : f32 to vector<16xf32>
        %mul3A_804 = arith.mulf %get3A_785, %mul3A_803 : vector<16xf32>
        %add3A_805 = arith.addf %add3A_700, %mul3A_804 : vector<16xf32>
        %slice3A_806 = vector.extract_strided_slice %get3A_227 {offsets = [4], sizes = [1], strides = [1]} : vector<16xf32> to vector<1xf32>
        %squeeze3A_807 = vector.extract %slice3A_806[0] : f32 from vector<1xf32>
        %mul3A_808 = vector.broadcast %squeeze3A_807 : f32 to vector<16xf32>
        %mul3A_809 = arith.mulf %get3A_785, %mul3A_808 : vector<16xf32>
        %add3A_810 = arith.addf %add3A_705, %mul3A_809 : vector<16xf32>
        %slice3A_811 = vector.extract_strided_slice %get3A_236 {offsets = [4], sizes = [1], strides = [1]} : vector<16xf32> to vector<1xf32>
        %squeeze3A_812 = vector.extract %slice3A_811[0] : f32 from vector<1xf32>
        %mul3A_813 = vector.broadcast %squeeze3A_812 : f32 to vector<16xf32>
        %mul3A_814 = arith.mulf %get3A_785, %mul3A_813 : vector<16xf32>
        %add3A_815 = arith.addf %add3A_710, %mul3A_814 : vector<16xf32>
        %slice3A_816 = vector.extract_strided_slice %get3A_245 {offsets = [4], sizes = [1], strides = [1]} : vector<16xf32> to vector<1xf32>
        %squeeze3A_817 = vector.extract %slice3A_816[0] : f32 from vector<1xf32>
        %mul3A_818 = vector.broadcast %squeeze3A_817 : f32 to vector<16xf32>
        %mul3A_819 = arith.mulf %get3A_785, %mul3A_818 : vector<16xf32>
        %add3A_820 = arith.addf %add3A_715, %mul3A_819 : vector<16xf32>
        %slice3A_821 = vector.extract_strided_slice %get3A_254 {offsets = [4], sizes = [1], strides = [1]} : vector<16xf32> to vector<1xf32>
        %squeeze3A_822 = vector.extract %slice3A_821[0] : f32 from vector<1xf32>
        %mul3A_823 = vector.broadcast %squeeze3A_822 : f32 to vector<16xf32>
        %mul3A_824 = arith.mulf %get3A_785, %mul3A_823 : vector<16xf32>
        %add3A_825 = arith.addf %add3A_720, %mul3A_824 : vector<16xf32>
        %slice3A_826 = vector.extract_strided_slice %get3A_263 {offsets = [4], sizes = [1], strides = [1]} : vector<16xf32> to vector<1xf32>
        %squeeze3A_827 = vector.extract %slice3A_826[0] : f32 from vector<1xf32>
        %mul3A_828 = vector.broadcast %squeeze3A_827 : f32 to vector<16xf32>
        %mul3A_829 = arith.mulf %get3A_785, %mul3A_828 : vector<16xf32>
        %add3A_830 = arith.addf %add3A_725, %mul3A_829 : vector<16xf32>
        %slice3A_831 = vector.extract_strided_slice %get3A_272 {offsets = [4], sizes = [1], strides = [1]} : vector<16xf32> to vector<1xf32>
        %squeeze3A_832 = vector.extract %slice3A_831[0] : f32 from vector<1xf32>
        %mul3A_833 = vector.broadcast %squeeze3A_832 : f32 to vector<16xf32>
        %mul3A_834 = arith.mulf %get3A_785, %mul3A_833 : vector<16xf32>
        %add3A_835 = arith.addf %add3A_730, %mul3A_834 : vector<16xf32>
        %slice3A_836 = vector.extract_strided_slice %get3A_281 {offsets = [4], sizes = [1], strides = [1]} : vector<16xf32> to vector<1xf32>
        %squeeze3A_837 = vector.extract %slice3A_836[0] : f32 from vector<1xf32>
        %mul3A_838 = vector.broadcast %squeeze3A_837 : f32 to vector<16xf32>
        %mul3A_839 = arith.mulf %get3A_785, %mul3A_838 : vector<16xf32>
        %add3A_840 = arith.addf %add3A_735, %mul3A_839 : vector<16xf32>
        %slice3A_841 = vector.extract_strided_slice %get3A_290 {offsets = [4], sizes = [1], strides = [1]} : vector<16xf32> to vector<1xf32>
        %squeeze3A_842 = vector.extract %slice3A_841[0] : f32 from vector<1xf32>
        %mul3A_843 = vector.broadcast %squeeze3A_842 : f32 to vector<16xf32>
        %mul3A_844 = arith.mulf %get3A_785, %mul3A_843 : vector<16xf32>
        %add3A_845 = arith.addf %add3A_740, %mul3A_844 : vector<16xf32>
        %slice3A_846 = vector.extract_strided_slice %get3A_299 {offsets = [4], sizes = [1], strides = [1]} : vector<16xf32> to vector<1xf32>
        %squeeze3A_847 = vector.extract %slice3A_846[0] : f32 from vector<1xf32>
        %mul3A_848 = vector.broadcast %squeeze3A_847 : f32 to vector<16xf32>
        %mul3A_849 = arith.mulf %get3A_785, %mul3A_848 : vector<16xf32>
        %add3A_850 = arith.addf %add3A_745, %mul3A_849 : vector<16xf32>
        %slice3A_851 = vector.extract_strided_slice %get3A_308 {offsets = [4], sizes = [1], strides = [1]} : vector<16xf32> to vector<1xf32>
        %squeeze3A_852 = vector.extract %slice3A_851[0] : f32 from vector<1xf32>
        %mul3A_853 = vector.broadcast %squeeze3A_852 : f32 to vector<16xf32>
        %mul3A_854 = arith.mulf %get3A_785, %mul3A_853 : vector<16xf32>
        %add3A_855 = arith.addf %add3A_750, %mul3A_854 : vector<16xf32>
        %slice3A_856 = vector.extract_strided_slice %get3A_317 {offsets = [4], sizes = [1], strides = [1]} : vector<16xf32> to vector<1xf32>
        %squeeze3A_857 = vector.extract %slice3A_856[0] : f32 from vector<1xf32>
        %mul3A_858 = vector.broadcast %squeeze3A_857 : f32 to vector<16xf32>
        %mul3A_859 = arith.mulf %get3A_785, %mul3A_858 : vector<16xf32>
        %add3A_860 = arith.addf %add3A_755, %mul3A_859 : vector<16xf32>
        %slice3A_861 = vector.extract_strided_slice %get3A_326 {offsets = [4], sizes = [1], strides = [1]} : vector<16xf32> to vector<1xf32>
        %squeeze3A_862 = vector.extract %slice3A_861[0] : f32 from vector<1xf32>
        %mul3A_863 = vector.broadcast %squeeze3A_862 : f32 to vector<16xf32>
        %mul3A_864 = arith.mulf %get3A_785, %mul3A_863 : vector<16xf32>
        %add3A_865 = arith.addf %add3A_760, %mul3A_864 : vector<16xf32>
        %slice3A_866 = vector.extract_strided_slice %get3A_335 {offsets = [4], sizes = [1], strides = [1]} : vector<16xf32> to vector<1xf32>
        %squeeze3A_867 = vector.extract %slice3A_866[0] : f32 from vector<1xf32>
        %mul3A_868 = vector.broadcast %squeeze3A_867 : f32 to vector<16xf32>
        %mul3A_869 = arith.mulf %get3A_785, %mul3A_868 : vector<16xf32>
        %add3A_870 = arith.addf %add3A_765, %mul3A_869 : vector<16xf32>
        %slice3A_871 = vector.extract_strided_slice %get3A_344 {offsets = [4], sizes = [1], strides = [1]} : vector<16xf32> to vector<1xf32>
        %squeeze3A_872 = vector.extract %slice3A_871[0] : f32 from vector<1xf32>
        %mul3A_873 = vector.broadcast %squeeze3A_872 : f32 to vector<16xf32>
        %mul3A_874 = arith.mulf %get3A_785, %mul3A_873 : vector<16xf32>
        %add3A_875 = arith.addf %add3A_770, %mul3A_874 : vector<16xf32>
        %slice3A_876 = vector.extract_strided_slice %get3A_353 {offsets = [4], sizes = [1], strides = [1]} : vector<16xf32> to vector<1xf32>
        %squeeze3A_877 = vector.extract %slice3A_876[0] : f32 from vector<1xf32>
        %mul3A_878 = vector.broadcast %squeeze3A_877 : f32 to vector<16xf32>
        %mul3A_879 = arith.mulf %get3A_785, %mul3A_878 : vector<16xf32>
        %add3A_880 = arith.addf %add3A_775, %mul3A_879 : vector<16xf32>
        %slice3A_881 = vector.extract_strided_slice %get3A_362 {offsets = [4], sizes = [1], strides = [1]} : vector<16xf32> to vector<1xf32>
        %squeeze3A_882 = vector.extract %slice3A_881[0] : f32 from vector<1xf32>
        %mul3A_883 = vector.broadcast %squeeze3A_882 : f32 to vector<16xf32>
        %mul3A_884 = arith.mulf %get3A_785, %mul3A_883 : vector<16xf32>
        %add3A_885 = arith.addf %add3A_780, %mul3A_884 : vector<16xf32>
        %get3A_886 = arith.constant 5 : i32
        %get3A_887 = arith.index_cast %get3A_886 : i32 to index
        %get3A_888 = arith.index_cast %mul3A_26 : i32 to index
        %get3A_889 = tpu.vector_load %arg5[%get3A_887, %get3A_888] {strides = array<i32>} : memref<32x1024xf32, #tpu.memory_space<vmem>>, vector<1x16xf32>,
        %get3A_890 = vector.shape_cast %get3A_889 : vector<1x16xf32> to vector<16xf32>
        %slice3A_891 = vector.extract_strided_slice %get3A_191 {offsets = [5], sizes = [1], strides = [1]} : vector<16xf32> to vector<1xf32>
        %squeeze3A_892 = vector.extract %slice3A_891[0] : f32 from vector<1xf32>
        %mul3A_893 = vector.broadcast %squeeze3A_892 : f32 to vector<16xf32>
        %mul3A_894 = arith.mulf %get3A_890, %mul3A_893 : vector<16xf32>
        %add3A_895 = arith.addf %add3A_790, %mul3A_894 : vector<16xf32>
        %slice3A_896 = vector.extract_strided_slice %get3A_200 {offsets = [5], sizes = [1], strides = [1]} : vector<16xf32> to vector<1xf32>
        %squeeze3A_897 = vector.extract %slice3A_896[0] : f32 from vector<1xf32>
        %mul3A_898 = vector.broadcast %squeeze3A_897 : f32 to vector<16xf32>
        %mul3A_899 = arith.mulf %get3A_890, %mul3A_898 : vector<16xf32>
        %add3A_900 = arith.addf %add3A_795, %mul3A_899 : vector<16xf32>
        %slice3A_901 = vector.extract_strided_slice %get3A_209 {offsets = [5], sizes = [1], strides = [1]} : vector<16xf32> to vector<1xf32>
        %squeeze3A_902 = vector.extract %slice3A_901[0] : f32 from vector<1xf32>
        %mul3A_903 = vector.broadcast %squeeze3A_902 : f32 to vector<16xf32>
        %mul3A_904 = arith.mulf %get3A_890, %mul3A_903 : vector<16xf32>
        %add3A_905 = arith.addf %add3A_800, %mul3A_904 : vector<16xf32>
        %slice3A_906 = vector.extract_strided_slice %get3A_218 {offsets = [5], sizes = [1], strides = [1]} : vector<16xf32> to vector<1xf32>
        %squeeze3A_907 = vector.extract %slice3A_906[0] : f32 from vector<1xf32>
        %mul3A_908 = vector.broadcast %squeeze3A_907 : f32 to vector<16xf32>
        %mul3A_909 = arith.mulf %get3A_890, %mul3A_908 : vector<16xf32>
        %add3A_910 = arith.addf %add3A_805, %mul3A_909 : vector<16xf32>
        %slice3A_911 = vector.extract_strided_slice %get3A_227 {offsets = [5], sizes = [1], strides = [1]} : vector<16xf32> to vector<1xf32>
        %squeeze3A_912 = vector.extract %slice3A_911[0] : f32 from vector<1xf32>
        %mul3A_913 = vector.broadcast %squeeze3A_912 : f32 to vector<16xf32>
        %mul3A_914 = arith.mulf %get3A_890, %mul3A_913 : vector<16xf32>
        %add3A_915 = arith.addf %add3A_810, %mul3A_914 : vector<16xf32>
        %slice3A_916 = vector.extract_strided_slice %get3A_236 {offsets = [5], sizes = [1], strides = [1]} : vector<16xf32> to vector<1xf32>
        %squeeze3A_917 = vector.extract %slice3A_916[0] : f32 from vector<1xf32>
        %mul3A_918 = vector.broadcast %squeeze3A_917 : f32 to vector<16xf32>
        %mul3A_919 = arith.mulf %get3A_890, %mul3A_918 : vector<16xf32>
        %add3A_920 = arith.addf %add3A_815, %mul3A_919 : vector<16xf32>
        %slice3A_921 = vector.extract_strided_slice %get3A_245 {offsets = [5], sizes = [1], strides = [1]} : vector<16xf32> to vector<1xf32>
        %squeeze3A_922 = vector.extract %slice3A_921[0] : f32 from vector<1xf32>
        %mul3A_923 = vector.broadcast %squeeze3A_922 : f32 to vector<16xf32>
        %mul3A_924 = arith.mulf %get3A_890, %mul3A_923 : vector<16xf32>
        %add3A_925 = arith.addf %add3A_820, %mul3A_924 : vector<16xf32>
        %slice3A_926 = vector.extract_strided_slice %get3A_254 {offsets = [5], sizes = [1], strides = [1]} : vector<16xf32> to vector<1xf32>
        %squeeze3A_927 = vector.extract %slice3A_926[0] : f32 from vector<1xf32>
        %mul3A_928 = vector.broadcast %squeeze3A_927 : f32 to vector<16xf32>
        %mul3A_929 = arith.mulf %get3A_890, %mul3A_928 : vector<16xf32>
        %add3A_930 = arith.addf %add3A_825, %mul3A_929 : vector<16xf32>
        %slice3A_931 = vector.extract_strided_slice %get3A_263 {offsets = [5], sizes = [1], strides = [1]} : vector<16xf32> to vector<1xf32>
        %squeeze3A_932 = vector.extract %slice3A_931[0] : f32 from vector<1xf32>
        %mul3A_933 = vector.broadcast %squeeze3A_932 : f32 to vector<16xf32>
        %mul3A_934 = arith.mulf %get3A_890, %mul3A_933 : vector<16xf32>
        %add3A_935 = arith.addf %add3A_830, %mul3A_934 : vector<16xf32>
        %slice3A_936 = vector.extract_strided_slice %get3A_272 {offsets = [5], sizes = [1], strides = [1]} : vector<16xf32> to vector<1xf32>
        %squeeze3A_937 = vector.extract %slice3A_936[0] : f32 from vector<1xf32>
        %mul3A_938 = vector.broadcast %squeeze3A_937 : f32 to vector<16xf32>
        %mul3A_939 = arith.mulf %get3A_890, %mul3A_938 : vector<16xf32>
        %add3A_940 = arith.addf %add3A_835, %mul3A_939 : vector<16xf32>
        %slice3A_941 = vector.extract_strided_slice %get3A_281 {offsets = [5], sizes = [1], strides = [1]} : vector<16xf32> to vector<1xf32>
        %squeeze3A_942 = vector.extract %slice3A_941[0] : f32 from vector<1xf32>
        %mul3A_943 = vector.broadcast %squeeze3A_942 : f32 to vector<16xf32>
        %mul3A_944 = arith.mulf %get3A_890, %mul3A_943 : vector<16xf32>
        %add3A_945 = arith.addf %add3A_840, %mul3A_944 : vector<16xf32>
        %slice3A_946 = vector.extract_strided_slice %get3A_290 {offsets = [5], sizes = [1], strides = [1]} : vector<16xf32> to vector<1xf32>
        %squeeze3A_947 = vector.extract %slice3A_946[0] : f32 from vector<1xf32>
        %mul3A_948 = vector.broadcast %squeeze3A_947 : f32 to vector<16xf32>
        %mul3A_949 = arith.mulf %get3A_890, %mul3A_948 : vector<16xf32>
        %add3A_950 = arith.addf %add3A_845, %mul3A_949 : vector<16xf32>
        %slice3A_951 = vector.extract_strided_slice %get3A_299 {offsets = [5], sizes = [1], strides = [1]} : vector<16xf32> to vector<1xf32>
        %squeeze3A_952 = vector.extract %slice3A_951[0] : f32 from vector<1xf32>
        %mul3A_953 = vector.broadcast %squeeze3A_952 : f32 to vector<16xf32>
        %mul3A_954 = arith.mulf %get3A_890, %mul3A_953 : vector<16xf32>
        %add3A_955 = arith.addf %add3A_850, %mul3A_954 : vector<16xf32>
        %slice3A_956 = vector.extract_strided_slice %get3A_308 {offsets = [5], sizes = [1], strides = [1]} : vector<16xf32> to vector<1xf32>
        %squeeze3A_957 = vector.extract %slice3A_956[0] : f32 from vector<1xf32>
        %mul3A_958 = vector.broadcast %squeeze3A_957 : f32 to vector<16xf32>
        %mul3A_959 = arith.mulf %get3A_890, %mul3A_958 : vector<16xf32>
        %add3A_960 = arith.addf %add3A_855, %mul3A_959 : vector<16xf32>
        %slice3A_961 = vector.extract_strided_slice %get3A_317 {offsets = [5], sizes = [1], strides = [1]} : vector<16xf32> to vector<1xf32>
        %squeeze3A_962 = vector.extract %slice3A_961[0] : f32 from vector<1xf32>
        %mul3A_963 = vector.broadcast %squeeze3A_962 : f32 to vector<16xf32>
        %mul3A_964 = arith.mulf %get3A_890, %mul3A_963 : vector<16xf32>
        %add3A_965 = arith.addf %add3A_860, %mul3A_964 : vector<16xf32>
        %slice3A_966 = vector.extract_strided_slice %get3A_326 {offsets = [5], sizes = [1], strides = [1]} : vector<16xf32> to vector<1xf32>
        %squeeze3A_967 = vector.extract %slice3A_966[0] : f32 from vector<1xf32>
        %mul3A_968 = vector.broadcast %squeeze3A_967 : f32 to vector<16xf32>
        %mul3A_969 = arith.mulf %get3A_890, %mul3A_968 : vector<16xf32>
        %add3A_970 = arith.addf %add3A_865, %mul3A_969 : vector<16xf32>
        %slice3A_971 = vector.extract_strided_slice %get3A_335 {offsets = [5], sizes = [1], strides = [1]} : vector<16xf32> to vector<1xf32>
        %squeeze3A_972 = vector.extract %slice3A_971[0] : f32 from vector<1xf32>
        %mul3A_973 = vector.broadcast %squeeze3A_972 : f32 to vector<16xf32>
        %mul3A_974 = arith.mulf %get3A_890, %mul3A_973 : vector<16xf32>
        %add3A_975 = arith.addf %add3A_870, %mul3A_974 : vector<16xf32>
        %slice3A_976 = vector.extract_strided_slice %get3A_344 {offsets = [5], sizes = [1], strides = [1]} : vector<16xf32> to vector<1xf32>
        %squeeze3A_977 = vector.extract %slice3A_976[0] : f32 from vector<1xf32>
        %mul3A_978 = vector.broadcast %squeeze3A_977 : f32 to vector<16xf32>
        %mul3A_979 = arith.mulf %get3A_890, %mul3A_978 : vector<16xf32>
        %add3A_980 = arith.addf %add3A_875, %mul3A_979 : vector<16xf32>
        %slice3A_981 = vector.extract_strided_slice %get3A_353 {offsets = [5], sizes = [1], strides = [1]} : vector<16xf32> to vector<1xf32>
        %squeeze3A_982 = vector.extract %slice3A_981[0] : f32 from vector<1xf32>
        %mul3A_983 = vector.broadcast %squeeze3A_982 : f32 to vector<16xf32>
        %mul3A_984 = arith.mulf %get3A_890, %mul3A_983 : vector<16xf32>
        %add3A_985 = arith.addf %add3A_880, %mul3A_984 : vector<16xf32>
        %slice3A_986 = vector.extract_strided_slice %get3A_362 {offsets = [5], sizes = [1], strides = [1]} : vector<16xf32> to vector<1xf32>
        %squeeze3A_987 = vector.extract %slice3A_986[0] : f32 from vector<1xf32>
        %mul3A_988 = vector.broadcast %squeeze3A_987 : f32 to vector<16xf32>
        %mul3A_989 = arith.mulf %get3A_890, %mul3A_988 : vector<16xf32>
        %add3A_990 = arith.addf %add3A_885, %mul3A_989 : vector<16xf32>
        %get3A_991 = arith.constant 6 : i32
        %get3A_992 = arith.index_cast %get3A_991 : i32 to index
        %get3A_993 = arith.index_cast %mul3A_26 : i32 to index
        %get3A_994 = tpu.vector_load %arg5[%get3A_992, %get3A_993] {strides = array<i32>} : memref<32x1024xf32, #tpu.memory_space<vmem>>, vector<1x16xf32>,
        %get3A_995 = vector.shape_cast %get3A_994 : vector<1x16xf32> to vector<16xf32>
        %slice3A_996 = vector.extract_strided_slice %get3A_191 {offsets = [6], sizes = [1], strides = [1]} : vector<16xf32> to vector<1xf32>
        %squeeze3A_997 = vector.extract %slice3A_996[0] : f32 from vector<1xf32>
        %mul3A_998 = vector.broadcast %squeeze3A_997 : f32 to vector<16xf32>
        %mul3A_999 = arith.mulf %get3A_995, %mul3A_998 : vector<16xf32>
        %add3A_1000 = arith.addf %add3A_895, %mul3A_999 : vector<16xf32>
        %slice3A_1001 = vector.extract_strided_slice %get3A_200 {offsets = [6], sizes = [1], strides = [1]} : vector<16xf32> to vector<1xf32>
        %squeeze3A_1002 = vector.extract %slice3A_1001[0] : f32 from vector<1xf32>
        %mul3A_1003 = vector.broadcast %squeeze3A_1002 : f32 to vector<16xf32>
        %mul3A_1004 = arith.mulf %get3A_995, %mul3A_1003 : vector<16xf32>
        %add3A_1005 = arith.addf %add3A_900, %mul3A_1004 : vector<16xf32>
        %slice3A_1006 = vector.extract_strided_slice %get3A_209 {offsets = [6], sizes = [1], strides = [1]} : vector<16xf32> to vector<1xf32>
        %squeeze3A_1007 = vector.extract %slice3A_1006[0] : f32 from vector<1xf32>
        %mul3A_1008 = vector.broadcast %squeeze3A_1007 : f32 to vector<16xf32>
        %mul3A_1009 = arith.mulf %get3A_995, %mul3A_1008 : vector<16xf32>
        %add3A_1010 = arith.addf %add3A_905, %mul3A_1009 : vector<16xf32>
        %slice3A_1011 = vector.extract_strided_slice %get3A_218 {offsets = [6], sizes = [1], strides = [1]} : vector<16xf32> to vector<1xf32>
        %squeeze3A_1012 = vector.extract %slice3A_1011[0] : f32 from vector<1xf32>
        %mul3A_1013 = vector.broadcast %squeeze3A_1012 : f32 to vector<16xf32>
        %mul3A_1014 = arith.mulf %get3A_995, %mul3A_1013 : vector<16xf32>
        %add3A_1015 = arith.addf %add3A_910, %mul3A_1014 : vector<16xf32>
        %slice3A_1016 = vector.extract_strided_slice %get3A_227 {offsets = [6], sizes = [1], strides = [1]} : vector<16xf32> to vector<1xf32>
        %squeeze3A_1017 = vector.extract %slice3A_1016[0] : f32 from vector<1xf32>
        %mul3A_1018 = vector.broadcast %squeeze3A_1017 : f32 to vector<16xf32>
        %mul3A_1019 = arith.mulf %get3A_995, %mul3A_1018 : vector<16xf32>
        %add3A_1020 = arith.addf %add3A_915, %mul3A_1019 : vector<16xf32>
        %slice3A_1021 = vector.extract_strided_slice %get3A_236 {offsets = [6], sizes = [1], strides = [1]} : vector<16xf32> to vector<1xf32>
        %squeeze3A_1022 = vector.extract %slice3A_1021[0] : f32 from vector<1xf32>
        %mul3A_1023 = vector.broadcast %squeeze3A_1022 : f32 to vector<16xf32>
        %mul3A_1024 = arith.mulf %get3A_995, %mul3A_1023 : vector<16xf32>
        %add3A_1025 = arith.addf %add3A_920, %mul3A_1024 : vector<16xf32>
        %slice3A_1026 = vector.extract_strided_slice %get3A_245 {offsets = [6], sizes = [1], strides = [1]} : vector<16xf32> to vector<1xf32>
        %squeeze3A_1027 = vector.extract %slice3A_1026[0] : f32 from vector<1xf32>
        %mul3A_1028 = vector.broadcast %squeeze3A_1027 : f32 to vector<16xf32>
        %mul3A_1029 = arith.mulf %get3A_995, %mul3A_1028 : vector<16xf32>
        %add3A_1030 = arith.addf %add3A_925, %mul3A_1029 : vector<16xf32>
        %slice3A_1031 = vector.extract_strided_slice %get3A_254 {offsets = [6], sizes = [1], strides = [1]} : vector<16xf32> to vector<1xf32>
        %squeeze3A_1032 = vector.extract %slice3A_1031[0] : f32 from vector<1xf32>
        %mul3A_1033 = vector.broadcast %squeeze3A_1032 : f32 to vector<16xf32>
        %mul3A_1034 = arith.mulf %get3A_995, %mul3A_1033 : vector<16xf32>
        %add3A_1035 = arith.addf %add3A_930, %mul3A_1034 : vector<16xf32>
        %slice3A_1036 = vector.extract_strided_slice %get3A_263 {offsets = [6], sizes = [1], strides = [1]} : vector<16xf32> to vector<1xf32>
        %squeeze3A_1037 = vector.extract %slice3A_1036[0] : f32 from vector<1xf32>
        %mul3A_1038 = vector.broadcast %squeeze3A_1037 : f32 to vector<16xf32>
        %mul3A_1039 = arith.mulf %get3A_995, %mul3A_1038 : vector<16xf32>
        %add3A_1040 = arith.addf %add3A_935, %mul3A_1039 : vector<16xf32>
        %slice3A_1041 = vector.extract_strided_slice %get3A_272 {offsets = [6], sizes = [1], strides = [1]} : vector<16xf32> to vector<1xf32>
        %squeeze3A_1042 = vector.extract %slice3A_1041[0] : f32 from vector<1xf32>
        %mul3A_1043 = vector.broadcast %squeeze3A_1042 : f32 to vector<16xf32>
        %mul3A_1044 = arith.mulf %get3A_995, %mul3A_1043 : vector<16xf32>
        %add3A_1045 = arith.addf %add3A_940, %mul3A_1044 : vector<16xf32>
        %slice3A_1046 = vector.extract_strided_slice %get3A_281 {offsets = [6], sizes = [1], strides = [1]} : vector<16xf32> to vector<1xf32>
        %squeeze3A_1047 = vector.extract %slice3A_1046[0] : f32 from vector<1xf32>
        %mul3A_1048 = vector.broadcast %squeeze3A_1047 : f32 to vector<16xf32>
        %mul3A_1049 = arith.mulf %get3A_995, %mul3A_1048 : vector<16xf32>
        %add3A_1050 = arith.addf %add3A_945, %mul3A_1049 : vector<16xf32>
        %slice3A_1051 = vector.extract_strided_slice %get3A_290 {offsets = [6], sizes = [1], strides = [1]} : vector<16xf32> to vector<1xf32>
        %squeeze3A_1052 = vector.extract %slice3A_1051[0] : f32 from vector<1xf32>
        %mul3A_1053 = vector.broadcast %squeeze3A_1052 : f32 to vector<16xf32>
        %mul3A_1054 = arith.mulf %get3A_995, %mul3A_1053 : vector<16xf32>
        %add3A_1055 = arith.addf %add3A_950, %mul3A_1054 : vector<16xf32>
        %slice3A_1056 = vector.extract_strided_slice %get3A_299 {offsets = [6], sizes = [1], strides = [1]} : vector<16xf32> to vector<1xf32>
        %squeeze3A_1057 = vector.extract %slice3A_1056[0] : f32 from vector<1xf32>
        %mul3A_1058 = vector.broadcast %squeeze3A_1057 : f32 to vector<16xf32>
        %mul3A_1059 = arith.mulf %get3A_995, %mul3A_1058 : vector<16xf32>
        %add3A_1060 = arith.addf %add3A_955, %mul3A_1059 : vector<16xf32>
        %slice3A_1061 = vector.extract_strided_slice %get3A_308 {offsets = [6], sizes = [1], strides = [1]} : vector<16xf32> to vector<1xf32>
        %squeeze3A_1062 = vector.extract %slice3A_1061[0] : f32 from vector<1xf32>
        %mul3A_1063 = vector.broadcast %squeeze3A_1062 : f32 to vector<16xf32>
        %mul3A_1064 = arith.mulf %get3A_995, %mul3A_1063 : vector<16xf32>
        %add3A_1065 = arith.addf %add3A_960, %mul3A_1064 : vector<16xf32>
        %slice3A_1066 = vector.extract_strided_slice %get3A_317 {offsets = [6], sizes = [1], strides = [1]} : vector<16xf32> to vector<1xf32>
        %squeeze3A_1067 = vector.extract %slice3A_1066[0] : f32 from vector<1xf32>
        %mul3A_1068 = vector.broadcast %squeeze3A_1067 : f32 to vector<16xf32>
        %mul3A_1069 = arith.mulf %get3A_995, %mul3A_1068 : vector<16xf32>
        %add3A_1070 = arith.addf %add3A_965, %mul3A_1069 : vector<16xf32>
        %slice3A_1071 = vector.extract_strided_slice %get3A_326 {offsets = [6], sizes = [1], strides = [1]} : vector<16xf32> to vector<1xf32>
        %squeeze3A_1072 = vector.extract %slice3A_1071[0] : f32 from vector<1xf32>
        %mul3A_1073 = vector.broadcast %squeeze3A_1072 : f32 to vector<16xf32>
        %mul3A_1074 = arith.mulf %get3A_995, %mul3A_1073 : vector<16xf32>
        %add3A_1075 = arith.addf %add3A_970, %mul3A_1074 : vector<16xf32>
        %slice3A_1076 = vector.extract_strided_slice %get3A_335 {offsets = [6], sizes = [1], strides = [1]} : vector<16xf32> to vector<1xf32>
        %squeeze3A_1077 = vector.extract %slice3A_1076[0] : f32 from vector<1xf32>
        %mul3A_1078 = vector.broadcast %squeeze3A_1077 : f32 to vector<16xf32>
        %mul3A_1079 = arith.mulf %get3A_995, %mul3A_1078 : vector<16xf32>
        %add3A_1080 = arith.addf %add3A_975, %mul3A_1079 : vector<16xf32>
        %slice3A_1081 = vector.extract_strided_slice %get3A_344 {offsets = [6], sizes = [1], strides = [1]} : vector<16xf32> to vector<1xf32>
        %squeeze3A_1082 = vector.extract %slice3A_1081[0] : f32 from vector<1xf32>
        %mul3A_1083 = vector.broadcast %squeeze3A_1082 : f32 to vector<16xf32>
        %mul3A_1084 = arith.mulf %get3A_995, %mul3A_1083 : vector<16xf32>
        %add3A_1085 = arith.addf %add3A_980, %mul3A_1084 : vector<16xf32>
        %slice3A_1086 = vector.extract_strided_slice %get3A_353 {offsets = [6], sizes = [1], strides = [1]} : vector<16xf32> to vector<1xf32>
        %squeeze3A_1087 = vector.extract %slice3A_1086[0] : f32 from vector<1xf32>
        %mul3A_1088 = vector.broadcast %squeeze3A_1087 : f32 to vector<16xf32>
        %mul3A_1089 = arith.mulf %get3A_995, %mul3A_1088 : vector<16xf32>
        %add3A_1090 = arith.addf %add3A_985, %mul3A_1089 : vector<16xf32>
        %slice3A_1091 = vector.extract_strided_slice %get3A_362 {offsets = [6], sizes = [1], strides = [1]} : vector<16xf32> to vector<1xf32>
        %squeeze3A_1092 = vector.extract %slice3A_1091[0] : f32 from vector<1xf32>
        %mul3A_1093 = vector.broadcast %squeeze3A_1092 : f32 to vector<16xf32>
        %mul3A_1094 = arith.mulf %get3A_995, %mul3A_1093 : vector<16xf32>
        %add3A_1095 = arith.addf %add3A_990, %mul3A_1094 : vector<16xf32>
        %get3A_1096 = arith.constant 7 : i32
        %get3A_1097 = arith.index_cast %get3A_1096 : i32 to index
        %get3A_1098 = arith.index_cast %mul3A_26 : i32 to index
        %get3A_1099 = tpu.vector_load %arg5[%get3A_1097, %get3A_1098] {strides = array<i32>} : memref<32x1024xf32, #tpu.memory_space<vmem>>, vector<1x16xf32>,
        %get3A_1100 = vector.shape_cast %get3A_1099 : vector<1x16xf32> to vector<16xf32>
        %slice3A_1101 = vector.extract_strided_slice %get3A_191 {offsets = [7], sizes = [1], strides = [1]} : vector<16xf32> to vector<1xf32>
        %squeeze3A_1102 = vector.extract %slice3A_1101[0] : f32 from vector<1xf32>
        %mul3A_1103 = vector.broadcast %squeeze3A_1102 : f32 to vector<16xf32>
        %mul3A_1104 = arith.mulf %get3A_1100, %mul3A_1103 : vector<16xf32>
        %add3A_1105 = arith.addf %add3A_1000, %mul3A_1104 : vector<16xf32>
        %slice3A_1106 = vector.extract_strided_slice %get3A_200 {offsets = [7], sizes = [1], strides = [1]} : vector<16xf32> to vector<1xf32>
        %squeeze3A_1107 = vector.extract %slice3A_1106[0] : f32 from vector<1xf32>
        %mul3A_1108 = vector.broadcast %squeeze3A_1107 : f32 to vector<16xf32>
        %mul3A_1109 = arith.mulf %get3A_1100, %mul3A_1108 : vector<16xf32>
        %add3A_1110 = arith.addf %add3A_1005, %mul3A_1109 : vector<16xf32>
        %slice3A_1111 = vector.extract_strided_slice %get3A_209 {offsets = [7], sizes = [1], strides = [1]} : vector<16xf32> to vector<1xf32>
        %squeeze3A_1112 = vector.extract %slice3A_1111[0] : f32 from vector<1xf32>
        %mul3A_1113 = vector.broadcast %squeeze3A_1112 : f32 to vector<16xf32>
        %mul3A_1114 = arith.mulf %get3A_1100, %mul3A_1113 : vector<16xf32>
        %add3A_1115 = arith.addf %add3A_1010, %mul3A_1114 : vector<16xf32>
        %slice3A_1116 = vector.extract_strided_slice %get3A_218 {offsets = [7], sizes = [1], strides = [1]} : vector<16xf32> to vector<1xf32>
        %squeeze3A_1117 = vector.extract %slice3A_1116[0] : f32 from vector<1xf32>
        %mul3A_1118 = vector.broadcast %squeeze3A_1117 : f32 to vector<16xf32>
        %mul3A_1119 = arith.mulf %get3A_1100, %mul3A_1118 : vector<16xf32>
        %add3A_1120 = arith.addf %add3A_1015, %mul3A_1119 : vector<16xf32>
        %slice3A_1121 = vector.extract_strided_slice %get3A_227 {offsets = [7], sizes = [1], strides = [1]} : vector<16xf32> to vector<1xf32>
        %squeeze3A_1122 = vector.extract %slice3A_1121[0] : f32 from vector<1xf32>
        %mul3A_1123 = vector.broadcast %squeeze3A_1122 : f32 to vector<16xf32>
        %mul3A_1124 = arith.mulf %get3A_1100, %mul3A_1123 : vector<16xf32>
        %add3A_1125 = arith.addf %add3A_1020, %mul3A_1124 : vector<16xf32>
        %slice3A_1126 = vector.extract_strided_slice %get3A_236 {offsets = [7], sizes = [1], strides = [1]} : vector<16xf32> to vector<1xf32>
        %squeeze3A_1127 = vector.extract %slice3A_1126[0] : f32 from vector<1xf32>
        %mul3A_1128 = vector.broadcast %squeeze3A_1127 : f32 to vector<16xf32>
        %mul3A_1129 = arith.mulf %get3A_1100, %mul3A_1128 : vector<16xf32>
        %add3A_1130 = arith.addf %add3A_1025, %mul3A_1129 : vector<16xf32>
        %slice3A_1131 = vector.extract_strided_slice %get3A_245 {offsets = [7], sizes = [1], strides = [1]} : vector<16xf32> to vector<1xf32>
        %squeeze3A_1132 = vector.extract %slice3A_1131[0] : f32 from vector<1xf32>
        %mul3A_1133 = vector.broadcast %squeeze3A_1132 : f32 to vector<16xf32>
        %mul3A_1134 = arith.mulf %get3A_1100, %mul3A_1133 : vector<16xf32>
        %add3A_1135 = arith.addf %add3A_1030, %mul3A_1134 : vector<16xf32>
        %slice3A_1136 = vector.extract_strided_slice %get3A_254 {offsets = [7], sizes = [1], strides = [1]} : vector<16xf32> to vector<1xf32>
        %squeeze3A_1137 = vector.extract %slice3A_1136[0] : f32 from vector<1xf32>
        %mul3A_1138 = vector.broadcast %squeeze3A_1137 : f32 to vector<16xf32>
        %mul3A_1139 = arith.mulf %get3A_1100, %mul3A_1138 : vector<16xf32>
        %add3A_1140 = arith.addf %add3A_1035, %mul3A_1139 : vector<16xf32>
        %slice3A_1141 = vector.extract_strided_slice %get3A_263 {offsets = [7], sizes = [1], strides = [1]} : vector<16xf32> to vector<1xf32>
        %squeeze3A_1142 = vector.extract %slice3A_1141[0] : f32 from vector<1xf32>
        %mul3A_1143 = vector.broadcast %squeeze3A_1142 : f32 to vector<16xf32>
        %mul3A_1144 = arith.mulf %get3A_1100, %mul3A_1143 : vector<16xf32>
        %add3A_1145 = arith.addf %add3A_1040, %mul3A_1144 : vector<16xf32>
        %slice3A_1146 = vector.extract_strided_slice %get3A_272 {offsets = [7], sizes = [1], strides = [1]} : vector<16xf32> to vector<1xf32>
        %squeeze3A_1147 = vector.extract %slice3A_1146[0] : f32 from vector<1xf32>
        %mul3A_1148 = vector.broadcast %squeeze3A_1147 : f32 to vector<16xf32>
        %mul3A_1149 = arith.mulf %get3A_1100, %mul3A_1148 : vector<16xf32>
        %add3A_1150 = arith.addf %add3A_1045, %mul3A_1149 : vector<16xf32>
        %slice3A_1151 = vector.extract_strided_slice %get3A_281 {offsets = [7], sizes = [1], strides = [1]} : vector<16xf32> to vector<1xf32>
        %squeeze3A_1152 = vector.extract %slice3A_1151[0] : f32 from vector<1xf32>
        %mul3A_1153 = vector.broadcast %squeeze3A_1152 : f32 to vector<16xf32>
        %mul3A_1154 = arith.mulf %get3A_1100, %mul3A_1153 : vector<16xf32>
        %add3A_1155 = arith.addf %add3A_1050, %mul3A_1154 : vector<16xf32>
        %slice3A_1156 = vector.extract_strided_slice %get3A_290 {offsets = [7], sizes = [1], strides = [1]} : vector<16xf32> to vector<1xf32>
        %squeeze3A_1157 = vector.extract %slice3A_1156[0] : f32 from vector<1xf32>
        %mul3A_1158 = vector.broadcast %squeeze3A_1157 : f32 to vector<16xf32>
        %mul3A_1159 = arith.mulf %get3A_1100, %mul3A_1158 : vector<16xf32>
        %add3A_1160 = arith.addf %add3A_1055, %mul3A_1159 : vector<16xf32>
        %slice3A_1161 = vector.extract_strided_slice %get3A_299 {offsets = [7], sizes = [1], strides = [1]} : vector<16xf32> to vector<1xf32>
        %squeeze3A_1162 = vector.extract %slice3A_1161[0] : f32 from vector<1xf32>
        %mul3A_1163 = vector.broadcast %squeeze3A_1162 : f32 to vector<16xf32>
        %mul3A_1164 = arith.mulf %get3A_1100, %mul3A_1163 : vector<16xf32>
        %add3A_1165 = arith.addf %add3A_1060, %mul3A_1164 : vector<16xf32>
        %slice3A_1166 = vector.extract_strided_slice %get3A_308 {offsets = [7], sizes = [1], strides = [1]} : vector<16xf32> to vector<1xf32>
        %squeeze3A_1167 = vector.extract %slice3A_1166[0] : f32 from vector<1xf32>
        %mul3A_1168 = vector.broadcast %squeeze3A_1167 : f32 to vector<16xf32>
        %mul3A_1169 = arith.mulf %get3A_1100, %mul3A_1168 : vector<16xf32>
        %add3A_1170 = arith.addf %add3A_1065, %mul3A_1169 : vector<16xf32>
        %slice3A_1171 = vector.extract_strided_slice %get3A_317 {offsets = [7], sizes = [1], strides = [1]} : vector<16xf32> to vector<1xf32>
        %squeeze3A_1172 = vector.extract %slice3A_1171[0] : f32 from vector<1xf32>
        %mul3A_1173 = vector.broadcast %squeeze3A_1172 : f32 to vector<16xf32>
        %mul3A_1174 = arith.mulf %get3A_1100, %mul3A_1173 : vector<16xf32>
        %add3A_1175 = arith.addf %add3A_1070, %mul3A_1174 : vector<16xf32>
        %slice3A_1176 = vector.extract_strided_slice %get3A_326 {offsets = [7], sizes = [1], strides = [1]} : vector<16xf32> to vector<1xf32>
        %squeeze3A_1177 = vector.extract %slice3A_1176[0] : f32 from vector<1xf32>
        %mul3A_1178 = vector.broadcast %squeeze3A_1177 : f32 to vector<16xf32>
        %mul3A_1179 = arith.mulf %get3A_1100, %mul3A_1178 : vector<16xf32>
        %add3A_1180 = arith.addf %add3A_1075, %mul3A_1179 : vector<16xf32>
        %slice3A_1181 = vector.extract_strided_slice %get3A_335 {offsets = [7], sizes = [1], strides = [1]} : vector<16xf32> to vector<1xf32>
        %squeeze3A_1182 = vector.extract %slice3A_1181[0] : f32 from vector<1xf32>
        %mul3A_1183 = vector.broadcast %squeeze3A_1182 : f32 to vector<16xf32>
        %mul3A_1184 = arith.mulf %get3A_1100, %mul3A_1183 : vector<16xf32>
        %add3A_1185 = arith.addf %add3A_1080, %mul3A_1184 : vector<16xf32>
        %slice3A_1186 = vector.extract_strided_slice %get3A_344 {offsets = [7], sizes = [1], strides = [1]} : vector<16xf32> to vector<1xf32>
        %squeeze3A_1187 = vector.extract %slice3A_1186[0] : f32 from vector<1xf32>
        %mul3A_1188 = vector.broadcast %squeeze3A_1187 : f32 to vector<16xf32>
        %mul3A_1189 = arith.mulf %get3A_1100, %mul3A_1188 : vector<16xf32>
        %add3A_1190 = arith.addf %add3A_1085, %mul3A_1189 : vector<16xf32>
        %slice3A_1191 = vector.extract_strided_slice %get3A_353 {offsets = [7], sizes = [1], strides = [1]} : vector<16xf32> to vector<1xf32>
        %squeeze3A_1192 = vector.extract %slice3A_1191[0] : f32 from vector<1xf32>
        %mul3A_1193 = vector.broadcast %squeeze3A_1192 : f32 to vector<16xf32>
        %mul3A_1194 = arith.mulf %get3A_1100, %mul3A_1193 : vector<16xf32>
        %add3A_1195 = arith.addf %add3A_1090, %mul3A_1194 : vector<16xf32>
        %slice3A_1196 = vector.extract_strided_slice %get3A_362 {offsets = [7], sizes = [1], strides = [1]} : vector<16xf32> to vector<1xf32>
        %squeeze3A_1197 = vector.extract %slice3A_1196[0] : f32 from vector<1xf32>
        %mul3A_1198 = vector.broadcast %squeeze3A_1197 : f32 to vector<16xf32>
        %mul3A_1199 = arith.mulf %get3A_1100, %mul3A_1198 : vector<16xf32>
        %add3A_1200 = arith.addf %add3A_1095, %mul3A_1199 : vector<16xf32>
        %get3A_1201 = arith.constant 8 : i32
        %get3A_1202 = arith.index_cast %get3A_1201 : i32 to index
        %get3A_1203 = arith.index_cast %mul3A_26 : i32 to index
        %get3A_1204 = tpu.vector_load %arg5[%get3A_1202, %get3A_1203] {strides = array<i32>} : memref<32x1024xf32, #tpu.memory_space<vmem>>, vector<1x16xf32>,
        %get3A_1205 = vector.shape_cast %get3A_1204 : vector<1x16xf32> to vector<16xf32>
        %slice3A_1206 = vector.extract_strided_slice %get3A_191 {offsets = [8], sizes = [1], strides = [1]} : vector<16xf32> to vector<1xf32>
        %squeeze3A_1207 = vector.extract %slice3A_1206[0] : f32 from vector<1xf32>
        %mul3A_1208 = vector.broadcast %squeeze3A_1207 : f32 to vector<16xf32>
        %mul3A_1209 = arith.mulf %get3A_1205, %mul3A_1208 : vector<16xf32>
        %add3A_1210 = arith.addf %add3A_1105, %mul3A_1209 : vector<16xf32>
        %slice3A_1211 = vector.extract_strided_slice %get3A_200 {offsets = [8], sizes = [1], strides = [1]} : vector<16xf32> to vector<1xf32>
        %squeeze3A_1212 = vector.extract %slice3A_1211[0] : f32 from vector<1xf32>
        %mul3A_1213 = vector.broadcast %squeeze3A_1212 : f32 to vector<16xf32>
        %mul3A_1214 = arith.mulf %get3A_1205, %mul3A_1213 : vector<16xf32>
        %add3A_1215 = arith.addf %add3A_1110, %mul3A_1214 : vector<16xf32>
        %slice3A_1216 = vector.extract_strided_slice %get3A_209 {offsets = [8], sizes = [1], strides = [1]} : vector<16xf32> to vector<1xf32>
        %squeeze3A_1217 = vector.extract %slice3A_1216[0] : f32 from vector<1xf32>
        %mul3A_1218 = vector.broadcast %squeeze3A_1217 : f32 to vector<16xf32>
        %mul3A_1219 = arith.mulf %get3A_1205, %mul3A_1218 : vector<16xf32>
        %add3A_1220 = arith.addf %add3A_1115, %mul3A_1219 : vector<16xf32>
        %slice3A_1221 = vector.extract_strided_slice %get3A_218 {offsets = [8], sizes = [1], strides = [1]} : vector<16xf32> to vector<1xf32>
        %squeeze3A_1222 = vector.extract %slice3A_1221[0] : f32 from vector<1xf32>
        %mul3A_1223 = vector.broadcast %squeeze3A_1222 : f32 to vector<16xf32>
        %mul3A_1224 = arith.mulf %get3A_1205, %mul3A_1223 : vector<16xf32>
        %add3A_1225 = arith.addf %add3A_1120, %mul3A_1224 : vector<16xf32>
        %slice3A_1226 = vector.extract_strided_slice %get3A_227 {offsets = [8], sizes = [1], strides = [1]} : vector<16xf32> to vector<1xf32>
        %squeeze3A_1227 = vector.extract %slice3A_1226[0] : f32 from vector<1xf32>
        %mul3A_1228 = vector.broadcast %squeeze3A_1227 : f32 to vector<16xf32>
        %mul3A_1229 = arith.mulf %get3A_1205, %mul3A_1228 : vector<16xf32>
        %add3A_1230 = arith.addf %add3A_1125, %mul3A_1229 : vector<16xf32>
        %slice3A_1231 = vector.extract_strided_slice %get3A_236 {offsets = [8], sizes = [1], strides = [1]} : vector<16xf32> to vector<1xf32>
        %squeeze3A_1232 = vector.extract %slice3A_1231[0] : f32 from vector<1xf32>
        %mul3A_1233 = vector.broadcast %squeeze3A_1232 : f32 to vector<16xf32>
        %mul3A_1234 = arith.mulf %get3A_1205, %mul3A_1233 : vector<16xf32>
        %add3A_1235 = arith.addf %add3A_1130, %mul3A_1234 : vector<16xf32>
        %slice3A_1236 = vector.extract_strided_slice %get3A_245 {offsets = [8], sizes = [1], strides = [1]} : vector<16xf32> to vector<1xf32>
        %squeeze3A_1237 = vector.extract %slice3A_1236[0] : f32 from vector<1xf32>
        %mul3A_1238 = vector.broadcast %squeeze3A_1237 : f32 to vector<16xf32>
        %mul3A_1239 = arith.mulf %get3A_1205, %mul3A_1238 : vector<16xf32>
        %add3A_1240 = arith.addf %add3A_1135, %mul3A_1239 : vector<16xf32>
        %slice3A_1241 = vector.extract_strided_slice %get3A_254 {offsets = [8], sizes = [1], strides = [1]} : vector<16xf32> to vector<1xf32>
        %squeeze3A_1242 = vector.extract %slice3A_1241[0] : f32 from vector<1xf32>
        %mul3A_1243 = vector.broadcast %squeeze3A_1242 : f32 to vector<16xf32>
        %mul3A_1244 = arith.mulf %get3A_1205, %mul3A_1243 : vector<16xf32>
        %add3A_1245 = arith.addf %add3A_1140, %mul3A_1244 : vector<16xf32>
        %slice3A_1246 = vector.extract_strided_slice %get3A_263 {offsets = [8], sizes = [1], strides = [1]} : vector<16xf32> to vector<1xf32>
        %squeeze3A_1247 = vector.extract %slice3A_1246[0] : f32 from vector<1xf32>
        %mul3A_1248 = vector.broadcast %squeeze3A_1247 : f32 to vector<16xf32>
        %mul3A_1249 = arith.mulf %get3A_1205, %mul3A_1248 : vector<16xf32>
        %add3A_1250 = arith.addf %add3A_1145, %mul3A_1249 : vector<16xf32>
        %slice3A_1251 = vector.extract_strided_slice %get3A_272 {offsets = [8], sizes = [1], strides = [1]} : vector<16xf32> to vector<1xf32>
        %squeeze3A_1252 = vector.extract %slice3A_1251[0] : f32 from vector<1xf32>
        %mul3A_1253 = vector.broadcast %squeeze3A_1252 : f32 to vector<16xf32>
        %mul3A_1254 = arith.mulf %get3A_1205, %mul3A_1253 : vector<16xf32>
        %add3A_1255 = arith.addf %add3A_1150, %mul3A_1254 : vector<16xf32>
        %slice3A_1256 = vector.extract_strided_slice %get3A_281 {offsets = [8], sizes = [1], strides = [1]} : vector<16xf32> to vector<1xf32>
        %squeeze3A_1257 = vector.extract %slice3A_1256[0] : f32 from vector<1xf32>
        %mul3A_1258 = vector.broadcast %squeeze3A_1257 : f32 to vector<16xf32>
        %mul3A_1259 = arith.mulf %get3A_1205, %mul3A_1258 : vector<16xf32>
        %add3A_1260 = arith.addf %add3A_1155, %mul3A_1259 : vector<16xf32>
        %slice3A_1261 = vector.extract_strided_slice %get3A_290 {offsets = [8], sizes = [1], strides = [1]} : vector<16xf32> to vector<1xf32>
        %squeeze3A_1262 = vector.extract %slice3A_1261[0] : f32 from vector<1xf32>
        %mul3A_1263 = vector.broadcast %squeeze3A_1262 : f32 to vector<16xf32>
        %mul3A_1264 = arith.mulf %get3A_1205, %mul3A_1263 : vector<16xf32>
        %add3A_1265 = arith.addf %add3A_1160, %mul3A_1264 : vector<16xf32>
        %slice3A_1266 = vector.extract_strided_slice %get3A_299 {offsets = [8], sizes = [1], strides = [1]} : vector<16xf32> to vector<1xf32>
        %squeeze3A_1267 = vector.extract %slice3A_1266[0] : f32 from vector<1xf32>
        %mul3A_1268 = vector.broadcast %squeeze3A_1267 : f32 to vector<16xf32>
        %mul3A_1269 = arith.mulf %get3A_1205, %mul3A_1268 : vector<16xf32>
        %add3A_1270 = arith.addf %add3A_1165, %mul3A_1269 : vector<16xf32>
        %slice3A_1271 = vector.extract_strided_slice %get3A_308 {offsets = [8], sizes = [1], strides = [1]} : vector<16xf32> to vector<1xf32>
        %squeeze3A_1272 = vector.extract %slice3A_1271[0] : f32 from vector<1xf32>
        %mul3A_1273 = vector.broadcast %squeeze3A_1272 : f32 to vector<16xf32>
        %mul3A_1274 = arith.mulf %get3A_1205, %mul3A_1273 : vector<16xf32>
        %add3A_1275 = arith.addf %add3A_1170, %mul3A_1274 : vector<16xf32>
        %slice3A_1276 = vector.extract_strided_slice %get3A_317 {offsets = [8], sizes = [1], strides = [1]} : vector<16xf32> to vector<1xf32>
        %squeeze3A_1277 = vector.extract %slice3A_1276[0] : f32 from vector<1xf32>
        %mul3A_1278 = vector.broadcast %squeeze3A_1277 : f32 to vector<16xf32>
        %mul3A_1279 = arith.mulf %get3A_1205, %mul3A_1278 : vector<16xf32>
        %add3A_1280 = arith.addf %add3A_1175, %mul3A_1279 : vector<16xf32>
        %slice3A_1281 = vector.extract_strided_slice %get3A_326 {offsets = [8], sizes = [1], strides = [1]} : vector<16xf32> to vector<1xf32>
        %squeeze3A_1282 = vector.extract %slice3A_1281[0] : f32 from vector<1xf32>
        %mul3A_1283 = vector.broadcast %squeeze3A_1282 : f32 to vector<16xf32>
        %mul3A_1284 = arith.mulf %get3A_1205, %mul3A_1283 : vector<16xf32>
        %add3A_1285 = arith.addf %add3A_1180, %mul3A_1284 : vector<16xf32>
        %slice3A_1286 = vector.extract_strided_slice %get3A_335 {offsets = [8], sizes = [1], strides = [1]} : vector<16xf32> to vector<1xf32>
        %squeeze3A_1287 = vector.extract %slice3A_1286[0] : f32 from vector<1xf32>
        %mul3A_1288 = vector.broadcast %squeeze3A_1287 : f32 to vector<16xf32>
        %mul3A_1289 = arith.mulf %get3A_1205, %mul3A_1288 : vector<16xf32>
        %add3A_1290 = arith.addf %add3A_1185, %mul3A_1289 : vector<16xf32>
        %slice3A_1291 = vector.extract_strided_slice %get3A_344 {offsets = [8], sizes = [1], strides = [1]} : vector<16xf32> to vector<1xf32>
        %squeeze3A_1292 = vector.extract %slice3A_1291[0] : f32 from vector<1xf32>
        %mul3A_1293 = vector.broadcast %squeeze3A_1292 : f32 to vector<16xf32>
        %mul3A_1294 = arith.mulf %get3A_1205, %mul3A_1293 : vector<16xf32>
        %add3A_1295 = arith.addf %add3A_1190, %mul3A_1294 : vector<16xf32>
        %slice3A_1296 = vector.extract_strided_slice %get3A_353 {offsets = [8], sizes = [1], strides = [1]} : vector<16xf32> to vector<1xf32>
        %squeeze3A_1297 = vector.extract %slice3A_1296[0] : f32 from vector<1xf32>
        %mul3A_1298 = vector.broadcast %squeeze3A_1297 : f32 to vector<16xf32>
        %mul3A_1299 = arith.mulf %get3A_1205, %mul3A_1298 : vector<16xf32>
        %add3A_1300 = arith.addf %add3A_1195, %mul3A_1299 : vector<16xf32>
        %slice3A_1301 = vector.extract_strided_slice %get3A_362 {offsets = [8], sizes = [1], strides = [1]} : vector<16xf32> to vector<1xf32>
        %squeeze3A_1302 = vector.extract %slice3A_1301[0] : f32 from vector<1xf32>
        %mul3A_1303 = vector.broadcast %squeeze3A_1302 : f32 to vector<16xf32>
        %mul3A_1304 = arith.mulf %get3A_1205, %mul3A_1303 : vector<16xf32>
        %add3A_1305 = arith.addf %add3A_1200, %mul3A_1304 : vector<16xf32>
        %get3A_1306 = arith.constant 9 : i32
        %get3A_1307 = arith.index_cast %get3A_1306 : i32 to index
        %get3A_1308 = arith.index_cast %mul3A_26 : i32 to index
        %get3A_1309 = tpu.vector_load %arg5[%get3A_1307, %get3A_1308] {strides = array<i32>} : memref<32x1024xf32, #tpu.memory_space<vmem>>, vector<1x16xf32>,
        %get3A_1310 = vector.shape_cast %get3A_1309 : vector<1x16xf32> to vector<16xf32>
        %slice3A_1311 = vector.extract_strided_slice %get3A_191 {offsets = [9], sizes = [1], strides = [1]} : vector<16xf32> to vector<1xf32>
        %squeeze3A_1312 = vector.extract %slice3A_1311[0] : f32 from vector<1xf32>
        %mul3A_1313 = vector.broadcast %squeeze3A_1312 : f32 to vector<16xf32>
        %mul3A_1314 = arith.mulf %get3A_1310, %mul3A_1313 : vector<16xf32>
        %add3A_1315 = arith.addf %add3A_1210, %mul3A_1314 : vector<16xf32>
        %slice3A_1316 = vector.extract_strided_slice %get3A_200 {offsets = [9], sizes = [1], strides = [1]} : vector<16xf32> to vector<1xf32>
        %squeeze3A_1317 = vector.extract %slice3A_1316[0] : f32 from vector<1xf32>
        %mul3A_1318 = vector.broadcast %squeeze3A_1317 : f32 to vector<16xf32>
        %mul3A_1319 = arith.mulf %get3A_1310, %mul3A_1318 : vector<16xf32>
        %add3A_1320 = arith.addf %add3A_1215, %mul3A_1319 : vector<16xf32>
        %slice3A_1321 = vector.extract_strided_slice %get3A_209 {offsets = [9], sizes = [1], strides = [1]} : vector<16xf32> to vector<1xf32>
        %squeeze3A_1322 = vector.extract %slice3A_1321[0] : f32 from vector<1xf32>
        %mul3A_1323 = vector.broadcast %squeeze3A_1322 : f32 to vector<16xf32>
        %mul3A_1324 = arith.mulf %get3A_1310, %mul3A_1323 : vector<16xf32>
        %add3A_1325 = arith.addf %add3A_1220, %mul3A_1324 : vector<16xf32>
        %slice3A_1326 = vector.extract_strided_slice %get3A_218 {offsets = [9], sizes = [1], strides = [1]} : vector<16xf32> to vector<1xf32>
        %squeeze3A_1327 = vector.extract %slice3A_1326[0] : f32 from vector<1xf32>
        %mul3A_1328 = vector.broadcast %squeeze3A_1327 : f32 to vector<16xf32>
        %mul3A_1329 = arith.mulf %get3A_1310, %mul3A_1328 : vector<16xf32>
        %add3A_1330 = arith.addf %add3A_1225, %mul3A_1329 : vector<16xf32>
        %slice3A_1331 = vector.extract_strided_slice %get3A_227 {offsets = [9], sizes = [1], strides = [1]} : vector<16xf32> to vector<1xf32>
        %squeeze3A_1332 = vector.extract %slice3A_1331[0] : f32 from vector<1xf32>
        %mul3A_1333 = vector.broadcast %squeeze3A_1332 : f32 to vector<16xf32>
        %mul3A_1334 = arith.mulf %get3A_1310, %mul3A_1333 : vector<16xf32>
        %add3A_1335 = arith.addf %add3A_1230, %mul3A_1334 : vector<16xf32>
        %slice3A_1336 = vector.extract_strided_slice %get3A_236 {offsets = [9], sizes = [1], strides = [1]} : vector<16xf32> to vector<1xf32>
        %squeeze3A_1337 = vector.extract %slice3A_1336[0] : f32 from vector<1xf32>
        %mul3A_1338 = vector.broadcast %squeeze3A_1337 : f32 to vector<16xf32>
        %mul3A_1339 = arith.mulf %get3A_1310, %mul3A_1338 : vector<16xf32>
        %add3A_1340 = arith.addf %add3A_1235, %mul3A_1339 : vector<16xf32>
        %slice3A_1341 = vector.extract_strided_slice %get3A_245 {offsets = [9], sizes = [1], strides = [1]} : vector<16xf32> to vector<1xf32>
        %squeeze3A_1342 = vector.extract %slice3A_1341[0] : f32 from vector<1xf32>
        %mul3A_1343 = vector.broadcast %squeeze3A_1342 : f32 to vector<16xf32>
        %mul3A_1344 = arith.mulf %get3A_1310, %mul3A_1343 : vector<16xf32>
        %add3A_1345 = arith.addf %add3A_1240, %mul3A_1344 : vector<16xf32>
        %slice3A_1346 = vector.extract_strided_slice %get3A_254 {offsets = [9], sizes = [1], strides = [1]} : vector<16xf32> to vector<1xf32>
        %squeeze3A_1347 = vector.extract %slice3A_1346[0] : f32 from vector<1xf32>
        %mul3A_1348 = vector.broadcast %squeeze3A_1347 : f32 to vector<16xf32>
        %mul3A_1349 = arith.mulf %get3A_1310, %mul3A_1348 : vector<16xf32>
        %add3A_1350 = arith.addf %add3A_1245, %mul3A_1349 : vector<16xf32>
        %slice3A_1351 = vector.extract_strided_slice %get3A_263 {offsets = [9], sizes = [1], strides = [1]} : vector<16xf32> to vector<1xf32>
        %squeeze3A_1352 = vector.extract %slice3A_1351[0] : f32 from vector<1xf32>
        %mul3A_1353 = vector.broadcast %squeeze3A_1352 : f32 to vector<16xf32>
        %mul3A_1354 = arith.mulf %get3A_1310, %mul3A_1353 : vector<16xf32>
        %add3A_1355 = arith.addf %add3A_1250, %mul3A_1354 : vector<16xf32>
        %slice3A_1356 = vector.extract_strided_slice %get3A_272 {offsets = [9], sizes = [1], strides = [1]} : vector<16xf32> to vector<1xf32>
        %squeeze3A_1357 = vector.extract %slice3A_1356[0] : f32 from vector<1xf32>
        %mul3A_1358 = vector.broadcast %squeeze3A_1357 : f32 to vector<16xf32>
        %mul3A_1359 = arith.mulf %get3A_1310, %mul3A_1358 : vector<16xf32>
        %add3A_1360 = arith.addf %add3A_1255, %mul3A_1359 : vector<16xf32>
        %slice3A_1361 = vector.extract_strided_slice %get3A_281 {offsets = [9], sizes = [1], strides = [1]} : vector<16xf32> to vector<1xf32>
        %squeeze3A_1362 = vector.extract %slice3A_1361[0] : f32 from vector<1xf32>
        %mul3A_1363 = vector.broadcast %squeeze3A_1362 : f32 to vector<16xf32>
        %mul3A_1364 = arith.mulf %get3A_1310, %mul3A_1363 : vector<16xf32>
        %add3A_1365 = arith.addf %add3A_1260, %mul3A_1364 : vector<16xf32>
        %slice3A_1366 = vector.extract_strided_slice %get3A_290 {offsets = [9], sizes = [1], strides = [1]} : vector<16xf32> to vector<1xf32>
        %squeeze3A_1367 = vector.extract %slice3A_1366[0] : f32 from vector<1xf32>
        %mul3A_1368 = vector.broadcast %squeeze3A_1367 : f32 to vector<16xf32>
        %mul3A_1369 = arith.mulf %get3A_1310, %mul3A_1368 : vector<16xf32>
        %add3A_1370 = arith.addf %add3A_1265, %mul3A_1369 : vector<16xf32>
        %slice3A_1371 = vector.extract_strided_slice %get3A_299 {offsets = [9], sizes = [1], strides = [1]} : vector<16xf32> to vector<1xf32>
        %squeeze3A_1372 = vector.extract %slice3A_1371[0] : f32 from vector<1xf32>
        %mul3A_1373 = vector.broadcast %squeeze3A_1372 : f32 to vector<16xf32>
        %mul3A_1374 = arith.mulf %get3A_1310, %mul3A_1373 : vector<16xf32>
        %add3A_1375 = arith.addf %add3A_1270, %mul3A_1374 : vector<16xf32>
        %slice3A_1376 = vector.extract_strided_slice %get3A_308 {offsets = [9], sizes = [1], strides = [1]} : vector<16xf32> to vector<1xf32>
        %squeeze3A_1377 = vector.extract %slice3A_1376[0] : f32 from vector<1xf32>
        %mul3A_1378 = vector.broadcast %squeeze3A_1377 : f32 to vector<16xf32>
        %mul3A_1379 = arith.mulf %get3A_1310, %mul3A_1378 : vector<16xf32>
        %add3A_1380 = arith.addf %add3A_1275, %mul3A_1379 : vector<16xf32>
        %slice3A_1381 = vector.extract_strided_slice %get3A_317 {offsets = [9], sizes = [1], strides = [1]} : vector<16xf32> to vector<1xf32>
        %squeeze3A_1382 = vector.extract %slice3A_1381[0] : f32 from vector<1xf32>
        %mul3A_1383 = vector.broadcast %squeeze3A_1382 : f32 to vector<16xf32>
        %mul3A_1384 = arith.mulf %get3A_1310, %mul3A_1383 : vector<16xf32>
        %add3A_1385 = arith.addf %add3A_1280, %mul3A_1384 : vector<16xf32>
        %slice3A_1386 = vector.extract_strided_slice %get3A_326 {offsets = [9], sizes = [1], strides = [1]} : vector<16xf32> to vector<1xf32>
        %squeeze3A_1387 = vector.extract %slice3A_1386[0] : f32 from vector<1xf32>
        %mul3A_1388 = vector.broadcast %squeeze3A_1387 : f32 to vector<16xf32>
        %mul3A_1389 = arith.mulf %get3A_1310, %mul3A_1388 : vector<16xf32>
        %add3A_1390 = arith.addf %add3A_1285, %mul3A_1389 : vector<16xf32>
        %slice3A_1391 = vector.extract_strided_slice %get3A_335 {offsets = [9], sizes = [1], strides = [1]} : vector<16xf32> to vector<1xf32>
        %squeeze3A_1392 = vector.extract %slice3A_1391[0] : f32 from vector<1xf32>
        %mul3A_1393 = vector.broadcast %squeeze3A_1392 : f32 to vector<16xf32>
        %mul3A_1394 = arith.mulf %get3A_1310, %mul3A_1393 : vector<16xf32>
        %add3A_1395 = arith.addf %add3A_1290, %mul3A_1394 : vector<16xf32>
        %slice3A_1396 = vector.extract_strided_slice %get3A_344 {offsets = [9], sizes = [1], strides = [1]} : vector<16xf32> to vector<1xf32>
        %squeeze3A_1397 = vector.extract %slice3A_1396[0] : f32 from vector<1xf32>
        %mul3A_1398 = vector.broadcast %squeeze3A_1397 : f32 to vector<16xf32>
        %mul3A_1399 = arith.mulf %get3A_1310, %mul3A_1398 : vector<16xf32>
        %add3A_1400 = arith.addf %add3A_1295, %mul3A_1399 : vector<16xf32>
        %slice3A_1401 = vector.extract_strided_slice %get3A_353 {offsets = [9], sizes = [1], strides = [1]} : vector<16xf32> to vector<1xf32>
        %squeeze3A_1402 = vector.extract %slice3A_1401[0] : f32 from vector<1xf32>
        %mul3A_1403 = vector.broadcast %squeeze3A_1402 : f32 to vector<16xf32>
        %mul3A_1404 = arith.mulf %get3A_1310, %mul3A_1403 : vector<16xf32>
        %add3A_1405 = arith.addf %add3A_1300, %mul3A_1404 : vector<16xf32>
        %slice3A_1406 = vector.extract_strided_slice %get3A_362 {offsets = [9], sizes = [1], strides = [1]} : vector<16xf32> to vector<1xf32>
        %squeeze3A_1407 = vector.extract %slice3A_1406[0] : f32 from vector<1xf32>
        %mul3A_1408 = vector.broadcast %squeeze3A_1407 : f32 to vector<16xf32>
        %mul3A_1409 = arith.mulf %get3A_1310, %mul3A_1408 : vector<16xf32>
        %add3A_1410 = arith.addf %add3A_1305, %mul3A_1409 : vector<16xf32>
        %get3A_1411 = arith.constant 10 : i32
        %get3A_1412 = arith.index_cast %get3A_1411 : i32 to index
        %get3A_1413 = arith.index_cast %mul3A_26 : i32 to index
        %get3A_1414 = tpu.vector_load %arg5[%get3A_1412, %get3A_1413] {strides = array<i32>} : memref<32x1024xf32, #tpu.memory_space<vmem>>, vector<1x16xf32>,
        %get3A_1415 = vector.shape_cast %get3A_1414 : vector<1x16xf32> to vector<16xf32>
        %slice3A_1416 = vector.extract_strided_slice %get3A_191 {offsets = [10], sizes = [1], strides = [1]} : vector<16xf32> to vector<1xf32>
        %squeeze3A_1417 = vector.extract %slice3A_1416[0] : f32 from vector<1xf32>
        %mul3A_1418 = vector.broadcast %squeeze3A_1417 : f32 to vector<16xf32>
        %mul3A_1419 = arith.mulf %get3A_1415, %mul3A_1418 : vector<16xf32>
        %add3A_1420 = arith.addf %add3A_1315, %mul3A_1419 : vector<16xf32>
        %slice3A_1421 = vector.extract_strided_slice %get3A_200 {offsets = [10], sizes = [1], strides = [1]} : vector<16xf32> to vector<1xf32>
        %squeeze3A_1422 = vector.extract %slice3A_1421[0] : f32 from vector<1xf32>
        %mul3A_1423 = vector.broadcast %squeeze3A_1422 : f32 to vector<16xf32>
        %mul3A_1424 = arith.mulf %get3A_1415, %mul3A_1423 : vector<16xf32>
        %add3A_1425 = arith.addf %add3A_1320, %mul3A_1424 : vector<16xf32>
        %slice3A_1426 = vector.extract_strided_slice %get3A_209 {offsets = [10], sizes = [1], strides = [1]} : vector<16xf32> to vector<1xf32>
        %squeeze3A_1427 = vector.extract %slice3A_1426[0] : f32 from vector<1xf32>
        %mul3A_1428 = vector.broadcast %squeeze3A_1427 : f32 to vector<16xf32>
        %mul3A_1429 = arith.mulf %get3A_1415, %mul3A_1428 : vector<16xf32>
        %add3A_1430 = arith.addf %add3A_1325, %mul3A_1429 : vector<16xf32>
        %slice3A_1431 = vector.extract_strided_slice %get3A_218 {offsets = [10], sizes = [1], strides = [1]} : vector<16xf32> to vector<1xf32>
        %squeeze3A_1432 = vector.extract %slice3A_1431[0] : f32 from vector<1xf32>
        %mul3A_1433 = vector.broadcast %squeeze3A_1432 : f32 to vector<16xf32>
        %mul3A_1434 = arith.mulf %get3A_1415, %mul3A_1433 : vector<16xf32>
        %add3A_1435 = arith.addf %add3A_1330, %mul3A_1434 : vector<16xf32>
        %slice3A_1436 = vector.extract_strided_slice %get3A_227 {offsets = [10], sizes = [1], strides = [1]} : vector<16xf32> to vector<1xf32>
        %squeeze3A_1437 = vector.extract %slice3A_1436[0] : f32 from vector<1xf32>
        %mul3A_1438 = vector.broadcast %squeeze3A_1437 : f32 to vector<16xf32>
        %mul3A_1439 = arith.mulf %get3A_1415, %mul3A_1438 : vector<16xf32>
        %add3A_1440 = arith.addf %add3A_1335, %mul3A_1439 : vector<16xf32>
        %slice3A_1441 = vector.extract_strided_slice %get3A_236 {offsets = [10], sizes = [1], strides = [1]} : vector<16xf32> to vector<1xf32>
        %squeeze3A_1442 = vector.extract %slice3A_1441[0] : f32 from vector<1xf32>
        %mul3A_1443 = vector.broadcast %squeeze3A_1442 : f32 to vector<16xf32>
        %mul3A_1444 = arith.mulf %get3A_1415, %mul3A_1443 : vector<16xf32>
        %add3A_1445 = arith.addf %add3A_1340, %mul3A_1444 : vector<16xf32>
        %slice3A_1446 = vector.extract_strided_slice %get3A_245 {offsets = [10], sizes = [1], strides = [1]} : vector<16xf32> to vector<1xf32>
        %squeeze3A_1447 = vector.extract %slice3A_1446[0] : f32 from vector<1xf32>
        %mul3A_1448 = vector.broadcast %squeeze3A_1447 : f32 to vector<16xf32>
        %mul3A_1449 = arith.mulf %get3A_1415, %mul3A_1448 : vector<16xf32>
        %add3A_1450 = arith.addf %add3A_1345, %mul3A_1449 : vector<16xf32>
        %slice3A_1451 = vector.extract_strided_slice %get3A_254 {offsets = [10], sizes = [1], strides = [1]} : vector<16xf32> to vector<1xf32>
        %squeeze3A_1452 = vector.extract %slice3A_1451[0] : f32 from vector<1xf32>
        %mul3A_1453 = vector.broadcast %squeeze3A_1452 : f32 to vector<16xf32>
        %mul3A_1454 = arith.mulf %get3A_1415, %mul3A_1453 : vector<16xf32>
        %add3A_1455 = arith.addf %add3A_1350, %mul3A_1454 : vector<16xf32>
        %slice3A_1456 = vector.extract_strided_slice %get3A_263 {offsets = [10], sizes = [1], strides = [1]} : vector<16xf32> to vector<1xf32>
        %squeeze3A_1457 = vector.extract %slice3A_1456[0] : f32 from vector<1xf32>
        %mul3A_1458 = vector.broadcast %squeeze3A_1457 : f32 to vector<16xf32>
        %mul3A_1459 = arith.mulf %get3A_1415, %mul3A_1458 : vector<16xf32>
        %add3A_1460 = arith.addf %add3A_1355, %mul3A_1459 : vector<16xf32>
        %slice3A_1461 = vector.extract_strided_slice %get3A_272 {offsets = [10], sizes = [1], strides = [1]} : vector<16xf32> to vector<1xf32>
        %squeeze3A_1462 = vector.extract %slice3A_1461[0] : f32 from vector<1xf32>
        %mul3A_1463 = vector.broadcast %squeeze3A_1462 : f32 to vector<16xf32>
        %mul3A_1464 = arith.mulf %get3A_1415, %mul3A_1463 : vector<16xf32>
        %add3A_1465 = arith.addf %add3A_1360, %mul3A_1464 : vector<16xf32>
        %slice3A_1466 = vector.extract_strided_slice %get3A_281 {offsets = [10], sizes = [1], strides = [1]} : vector<16xf32> to vector<1xf32>
        %squeeze3A_1467 = vector.extract %slice3A_1466[0] : f32 from vector<1xf32>
        %mul3A_1468 = vector.broadcast %squeeze3A_1467 : f32 to vector<16xf32>
        %mul3A_1469 = arith.mulf %get3A_1415, %mul3A_1468 : vector<16xf32>
        %add3A_1470 = arith.addf %add3A_1365, %mul3A_1469 : vector<16xf32>
        %slice3A_1471 = vector.extract_strided_slice %get3A_290 {offsets = [10], sizes = [1], strides = [1]} : vector<16xf32> to vector<1xf32>
        %squeeze3A_1472 = vector.extract %slice3A_1471[0] : f32 from vector<1xf32>
        %mul3A_1473 = vector.broadcast %squeeze3A_1472 : f32 to vector<16xf32>
        %mul3A_1474 = arith.mulf %get3A_1415, %mul3A_1473 : vector<16xf32>
        %add3A_1475 = arith.addf %add3A_1370, %mul3A_1474 : vector<16xf32>
        %slice3A_1476 = vector.extract_strided_slice %get3A_299 {offsets = [10], sizes = [1], strides = [1]} : vector<16xf32> to vector<1xf32>
        %squeeze3A_1477 = vector.extract %slice3A_1476[0] : f32 from vector<1xf32>
        %mul3A_1478 = vector.broadcast %squeeze3A_1477 : f32 to vector<16xf32>
        %mul3A_1479 = arith.mulf %get3A_1415, %mul3A_1478 : vector<16xf32>
        %add3A_1480 = arith.addf %add3A_1375, %mul3A_1479 : vector<16xf32>
        %slice3A_1481 = vector.extract_strided_slice %get3A_308 {offsets = [10], sizes = [1], strides = [1]} : vector<16xf32> to vector<1xf32>
        %squeeze3A_1482 = vector.extract %slice3A_1481[0] : f32 from vector<1xf32>
        %mul3A_1483 = vector.broadcast %squeeze3A_1482 : f32 to vector<16xf32>
        %mul3A_1484 = arith.mulf %get3A_1415, %mul3A_1483 : vector<16xf32>
        %add3A_1485 = arith.addf %add3A_1380, %mul3A_1484 : vector<16xf32>
        %slice3A_1486 = vector.extract_strided_slice %get3A_317 {offsets = [10], sizes = [1], strides = [1]} : vector<16xf32> to vector<1xf32>
        %squeeze3A_1487 = vector.extract %slice3A_1486[0] : f32 from vector<1xf32>
        %mul3A_1488 = vector.broadcast %squeeze3A_1487 : f32 to vector<16xf32>
        %mul3A_1489 = arith.mulf %get3A_1415, %mul3A_1488 : vector<16xf32>
        %add3A_1490 = arith.addf %add3A_1385, %mul3A_1489 : vector<16xf32>
        %slice3A_1491 = vector.extract_strided_slice %get3A_326 {offsets = [10], sizes = [1], strides = [1]} : vector<16xf32> to vector<1xf32>
        %squeeze3A_1492 = vector.extract %slice3A_1491[0] : f32 from vector<1xf32>
        %mul3A_1493 = vector.broadcast %squeeze3A_1492 : f32 to vector<16xf32>
        %mul3A_1494 = arith.mulf %get3A_1415, %mul3A_1493 : vector<16xf32>
        %add3A_1495 = arith.addf %add3A_1390, %mul3A_1494 : vector<16xf32>
        %slice3A_1496 = vector.extract_strided_slice %get3A_335 {offsets = [10], sizes = [1], strides = [1]} : vector<16xf32> to vector<1xf32>
        %squeeze3A_1497 = vector.extract %slice3A_1496[0] : f32 from vector<1xf32>
        %mul3A_1498 = vector.broadcast %squeeze3A_1497 : f32 to vector<16xf32>
        %mul3A_1499 = arith.mulf %get3A_1415, %mul3A_1498 : vector<16xf32>
        %add3A_1500 = arith.addf %add3A_1395, %mul3A_1499 : vector<16xf32>
        %slice3A_1501 = vector.extract_strided_slice %get3A_344 {offsets = [10], sizes = [1], strides = [1]} : vector<16xf32> to vector<1xf32>
        %squeeze3A_1502 = vector.extract %slice3A_1501[0] : f32 from vector<1xf32>
        %mul3A_1503 = vector.broadcast %squeeze3A_1502 : f32 to vector<16xf32>
        %mul3A_1504 = arith.mulf %get3A_1415, %mul3A_1503 : vector<16xf32>
        %add3A_1505 = arith.addf %add3A_1400, %mul3A_1504 : vector<16xf32>
        %slice3A_1506 = vector.extract_strided_slice %get3A_353 {offsets = [10], sizes = [1], strides = [1]} : vector<16xf32> to vector<1xf32>
        %squeeze3A_1507 = vector.extract %slice3A_1506[0] : f32 from vector<1xf32>
        %mul3A_1508 = vector.broadcast %squeeze3A_1507 : f32 to vector<16xf32>
        %mul3A_1509 = arith.mulf %get3A_1415, %mul3A_1508 : vector<16xf32>
        %add3A_1510 = arith.addf %add3A_1405, %mul3A_1509 : vector<16xf32>
        %slice3A_1511 = vector.extract_strided_slice %get3A_362 {offsets = [10], sizes = [1], strides = [1]} : vector<16xf32> to vector<1xf32>
        %squeeze3A_1512 = vector.extract %slice3A_1511[0] : f32 from vector<1xf32>
        %mul3A_1513 = vector.broadcast %squeeze3A_1512 : f32 to vector<16xf32>
        %mul3A_1514 = arith.mulf %get3A_1415, %mul3A_1513 : vector<16xf32>
        %add3A_1515 = arith.addf %add3A_1410, %mul3A_1514 : vector<16xf32>
        %get3A_1516 = arith.constant 11 : i32
        %get3A_1517 = arith.index_cast %get3A_1516 : i32 to index
        %get3A_1518 = arith.index_cast %mul3A_26 : i32 to index
        %get3A_1519 = tpu.vector_load %arg5[%get3A_1517, %get3A_1518] {strides = array<i32>} : memref<32x1024xf32, #tpu.memory_space<vmem>>, vector<1x16xf32>,
        %get3A_1520 = vector.shape_cast %get3A_1519 : vector<1x16xf32> to vector<16xf32>
        %slice3A_1521 = vector.extract_strided_slice %get3A_191 {offsets = [11], sizes = [1], strides = [1]} : vector<16xf32> to vector<1xf32>
        %squeeze3A_1522 = vector.extract %slice3A_1521[0] : f32 from vector<1xf32>
        %mul3A_1523 = vector.broadcast %squeeze3A_1522 : f32 to vector<16xf32>
        %mul3A_1524 = arith.mulf %get3A_1520, %mul3A_1523 : vector<16xf32>
        %add3A_1525 = arith.addf %add3A_1420, %mul3A_1524 : vector<16xf32>
        %slice3A_1526 = vector.extract_strided_slice %get3A_200 {offsets = [11], sizes = [1], strides = [1]} : vector<16xf32> to vector<1xf32>
        %squeeze3A_1527 = vector.extract %slice3A_1526[0] : f32 from vector<1xf32>
        %mul3A_1528 = vector.broadcast %squeeze3A_1527 : f32 to vector<16xf32>
        %mul3A_1529 = arith.mulf %get3A_1520, %mul3A_1528 : vector<16xf32>
        %add3A_1530 = arith.addf %add3A_1425, %mul3A_1529 : vector<16xf32>
        %slice3A_1531 = vector.extract_strided_slice %get3A_209 {offsets = [11], sizes = [1], strides = [1]} : vector<16xf32> to vector<1xf32>
        %squeeze3A_1532 = vector.extract %slice3A_1531[0] : f32 from vector<1xf32>
        %mul3A_1533 = vector.broadcast %squeeze3A_1532 : f32 to vector<16xf32>
        %mul3A_1534 = arith.mulf %get3A_1520, %mul3A_1533 : vector<16xf32>
        %add3A_1535 = arith.addf %add3A_1430, %mul3A_1534 : vector<16xf32>
        %slice3A_1536 = vector.extract_strided_slice %get3A_218 {offsets = [11], sizes = [1], strides = [1]} : vector<16xf32> to vector<1xf32>
        %squeeze3A_1537 = vector.extract %slice3A_1536[0] : f32 from vector<1xf32>
        %mul3A_1538 = vector.broadcast %squeeze3A_1537 : f32 to vector<16xf32>
        %mul3A_1539 = arith.mulf %get3A_1520, %mul3A_1538 : vector<16xf32>
        %add3A_1540 = arith.addf %add3A_1435, %mul3A_1539 : vector<16xf32>
        %slice3A_1541 = vector.extract_strided_slice %get3A_227 {offsets = [11], sizes = [1], strides = [1]} : vector<16xf32> to vector<1xf32>
        %squeeze3A_1542 = vector.extract %slice3A_1541[0] : f32 from vector<1xf32>
        %mul3A_1543 = vector.broadcast %squeeze3A_1542 : f32 to vector<16xf32>
        %mul3A_1544 = arith.mulf %get3A_1520, %mul3A_1543 : vector<16xf32>
        %add3A_1545 = arith.addf %add3A_1440, %mul3A_1544 : vector<16xf32>
        %slice3A_1546 = vector.extract_strided_slice %get3A_236 {offsets = [11], sizes = [1], strides = [1]} : vector<16xf32> to vector<1xf32>
        %squeeze3A_1547 = vector.extract %slice3A_1546[0] : f32 from vector<1xf32>
        %mul3A_1548 = vector.broadcast %squeeze3A_1547 : f32 to vector<16xf32>
        %mul3A_1549 = arith.mulf %get3A_1520, %mul3A_1548 : vector<16xf32>
        %add3A_1550 = arith.addf %add3A_1445, %mul3A_1549 : vector<16xf32>
        %slice3A_1551 = vector.extract_strided_slice %get3A_245 {offsets = [11], sizes = [1], strides = [1]} : vector<16xf32> to vector<1xf32>
        %squeeze3A_1552 = vector.extract %slice3A_1551[0] : f32 from vector<1xf32>
        %mul3A_1553 = vector.broadcast %squeeze3A_1552 : f32 to vector<16xf32>
        %mul3A_1554 = arith.mulf %get3A_1520, %mul3A_1553 : vector<16xf32>
        %add3A_1555 = arith.addf %add3A_1450, %mul3A_1554 : vector<16xf32>
        %slice3A_1556 = vector.extract_strided_slice %get3A_254 {offsets = [11], sizes = [1], strides = [1]} : vector<16xf32> to vector<1xf32>
        %squeeze3A_1557 = vector.extract %slice3A_1556[0] : f32 from vector<1xf32>
        %mul3A_1558 = vector.broadcast %squeeze3A_1557 : f32 to vector<16xf32>
        %mul3A_1559 = arith.mulf %get3A_1520, %mul3A_1558 : vector<16xf32>
        %add3A_1560 = arith.addf %add3A_1455, %mul3A_1559 : vector<16xf32>
        %slice3A_1561 = vector.extract_strided_slice %get3A_263 {offsets = [11], sizes = [1], strides = [1]} : vector<16xf32> to vector<1xf32>
        %squeeze3A_1562 = vector.extract %slice3A_1561[0] : f32 from vector<1xf32>
        %mul3A_1563 = vector.broadcast %squeeze3A_1562 : f32 to vector<16xf32>
        %mul3A_1564 = arith.mulf %get3A_1520, %mul3A_1563 : vector<16xf32>
        %add3A_1565 = arith.addf %add3A_1460, %mul3A_1564 : vector<16xf32>
        %slice3A_1566 = vector.extract_strided_slice %get3A_272 {offsets = [11], sizes = [1], strides = [1]} : vector<16xf32> to vector<1xf32>
        %squeeze3A_1567 = vector.extract %slice3A_1566[0] : f32 from vector<1xf32>
        %mul3A_1568 = vector.broadcast %squeeze3A_1567 : f32 to vector<16xf32>
        %mul3A_1569 = arith.mulf %get3A_1520, %mul3A_1568 : vector<16xf32>
        %add3A_1570 = arith.addf %add3A_1465, %mul3A_1569 : vector<16xf32>
        %slice3A_1571 = vector.extract_strided_slice %get3A_281 {offsets = [11], sizes = [1], strides = [1]} : vector<16xf32> to vector<1xf32>
        %squeeze3A_1572 = vector.extract %slice3A_1571[0] : f32 from vector<1xf32>
        %mul3A_1573 = vector.broadcast %squeeze3A_1572 : f32 to vector<16xf32>
        %mul3A_1574 = arith.mulf %get3A_1520, %mul3A_1573 : vector<16xf32>
        %add3A_1575 = arith.addf %add3A_1470, %mul3A_1574 : vector<16xf32>
        %slice3A_1576 = vector.extract_strided_slice %get3A_290 {offsets = [11], sizes = [1], strides = [1]} : vector<16xf32> to vector<1xf32>
        %squeeze3A_1577 = vector.extract %slice3A_1576[0] : f32 from vector<1xf32>
        %mul3A_1578 = vector.broadcast %squeeze3A_1577 : f32 to vector<16xf32>
        %mul3A_1579 = arith.mulf %get3A_1520, %mul3A_1578 : vector<16xf32>
        %add3A_1580 = arith.addf %add3A_1475, %mul3A_1579 : vector<16xf32>
        %slice3A_1581 = vector.extract_strided_slice %get3A_299 {offsets = [11], sizes = [1], strides = [1]} : vector<16xf32> to vector<1xf32>
        %squeeze3A_1582 = vector.extract %slice3A_1581[0] : f32 from vector<1xf32>
        %mul3A_1583 = vector.broadcast %squeeze3A_1582 : f32 to vector<16xf32>
        %mul3A_1584 = arith.mulf %get3A_1520, %mul3A_1583 : vector<16xf32>
        %add3A_1585 = arith.addf %add3A_1480, %mul3A_1584 : vector<16xf32>
        %slice3A_1586 = vector.extract_strided_slice %get3A_308 {offsets = [11], sizes = [1], strides = [1]} : vector<16xf32> to vector<1xf32>
        %squeeze3A_1587 = vector.extract %slice3A_1586[0] : f32 from vector<1xf32>
        %mul3A_1588 = vector.broadcast %squeeze3A_1587 : f32 to vector<16xf32>
        %mul3A_1589 = arith.mulf %get3A_1520, %mul3A_1588 : vector<16xf32>
        %add3A_1590 = arith.addf %add3A_1485, %mul3A_1589 : vector<16xf32>
        %slice3A_1591 = vector.extract_strided_slice %get3A_317 {offsets = [11], sizes = [1], strides = [1]} : vector<16xf32> to vector<1xf32>
        %squeeze3A_1592 = vector.extract %slice3A_1591[0] : f32 from vector<1xf32>
        %mul3A_1593 = vector.broadcast %squeeze3A_1592 : f32 to vector<16xf32>
        %mul3A_1594 = arith.mulf %get3A_1520, %mul3A_1593 : vector<16xf32>
        %add3A_1595 = arith.addf %add3A_1490, %mul3A_1594 : vector<16xf32>
        %slice3A_1596 = vector.extract_strided_slice %get3A_326 {offsets = [11], sizes = [1], strides = [1]} : vector<16xf32> to vector<1xf32>
        %squeeze3A_1597 = vector.extract %slice3A_1596[0] : f32 from vector<1xf32>
        %mul3A_1598 = vector.broadcast %squeeze3A_1597 : f32 to vector<16xf32>
        %mul3A_1599 = arith.mulf %get3A_1520, %mul3A_1598 : vector<16xf32>
        %add3A_1600 = arith.addf %add3A_1495, %mul3A_1599 : vector<16xf32>
        %slice3A_1601 = vector.extract_strided_slice %get3A_335 {offsets = [11], sizes = [1], strides = [1]} : vector<16xf32> to vector<1xf32>
        %squeeze3A_1602 = vector.extract %slice3A_1601[0] : f32 from vector<1xf32>
        %mul3A_1603 = vector.broadcast %squeeze3A_1602 : f32 to vector<16xf32>
        %mul3A_1604 = arith.mulf %get3A_1520, %mul3A_1603 : vector<16xf32>
        %add3A_1605 = arith.addf %add3A_1500, %mul3A_1604 : vector<16xf32>
        %slice3A_1606 = vector.extract_strided_slice %get3A_344 {offsets = [11], sizes = [1], strides = [1]} : vector<16xf32> to vector<1xf32>
        %squeeze3A_1607 = vector.extract %slice3A_1606[0] : f32 from vector<1xf32>
        %mul3A_1608 = vector.broadcast %squeeze3A_1607 : f32 to vector<16xf32>
        %mul3A_1609 = arith.mulf %get3A_1520, %mul3A_1608 : vector<16xf32>
        %add3A_1610 = arith.addf %add3A_1505, %mul3A_1609 : vector<16xf32>
        %slice3A_1611 = vector.extract_strided_slice %get3A_353 {offsets = [11], sizes = [1], strides = [1]} : vector<16xf32> to vector<1xf32>
        %squeeze3A_1612 = vector.extract %slice3A_1611[0] : f32 from vector<1xf32>
        %mul3A_1613 = vector.broadcast %squeeze3A_1612 : f32 to vector<16xf32>
        %mul3A_1614 = arith.mulf %get3A_1520, %mul3A_1613 : vector<16xf32>
        %add3A_1615 = arith.addf %add3A_1510, %mul3A_1614 : vector<16xf32>
        %slice3A_1616 = vector.extract_strided_slice %get3A_362 {offsets = [11], sizes = [1], strides = [1]} : vector<16xf32> to vector<1xf32>
        %squeeze3A_1617 = vector.extract %slice3A_1616[0] : f32 from vector<1xf32>
        %mul3A_1618 = vector.broadcast %squeeze3A_1617 : f32 to vector<16xf32>
        %mul3A_1619 = arith.mulf %get3A_1520, %mul3A_1618 : vector<16xf32>
        %add3A_1620 = arith.addf %add3A_1515, %mul3A_1619 : vector<16xf32>
        %get3A_1621 = arith.constant 12 : i32
        %get3A_1622 = arith.index_cast %get3A_1621 : i32 to index
        %get3A_1623 = arith.index_cast %mul3A_26 : i32 to index
        %get3A_1624 = tpu.vector_load %arg5[%get3A_1622, %get3A_1623] {strides = array<i32>} : memref<32x1024xf32, #tpu.memory_space<vmem>>, vector<1x16xf32>,
        %get3A_1625 = vector.shape_cast %get3A_1624 : vector<1x16xf32> to vector<16xf32>
        %slice3A_1626 = vector.extract_strided_slice %get3A_191 {offsets = [12], sizes = [1], strides = [1]} : vector<16xf32> to vector<1xf32>
        %squeeze3A_1627 = vector.extract %slice3A_1626[0] : f32 from vector<1xf32>
        %mul3A_1628 = vector.broadcast %squeeze3A_1627 : f32 to vector<16xf32>
        %mul3A_1629 = arith.mulf %get3A_1625, %mul3A_1628 : vector<16xf32>
        %add3A_1630 = arith.addf %add3A_1525, %mul3A_1629 : vector<16xf32>
        %slice3A_1631 = vector.extract_strided_slice %get3A_200 {offsets = [12], sizes = [1], strides = [1]} : vector<16xf32> to vector<1xf32>
        %squeeze3A_1632 = vector.extract %slice3A_1631[0] : f32 from vector<1xf32>
        %mul3A_1633 = vector.broadcast %squeeze3A_1632 : f32 to vector<16xf32>
        %mul3A_1634 = arith.mulf %get3A_1625, %mul3A_1633 : vector<16xf32>
        %add3A_1635 = arith.addf %add3A_1530, %mul3A_1634 : vector<16xf32>
        %slice3A_1636 = vector.extract_strided_slice %get3A_209 {offsets = [12], sizes = [1], strides = [1]} : vector<16xf32> to vector<1xf32>
        %squeeze3A_1637 = vector.extract %slice3A_1636[0] : f32 from vector<1xf32>
        %mul3A_1638 = vector.broadcast %squeeze3A_1637 : f32 to vector<16xf32>
        %mul3A_1639 = arith.mulf %get3A_1625, %mul3A_1638 : vector<16xf32>
        %add3A_1640 = arith.addf %add3A_1535, %mul3A_1639 : vector<16xf32>
        %slice3A_1641 = vector.extract_strided_slice %get3A_218 {offsets = [12], sizes = [1], strides = [1]} : vector<16xf32> to vector<1xf32>
        %squeeze3A_1642 = vector.extract %slice3A_1641[0] : f32 from vector<1xf32>
        %mul3A_1643 = vector.broadcast %squeeze3A_1642 : f32 to vector<16xf32>
        %mul3A_1644 = arith.mulf %get3A_1625, %mul3A_1643 : vector<16xf32>
        %add3A_1645 = arith.addf %add3A_1540, %mul3A_1644 : vector<16xf32>
        %slice3A_1646 = vector.extract_strided_slice %get3A_227 {offsets = [12], sizes = [1], strides = [1]} : vector<16xf32> to vector<1xf32>
        %squeeze3A_1647 = vector.extract %slice3A_1646[0] : f32 from vector<1xf32>
        %mul3A_1648 = vector.broadcast %squeeze3A_1647 : f32 to vector<16xf32>
        %mul3A_1649 = arith.mulf %get3A_1625, %mul3A_1648 : vector<16xf32>
        %add3A_1650 = arith.addf %add3A_1545, %mul3A_1649 : vector<16xf32>
        %slice3A_1651 = vector.extract_strided_slice %get3A_236 {offsets = [12], sizes = [1], strides = [1]} : vector<16xf32> to vector<1xf32>
        %squeeze3A_1652 = vector.extract %slice3A_1651[0] : f32 from vector<1xf32>
        %mul3A_1653 = vector.broadcast %squeeze3A_1652 : f32 to vector<16xf32>
        %mul3A_1654 = arith.mulf %get3A_1625, %mul3A_1653 : vector<16xf32>
        %add3A_1655 = arith.addf %add3A_1550, %mul3A_1654 : vector<16xf32>
        %slice3A_1656 = vector.extract_strided_slice %get3A_245 {offsets = [12], sizes = [1], strides = [1]} : vector<16xf32> to vector<1xf32>
        %squeeze3A_1657 = vector.extract %slice3A_1656[0] : f32 from vector<1xf32>
        %mul3A_1658 = vector.broadcast %squeeze3A_1657 : f32 to vector<16xf32>
        %mul3A_1659 = arith.mulf %get3A_1625, %mul3A_1658 : vector<16xf32>
        %add3A_1660 = arith.addf %add3A_1555, %mul3A_1659 : vector<16xf32>
        %slice3A_1661 = vector.extract_strided_slice %get3A_254 {offsets = [12], sizes = [1], strides = [1]} : vector<16xf32> to vector<1xf32>
        %squeeze3A_1662 = vector.extract %slice3A_1661[0] : f32 from vector<1xf32>
        %mul3A_1663 = vector.broadcast %squeeze3A_1662 : f32 to vector<16xf32>
        %mul3A_1664 = arith.mulf %get3A_1625, %mul3A_1663 : vector<16xf32>
        %add3A_1665 = arith.addf %add3A_1560, %mul3A_1664 : vector<16xf32>
        %slice3A_1666 = vector.extract_strided_slice %get3A_263 {offsets = [12], sizes = [1], strides = [1]} : vector<16xf32> to vector<1xf32>
        %squeeze3A_1667 = vector.extract %slice3A_1666[0] : f32 from vector<1xf32>
        %mul3A_1668 = vector.broadcast %squeeze3A_1667 : f32 to vector<16xf32>
        %mul3A_1669 = arith.mulf %get3A_1625, %mul3A_1668 : vector<16xf32>
        %add3A_1670 = arith.addf %add3A_1565, %mul3A_1669 : vector<16xf32>
        %slice3A_1671 = vector.extract_strided_slice %get3A_272 {offsets = [12], sizes = [1], strides = [1]} : vector<16xf32> to vector<1xf32>
        %squeeze3A_1672 = vector.extract %slice3A_1671[0] : f32 from vector<1xf32>
        %mul3A_1673 = vector.broadcast %squeeze3A_1672 : f32 to vector<16xf32>
        %mul3A_1674 = arith.mulf %get3A_1625, %mul3A_1673 : vector<16xf32>
        %add3A_1675 = arith.addf %add3A_1570, %mul3A_1674 : vector<16xf32>
        %slice3A_1676 = vector.extract_strided_slice %get3A_281 {offsets = [12], sizes = [1], strides = [1]} : vector<16xf32> to vector<1xf32>
        %squeeze3A_1677 = vector.extract %slice3A_1676[0] : f32 from vector<1xf32>
        %mul3A_1678 = vector.broadcast %squeeze3A_1677 : f32 to vector<16xf32>
        %mul3A_1679 = arith.mulf %get3A_1625, %mul3A_1678 : vector<16xf32>
        %add3A_1680 = arith.addf %add3A_1575, %mul3A_1679 : vector<16xf32>
        %slice3A_1681 = vector.extract_strided_slice %get3A_290 {offsets = [12], sizes = [1], strides = [1]} : vector<16xf32> to vector<1xf32>
        %squeeze3A_1682 = vector.extract %slice3A_1681[0] : f32 from vector<1xf32>
        %mul3A_1683 = vector.broadcast %squeeze3A_1682 : f32 to vector<16xf32>
        %mul3A_1684 = arith.mulf %get3A_1625, %mul3A_1683 : vector<16xf32>
        %add3A_1685 = arith.addf %add3A_1580, %mul3A_1684 : vector<16xf32>
        %slice3A_1686 = vector.extract_strided_slice %get3A_299 {offsets = [12], sizes = [1], strides = [1]} : vector<16xf32> to vector<1xf32>
        %squeeze3A_1687 = vector.extract %slice3A_1686[0] : f32 from vector<1xf32>
        %mul3A_1688 = vector.broadcast %squeeze3A_1687 : f32 to vector<16xf32>
        %mul3A_1689 = arith.mulf %get3A_1625, %mul3A_1688 : vector<16xf32>
        %add3A_1690 = arith.addf %add3A_1585, %mul3A_1689 : vector<16xf32>
        %slice3A_1691 = vector.extract_strided_slice %get3A_308 {offsets = [12], sizes = [1], strides = [1]} : vector<16xf32> to vector<1xf32>
        %squeeze3A_1692 = vector.extract %slice3A_1691[0] : f32 from vector<1xf32>
        %mul3A_1693 = vector.broadcast %squeeze3A_1692 : f32 to vector<16xf32>
        %mul3A_1694 = arith.mulf %get3A_1625, %mul3A_1693 : vector<16xf32>
        %add3A_1695 = arith.addf %add3A_1590, %mul3A_1694 : vector<16xf32>
        %slice3A_1696 = vector.extract_strided_slice %get3A_317 {offsets = [12], sizes = [1], strides = [1]} : vector<16xf32> to vector<1xf32>
        %squeeze3A_1697 = vector.extract %slice3A_1696[0] : f32 from vector<1xf32>
        %mul3A_1698 = vector.broadcast %squeeze3A_1697 : f32 to vector<16xf32>
        %mul3A_1699 = arith.mulf %get3A_1625, %mul3A_1698 : vector<16xf32>
        %add3A_1700 = arith.addf %add3A_1595, %mul3A_1699 : vector<16xf32>
        %slice3A_1701 = vector.extract_strided_slice %get3A_326 {offsets = [12], sizes = [1], strides = [1]} : vector<16xf32> to vector<1xf32>
        %squeeze3A_1702 = vector.extract %slice3A_1701[0] : f32 from vector<1xf32>
        %mul3A_1703 = vector.broadcast %squeeze3A_1702 : f32 to vector<16xf32>
        %mul3A_1704 = arith.mulf %get3A_1625, %mul3A_1703 : vector<16xf32>
        %add3A_1705 = arith.addf %add3A_1600, %mul3A_1704 : vector<16xf32>
        %slice3A_1706 = vector.extract_strided_slice %get3A_335 {offsets = [12], sizes = [1], strides = [1]} : vector<16xf32> to vector<1xf32>
        %squeeze3A_1707 = vector.extract %slice3A_1706[0] : f32 from vector<1xf32>
        %mul3A_1708 = vector.broadcast %squeeze3A_1707 : f32 to vector<16xf32>
        %mul3A_1709 = arith.mulf %get3A_1625, %mul3A_1708 : vector<16xf32>
        %add3A_1710 = arith.addf %add3A_1605, %mul3A_1709 : vector<16xf32>
        %slice3A_1711 = vector.extract_strided_slice %get3A_344 {offsets = [12], sizes = [1], strides = [1]} : vector<16xf32> to vector<1xf32>
        %squeeze3A_1712 = vector.extract %slice3A_1711[0] : f32 from vector<1xf32>
        %mul3A_1713 = vector.broadcast %squeeze3A_1712 : f32 to vector<16xf32>
        %mul3A_1714 = arith.mulf %get3A_1625, %mul3A_1713 : vector<16xf32>
        %add3A_1715 = arith.addf %add3A_1610, %mul3A_1714 : vector<16xf32>
        %slice3A_1716 = vector.extract_strided_slice %get3A_353 {offsets = [12], sizes = [1], strides = [1]} : vector<16xf32> to vector<1xf32>
        %squeeze3A_1717 = vector.extract %slice3A_1716[0] : f32 from vector<1xf32>
        %mul3A_1718 = vector.broadcast %squeeze3A_1717 : f32 to vector<16xf32>
        %mul3A_1719 = arith.mulf %get3A_1625, %mul3A_1718 : vector<16xf32>
        %add3A_1720 = arith.addf %add3A_1615, %mul3A_1719 : vector<16xf32>
        %slice3A_1721 = vector.extract_strided_slice %get3A_362 {offsets = [12], sizes = [1], strides = [1]} : vector<16xf32> to vector<1xf32>
        %squeeze3A_1722 = vector.extract %slice3A_1721[0] : f32 from vector<1xf32>
        %mul3A_1723 = vector.broadcast %squeeze3A_1722 : f32 to vector<16xf32>
        %mul3A_1724 = arith.mulf %get3A_1625, %mul3A_1723 : vector<16xf32>
        %add3A_1725 = arith.addf %add3A_1620, %mul3A_1724 : vector<16xf32>
        %get3A_1726 = arith.constant 13 : i32
        %get3A_1727 = arith.index_cast %get3A_1726 : i32 to index
        %get3A_1728 = arith.index_cast %mul3A_26 : i32 to index
        %get3A_1729 = tpu.vector_load %arg5[%get3A_1727, %get3A_1728] {strides = array<i32>} : memref<32x1024xf32, #tpu.memory_space<vmem>>, vector<1x16xf32>,
        %get3A_1730 = vector.shape_cast %get3A_1729 : vector<1x16xf32> to vector<16xf32>
        %slice3A_1731 = vector.extract_strided_slice %get3A_191 {offsets = [13], sizes = [1], strides = [1]} : vector<16xf32> to vector<1xf32>
        %squeeze3A_1732 = vector.extract %slice3A_1731[0] : f32 from vector<1xf32>
        %mul3A_1733 = vector.broadcast %squeeze3A_1732 : f32 to vector<16xf32>
        %mul3A_1734 = arith.mulf %get3A_1730, %mul3A_1733 : vector<16xf32>
        %add3A_1735 = arith.addf %add3A_1630, %mul3A_1734 : vector<16xf32>
        %slice3A_1736 = vector.extract_strided_slice %get3A_200 {offsets = [13], sizes = [1], strides = [1]} : vector<16xf32> to vector<1xf32>
        %squeeze3A_1737 = vector.extract %slice3A_1736[0] : f32 from vector<1xf32>
        %mul3A_1738 = vector.broadcast %squeeze3A_1737 : f32 to vector<16xf32>
        %mul3A_1739 = arith.mulf %get3A_1730, %mul3A_1738 : vector<16xf32>
        %add3A_1740 = arith.addf %add3A_1635, %mul3A_1739 : vector<16xf32>
        %slice3A_1741 = vector.extract_strided_slice %get3A_209 {offsets = [13], sizes = [1], strides = [1]} : vector<16xf32> to vector<1xf32>
        %squeeze3A_1742 = vector.extract %slice3A_1741[0] : f32 from vector<1xf32>
        %mul3A_1743 = vector.broadcast %squeeze3A_1742 : f32 to vector<16xf32>
        %mul3A_1744 = arith.mulf %get3A_1730, %mul3A_1743 : vector<16xf32>
        %add3A_1745 = arith.addf %add3A_1640, %mul3A_1744 : vector<16xf32>
        %slice3A_1746 = vector.extract_strided_slice %get3A_218 {offsets = [13], sizes = [1], strides = [1]} : vector<16xf32> to vector<1xf32>
        %squeeze3A_1747 = vector.extract %slice3A_1746[0] : f32 from vector<1xf32>
        %mul3A_1748 = vector.broadcast %squeeze3A_1747 : f32 to vector<16xf32>
        %mul3A_1749 = arith.mulf %get3A_1730, %mul3A_1748 : vector<16xf32>
        %add3A_1750 = arith.addf %add3A_1645, %mul3A_1749 : vector<16xf32>
        %slice3A_1751 = vector.extract_strided_slice %get3A_227 {offsets = [13], sizes = [1], strides = [1]} : vector<16xf32> to vector<1xf32>
        %squeeze3A_1752 = vector.extract %slice3A_1751[0] : f32 from vector<1xf32>
        %mul3A_1753 = vector.broadcast %squeeze3A_1752 : f32 to vector<16xf32>
        %mul3A_1754 = arith.mulf %get3A_1730, %mul3A_1753 : vector<16xf32>
        %add3A_1755 = arith.addf %add3A_1650, %mul3A_1754 : vector<16xf32>
        %slice3A_1756 = vector.extract_strided_slice %get3A_236 {offsets = [13], sizes = [1], strides = [1]} : vector<16xf32> to vector<1xf32>
        %squeeze3A_1757 = vector.extract %slice3A_1756[0] : f32 from vector<1xf32>
        %mul3A_1758 = vector.broadcast %squeeze3A_1757 : f32 to vector<16xf32>
        %mul3A_1759 = arith.mulf %get3A_1730, %mul3A_1758 : vector<16xf32>
        %add3A_1760 = arith.addf %add3A_1655, %mul3A_1759 : vector<16xf32>
        %slice3A_1761 = vector.extract_strided_slice %get3A_245 {offsets = [13], sizes = [1], strides = [1]} : vector<16xf32> to vector<1xf32>
        %squeeze3A_1762 = vector.extract %slice3A_1761[0] : f32 from vector<1xf32>
        %mul3A_1763 = vector.broadcast %squeeze3A_1762 : f32 to vector<16xf32>
        %mul3A_1764 = arith.mulf %get3A_1730, %mul3A_1763 : vector<16xf32>
        %add3A_1765 = arith.addf %add3A_1660, %mul3A_1764 : vector<16xf32>
        %slice3A_1766 = vector.extract_strided_slice %get3A_254 {offsets = [13], sizes = [1], strides = [1]} : vector<16xf32> to vector<1xf32>
        %squeeze3A_1767 = vector.extract %slice3A_1766[0] : f32 from vector<1xf32>
        %mul3A_1768 = vector.broadcast %squeeze3A_1767 : f32 to vector<16xf32>
        %mul3A_1769 = arith.mulf %get3A_1730, %mul3A_1768 : vector<16xf32>
        %add3A_1770 = arith.addf %add3A_1665, %mul3A_1769 : vector<16xf32>
        %slice3A_1771 = vector.extract_strided_slice %get3A_263 {offsets = [13], sizes = [1], strides = [1]} : vector<16xf32> to vector<1xf32>
        %squeeze3A_1772 = vector.extract %slice3A_1771[0] : f32 from vector<1xf32>
        %mul3A_1773 = vector.broadcast %squeeze3A_1772 : f32 to vector<16xf32>
        %mul3A_1774 = arith.mulf %get3A_1730, %mul3A_1773 : vector<16xf32>
        %add3A_1775 = arith.addf %add3A_1670, %mul3A_1774 : vector<16xf32>
        %slice3A_1776 = vector.extract_strided_slice %get3A_272 {offsets = [13], sizes = [1], strides = [1]} : vector<16xf32> to vector<1xf32>
        %squeeze3A_1777 = vector.extract %slice3A_1776[0] : f32 from vector<1xf32>
        %mul3A_1778 = vector.broadcast %squeeze3A_1777 : f32 to vector<16xf32>
        %mul3A_1779 = arith.mulf %get3A_1730, %mul3A_1778 : vector<16xf32>
        %add3A_1780 = arith.addf %add3A_1675, %mul3A_1779 : vector<16xf32>
        %slice3A_1781 = vector.extract_strided_slice %get3A_281 {offsets = [13], sizes = [1], strides = [1]} : vector<16xf32> to vector<1xf32>
        %squeeze3A_1782 = vector.extract %slice3A_1781[0] : f32 from vector<1xf32>
        %mul3A_1783 = vector.broadcast %squeeze3A_1782 : f32 to vector<16xf32>
        %mul3A_1784 = arith.mulf %get3A_1730, %mul3A_1783 : vector<16xf32>
        %add3A_1785 = arith.addf %add3A_1680, %mul3A_1784 : vector<16xf32>
        %slice3A_1786 = vector.extract_strided_slice %get3A_290 {offsets = [13], sizes = [1], strides = [1]} : vector<16xf32> to vector<1xf32>
        %squeeze3A_1787 = vector.extract %slice3A_1786[0] : f32 from vector<1xf32>
        %mul3A_1788 = vector.broadcast %squeeze3A_1787 : f32 to vector<16xf32>
        %mul3A_1789 = arith.mulf %get3A_1730, %mul3A_1788 : vector<16xf32>
        %add3A_1790 = arith.addf %add3A_1685, %mul3A_1789 : vector<16xf32>
        %slice3A_1791 = vector.extract_strided_slice %get3A_299 {offsets = [13], sizes = [1], strides = [1]} : vector<16xf32> to vector<1xf32>
        %squeeze3A_1792 = vector.extract %slice3A_1791[0] : f32 from vector<1xf32>
        %mul3A_1793 = vector.broadcast %squeeze3A_1792 : f32 to vector<16xf32>
        %mul3A_1794 = arith.mulf %get3A_1730, %mul3A_1793 : vector<16xf32>
        %add3A_1795 = arith.addf %add3A_1690, %mul3A_1794 : vector<16xf32>
        %slice3A_1796 = vector.extract_strided_slice %get3A_308 {offsets = [13], sizes = [1], strides = [1]} : vector<16xf32> to vector<1xf32>
        %squeeze3A_1797 = vector.extract %slice3A_1796[0] : f32 from vector<1xf32>
        %mul3A_1798 = vector.broadcast %squeeze3A_1797 : f32 to vector<16xf32>
        %mul3A_1799 = arith.mulf %get3A_1730, %mul3A_1798 : vector<16xf32>
        %add3A_1800 = arith.addf %add3A_1695, %mul3A_1799 : vector<16xf32>
        %slice3A_1801 = vector.extract_strided_slice %get3A_317 {offsets = [13], sizes = [1], strides = [1]} : vector<16xf32> to vector<1xf32>
        %squeeze3A_1802 = vector.extract %slice3A_1801[0] : f32 from vector<1xf32>
        %mul3A_1803 = vector.broadcast %squeeze3A_1802 : f32 to vector<16xf32>
        %mul3A_1804 = arith.mulf %get3A_1730, %mul3A_1803 : vector<16xf32>
        %add3A_1805 = arith.addf %add3A_1700, %mul3A_1804 : vector<16xf32>
        %slice3A_1806 = vector.extract_strided_slice %get3A_326 {offsets = [13], sizes = [1], strides = [1]} : vector<16xf32> to vector<1xf32>
        %squeeze3A_1807 = vector.extract %slice3A_1806[0] : f32 from vector<1xf32>
        %mul3A_1808 = vector.broadcast %squeeze3A_1807 : f32 to vector<16xf32>
        %mul3A_1809 = arith.mulf %get3A_1730, %mul3A_1808 : vector<16xf32>
        %add3A_1810 = arith.addf %add3A_1705, %mul3A_1809 : vector<16xf32>
        %slice3A_1811 = vector.extract_strided_slice %get3A_335 {offsets = [13], sizes = [1], strides = [1]} : vector<16xf32> to vector<1xf32>
        %squeeze3A_1812 = vector.extract %slice3A_1811[0] : f32 from vector<1xf32>
        %mul3A_1813 = vector.broadcast %squeeze3A_1812 : f32 to vector<16xf32>
        %mul3A_1814 = arith.mulf %get3A_1730, %mul3A_1813 : vector<16xf32>
        %add3A_1815 = arith.addf %add3A_1710, %mul3A_1814 : vector<16xf32>
        %slice3A_1816 = vector.extract_strided_slice %get3A_344 {offsets = [13], sizes = [1], strides = [1]} : vector<16xf32> to vector<1xf32>
        %squeeze3A_1817 = vector.extract %slice3A_1816[0] : f32 from vector<1xf32>
        %mul3A_1818 = vector.broadcast %squeeze3A_1817 : f32 to vector<16xf32>
        %mul3A_1819 = arith.mulf %get3A_1730, %mul3A_1818 : vector<16xf32>
        %add3A_1820 = arith.addf %add3A_1715, %mul3A_1819 : vector<16xf32>
        %slice3A_1821 = vector.extract_strided_slice %get3A_353 {offsets = [13], sizes = [1], strides = [1]} : vector<16xf32> to vector<1xf32>
        %squeeze3A_1822 = vector.extract %slice3A_1821[0] : f32 from vector<1xf32>
        %mul3A_1823 = vector.broadcast %squeeze3A_1822 : f32 to vector<16xf32>
        %mul3A_1824 = arith.mulf %get3A_1730, %mul3A_1823 : vector<16xf32>
        %add3A_1825 = arith.addf %add3A_1720, %mul3A_1824 : vector<16xf32>
        %slice3A_1826 = vector.extract_strided_slice %get3A_362 {offsets = [13], sizes = [1], strides = [1]} : vector<16xf32> to vector<1xf32>
        %squeeze3A_1827 = vector.extract %slice3A_1826[0] : f32 from vector<1xf32>
        %mul3A_1828 = vector.broadcast %squeeze3A_1827 : f32 to vector<16xf32>
        %mul3A_1829 = arith.mulf %get3A_1730, %mul3A_1828 : vector<16xf32>
        %add3A_1830 = arith.addf %add3A_1725, %mul3A_1829 : vector<16xf32>
        %get3A_1831 = arith.constant 14 : i32
        %get3A_1832 = arith.index_cast %get3A_1831 : i32 to index
        %get3A_1833 = arith.index_cast %mul3A_26 : i32 to index
        %get3A_1834 = tpu.vector_load %arg5[%get3A_1832, %get3A_1833] {strides = array<i32>} : memref<32x1024xf32, #tpu.memory_space<vmem>>, vector<1x16xf32>,
        %get3A_1835 = vector.shape_cast %get3A_1834 : vector<1x16xf32> to vector<16xf32>
        %slice3A_1836 = vector.extract_strided_slice %get3A_191 {offsets = [14], sizes = [1], strides = [1]} : vector<16xf32> to vector<1xf32>
        %squeeze3A_1837 = vector.extract %slice3A_1836[0] : f32 from vector<1xf32>
        %mul3A_1838 = vector.broadcast %squeeze3A_1837 : f32 to vector<16xf32>
        %mul3A_1839 = arith.mulf %get3A_1835, %mul3A_1838 : vector<16xf32>
        %add3A_1840 = arith.addf %add3A_1735, %mul3A_1839 : vector<16xf32>
        %slice3A_1841 = vector.extract_strided_slice %get3A_200 {offsets = [14], sizes = [1], strides = [1]} : vector<16xf32> to vector<1xf32>
        %squeeze3A_1842 = vector.extract %slice3A_1841[0] : f32 from vector<1xf32>
        %mul3A_1843 = vector.broadcast %squeeze3A_1842 : f32 to vector<16xf32>
        %mul3A_1844 = arith.mulf %get3A_1835, %mul3A_1843 : vector<16xf32>
        %add3A_1845 = arith.addf %add3A_1740, %mul3A_1844 : vector<16xf32>
        %slice3A_1846 = vector.extract_strided_slice %get3A_209 {offsets = [14], sizes = [1], strides = [1]} : vector<16xf32> to vector<1xf32>
        %squeeze3A_1847 = vector.extract %slice3A_1846[0] : f32 from vector<1xf32>
        %mul3A_1848 = vector.broadcast %squeeze3A_1847 : f32 to vector<16xf32>
        %mul3A_1849 = arith.mulf %get3A_1835, %mul3A_1848 : vector<16xf32>
        %add3A_1850 = arith.addf %add3A_1745, %mul3A_1849 : vector<16xf32>
        %slice3A_1851 = vector.extract_strided_slice %get3A_218 {offsets = [14], sizes = [1], strides = [1]} : vector<16xf32> to vector<1xf32>
        %squeeze3A_1852 = vector.extract %slice3A_1851[0] : f32 from vector<1xf32>
        %mul3A_1853 = vector.broadcast %squeeze3A_1852 : f32 to vector<16xf32>
        %mul3A_1854 = arith.mulf %get3A_1835, %mul3A_1853 : vector<16xf32>
        %add3A_1855 = arith.addf %add3A_1750, %mul3A_1854 : vector<16xf32>
        %slice3A_1856 = vector.extract_strided_slice %get3A_227 {offsets = [14], sizes = [1], strides = [1]} : vector<16xf32> to vector<1xf32>
        %squeeze3A_1857 = vector.extract %slice3A_1856[0] : f32 from vector<1xf32>
        %mul3A_1858 = vector.broadcast %squeeze3A_1857 : f32 to vector<16xf32>
        %mul3A_1859 = arith.mulf %get3A_1835, %mul3A_1858 : vector<16xf32>
        %add3A_1860 = arith.addf %add3A_1755, %mul3A_1859 : vector<16xf32>
        %slice3A_1861 = vector.extract_strided_slice %get3A_236 {offsets = [14], sizes = [1], strides = [1]} : vector<16xf32> to vector<1xf32>
        %squeeze3A_1862 = vector.extract %slice3A_1861[0] : f32 from vector<1xf32>
        %mul3A_1863 = vector.broadcast %squeeze3A_1862 : f32 to vector<16xf32>
        %mul3A_1864 = arith.mulf %get3A_1835, %mul3A_1863 : vector<16xf32>
        %add3A_1865 = arith.addf %add3A_1760, %mul3A_1864 : vector<16xf32>
        %slice3A_1866 = vector.extract_strided_slice %get3A_245 {offsets = [14], sizes = [1], strides = [1]} : vector<16xf32> to vector<1xf32>
        %squeeze3A_1867 = vector.extract %slice3A_1866[0] : f32 from vector<1xf32>
        %mul3A_1868 = vector.broadcast %squeeze3A_1867 : f32 to vector<16xf32>
        %mul3A_1869 = arith.mulf %get3A_1835, %mul3A_1868 : vector<16xf32>
        %add3A_1870 = arith.addf %add3A_1765, %mul3A_1869 : vector<16xf32>
        %slice3A_1871 = vector.extract_strided_slice %get3A_254 {offsets = [14], sizes = [1], strides = [1]} : vector<16xf32> to vector<1xf32>
        %squeeze3A_1872 = vector.extract %slice3A_1871[0] : f32 from vector<1xf32>
        %mul3A_1873 = vector.broadcast %squeeze3A_1872 : f32 to vector<16xf32>
        %mul3A_1874 = arith.mulf %get3A_1835, %mul3A_1873 : vector<16xf32>
        %add3A_1875 = arith.addf %add3A_1770, %mul3A_1874 : vector<16xf32>
        %slice3A_1876 = vector.extract_strided_slice %get3A_263 {offsets = [14], sizes = [1], strides = [1]} : vector<16xf32> to vector<1xf32>
        %squeeze3A_1877 = vector.extract %slice3A_1876[0] : f32 from vector<1xf32>
        %mul3A_1878 = vector.broadcast %squeeze3A_1877 : f32 to vector<16xf32>
        %mul3A_1879 = arith.mulf %get3A_1835, %mul3A_1878 : vector<16xf32>
        %add3A_1880 = arith.addf %add3A_1775, %mul3A_1879 : vector<16xf32>
        %slice3A_1881 = vector.extract_strided_slice %get3A_272 {offsets = [14], sizes = [1], strides = [1]} : vector<16xf32> to vector<1xf32>
        %squeeze3A_1882 = vector.extract %slice3A_1881[0] : f32 from vector<1xf32>
        %mul3A_1883 = vector.broadcast %squeeze3A_1882 : f32 to vector<16xf32>
        %mul3A_1884 = arith.mulf %get3A_1835, %mul3A_1883 : vector<16xf32>
        %add3A_1885 = arith.addf %add3A_1780, %mul3A_1884 : vector<16xf32>
        %slice3A_1886 = vector.extract_strided_slice %get3A_281 {offsets = [14], sizes = [1], strides = [1]} : vector<16xf32> to vector<1xf32>
        %squeeze3A_1887 = vector.extract %slice3A_1886[0] : f32 from vector<1xf32>
        %mul3A_1888 = vector.broadcast %squeeze3A_1887 : f32 to vector<16xf32>
        %mul3A_1889 = arith.mulf %get3A_1835, %mul3A_1888 : vector<16xf32>
        %add3A_1890 = arith.addf %add3A_1785, %mul3A_1889 : vector<16xf32>
        %slice3A_1891 = vector.extract_strided_slice %get3A_290 {offsets = [14], sizes = [1], strides = [1]} : vector<16xf32> to vector<1xf32>
        %squeeze3A_1892 = vector.extract %slice3A_1891[0] : f32 from vector<1xf32>
        %mul3A_1893 = vector.broadcast %squeeze3A_1892 : f32 to vector<16xf32>
        %mul3A_1894 = arith.mulf %get3A_1835, %mul3A_1893 : vector<16xf32>
        %add3A_1895 = arith.addf %add3A_1790, %mul3A_1894 : vector<16xf32>
        %slice3A_1896 = vector.extract_strided_slice %get3A_299 {offsets = [14], sizes = [1], strides = [1]} : vector<16xf32> to vector<1xf32>
        %squeeze3A_1897 = vector.extract %slice3A_1896[0] : f32 from vector<1xf32>
        %mul3A_1898 = vector.broadcast %squeeze3A_1897 : f32 to vector<16xf32>
        %mul3A_1899 = arith.mulf %get3A_1835, %mul3A_1898 : vector<16xf32>
        %add3A_1900 = arith.addf %add3A_1795, %mul3A_1899 : vector<16xf32>
        %slice3A_1901 = vector.extract_strided_slice %get3A_308 {offsets = [14], sizes = [1], strides = [1]} : vector<16xf32> to vector<1xf32>
        %squeeze3A_1902 = vector.extract %slice3A_1901[0] : f32 from vector<1xf32>
        %mul3A_1903 = vector.broadcast %squeeze3A_1902 : f32 to vector<16xf32>
        %mul3A_1904 = arith.mulf %get3A_1835, %mul3A_1903 : vector<16xf32>
        %add3A_1905 = arith.addf %add3A_1800, %mul3A_1904 : vector<16xf32>
        %slice3A_1906 = vector.extract_strided_slice %get3A_317 {offsets = [14], sizes = [1], strides = [1]} : vector<16xf32> to vector<1xf32>
        %squeeze3A_1907 = vector.extract %slice3A_1906[0] : f32 from vector<1xf32>
        %mul3A_1908 = vector.broadcast %squeeze3A_1907 : f32 to vector<16xf32>
        %mul3A_1909 = arith.mulf %get3A_1835, %mul3A_1908 : vector<16xf32>
        %add3A_1910 = arith.addf %add3A_1805, %mul3A_1909 : vector<16xf32>
        %slice3A_1911 = vector.extract_strided_slice %get3A_326 {offsets = [14], sizes = [1], strides = [1]} : vector<16xf32> to vector<1xf32>
        %squeeze3A_1912 = vector.extract %slice3A_1911[0] : f32 from vector<1xf32>
        %mul3A_1913 = vector.broadcast %squeeze3A_1912 : f32 to vector<16xf32>
        %mul3A_1914 = arith.mulf %get3A_1835, %mul3A_1913 : vector<16xf32>
        %add3A_1915 = arith.addf %add3A_1810, %mul3A_1914 : vector<16xf32>
        %slice3A_1916 = vector.extract_strided_slice %get3A_335 {offsets = [14], sizes = [1], strides = [1]} : vector<16xf32> to vector<1xf32>
        %squeeze3A_1917 = vector.extract %slice3A_1916[0] : f32 from vector<1xf32>
        %mul3A_1918 = vector.broadcast %squeeze3A_1917 : f32 to vector<16xf32>
        %mul3A_1919 = arith.mulf %get3A_1835, %mul3A_1918 : vector<16xf32>
        %add3A_1920 = arith.addf %add3A_1815, %mul3A_1919 : vector<16xf32>
        %slice3A_1921 = vector.extract_strided_slice %get3A_344 {offsets = [14], sizes = [1], strides = [1]} : vector<16xf32> to vector<1xf32>
        %squeeze3A_1922 = vector.extract %slice3A_1921[0] : f32 from vector<1xf32>
        %mul3A_1923 = vector.broadcast %squeeze3A_1922 : f32 to vector<16xf32>
        %mul3A_1924 = arith.mulf %get3A_1835, %mul3A_1923 : vector<16xf32>
        %add3A_1925 = arith.addf %add3A_1820, %mul3A_1924 : vector<16xf32>
        %slice3A_1926 = vector.extract_strided_slice %get3A_353 {offsets = [14], sizes = [1], strides = [1]} : vector<16xf32> to vector<1xf32>
        %squeeze3A_1927 = vector.extract %slice3A_1926[0] : f32 from vector<1xf32>
        %mul3A_1928 = vector.broadcast %squeeze3A_1927 : f32 to vector<16xf32>
        %mul3A_1929 = arith.mulf %get3A_1835, %mul3A_1928 : vector<16xf32>
        %add3A_1930 = arith.addf %add3A_1825, %mul3A_1929 : vector<16xf32>
        %slice3A_1931 = vector.extract_strided_slice %get3A_362 {offsets = [14], sizes = [1], strides = [1]} : vector<16xf32> to vector<1xf32>
        %squeeze3A_1932 = vector.extract %slice3A_1931[0] : f32 from vector<1xf32>
        %mul3A_1933 = vector.broadcast %squeeze3A_1932 : f32 to vector<16xf32>
        %mul3A_1934 = arith.mulf %get3A_1835, %mul3A_1933 : vector<16xf32>
        %add3A_1935 = arith.addf %add3A_1830, %mul3A_1934 : vector<16xf32>
        %get3A_1936 = arith.constant 15 : i32
        %get3A_1937 = arith.index_cast %get3A_1936 : i32 to index
        %get3A_1938 = arith.index_cast %mul3A_26 : i32 to index
        %get3A_1939 = tpu.vector_load %arg5[%get3A_1937, %get3A_1938] {strides = array<i32>} : memref<32x1024xf32, #tpu.memory_space<vmem>>, vector<1x16xf32>,
        %get3A_1940 = vector.shape_cast %get3A_1939 : vector<1x16xf32> to vector<16xf32>
        %slice3A_1941 = vector.extract_strided_slice %get3A_191 {offsets = [15], sizes = [1], strides = [1]} : vector<16xf32> to vector<1xf32>
        %squeeze3A_1942 = vector.extract %slice3A_1941[0] : f32 from vector<1xf32>
        %mul3A_1943 = vector.broadcast %squeeze3A_1942 : f32 to vector<16xf32>
        %mul3A_1944 = arith.mulf %get3A_1940, %mul3A_1943 : vector<16xf32>
        %add3A_1945 = arith.addf %add3A_1840, %mul3A_1944 : vector<16xf32>
        %slice3A_1946 = vector.extract_strided_slice %get3A_200 {offsets = [15], sizes = [1], strides = [1]} : vector<16xf32> to vector<1xf32>
        %squeeze3A_1947 = vector.extract %slice3A_1946[0] : f32 from vector<1xf32>
        %mul3A_1948 = vector.broadcast %squeeze3A_1947 : f32 to vector<16xf32>
        %mul3A_1949 = arith.mulf %get3A_1940, %mul3A_1948 : vector<16xf32>
        %add3A_1950 = arith.addf %add3A_1845, %mul3A_1949 : vector<16xf32>
        %slice3A_1951 = vector.extract_strided_slice %get3A_209 {offsets = [15], sizes = [1], strides = [1]} : vector<16xf32> to vector<1xf32>
        %squeeze3A_1952 = vector.extract %slice3A_1951[0] : f32 from vector<1xf32>
        %mul3A_1953 = vector.broadcast %squeeze3A_1952 : f32 to vector<16xf32>
        %mul3A_1954 = arith.mulf %get3A_1940, %mul3A_1953 : vector<16xf32>
        %add3A_1955 = arith.addf %add3A_1850, %mul3A_1954 : vector<16xf32>
        %slice3A_1956 = vector.extract_strided_slice %get3A_218 {offsets = [15], sizes = [1], strides = [1]} : vector<16xf32> to vector<1xf32>
        %squeeze3A_1957 = vector.extract %slice3A_1956[0] : f32 from vector<1xf32>
        %mul3A_1958 = vector.broadcast %squeeze3A_1957 : f32 to vector<16xf32>
        %mul3A_1959 = arith.mulf %get3A_1940, %mul3A_1958 : vector<16xf32>
        %add3A_1960 = arith.addf %add3A_1855, %mul3A_1959 : vector<16xf32>
        %slice3A_1961 = vector.extract_strided_slice %get3A_227 {offsets = [15], sizes = [1], strides = [1]} : vector<16xf32> to vector<1xf32>
        %squeeze3A_1962 = vector.extract %slice3A_1961[0] : f32 from vector<1xf32>
        %mul3A_1963 = vector.broadcast %squeeze3A_1962 : f32 to vector<16xf32>
        %mul3A_1964 = arith.mulf %get3A_1940, %mul3A_1963 : vector<16xf32>
        %add3A_1965 = arith.addf %add3A_1860, %mul3A_1964 : vector<16xf32>
        %slice3A_1966 = vector.extract_strided_slice %get3A_236 {offsets = [15], sizes = [1], strides = [1]} : vector<16xf32> to vector<1xf32>
        %squeeze3A_1967 = vector.extract %slice3A_1966[0] : f32 from vector<1xf32>
        %mul3A_1968 = vector.broadcast %squeeze3A_1967 : f32 to vector<16xf32>
        %mul3A_1969 = arith.mulf %get3A_1940, %mul3A_1968 : vector<16xf32>
        %add3A_1970 = arith.addf %add3A_1865, %mul3A_1969 : vector<16xf32>
        %slice3A_1971 = vector.extract_strided_slice %get3A_245 {offsets = [15], sizes = [1], strides = [1]} : vector<16xf32> to vector<1xf32>
        %squeeze3A_1972 = vector.extract %slice3A_1971[0] : f32 from vector<1xf32>
        %mul3A_1973 = vector.broadcast %squeeze3A_1972 : f32 to vector<16xf32>
        %mul3A_1974 = arith.mulf %get3A_1940, %mul3A_1973 : vector<16xf32>
        %add3A_1975 = arith.addf %add3A_1870, %mul3A_1974 : vector<16xf32>
        %slice3A_1976 = vector.extract_strided_slice %get3A_254 {offsets = [15], sizes = [1], strides = [1]} : vector<16xf32> to vector<1xf32>
        %squeeze3A_1977 = vector.extract %slice3A_1976[0] : f32 from vector<1xf32>
        %mul3A_1978 = vector.broadcast %squeeze3A_1977 : f32 to vector<16xf32>
        %mul3A_1979 = arith.mulf %get3A_1940, %mul3A_1978 : vector<16xf32>
        %add3A_1980 = arith.addf %add3A_1875, %mul3A_1979 : vector<16xf32>
        %slice3A_1981 = vector.extract_strided_slice %get3A_263 {offsets = [15], sizes = [1], strides = [1]} : vector<16xf32> to vector<1xf32>
        %squeeze3A_1982 = vector.extract %slice3A_1981[0] : f32 from vector<1xf32>
        %mul3A_1983 = vector.broadcast %squeeze3A_1982 : f32 to vector<16xf32>
        %mul3A_1984 = arith.mulf %get3A_1940, %mul3A_1983 : vector<16xf32>
        %add3A_1985 = arith.addf %add3A_1880, %mul3A_1984 : vector<16xf32>
        %slice3A_1986 = vector.extract_strided_slice %get3A_272 {offsets = [15], sizes = [1], strides = [1]} : vector<16xf32> to vector<1xf32>
        %squeeze3A_1987 = vector.extract %slice3A_1986[0] : f32 from vector<1xf32>
        %mul3A_1988 = vector.broadcast %squeeze3A_1987 : f32 to vector<16xf32>
        %mul3A_1989 = arith.mulf %get3A_1940, %mul3A_1988 : vector<16xf32>
        %add3A_1990 = arith.addf %add3A_1885, %mul3A_1989 : vector<16xf32>
        %slice3A_1991 = vector.extract_strided_slice %get3A_281 {offsets = [15], sizes = [1], strides = [1]} : vector<16xf32> to vector<1xf32>
        %squeeze3A_1992 = vector.extract %slice3A_1991[0] : f32 from vector<1xf32>
        %mul3A_1993 = vector.broadcast %squeeze3A_1992 : f32 to vector<16xf32>
        %mul3A_1994 = arith.mulf %get3A_1940, %mul3A_1993 : vector<16xf32>
        %add3A_1995 = arith.addf %add3A_1890, %mul3A_1994 : vector<16xf32>
        %slice3A_1996 = vector.extract_strided_slice %get3A_290 {offsets = [15], sizes = [1], strides = [1]} : vector<16xf32> to vector<1xf32>
        %squeeze3A_1997 = vector.extract %slice3A_1996[0] : f32 from vector<1xf32>
        %mul3A_1998 = vector.broadcast %squeeze3A_1997 : f32 to vector<16xf32>
        %mul3A_1999 = arith.mulf %get3A_1940, %mul3A_1998 : vector<16xf32>
        %add3A_2000 = arith.addf %add3A_1895, %mul3A_1999 : vector<16xf32>
        %slice3A_2001 = vector.extract_strided_slice %get3A_299 {offsets = [15], sizes = [1], strides = [1]} : vector<16xf32> to vector<1xf32>
        %squeeze3A_2002 = vector.extract %slice3A_2001[0] : f32 from vector<1xf32>
        %mul3A_2003 = vector.broadcast %squeeze3A_2002 : f32 to vector<16xf32>
        %mul3A_2004 = arith.mulf %get3A_1940, %mul3A_2003 : vector<16xf32>
        %add3A_2005 = arith.addf %add3A_1900, %mul3A_2004 : vector<16xf32>
        %slice3A_2006 = vector.extract_strided_slice %get3A_308 {offsets = [15], sizes = [1], strides = [1]} : vector<16xf32> to vector<1xf32>
        %squeeze3A_2007 = vector.extract %slice3A_2006[0] : f32 from vector<1xf32>
        %mul3A_2008 = vector.broadcast %squeeze3A_2007 : f32 to vector<16xf32>
        %mul3A_2009 = arith.mulf %get3A_1940, %mul3A_2008 : vector<16xf32>
        %add3A_2010 = arith.addf %add3A_1905, %mul3A_2009 : vector<16xf32>
        %slice3A_2011 = vector.extract_strided_slice %get3A_317 {offsets = [15], sizes = [1], strides = [1]} : vector<16xf32> to vector<1xf32>
        %squeeze3A_2012 = vector.extract %slice3A_2011[0] : f32 from vector<1xf32>
        %mul3A_2013 = vector.broadcast %squeeze3A_2012 : f32 to vector<16xf32>
        %mul3A_2014 = arith.mulf %get3A_1940, %mul3A_2013 : vector<16xf32>
        %add3A_2015 = arith.addf %add3A_1910, %mul3A_2014 : vector<16xf32>
        %slice3A_2016 = vector.extract_strided_slice %get3A_326 {offsets = [15], sizes = [1], strides = [1]} : vector<16xf32> to vector<1xf32>
        %squeeze3A_2017 = vector.extract %slice3A_2016[0] : f32 from vector<1xf32>
        %mul3A_2018 = vector.broadcast %squeeze3A_2017 : f32 to vector<16xf32>
        %mul3A_2019 = arith.mulf %get3A_1940, %mul3A_2018 : vector<16xf32>
        %add3A_2020 = arith.addf %add3A_1915, %mul3A_2019 : vector<16xf32>
        %slice3A_2021 = vector.extract_strided_slice %get3A_335 {offsets = [15], sizes = [1], strides = [1]} : vector<16xf32> to vector<1xf32>
        %squeeze3A_2022 = vector.extract %slice3A_2021[0] : f32 from vector<1xf32>
        %mul3A_2023 = vector.broadcast %squeeze3A_2022 : f32 to vector<16xf32>
        %mul3A_2024 = arith.mulf %get3A_1940, %mul3A_2023 : vector<16xf32>
        %add3A_2025 = arith.addf %add3A_1920, %mul3A_2024 : vector<16xf32>
        %slice3A_2026 = vector.extract_strided_slice %get3A_344 {offsets = [15], sizes = [1], strides = [1]} : vector<16xf32> to vector<1xf32>
        %squeeze3A_2027 = vector.extract %slice3A_2026[0] : f32 from vector<1xf32>
        %mul3A_2028 = vector.broadcast %squeeze3A_2027 : f32 to vector<16xf32>
        %mul3A_2029 = arith.mulf %get3A_1940, %mul3A_2028 : vector<16xf32>
        %add3A_2030 = arith.addf %add3A_1925, %mul3A_2029 : vector<16xf32>
        %slice3A_2031 = vector.extract_strided_slice %get3A_353 {offsets = [15], sizes = [1], strides = [1]} : vector<16xf32> to vector<1xf32>
        %squeeze3A_2032 = vector.extract %slice3A_2031[0] : f32 from vector<1xf32>
        %mul3A_2033 = vector.broadcast %squeeze3A_2032 : f32 to vector<16xf32>
        %mul3A_2034 = arith.mulf %get3A_1940, %mul3A_2033 : vector<16xf32>
        %add3A_2035 = arith.addf %add3A_1930, %mul3A_2034 : vector<16xf32>
        %slice3A_2036 = vector.extract_strided_slice %get3A_362 {offsets = [15], sizes = [1], strides = [1]} : vector<16xf32> to vector<1xf32>
        %squeeze3A_2037 = vector.extract %slice3A_2036[0] : f32 from vector<1xf32>
        %mul3A_2038 = vector.broadcast %squeeze3A_2037 : f32 to vector<16xf32>
        %mul3A_2039 = arith.mulf %get3A_1940, %mul3A_2038 : vector<16xf32>
        %add3A_2040 = arith.addf %add3A_1935, %mul3A_2039 : vector<16xf32>
        %mul3A_2041 = arith.constant 32 : i32
        %mul3A_2042 = arith.muli %scan3A_9, %mul3A_2041 : i32
        %add3A_2043 = arith.constant 16 : i32
        %add3A_2044 = arith.addi %mul3A_2042, %add3A_2043 : i32
        %get3A_2045 = arith.constant 0 : i32
        %get3A_2046 = arith.index_cast %get3A_2045 : i32 to index
        %get3A_2047 = arith.index_cast %add3A_2044 : i32 to index
        %get3A_2048 = tpu.vector_load %arg6[%get3A_2046, %get3A_2047] {strides = array<i32>} : memref<20x128xf32, #tpu.memory_space<vmem>>, vector<1x16xf32>,
        %get3A_2049 = vector.shape_cast %get3A_2048 : vector<1x16xf32> to vector<16xf32>
        %mul3A_2050 = arith.constant 32 : i32
        %mul3A_2051 = arith.muli %scan3A_9, %mul3A_2050 : i32
        %add3A_2052 = arith.constant 16 : i32
        %add3A_2053 = arith.addi %mul3A_2051, %add3A_2052 : i32
        %get3A_2054 = arith.constant 1 : i32
        %get3A_2055 = arith.index_cast %get3A_2054 : i32 to index
        %get3A_2056 = arith.index_cast %add3A_2053 : i32 to index
        %get3A_2057 = tpu.vector_load %arg6[%get3A_2055, %get3A_2056] {strides = array<i32>} : memref<20x128xf32, #tpu.memory_space<vmem>>, vector<1x16xf32>,
        %get3A_2058 = vector.shape_cast %get3A_2057 : vector<1x16xf32> to vector<16xf32>
        %mul3A_2059 = arith.constant 32 : i32
        %mul3A_2060 = arith.muli %scan3A_9, %mul3A_2059 : i32
        %add3A_2061 = arith.constant 16 : i32
        %add3A_2062 = arith.addi %mul3A_2060, %add3A_2061 : i32
        %get3A_2063 = arith.constant 2 : i32
        %get3A_2064 = arith.index_cast %get3A_2063 : i32 to index
        %get3A_2065 = arith.index_cast %add3A_2062 : i32 to index
        %get3A_2066 = tpu.vector_load %arg6[%get3A_2064, %get3A_2065] {strides = array<i32>} : memref<20x128xf32, #tpu.memory_space<vmem>>, vector<1x16xf32>,
        %get3A_2067 = vector.shape_cast %get3A_2066 : vector<1x16xf32> to vector<16xf32>
        %mul3A_2068 = arith.constant 32 : i32
        %mul3A_2069 = arith.muli %scan3A_9, %mul3A_2068 : i32
        %add3A_2070 = arith.constant 16 : i32
        %add3A_2071 = arith.addi %mul3A_2069, %add3A_2070 : i32
        %get3A_2072 = arith.constant 3 : i32
        %get3A_2073 = arith.index_cast %get3A_2072 : i32 to index
        %get3A_2074 = arith.index_cast %add3A_2071 : i32 to index
        %get3A_2075 = tpu.vector_load %arg6[%get3A_2073, %get3A_2074] {strides = array<i32>} : memref<20x128xf32, #tpu.memory_space<vmem>>, vector<1x16xf32>,
        %get3A_2076 = vector.shape_cast %get3A_2075 : vector<1x16xf32> to vector<16xf32>
        %mul3A_2077 = arith.constant 32 : i32
        %mul3A_2078 = arith.muli %scan3A_9, %mul3A_2077 : i32
        %add3A_2079 = arith.constant 16 : i32
        %add3A_2080 = arith.addi %mul3A_2078, %add3A_2079 : i32
        %get3A_2081 = arith.constant 4 : i32
        %get3A_2082 = arith.index_cast %get3A_2081 : i32 to index
        %get3A_2083 = arith.index_cast %add3A_2080 : i32 to index
        %get3A_2084 = tpu.vector_load %arg6[%get3A_2082, %get3A_2083] {strides = array<i32>} : memref<20x128xf32, #tpu.memory_space<vmem>>, vector<1x16xf32>,
        %get3A_2085 = vector.shape_cast %get3A_2084 : vector<1x16xf32> to vector<16xf32>
        %mul3A_2086 = arith.constant 32 : i32
        %mul3A_2087 = arith.muli %scan3A_9, %mul3A_2086 : i32
        %add3A_2088 = arith.constant 16 : i32
        %add3A_2089 = arith.addi %mul3A_2087, %add3A_2088 : i32
        %get3A_2090 = arith.constant 5 : i32
        %get3A_2091 = arith.index_cast %get3A_2090 : i32 to index
        %get3A_2092 = arith.index_cast %add3A_2089 : i32 to index
        %get3A_2093 = tpu.vector_load %arg6[%get3A_2091, %get3A_2092] {strides = array<i32>} : memref<20x128xf32, #tpu.memory_space<vmem>>, vector<1x16xf32>,
        %get3A_2094 = vector.shape_cast %get3A_2093 : vector<1x16xf32> to vector<16xf32>
        %mul3A_2095 = arith.constant 32 : i32
        %mul3A_2096 = arith.muli %scan3A_9, %mul3A_2095 : i32
        %add3A_2097 = arith.constant 16 : i32
        %add3A_2098 = arith.addi %mul3A_2096, %add3A_2097 : i32
        %get3A_2099 = arith.constant 6 : i32
        %get3A_2100 = arith.index_cast %get3A_2099 : i32 to index
        %get3A_2101 = arith.index_cast %add3A_2098 : i32 to index
        %get3A_2102 = tpu.vector_load %arg6[%get3A_2100, %get3A_2101] {strides = array<i32>} : memref<20x128xf32, #tpu.memory_space<vmem>>, vector<1x16xf32>,
        %get3A_2103 = vector.shape_cast %get3A_2102 : vector<1x16xf32> to vector<16xf32>
        %mul3A_2104 = arith.constant 32 : i32
        %mul3A_2105 = arith.muli %scan3A_9, %mul3A_2104 : i32
        %add3A_2106 = arith.constant 16 : i32
        %add3A_2107 = arith.addi %mul3A_2105, %add3A_2106 : i32
        %get3A_2108 = arith.constant 7 : i32
        %get3A_2109 = arith.index_cast %get3A_2108 : i32 to index
        %get3A_2110 = arith.index_cast %add3A_2107 : i32 to index
        %get3A_2111 = tpu.vector_load %arg6[%get3A_2109, %get3A_2110] {strides = array<i32>} : memref<20x128xf32, #tpu.memory_space<vmem>>, vector<1x16xf32>,
        %get3A_2112 = vector.shape_cast %get3A_2111 : vector<1x16xf32> to vector<16xf32>
        %mul3A_2113 = arith.constant 32 : i32
        %mul3A_2114 = arith.muli %scan3A_9, %mul3A_2113 : i32
        %add3A_2115 = arith.constant 16 : i32
        %add3A_2116 = arith.addi %mul3A_2114, %add3A_2115 : i32
        %get3A_2117 = arith.constant 8 : i32
        %get3A_2118 = arith.index_cast %get3A_2117 : i32 to index
        %get3A_2119 = arith.index_cast %add3A_2116 : i32 to index
        %get3A_2120 = tpu.vector_load %arg6[%get3A_2118, %get3A_2119] {strides = array<i32>} : memref<20x128xf32, #tpu.memory_space<vmem>>, vector<1x16xf32>,
        %get3A_2121 = vector.shape_cast %get3A_2120 : vector<1x16xf32> to vector<16xf32>
        %mul3A_2122 = arith.constant 32 : i32
        %mul3A_2123 = arith.muli %scan3A_9, %mul3A_2122 : i32
        %add3A_2124 = arith.constant 16 : i32
        %add3A_2125 = arith.addi %mul3A_2123, %add3A_2124 : i32
        %get3A_2126 = arith.constant 9 : i32
        %get3A_2127 = arith.index_cast %get3A_2126 : i32 to index
        %get3A_2128 = arith.index_cast %add3A_2125 : i32 to index
        %get3A_2129 = tpu.vector_load %arg6[%get3A_2127, %get3A_2128] {strides = array<i32>} : memref<20x128xf32, #tpu.memory_space<vmem>>, vector<1x16xf32>,
        %get3A_2130 = vector.shape_cast %get3A_2129 : vector<1x16xf32> to vector<16xf32>
        %mul3A_2131 = arith.constant 32 : i32
        %mul3A_2132 = arith.muli %scan3A_9, %mul3A_2131 : i32
        %add3A_2133 = arith.constant 16 : i32
        %add3A_2134 = arith.addi %mul3A_2132, %add3A_2133 : i32
        %get3A_2135 = arith.constant 10 : i32
        %get3A_2136 = arith.index_cast %get3A_2135 : i32 to index
        %get3A_2137 = arith.index_cast %add3A_2134 : i32 to index
        %get3A_2138 = tpu.vector_load %arg6[%get3A_2136, %get3A_2137] {strides = array<i32>} : memref<20x128xf32, #tpu.memory_space<vmem>>, vector<1x16xf32>,
        %get3A_2139 = vector.shape_cast %get3A_2138 : vector<1x16xf32> to vector<16xf32>
        %mul3A_2140 = arith.constant 32 : i32
        %mul3A_2141 = arith.muli %scan3A_9, %mul3A_2140 : i32
        %add3A_2142 = arith.constant 16 : i32
        %add3A_2143 = arith.addi %mul3A_2141, %add3A_2142 : i32
        %get3A_2144 = arith.constant 11 : i32
        %get3A_2145 = arith.index_cast %get3A_2144 : i32 to index
        %get3A_2146 = arith.index_cast %add3A_2143 : i32 to index
        %get3A_2147 = tpu.vector_load %arg6[%get3A_2145, %get3A_2146] {strides = array<i32>} : memref<20x128xf32, #tpu.memory_space<vmem>>, vector<1x16xf32>,
        %get3A_2148 = vector.shape_cast %get3A_2147 : vector<1x16xf32> to vector<16xf32>
        %mul3A_2149 = arith.constant 32 : i32
        %mul3A_2150 = arith.muli %scan3A_9, %mul3A_2149 : i32
        %add3A_2151 = arith.constant 16 : i32
        %add3A_2152 = arith.addi %mul3A_2150, %add3A_2151 : i32
        %get3A_2153 = arith.constant 12 : i32
        %get3A_2154 = arith.index_cast %get3A_2153 : i32 to index
        %get3A_2155 = arith.index_cast %add3A_2152 : i32 to index
        %get3A_2156 = tpu.vector_load %arg6[%get3A_2154, %get3A_2155] {strides = array<i32>} : memref<20x128xf32, #tpu.memory_space<vmem>>, vector<1x16xf32>,
        %get3A_2157 = vector.shape_cast %get3A_2156 : vector<1x16xf32> to vector<16xf32>
        %mul3A_2158 = arith.constant 32 : i32
        %mul3A_2159 = arith.muli %scan3A_9, %mul3A_2158 : i32
        %add3A_2160 = arith.constant 16 : i32
        %add3A_2161 = arith.addi %mul3A_2159, %add3A_2160 : i32
        %get3A_2162 = arith.constant 13 : i32
        %get3A_2163 = arith.index_cast %get3A_2162 : i32 to index
        %get3A_2164 = arith.index_cast %add3A_2161 : i32 to index
        %get3A_2165 = tpu.vector_load %arg6[%get3A_2163, %get3A_2164] {strides = array<i32>} : memref<20x128xf32, #tpu.memory_space<vmem>>, vector<1x16xf32>,
        %get3A_2166 = vector.shape_cast %get3A_2165 : vector<1x16xf32> to vector<16xf32>
        %mul3A_2167 = arith.constant 32 : i32
        %mul3A_2168 = arith.muli %scan3A_9, %mul3A_2167 : i32
        %add3A_2169 = arith.constant 16 : i32
        %add3A_2170 = arith.addi %mul3A_2168, %add3A_2169 : i32
        %get3A_2171 = arith.constant 14 : i32
        %get3A_2172 = arith.index_cast %get3A_2171 : i32 to index
        %get3A_2173 = arith.index_cast %add3A_2170 : i32 to index
        %get3A_2174 = tpu.vector_load %arg6[%get3A_2172, %get3A_2173] {strides = array<i32>} : memref<20x128xf32, #tpu.memory_space<vmem>>, vector<1x16xf32>,
        %get3A_2175 = vector.shape_cast %get3A_2174 : vector<1x16xf32> to vector<16xf32>
        %mul3A_2176 = arith.constant 32 : i32
        %mul3A_2177 = arith.muli %scan3A_9, %mul3A_2176 : i32
        %add3A_2178 = arith.constant 16 : i32
        %add3A_2179 = arith.addi %mul3A_2177, %add3A_2178 : i32
        %get3A_2180 = arith.constant 15 : i32
        %get3A_2181 = arith.index_cast %get3A_2180 : i32 to index
        %get3A_2182 = arith.index_cast %add3A_2179 : i32 to index
        %get3A_2183 = tpu.vector_load %arg6[%get3A_2181, %get3A_2182] {strides = array<i32>} : memref<20x128xf32, #tpu.memory_space<vmem>>, vector<1x16xf32>,
        %get3A_2184 = vector.shape_cast %get3A_2183 : vector<1x16xf32> to vector<16xf32>
        %mul3A_2185 = arith.constant 32 : i32
        %mul3A_2186 = arith.muli %scan3A_9, %mul3A_2185 : i32
        %add3A_2187 = arith.constant 16 : i32
        %add3A_2188 = arith.addi %mul3A_2186, %add3A_2187 : i32
        %get3A_2189 = arith.constant 16 : i32
        %get3A_2190 = arith.index_cast %get3A_2189 : i32 to index
        %get3A_2191 = arith.index_cast %add3A_2188 : i32 to index
        %get3A_2192 = tpu.vector_load %arg6[%get3A_2190, %get3A_2191] {strides = array<i32>} : memref<20x128xf32, #tpu.memory_space<vmem>>, vector<1x16xf32>,
        %get3A_2193 = vector.shape_cast %get3A_2192 : vector<1x16xf32> to vector<16xf32>
        %mul3A_2194 = arith.constant 32 : i32
        %mul3A_2195 = arith.muli %scan3A_9, %mul3A_2194 : i32
        %add3A_2196 = arith.constant 16 : i32
        %add3A_2197 = arith.addi %mul3A_2195, %add3A_2196 : i32
        %get3A_2198 = arith.constant 17 : i32
        %get3A_2199 = arith.index_cast %get3A_2198 : i32 to index
        %get3A_2200 = arith.index_cast %add3A_2197 : i32 to index
        %get3A_2201 = tpu.vector_load %arg6[%get3A_2199, %get3A_2200] {strides = array<i32>} : memref<20x128xf32, #tpu.memory_space<vmem>>, vector<1x16xf32>,
        %get3A_2202 = vector.shape_cast %get3A_2201 : vector<1x16xf32> to vector<16xf32>
        %mul3A_2203 = arith.constant 32 : i32
        %mul3A_2204 = arith.muli %scan3A_9, %mul3A_2203 : i32
        %add3A_2205 = arith.constant 16 : i32
        %add3A_2206 = arith.addi %mul3A_2204, %add3A_2205 : i32
        %get3A_2207 = arith.constant 18 : i32
        %get3A_2208 = arith.index_cast %get3A_2207 : i32 to index
        %get3A_2209 = arith.index_cast %add3A_2206 : i32 to index
        %get3A_2210 = tpu.vector_load %arg6[%get3A_2208, %get3A_2209] {strides = array<i32>} : memref<20x128xf32, #tpu.memory_space<vmem>>, vector<1x16xf32>,
        %get3A_2211 = vector.shape_cast %get3A_2210 : vector<1x16xf32> to vector<16xf32>
        %mul3A_2212 = arith.constant 32 : i32
        %mul3A_2213 = arith.muli %scan3A_9, %mul3A_2212 : i32
        %add3A_2214 = arith.constant 16 : i32
        %add3A_2215 = arith.addi %mul3A_2213, %add3A_2214 : i32
        %get3A_2216 = arith.constant 19 : i32
        %get3A_2217 = arith.index_cast %get3A_2216 : i32 to index
        %get3A_2218 = arith.index_cast %add3A_2215 : i32 to index
        %get3A_2219 = tpu.vector_load %arg6[%get3A_2217, %get3A_2218] {strides = array<i32>} : memref<20x128xf32, #tpu.memory_space<vmem>>, vector<1x16xf32>,
        %get3A_2220 = vector.shape_cast %get3A_2219 : vector<1x16xf32> to vector<16xf32>
        %get3A_2221 = arith.constant 16 : i32
        %get3A_2222 = arith.index_cast %get3A_2221 : i32 to index
        %get3A_2223 = arith.index_cast %mul3A_26 : i32 to index
        %get3A_2224 = tpu.vector_load %arg5[%get3A_2222, %get3A_2223] {strides = array<i32>} : memref<32x1024xf32, #tpu.memory_space<vmem>>, vector<1x16xf32>,
        %get3A_2225 = vector.shape_cast %get3A_2224 : vector<1x16xf32> to vector<16xf32>
        %slice3A_2226 = vector.extract_strided_slice %get3A_2049 {offsets = [0], sizes = [1], strides = [1]} : vector<16xf32> to vector<1xf32>
        %squeeze3A_2227 = vector.extract %slice3A_2226[0] : f32 from vector<1xf32>
        %mul3A_2228 = vector.broadcast %squeeze3A_2227 : f32 to vector<16xf32>
        %mul3A_2229 = arith.mulf %get3A_2225, %mul3A_2228 : vector<16xf32>
        %add3A_2230 = arith.addf %add3A_1945, %mul3A_2229 : vector<16xf32>
        %slice3A_2231 = vector.extract_strided_slice %get3A_2058 {offsets = [0], sizes = [1], strides = [1]} : vector<16xf32> to vector<1xf32>
        %squeeze3A_2232 = vector.extract %slice3A_2231[0] : f32 from vector<1xf32>
        %mul3A_2233 = vector.broadcast %squeeze3A_2232 : f32 to vector<16xf32>
        %mul3A_2234 = arith.mulf %get3A_2225, %mul3A_2233 : vector<16xf32>
        %add3A_2235 = arith.addf %add3A_1950, %mul3A_2234 : vector<16xf32>
        %slice3A_2236 = vector.extract_strided_slice %get3A_2067 {offsets = [0], sizes = [1], strides = [1]} : vector<16xf32> to vector<1xf32>
        %squeeze3A_2237 = vector.extract %slice3A_2236[0] : f32 from vector<1xf32>
        %mul3A_2238 = vector.broadcast %squeeze3A_2237 : f32 to vector<16xf32>
        %mul3A_2239 = arith.mulf %get3A_2225, %mul3A_2238 : vector<16xf32>
        %add3A_2240 = arith.addf %add3A_1955, %mul3A_2239 : vector<16xf32>
        %slice3A_2241 = vector.extract_strided_slice %get3A_2076 {offsets = [0], sizes = [1], strides = [1]} : vector<16xf32> to vector<1xf32>
        %squeeze3A_2242 = vector.extract %slice3A_2241[0] : f32 from vector<1xf32>
        %mul3A_2243 = vector.broadcast %squeeze3A_2242 : f32 to vector<16xf32>
        %mul3A_2244 = arith.mulf %get3A_2225, %mul3A_2243 : vector<16xf32>
        %add3A_2245 = arith.addf %add3A_1960, %mul3A_2244 : vector<16xf32>
        %slice3A_2246 = vector.extract_strided_slice %get3A_2085 {offsets = [0], sizes = [1], strides = [1]} : vector<16xf32> to vector<1xf32>
        %squeeze3A_2247 = vector.extract %slice3A_2246[0] : f32 from vector<1xf32>
        %mul3A_2248 = vector.broadcast %squeeze3A_2247 : f32 to vector<16xf32>
        %mul3A_2249 = arith.mulf %get3A_2225, %mul3A_2248 : vector<16xf32>
        %add3A_2250 = arith.addf %add3A_1965, %mul3A_2249 : vector<16xf32>
        %slice3A_2251 = vector.extract_strided_slice %get3A_2094 {offsets = [0], sizes = [1], strides = [1]} : vector<16xf32> to vector<1xf32>
        %squeeze3A_2252 = vector.extract %slice3A_2251[0] : f32 from vector<1xf32>
        %mul3A_2253 = vector.broadcast %squeeze3A_2252 : f32 to vector<16xf32>
        %mul3A_2254 = arith.mulf %get3A_2225, %mul3A_2253 : vector<16xf32>
        %add3A_2255 = arith.addf %add3A_1970, %mul3A_2254 : vector<16xf32>
        %slice3A_2256 = vector.extract_strided_slice %get3A_2103 {offsets = [0], sizes = [1], strides = [1]} : vector<16xf32> to vector<1xf32>
        %squeeze3A_2257 = vector.extract %slice3A_2256[0] : f32 from vector<1xf32>
        %mul3A_2258 = vector.broadcast %squeeze3A_2257 : f32 to vector<16xf32>
        %mul3A_2259 = arith.mulf %get3A_2225, %mul3A_2258 : vector<16xf32>
        %add3A_2260 = arith.addf %add3A_1975, %mul3A_2259 : vector<16xf32>
        %slice3A_2261 = vector.extract_strided_slice %get3A_2112 {offsets = [0], sizes = [1], strides = [1]} : vector<16xf32> to vector<1xf32>
        %squeeze3A_2262 = vector.extract %slice3A_2261[0] : f32 from vector<1xf32>
        %mul3A_2263 = vector.broadcast %squeeze3A_2262 : f32 to vector<16xf32>
        %mul3A_2264 = arith.mulf %get3A_2225, %mul3A_2263 : vector<16xf32>
        %add3A_2265 = arith.addf %add3A_1980, %mul3A_2264 : vector<16xf32>
        %slice3A_2266 = vector.extract_strided_slice %get3A_2121 {offsets = [0], sizes = [1], strides = [1]} : vector<16xf32> to vector<1xf32>
        %squeeze3A_2267 = vector.extract %slice3A_2266[0] : f32 from vector<1xf32>
        %mul3A_2268 = vector.broadcast %squeeze3A_2267 : f32 to vector<16xf32>
        %mul3A_2269 = arith.mulf %get3A_2225, %mul3A_2268 : vector<16xf32>
        %add3A_2270 = arith.addf %add3A_1985, %mul3A_2269 : vector<16xf32>
        %slice3A_2271 = vector.extract_strided_slice %get3A_2130 {offsets = [0], sizes = [1], strides = [1]} : vector<16xf32> to vector<1xf32>
        %squeeze3A_2272 = vector.extract %slice3A_2271[0] : f32 from vector<1xf32>
        %mul3A_2273 = vector.broadcast %squeeze3A_2272 : f32 to vector<16xf32>
        %mul3A_2274 = arith.mulf %get3A_2225, %mul3A_2273 : vector<16xf32>
        %add3A_2275 = arith.addf %add3A_1990, %mul3A_2274 : vector<16xf32>
        %slice3A_2276 = vector.extract_strided_slice %get3A_2139 {offsets = [0], sizes = [1], strides = [1]} : vector<16xf32> to vector<1xf32>
        %squeeze3A_2277 = vector.extract %slice3A_2276[0] : f32 from vector<1xf32>
        %mul3A_2278 = vector.broadcast %squeeze3A_2277 : f32 to vector<16xf32>
        %mul3A_2279 = arith.mulf %get3A_2225, %mul3A_2278 : vector<16xf32>
        %add3A_2280 = arith.addf %add3A_1995, %mul3A_2279 : vector<16xf32>
        %slice3A_2281 = vector.extract_strided_slice %get3A_2148 {offsets = [0], sizes = [1], strides = [1]} : vector<16xf32> to vector<1xf32>
        %squeeze3A_2282 = vector.extract %slice3A_2281[0] : f32 from vector<1xf32>
        %mul3A_2283 = vector.broadcast %squeeze3A_2282 : f32 to vector<16xf32>
        %mul3A_2284 = arith.mulf %get3A_2225, %mul3A_2283 : vector<16xf32>
        %add3A_2285 = arith.addf %add3A_2000, %mul3A_2284 : vector<16xf32>
        %slice3A_2286 = vector.extract_strided_slice %get3A_2157 {offsets = [0], sizes = [1], strides = [1]} : vector<16xf32> to vector<1xf32>
        %squeeze3A_2287 = vector.extract %slice3A_2286[0] : f32 from vector<1xf32>
        %mul3A_2288 = vector.broadcast %squeeze3A_2287 : f32 to vector<16xf32>
        %mul3A_2289 = arith.mulf %get3A_2225, %mul3A_2288 : vector<16xf32>
        %add3A_2290 = arith.addf %add3A_2005, %mul3A_2289 : vector<16xf32>
        %slice3A_2291 = vector.extract_strided_slice %get3A_2166 {offsets = [0], sizes = [1], strides = [1]} : vector<16xf32> to vector<1xf32>
        %squeeze3A_2292 = vector.extract %slice3A_2291[0] : f32 from vector<1xf32>
        %mul3A_2293 = vector.broadcast %squeeze3A_2292 : f32 to vector<16xf32>
        %mul3A_2294 = arith.mulf %get3A_2225, %mul3A_2293 : vector<16xf32>
        %add3A_2295 = arith.addf %add3A_2010, %mul3A_2294 : vector<16xf32>
        %slice3A_2296 = vector.extract_strided_slice %get3A_2175 {offsets = [0], sizes = [1], strides = [1]} : vector<16xf32> to vector<1xf32>
        %squeeze3A_2297 = vector.extract %slice3A_2296[0] : f32 from vector<1xf32>
        %mul3A_2298 = vector.broadcast %squeeze3A_2297 : f32 to vector<16xf32>
        %mul3A_2299 = arith.mulf %get3A_2225, %mul3A_2298 : vector<16xf32>
        %add3A_2300 = arith.addf %add3A_2015, %mul3A_2299 : vector<16xf32>
        %slice3A_2301 = vector.extract_strided_slice %get3A_2184 {offsets = [0], sizes = [1], strides = [1]} : vector<16xf32> to vector<1xf32>
        %squeeze3A_2302 = vector.extract %slice3A_2301[0] : f32 from vector<1xf32>
        %mul3A_2303 = vector.broadcast %squeeze3A_2302 : f32 to vector<16xf32>
        %mul3A_2304 = arith.mulf %get3A_2225, %mul3A_2303 : vector<16xf32>
        %add3A_2305 = arith.addf %add3A_2020, %mul3A_2304 : vector<16xf32>
        %slice3A_2306 = vector.extract_strided_slice %get3A_2193 {offsets = [0], sizes = [1], strides = [1]} : vector<16xf32> to vector<1xf32>
        %squeeze3A_2307 = vector.extract %slice3A_2306[0] : f32 from vector<1xf32>
        %mul3A_2308 = vector.broadcast %squeeze3A_2307 : f32 to vector<16xf32>
        %mul3A_2309 = arith.mulf %get3A_2225, %mul3A_2308 : vector<16xf32>
        %add3A_2310 = arith.addf %add3A_2025, %mul3A_2309 : vector<16xf32>
        %slice3A_2311 = vector.extract_strided_slice %get3A_2202 {offsets = [0], sizes = [1], strides = [1]} : vector<16xf32> to vector<1xf32>
        %squeeze3A_2312 = vector.extract %slice3A_2311[0] : f32 from vector<1xf32>
        %mul3A_2313 = vector.broadcast %squeeze3A_2312 : f32 to vector<16xf32>
        %mul3A_2314 = arith.mulf %get3A_2225, %mul3A_2313 : vector<16xf32>
        %add3A_2315 = arith.addf %add3A_2030, %mul3A_2314 : vector<16xf32>
        %slice3A_2316 = vector.extract_strided_slice %get3A_2211 {offsets = [0], sizes = [1], strides = [1]} : vector<16xf32> to vector<1xf32>
        %squeeze3A_2317 = vector.extract %slice3A_2316[0] : f32 from vector<1xf32>
        %mul3A_2318 = vector.broadcast %squeeze3A_2317 : f32 to vector<16xf32>
        %mul3A_2319 = arith.mulf %get3A_2225, %mul3A_2318 : vector<16xf32>
        %add3A_2320 = arith.addf %add3A_2035, %mul3A_2319 : vector<16xf32>
        %slice3A_2321 = vector.extract_strided_slice %get3A_2220 {offsets = [0], sizes = [1], strides = [1]} : vector<16xf32> to vector<1xf32>
        %squeeze3A_2322 = vector.extract %slice3A_2321[0] : f32 from vector<1xf32>
        %mul3A_2323 = vector.broadcast %squeeze3A_2322 : f32 to vector<16xf32>
        %mul3A_2324 = arith.mulf %get3A_2225, %mul3A_2323 : vector<16xf32>
        %add3A_2325 = arith.addf %add3A_2040, %mul3A_2324 : vector<16xf32>
        %get3A_2326 = arith.constant 17 : i32
        %get3A_2327 = arith.index_cast %get3A_2326 : i32 to index
        %get3A_2328 = arith.index_cast %mul3A_26 : i32 to index
        %get3A_2329 = tpu.vector_load %arg5[%get3A_2327, %get3A_2328] {strides = array<i32>} : memref<32x1024xf32, #tpu.memory_space<vmem>>, vector<1x16xf32>,
        %get3A_2330 = vector.shape_cast %get3A_2329 : vector<1x16xf32> to vector<16xf32>
        %slice3A_2331 = vector.extract_strided_slice %get3A_2049 {offsets = [1], sizes = [1], strides = [1]} : vector<16xf32> to vector<1xf32>
        %squeeze3A_2332 = vector.extract %slice3A_2331[0] : f32 from vector<1xf32>
        %mul3A_2333 = vector.broadcast %squeeze3A_2332 : f32 to vector<16xf32>
        %mul3A_2334 = arith.mulf %get3A_2330, %mul3A_2333 : vector<16xf32>
        %add3A_2335 = arith.addf %add3A_2230, %mul3A_2334 : vector<16xf32>
        %slice3A_2336 = vector.extract_strided_slice %get3A_2058 {offsets = [1], sizes = [1], strides = [1]} : vector<16xf32> to vector<1xf32>
        %squeeze3A_2337 = vector.extract %slice3A_2336[0] : f32 from vector<1xf32>
        %mul3A_2338 = vector.broadcast %squeeze3A_2337 : f32 to vector<16xf32>
        %mul3A_2339 = arith.mulf %get3A_2330, %mul3A_2338 : vector<16xf32>
        %add3A_2340 = arith.addf %add3A_2235, %mul3A_2339 : vector<16xf32>
        %slice3A_2341 = vector.extract_strided_slice %get3A_2067 {offsets = [1], sizes = [1], strides = [1]} : vector<16xf32> to vector<1xf32>
        %squeeze3A_2342 = vector.extract %slice3A_2341[0] : f32 from vector<1xf32>
        %mul3A_2343 = vector.broadcast %squeeze3A_2342 : f32 to vector<16xf32>
        %mul3A_2344 = arith.mulf %get3A_2330, %mul3A_2343 : vector<16xf32>
        %add3A_2345 = arith.addf %add3A_2240, %mul3A_2344 : vector<16xf32>
        %slice3A_2346 = vector.extract_strided_slice %get3A_2076 {offsets = [1], sizes = [1], strides = [1]} : vector<16xf32> to vector<1xf32>
        %squeeze3A_2347 = vector.extract %slice3A_2346[0] : f32 from vector<1xf32>
        %mul3A_2348 = vector.broadcast %squeeze3A_2347 : f32 to vector<16xf32>
        %mul3A_2349 = arith.mulf %get3A_2330, %mul3A_2348 : vector<16xf32>
        %add3A_2350 = arith.addf %add3A_2245, %mul3A_2349 : vector<16xf32>
        %slice3A_2351 = vector.extract_strided_slice %get3A_2085 {offsets = [1], sizes = [1], strides = [1]} : vector<16xf32> to vector<1xf32>
        %squeeze3A_2352 = vector.extract %slice3A_2351[0] : f32 from vector<1xf32>
        %mul3A_2353 = vector.broadcast %squeeze3A_2352 : f32 to vector<16xf32>
        %mul3A_2354 = arith.mulf %get3A_2330, %mul3A_2353 : vector<16xf32>
        %add3A_2355 = arith.addf %add3A_2250, %mul3A_2354 : vector<16xf32>
        %slice3A_2356 = vector.extract_strided_slice %get3A_2094 {offsets = [1], sizes = [1], strides = [1]} : vector<16xf32> to vector<1xf32>
        %squeeze3A_2357 = vector.extract %slice3A_2356[0] : f32 from vector<1xf32>
        %mul3A_2358 = vector.broadcast %squeeze3A_2357 : f32 to vector<16xf32>
        %mul3A_2359 = arith.mulf %get3A_2330, %mul3A_2358 : vector<16xf32>
        %add3A_2360 = arith.addf %add3A_2255, %mul3A_2359 : vector<16xf32>
        %slice3A_2361 = vector.extract_strided_slice %get3A_2103 {offsets = [1], sizes = [1], strides = [1]} : vector<16xf32> to vector<1xf32>
        %squeeze3A_2362 = vector.extract %slice3A_2361[0] : f32 from vector<1xf32>
        %mul3A_2363 = vector.broadcast %squeeze3A_2362 : f32 to vector<16xf32>
        %mul3A_2364 = arith.mulf %get3A_2330, %mul3A_2363 : vector<16xf32>
        %add3A_2365 = arith.addf %add3A_2260, %mul3A_2364 : vector<16xf32>
        %slice3A_2366 = vector.extract_strided_slice %get3A_2112 {offsets = [1], sizes = [1], strides = [1]} : vector<16xf32> to vector<1xf32>
        %squeeze3A_2367 = vector.extract %slice3A_2366[0] : f32 from vector<1xf32>
        %mul3A_2368 = vector.broadcast %squeeze3A_2367 : f32 to vector<16xf32>
        %mul3A_2369 = arith.mulf %get3A_2330, %mul3A_2368 : vector<16xf32>
        %add3A_2370 = arith.addf %add3A_2265, %mul3A_2369 : vector<16xf32>
        %slice3A_2371 = vector.extract_strided_slice %get3A_2121 {offsets = [1], sizes = [1], strides = [1]} : vector<16xf32> to vector<1xf32>
        %squeeze3A_2372 = vector.extract %slice3A_2371[0] : f32 from vector<1xf32>
        %mul3A_2373 = vector.broadcast %squeeze3A_2372 : f32 to vector<16xf32>
        %mul3A_2374 = arith.mulf %get3A_2330, %mul3A_2373 : vector<16xf32>
        %add3A_2375 = arith.addf %add3A_2270, %mul3A_2374 : vector<16xf32>
        %slice3A_2376 = vector.extract_strided_slice %get3A_2130 {offsets = [1], sizes = [1], strides = [1]} : vector<16xf32> to vector<1xf32>
        %squeeze3A_2377 = vector.extract %slice3A_2376[0] : f32 from vector<1xf32>
        %mul3A_2378 = vector.broadcast %squeeze3A_2377 : f32 to vector<16xf32>
        %mul3A_2379 = arith.mulf %get3A_2330, %mul3A_2378 : vector<16xf32>
        %add3A_2380 = arith.addf %add3A_2275, %mul3A_2379 : vector<16xf32>
        %slice3A_2381 = vector.extract_strided_slice %get3A_2139 {offsets = [1], sizes = [1], strides = [1]} : vector<16xf32> to vector<1xf32>
        %squeeze3A_2382 = vector.extract %slice3A_2381[0] : f32 from vector<1xf32>
        %mul3A_2383 = vector.broadcast %squeeze3A_2382 : f32 to vector<16xf32>
        %mul3A_2384 = arith.mulf %get3A_2330, %mul3A_2383 : vector<16xf32>
        %add3A_2385 = arith.addf %add3A_2280, %mul3A_2384 : vector<16xf32>
        %slice3A_2386 = vector.extract_strided_slice %get3A_2148 {offsets = [1], sizes = [1], strides = [1]} : vector<16xf32> to vector<1xf32>
        %squeeze3A_2387 = vector.extract %slice3A_2386[0] : f32 from vector<1xf32>
        %mul3A_2388 = vector.broadcast %squeeze3A_2387 : f32 to vector<16xf32>
        %mul3A_2389 = arith.mulf %get3A_2330, %mul3A_2388 : vector<16xf32>
        %add3A_2390 = arith.addf %add3A_2285, %mul3A_2389 : vector<16xf32>
        %slice3A_2391 = vector.extract_strided_slice %get3A_2157 {offsets = [1], sizes = [1], strides = [1]} : vector<16xf32> to vector<1xf32>
        %squeeze3A_2392 = vector.extract %slice3A_2391[0] : f32 from vector<1xf32>
        %mul3A_2393 = vector.broadcast %squeeze3A_2392 : f32 to vector<16xf32>
        %mul3A_2394 = arith.mulf %get3A_2330, %mul3A_2393 : vector<16xf32>
        %add3A_2395 = arith.addf %add3A_2290, %mul3A_2394 : vector<16xf32>
        %slice3A_2396 = vector.extract_strided_slice %get3A_2166 {offsets = [1], sizes = [1], strides = [1]} : vector<16xf32> to vector<1xf32>
        %squeeze3A_2397 = vector.extract %slice3A_2396[0] : f32 from vector<1xf32>
        %mul3A_2398 = vector.broadcast %squeeze3A_2397 : f32 to vector<16xf32>
        %mul3A_2399 = arith.mulf %get3A_2330, %mul3A_2398 : vector<16xf32>
        %add3A_2400 = arith.addf %add3A_2295, %mul3A_2399 : vector<16xf32>
        %slice3A_2401 = vector.extract_strided_slice %get3A_2175 {offsets = [1], sizes = [1], strides = [1]} : vector<16xf32> to vector<1xf32>
        %squeeze3A_2402 = vector.extract %slice3A_2401[0] : f32 from vector<1xf32>
        %mul3A_2403 = vector.broadcast %squeeze3A_2402 : f32 to vector<16xf32>
        %mul3A_2404 = arith.mulf %get3A_2330, %mul3A_2403 : vector<16xf32>
        %add3A_2405 = arith.addf %add3A_2300, %mul3A_2404 : vector<16xf32>
        %slice3A_2406 = vector.extract_strided_slice %get3A_2184 {offsets = [1], sizes = [1], strides = [1]} : vector<16xf32> to vector<1xf32>
        %squeeze3A_2407 = vector.extract %slice3A_2406[0] : f32 from vector<1xf32>
        %mul3A_2408 = vector.broadcast %squeeze3A_2407 : f32 to vector<16xf32>
        %mul3A_2409 = arith.mulf %get3A_2330, %mul3A_2408 : vector<16xf32>
        %add3A_2410 = arith.addf %add3A_2305, %mul3A_2409 : vector<16xf32>
        %slice3A_2411 = vector.extract_strided_slice %get3A_2193 {offsets = [1], sizes = [1], strides = [1]} : vector<16xf32> to vector<1xf32>
        %squeeze3A_2412 = vector.extract %slice3A_2411[0] : f32 from vector<1xf32>
        %mul3A_2413 = vector.broadcast %squeeze3A_2412 : f32 to vector<16xf32>
        %mul3A_2414 = arith.mulf %get3A_2330, %mul3A_2413 : vector<16xf32>
        %add3A_2415 = arith.addf %add3A_2310, %mul3A_2414 : vector<16xf32>
        %slice3A_2416 = vector.extract_strided_slice %get3A_2202 {offsets = [1], sizes = [1], strides = [1]} : vector<16xf32> to vector<1xf32>
        %squeeze3A_2417 = vector.extract %slice3A_2416[0] : f32 from vector<1xf32>
        %mul3A_2418 = vector.broadcast %squeeze3A_2417 : f32 to vector<16xf32>
        %mul3A_2419 = arith.mulf %get3A_2330, %mul3A_2418 : vector<16xf32>
        %add3A_2420 = arith.addf %add3A_2315, %mul3A_2419 : vector<16xf32>
        %slice3A_2421 = vector.extract_strided_slice %get3A_2211 {offsets = [1], sizes = [1], strides = [1]} : vector<16xf32> to vector<1xf32>
        %squeeze3A_2422 = vector.extract %slice3A_2421[0] : f32 from vector<1xf32>
        %mul3A_2423 = vector.broadcast %squeeze3A_2422 : f32 to vector<16xf32>
        %mul3A_2424 = arith.mulf %get3A_2330, %mul3A_2423 : vector<16xf32>
        %add3A_2425 = arith.addf %add3A_2320, %mul3A_2424 : vector<16xf32>
        %slice3A_2426 = vector.extract_strided_slice %get3A_2220 {offsets = [1], sizes = [1], strides = [1]} : vector<16xf32> to vector<1xf32>
        %squeeze3A_2427 = vector.extract %slice3A_2426[0] : f32 from vector<1xf32>
        %mul3A_2428 = vector.broadcast %squeeze3A_2427 : f32 to vector<16xf32>
        %mul3A_2429 = arith.mulf %get3A_2330, %mul3A_2428 : vector<16xf32>
        %add3A_2430 = arith.addf %add3A_2325, %mul3A_2429 : vector<16xf32>
        %get3A_2431 = arith.constant 18 : i32
        %get3A_2432 = arith.index_cast %get3A_2431 : i32 to index
        %get3A_2433 = arith.index_cast %mul3A_26 : i32 to index
        %get3A_2434 = tpu.vector_load %arg5[%get3A_2432, %get3A_2433] {strides = array<i32>} : memref<32x1024xf32, #tpu.memory_space<vmem>>, vector<1x16xf32>,
        %get3A_2435 = vector.shape_cast %get3A_2434 : vector<1x16xf32> to vector<16xf32>
        %slice3A_2436 = vector.extract_strided_slice %get3A_2049 {offsets = [2], sizes = [1], strides = [1]} : vector<16xf32> to vector<1xf32>
        %squeeze3A_2437 = vector.extract %slice3A_2436[0] : f32 from vector<1xf32>
        %mul3A_2438 = vector.broadcast %squeeze3A_2437 : f32 to vector<16xf32>
        %mul3A_2439 = arith.mulf %get3A_2435, %mul3A_2438 : vector<16xf32>
        %add3A_2440 = arith.addf %add3A_2335, %mul3A_2439 : vector<16xf32>
        %slice3A_2441 = vector.extract_strided_slice %get3A_2058 {offsets = [2], sizes = [1], strides = [1]} : vector<16xf32> to vector<1xf32>
        %squeeze3A_2442 = vector.extract %slice3A_2441[0] : f32 from vector<1xf32>
        %mul3A_2443 = vector.broadcast %squeeze3A_2442 : f32 to vector<16xf32>
        %mul3A_2444 = arith.mulf %get3A_2435, %mul3A_2443 : vector<16xf32>
        %add3A_2445 = arith.addf %add3A_2340, %mul3A_2444 : vector<16xf32>
        %slice3A_2446 = vector.extract_strided_slice %get3A_2067 {offsets = [2], sizes = [1], strides = [1]} : vector<16xf32> to vector<1xf32>
        %squeeze3A_2447 = vector.extract %slice3A_2446[0] : f32 from vector<1xf32>
        %mul3A_2448 = vector.broadcast %squeeze3A_2447 : f32 to vector<16xf32>
        %mul3A_2449 = arith.mulf %get3A_2435, %mul3A_2448 : vector<16xf32>
        %add3A_2450 = arith.addf %add3A_2345, %mul3A_2449 : vector<16xf32>
        %slice3A_2451 = vector.extract_strided_slice %get3A_2076 {offsets = [2], sizes = [1], strides = [1]} : vector<16xf32> to vector<1xf32>
        %squeeze3A_2452 = vector.extract %slice3A_2451[0] : f32 from vector<1xf32>
        %mul3A_2453 = vector.broadcast %squeeze3A_2452 : f32 to vector<16xf32>
        %mul3A_2454 = arith.mulf %get3A_2435, %mul3A_2453 : vector<16xf32>
        %add3A_2455 = arith.addf %add3A_2350, %mul3A_2454 : vector<16xf32>
        %slice3A_2456 = vector.extract_strided_slice %get3A_2085 {offsets = [2], sizes = [1], strides = [1]} : vector<16xf32> to vector<1xf32>
        %squeeze3A_2457 = vector.extract %slice3A_2456[0] : f32 from vector<1xf32>
        %mul3A_2458 = vector.broadcast %squeeze3A_2457 : f32 to vector<16xf32>
        %mul3A_2459 = arith.mulf %get3A_2435, %mul3A_2458 : vector<16xf32>
        %add3A_2460 = arith.addf %add3A_2355, %mul3A_2459 : vector<16xf32>
        %slice3A_2461 = vector.extract_strided_slice %get3A_2094 {offsets = [2], sizes = [1], strides = [1]} : vector<16xf32> to vector<1xf32>
        %squeeze3A_2462 = vector.extract %slice3A_2461[0] : f32 from vector<1xf32>
        %mul3A_2463 = vector.broadcast %squeeze3A_2462 : f32 to vector<16xf32>
        %mul3A_2464 = arith.mulf %get3A_2435, %mul3A_2463 : vector<16xf32>
        %add3A_2465 = arith.addf %add3A_2360, %mul3A_2464 : vector<16xf32>
        %slice3A_2466 = vector.extract_strided_slice %get3A_2103 {offsets = [2], sizes = [1], strides = [1]} : vector<16xf32> to vector<1xf32>
        %squeeze3A_2467 = vector.extract %slice3A_2466[0] : f32 from vector<1xf32>
        %mul3A_2468 = vector.broadcast %squeeze3A_2467 : f32 to vector<16xf32>
        %mul3A_2469 = arith.mulf %get3A_2435, %mul3A_2468 : vector<16xf32>
        %add3A_2470 = arith.addf %add3A_2365, %mul3A_2469 : vector<16xf32>
        %slice3A_2471 = vector.extract_strided_slice %get3A_2112 {offsets = [2], sizes = [1], strides = [1]} : vector<16xf32> to vector<1xf32>
        %squeeze3A_2472 = vector.extract %slice3A_2471[0] : f32 from vector<1xf32>
        %mul3A_2473 = vector.broadcast %squeeze3A_2472 : f32 to vector<16xf32>
        %mul3A_2474 = arith.mulf %get3A_2435, %mul3A_2473 : vector<16xf32>
        %add3A_2475 = arith.addf %add3A_2370, %mul3A_2474 : vector<16xf32>
        %slice3A_2476 = vector.extract_strided_slice %get3A_2121 {offsets = [2], sizes = [1], strides = [1]} : vector<16xf32> to vector<1xf32>
        %squeeze3A_2477 = vector.extract %slice3A_2476[0] : f32 from vector<1xf32>
        %mul3A_2478 = vector.broadcast %squeeze3A_2477 : f32 to vector<16xf32>
        %mul3A_2479 = arith.mulf %get3A_2435, %mul3A_2478 : vector<16xf32>
        %add3A_2480 = arith.addf %add3A_2375, %mul3A_2479 : vector<16xf32>
        %slice3A_2481 = vector.extract_strided_slice %get3A_2130 {offsets = [2], sizes = [1], strides = [1]} : vector<16xf32> to vector<1xf32>
        %squeeze3A_2482 = vector.extract %slice3A_2481[0] : f32 from vector<1xf32>
        %mul3A_2483 = vector.broadcast %squeeze3A_2482 : f32 to vector<16xf32>
        %mul3A_2484 = arith.mulf %get3A_2435, %mul3A_2483 : vector<16xf32>
        %add3A_2485 = arith.addf %add3A_2380, %mul3A_2484 : vector<16xf32>
        %slice3A_2486 = vector.extract_strided_slice %get3A_2139 {offsets = [2], sizes = [1], strides = [1]} : vector<16xf32> to vector<1xf32>
        %squeeze3A_2487 = vector.extract %slice3A_2486[0] : f32 from vector<1xf32>
        %mul3A_2488 = vector.broadcast %squeeze3A_2487 : f32 to vector<16xf32>
        %mul3A_2489 = arith.mulf %get3A_2435, %mul3A_2488 : vector<16xf32>
        %add3A_2490 = arith.addf %add3A_2385, %mul3A_2489 : vector<16xf32>
        %slice3A_2491 = vector.extract_strided_slice %get3A_2148 {offsets = [2], sizes = [1], strides = [1]} : vector<16xf32> to vector<1xf32>
        %squeeze3A_2492 = vector.extract %slice3A_2491[0] : f32 from vector<1xf32>
        %mul3A_2493 = vector.broadcast %squeeze3A_2492 : f32 to vector<16xf32>
        %mul3A_2494 = arith.mulf %get3A_2435, %mul3A_2493 : vector<16xf32>
        %add3A_2495 = arith.addf %add3A_2390, %mul3A_2494 : vector<16xf32>
        %slice3A_2496 = vector.extract_strided_slice %get3A_2157 {offsets = [2], sizes = [1], strides = [1]} : vector<16xf32> to vector<1xf32>
        %squeeze3A_2497 = vector.extract %slice3A_2496[0] : f32 from vector<1xf32>
        %mul3A_2498 = vector.broadcast %squeeze3A_2497 : f32 to vector<16xf32>
        %mul3A_2499 = arith.mulf %get3A_2435, %mul3A_2498 : vector<16xf32>
        %add3A_2500 = arith.addf %add3A_2395, %mul3A_2499 : vector<16xf32>
        %slice3A_2501 = vector.extract_strided_slice %get3A_2166 {offsets = [2], sizes = [1], strides = [1]} : vector<16xf32> to vector<1xf32>
        %squeeze3A_2502 = vector.extract %slice3A_2501[0] : f32 from vector<1xf32>
        %mul3A_2503 = vector.broadcast %squeeze3A_2502 : f32 to vector<16xf32>
        %mul3A_2504 = arith.mulf %get3A_2435, %mul3A_2503 : vector<16xf32>
        %add3A_2505 = arith.addf %add3A_2400, %mul3A_2504 : vector<16xf32>
        %slice3A_2506 = vector.extract_strided_slice %get3A_2175 {offsets = [2], sizes = [1], strides = [1]} : vector<16xf32> to vector<1xf32>
        %squeeze3A_2507 = vector.extract %slice3A_2506[0] : f32 from vector<1xf32>
        %mul3A_2508 = vector.broadcast %squeeze3A_2507 : f32 to vector<16xf32>
        %mul3A_2509 = arith.mulf %get3A_2435, %mul3A_2508 : vector<16xf32>
        %add3A_2510 = arith.addf %add3A_2405, %mul3A_2509 : vector<16xf32>
        %slice3A_2511 = vector.extract_strided_slice %get3A_2184 {offsets = [2], sizes = [1], strides = [1]} : vector<16xf32> to vector<1xf32>
        %squeeze3A_2512 = vector.extract %slice3A_2511[0] : f32 from vector<1xf32>
        %mul3A_2513 = vector.broadcast %squeeze3A_2512 : f32 to vector<16xf32>
        %mul3A_2514 = arith.mulf %get3A_2435, %mul3A_2513 : vector<16xf32>
        %add3A_2515 = arith.addf %add3A_2410, %mul3A_2514 : vector<16xf32>
        %slice3A_2516 = vector.extract_strided_slice %get3A_2193 {offsets = [2], sizes = [1], strides = [1]} : vector<16xf32> to vector<1xf32>
        %squeeze3A_2517 = vector.extract %slice3A_2516[0] : f32 from vector<1xf32>
        %mul3A_2518 = vector.broadcast %squeeze3A_2517 : f32 to vector<16xf32>
        %mul3A_2519 = arith.mulf %get3A_2435, %mul3A_2518 : vector<16xf32>
        %add3A_2520 = arith.addf %add3A_2415, %mul3A_2519 : vector<16xf32>
        %slice3A_2521 = vector.extract_strided_slice %get3A_2202 {offsets = [2], sizes = [1], strides = [1]} : vector<16xf32> to vector<1xf32>
        %squeeze3A_2522 = vector.extract %slice3A_2521[0] : f32 from vector<1xf32>
        %mul3A_2523 = vector.broadcast %squeeze3A_2522 : f32 to vector<16xf32>
        %mul3A_2524 = arith.mulf %get3A_2435, %mul3A_2523 : vector<16xf32>
        %add3A_2525 = arith.addf %add3A_2420, %mul3A_2524 : vector<16xf32>
        %slice3A_2526 = vector.extract_strided_slice %get3A_2211 {offsets = [2], sizes = [1], strides = [1]} : vector<16xf32> to vector<1xf32>
        %squeeze3A_2527 = vector.extract %slice3A_2526[0] : f32 from vector<1xf32>
        %mul3A_2528 = vector.broadcast %squeeze3A_2527 : f32 to vector<16xf32>
        %mul3A_2529 = arith.mulf %get3A_2435, %mul3A_2528 : vector<16xf32>
        %add3A_2530 = arith.addf %add3A_2425, %mul3A_2529 : vector<16xf32>
        %slice3A_2531 = vector.extract_strided_slice %get3A_2220 {offsets = [2], sizes = [1], strides = [1]} : vector<16xf32> to vector<1xf32>
        %squeeze3A_2532 = vector.extract %slice3A_2531[0] : f32 from vector<1xf32>
        %mul3A_2533 = vector.broadcast %squeeze3A_2532 : f32 to vector<16xf32>
        %mul3A_2534 = arith.mulf %get3A_2435, %mul3A_2533 : vector<16xf32>
        %add3A_2535 = arith.addf %add3A_2430, %mul3A_2534 : vector<16xf32>
        %get3A_2536 = arith.constant 19 : i32
        %get3A_2537 = arith.index_cast %get3A_2536 : i32 to index
        %get3A_2538 = arith.index_cast %mul3A_26 : i32 to index
        %get3A_2539 = tpu.vector_load %arg5[%get3A_2537, %get3A_2538] {strides = array<i32>} : memref<32x1024xf32, #tpu.memory_space<vmem>>, vector<1x16xf32>,
        %get3A_2540 = vector.shape_cast %get3A_2539 : vector<1x16xf32> to vector<16xf32>
        %slice3A_2541 = vector.extract_strided_slice %get3A_2049 {offsets = [3], sizes = [1], strides = [1]} : vector<16xf32> to vector<1xf32>
        %squeeze3A_2542 = vector.extract %slice3A_2541[0] : f32 from vector<1xf32>
        %mul3A_2543 = vector.broadcast %squeeze3A_2542 : f32 to vector<16xf32>
        %mul3A_2544 = arith.mulf %get3A_2540, %mul3A_2543 : vector<16xf32>
        %add3A_2545 = arith.addf %add3A_2440, %mul3A_2544 : vector<16xf32>
        %slice3A_2546 = vector.extract_strided_slice %get3A_2058 {offsets = [3], sizes = [1], strides = [1]} : vector<16xf32> to vector<1xf32>
        %squeeze3A_2547 = vector.extract %slice3A_2546[0] : f32 from vector<1xf32>
        %mul3A_2548 = vector.broadcast %squeeze3A_2547 : f32 to vector<16xf32>
        %mul3A_2549 = arith.mulf %get3A_2540, %mul3A_2548 : vector<16xf32>
        %add3A_2550 = arith.addf %add3A_2445, %mul3A_2549 : vector<16xf32>
        %slice3A_2551 = vector.extract_strided_slice %get3A_2067 {offsets = [3], sizes = [1], strides = [1]} : vector<16xf32> to vector<1xf32>
        %squeeze3A_2552 = vector.extract %slice3A_2551[0] : f32 from vector<1xf32>
        %mul3A_2553 = vector.broadcast %squeeze3A_2552 : f32 to vector<16xf32>
        %mul3A_2554 = arith.mulf %get3A_2540, %mul3A_2553 : vector<16xf32>
        %add3A_2555 = arith.addf %add3A_2450, %mul3A_2554 : vector<16xf32>
        %slice3A_2556 = vector.extract_strided_slice %get3A_2076 {offsets = [3], sizes = [1], strides = [1]} : vector<16xf32> to vector<1xf32>
        %squeeze3A_2557 = vector.extract %slice3A_2556[0] : f32 from vector<1xf32>
        %mul3A_2558 = vector.broadcast %squeeze3A_2557 : f32 to vector<16xf32>
        %mul3A_2559 = arith.mulf %get3A_2540, %mul3A_2558 : vector<16xf32>
        %add3A_2560 = arith.addf %add3A_2455, %mul3A_2559 : vector<16xf32>
        %slice3A_2561 = vector.extract_strided_slice %get3A_2085 {offsets = [3], sizes = [1], strides = [1]} : vector<16xf32> to vector<1xf32>
        %squeeze3A_2562 = vector.extract %slice3A_2561[0] : f32 from vector<1xf32>
        %mul3A_2563 = vector.broadcast %squeeze3A_2562 : f32 to vector<16xf32>
        %mul3A_2564 = arith.mulf %get3A_2540, %mul3A_2563 : vector<16xf32>
        %add3A_2565 = arith.addf %add3A_2460, %mul3A_2564 : vector<16xf32>
        %slice3A_2566 = vector.extract_strided_slice %get3A_2094 {offsets = [3], sizes = [1], strides = [1]} : vector<16xf32> to vector<1xf32>
        %squeeze3A_2567 = vector.extract %slice3A_2566[0] : f32 from vector<1xf32>
        %mul3A_2568 = vector.broadcast %squeeze3A_2567 : f32 to vector<16xf32>
        %mul3A_2569 = arith.mulf %get3A_2540, %mul3A_2568 : vector<16xf32>
        %add3A_2570 = arith.addf %add3A_2465, %mul3A_2569 : vector<16xf32>
        %slice3A_2571 = vector.extract_strided_slice %get3A_2103 {offsets = [3], sizes = [1], strides = [1]} : vector<16xf32> to vector<1xf32>
        %squeeze3A_2572 = vector.extract %slice3A_2571[0] : f32 from vector<1xf32>
        %mul3A_2573 = vector.broadcast %squeeze3A_2572 : f32 to vector<16xf32>
        %mul3A_2574 = arith.mulf %get3A_2540, %mul3A_2573 : vector<16xf32>
        %add3A_2575 = arith.addf %add3A_2470, %mul3A_2574 : vector<16xf32>
        %slice3A_2576 = vector.extract_strided_slice %get3A_2112 {offsets = [3], sizes = [1], strides = [1]} : vector<16xf32> to vector<1xf32>
        %squeeze3A_2577 = vector.extract %slice3A_2576[0] : f32 from vector<1xf32>
        %mul3A_2578 = vector.broadcast %squeeze3A_2577 : f32 to vector<16xf32>
        %mul3A_2579 = arith.mulf %get3A_2540, %mul3A_2578 : vector<16xf32>
        %add3A_2580 = arith.addf %add3A_2475, %mul3A_2579 : vector<16xf32>
        %slice3A_2581 = vector.extract_strided_slice %get3A_2121 {offsets = [3], sizes = [1], strides = [1]} : vector<16xf32> to vector<1xf32>
        %squeeze3A_2582 = vector.extract %slice3A_2581[0] : f32 from vector<1xf32>
        %mul3A_2583 = vector.broadcast %squeeze3A_2582 : f32 to vector<16xf32>
        %mul3A_2584 = arith.mulf %get3A_2540, %mul3A_2583 : vector<16xf32>
        %add3A_2585 = arith.addf %add3A_2480, %mul3A_2584 : vector<16xf32>
        %slice3A_2586 = vector.extract_strided_slice %get3A_2130 {offsets = [3], sizes = [1], strides = [1]} : vector<16xf32> to vector<1xf32>
        %squeeze3A_2587 = vector.extract %slice3A_2586[0] : f32 from vector<1xf32>
        %mul3A_2588 = vector.broadcast %squeeze3A_2587 : f32 to vector<16xf32>
        %mul3A_2589 = arith.mulf %get3A_2540, %mul3A_2588 : vector<16xf32>
        %add3A_2590 = arith.addf %add3A_2485, %mul3A_2589 : vector<16xf32>
        %slice3A_2591 = vector.extract_strided_slice %get3A_2139 {offsets = [3], sizes = [1], strides = [1]} : vector<16xf32> to vector<1xf32>
        %squeeze3A_2592 = vector.extract %slice3A_2591[0] : f32 from vector<1xf32>
        %mul3A_2593 = vector.broadcast %squeeze3A_2592 : f32 to vector<16xf32>
        %mul3A_2594 = arith.mulf %get3A_2540, %mul3A_2593 : vector<16xf32>
        %add3A_2595 = arith.addf %add3A_2490, %mul3A_2594 : vector<16xf32>
        %slice3A_2596 = vector.extract_strided_slice %get3A_2148 {offsets = [3], sizes = [1], strides = [1]} : vector<16xf32> to vector<1xf32>
        %squeeze3A_2597 = vector.extract %slice3A_2596[0] : f32 from vector<1xf32>
        %mul3A_2598 = vector.broadcast %squeeze3A_2597 : f32 to vector<16xf32>
        %mul3A_2599 = arith.mulf %get3A_2540, %mul3A_2598 : vector<16xf32>
        %add3A_2600 = arith.addf %add3A_2495, %mul3A_2599 : vector<16xf32>
        %slice3A_2601 = vector.extract_strided_slice %get3A_2157 {offsets = [3], sizes = [1], strides = [1]} : vector<16xf32> to vector<1xf32>
        %squeeze3A_2602 = vector.extract %slice3A_2601[0] : f32 from vector<1xf32>
        %mul3A_2603 = vector.broadcast %squeeze3A_2602 : f32 to vector<16xf32>
        %mul3A_2604 = arith.mulf %get3A_2540, %mul3A_2603 : vector<16xf32>
        %add3A_2605 = arith.addf %add3A_2500, %mul3A_2604 : vector<16xf32>
        %slice3A_2606 = vector.extract_strided_slice %get3A_2166 {offsets = [3], sizes = [1], strides = [1]} : vector<16xf32> to vector<1xf32>
        %squeeze3A_2607 = vector.extract %slice3A_2606[0] : f32 from vector<1xf32>
        %mul3A_2608 = vector.broadcast %squeeze3A_2607 : f32 to vector<16xf32>
        %mul3A_2609 = arith.mulf %get3A_2540, %mul3A_2608 : vector<16xf32>
        %add3A_2610 = arith.addf %add3A_2505, %mul3A_2609 : vector<16xf32>
        %slice3A_2611 = vector.extract_strided_slice %get3A_2175 {offsets = [3], sizes = [1], strides = [1]} : vector<16xf32> to vector<1xf32>
        %squeeze3A_2612 = vector.extract %slice3A_2611[0] : f32 from vector<1xf32>
        %mul3A_2613 = vector.broadcast %squeeze3A_2612 : f32 to vector<16xf32>
        %mul3A_2614 = arith.mulf %get3A_2540, %mul3A_2613 : vector<16xf32>
        %add3A_2615 = arith.addf %add3A_2510, %mul3A_2614 : vector<16xf32>
        %slice3A_2616 = vector.extract_strided_slice %get3A_2184 {offsets = [3], sizes = [1], strides = [1]} : vector<16xf32> to vector<1xf32>
        %squeeze3A_2617 = vector.extract %slice3A_2616[0] : f32 from vector<1xf32>
        %mul3A_2618 = vector.broadcast %squeeze3A_2617 : f32 to vector<16xf32>
        %mul3A_2619 = arith.mulf %get3A_2540, %mul3A_2618 : vector<16xf32>
        %add3A_2620 = arith.addf %add3A_2515, %mul3A_2619 : vector<16xf32>
        %slice3A_2621 = vector.extract_strided_slice %get3A_2193 {offsets = [3], sizes = [1], strides = [1]} : vector<16xf32> to vector<1xf32>
        %squeeze3A_2622 = vector.extract %slice3A_2621[0] : f32 from vector<1xf32>
        %mul3A_2623 = vector.broadcast %squeeze3A_2622 : f32 to vector<16xf32>
        %mul3A_2624 = arith.mulf %get3A_2540, %mul3A_2623 : vector<16xf32>
        %add3A_2625 = arith.addf %add3A_2520, %mul3A_2624 : vector<16xf32>
        %slice3A_2626 = vector.extract_strided_slice %get3A_2202 {offsets = [3], sizes = [1], strides = [1]} : vector<16xf32> to vector<1xf32>
        %squeeze3A_2627 = vector.extract %slice3A_2626[0] : f32 from vector<1xf32>
        %mul3A_2628 = vector.broadcast %squeeze3A_2627 : f32 to vector<16xf32>
        %mul3A_2629 = arith.mulf %get3A_2540, %mul3A_2628 : vector<16xf32>
        %add3A_2630 = arith.addf %add3A_2525, %mul3A_2629 : vector<16xf32>
        %slice3A_2631 = vector.extract_strided_slice %get3A_2211 {offsets = [3], sizes = [1], strides = [1]} : vector<16xf32> to vector<1xf32>
        %squeeze3A_2632 = vector.extract %slice3A_2631[0] : f32 from vector<1xf32>
        %mul3A_2633 = vector.broadcast %squeeze3A_2632 : f32 to vector<16xf32>
        %mul3A_2634 = arith.mulf %get3A_2540, %mul3A_2633 : vector<16xf32>
        %add3A_2635 = arith.addf %add3A_2530, %mul3A_2634 : vector<16xf32>
        %slice3A_2636 = vector.extract_strided_slice %get3A_2220 {offsets = [3], sizes = [1], strides = [1]} : vector<16xf32> to vector<1xf32>
        %squeeze3A_2637 = vector.extract %slice3A_2636[0] : f32 from vector<1xf32>
        %mul3A_2638 = vector.broadcast %squeeze3A_2637 : f32 to vector<16xf32>
        %mul3A_2639 = arith.mulf %get3A_2540, %mul3A_2638 : vector<16xf32>
        %add3A_2640 = arith.addf %add3A_2535, %mul3A_2639 : vector<16xf32>
        %get3A_2641 = arith.constant 20 : i32
        %get3A_2642 = arith.index_cast %get3A_2641 : i32 to index
        %get3A_2643 = arith.index_cast %mul3A_26 : i32 to index
        %get3A_2644 = tpu.vector_load %arg5[%get3A_2642, %get3A_2643] {strides = array<i32>} : memref<32x1024xf32, #tpu.memory_space<vmem>>, vector<1x16xf32>,
        %get3A_2645 = vector.shape_cast %get3A_2644 : vector<1x16xf32> to vector<16xf32>
        %slice3A_2646 = vector.extract_strided_slice %get3A_2049 {offsets = [4], sizes = [1], strides = [1]} : vector<16xf32> to vector<1xf32>
        %squeeze3A_2647 = vector.extract %slice3A_2646[0] : f32 from vector<1xf32>
        %mul3A_2648 = vector.broadcast %squeeze3A_2647 : f32 to vector<16xf32>
        %mul3A_2649 = arith.mulf %get3A_2645, %mul3A_2648 : vector<16xf32>
        %add3A_2650 = arith.addf %add3A_2545, %mul3A_2649 : vector<16xf32>
        %slice3A_2651 = vector.extract_strided_slice %get3A_2058 {offsets = [4], sizes = [1], strides = [1]} : vector<16xf32> to vector<1xf32>
        %squeeze3A_2652 = vector.extract %slice3A_2651[0] : f32 from vector<1xf32>
        %mul3A_2653 = vector.broadcast %squeeze3A_2652 : f32 to vector<16xf32>
        %mul3A_2654 = arith.mulf %get3A_2645, %mul3A_2653 : vector<16xf32>
        %add3A_2655 = arith.addf %add3A_2550, %mul3A_2654 : vector<16xf32>
        %slice3A_2656 = vector.extract_strided_slice %get3A_2067 {offsets = [4], sizes = [1], strides = [1]} : vector<16xf32> to vector<1xf32>
        %squeeze3A_2657 = vector.extract %slice3A_2656[0] : f32 from vector<1xf32>
        %mul3A_2658 = vector.broadcast %squeeze3A_2657 : f32 to vector<16xf32>
        %mul3A_2659 = arith.mulf %get3A_2645, %mul3A_2658 : vector<16xf32>
        %add3A_2660 = arith.addf %add3A_2555, %mul3A_2659 : vector<16xf32>
        %slice3A_2661 = vector.extract_strided_slice %get3A_2076 {offsets = [4], sizes = [1], strides = [1]} : vector<16xf32> to vector<1xf32>
        %squeeze3A_2662 = vector.extract %slice3A_2661[0] : f32 from vector<1xf32>
        %mul3A_2663 = vector.broadcast %squeeze3A_2662 : f32 to vector<16xf32>
        %mul3A_2664 = arith.mulf %get3A_2645, %mul3A_2663 : vector<16xf32>
        %add3A_2665 = arith.addf %add3A_2560, %mul3A_2664 : vector<16xf32>
        %slice3A_2666 = vector.extract_strided_slice %get3A_2085 {offsets = [4], sizes = [1], strides = [1]} : vector<16xf32> to vector<1xf32>
        %squeeze3A_2667 = vector.extract %slice3A_2666[0] : f32 from vector<1xf32>
        %mul3A_2668 = vector.broadcast %squeeze3A_2667 : f32 to vector<16xf32>
        %mul3A_2669 = arith.mulf %get3A_2645, %mul3A_2668 : vector<16xf32>
        %add3A_2670 = arith.addf %add3A_2565, %mul3A_2669 : vector<16xf32>
        %slice3A_2671 = vector.extract_strided_slice %get3A_2094 {offsets = [4], sizes = [1], strides = [1]} : vector<16xf32> to vector<1xf32>
        %squeeze3A_2672 = vector.extract %slice3A_2671[0] : f32 from vector<1xf32>
        %mul3A_2673 = vector.broadcast %squeeze3A_2672 : f32 to vector<16xf32>
        %mul3A_2674 = arith.mulf %get3A_2645, %mul3A_2673 : vector<16xf32>
        %add3A_2675 = arith.addf %add3A_2570, %mul3A_2674 : vector<16xf32>
        %slice3A_2676 = vector.extract_strided_slice %get3A_2103 {offsets = [4], sizes = [1], strides = [1]} : vector<16xf32> to vector<1xf32>
        %squeeze3A_2677 = vector.extract %slice3A_2676[0] : f32 from vector<1xf32>
        %mul3A_2678 = vector.broadcast %squeeze3A_2677 : f32 to vector<16xf32>
        %mul3A_2679 = arith.mulf %get3A_2645, %mul3A_2678 : vector<16xf32>
        %add3A_2680 = arith.addf %add3A_2575, %mul3A_2679 : vector<16xf32>
        %slice3A_2681 = vector.extract_strided_slice %get3A_2112 {offsets = [4], sizes = [1], strides = [1]} : vector<16xf32> to vector<1xf32>
        %squeeze3A_2682 = vector.extract %slice3A_2681[0] : f32 from vector<1xf32>
        %mul3A_2683 = vector.broadcast %squeeze3A_2682 : f32 to vector<16xf32>
        %mul3A_2684 = arith.mulf %get3A_2645, %mul3A_2683 : vector<16xf32>
        %add3A_2685 = arith.addf %add3A_2580, %mul3A_2684 : vector<16xf32>
        %slice3A_2686 = vector.extract_strided_slice %get3A_2121 {offsets = [4], sizes = [1], strides = [1]} : vector<16xf32> to vector<1xf32>
        %squeeze3A_2687 = vector.extract %slice3A_2686[0] : f32 from vector<1xf32>
        %mul3A_2688 = vector.broadcast %squeeze3A_2687 : f32 to vector<16xf32>
        %mul3A_2689 = arith.mulf %get3A_2645, %mul3A_2688 : vector<16xf32>
        %add3A_2690 = arith.addf %add3A_2585, %mul3A_2689 : vector<16xf32>
        %slice3A_2691 = vector.extract_strided_slice %get3A_2130 {offsets = [4], sizes = [1], strides = [1]} : vector<16xf32> to vector<1xf32>
        %squeeze3A_2692 = vector.extract %slice3A_2691[0] : f32 from vector<1xf32>
        %mul3A_2693 = vector.broadcast %squeeze3A_2692 : f32 to vector<16xf32>
        %mul3A_2694 = arith.mulf %get3A_2645, %mul3A_2693 : vector<16xf32>
        %add3A_2695 = arith.addf %add3A_2590, %mul3A_2694 : vector<16xf32>
        %slice3A_2696 = vector.extract_strided_slice %get3A_2139 {offsets = [4], sizes = [1], strides = [1]} : vector<16xf32> to vector<1xf32>
        %squeeze3A_2697 = vector.extract %slice3A_2696[0] : f32 from vector<1xf32>
        %mul3A_2698 = vector.broadcast %squeeze3A_2697 : f32 to vector<16xf32>
        %mul3A_2699 = arith.mulf %get3A_2645, %mul3A_2698 : vector<16xf32>
        %add3A_2700 = arith.addf %add3A_2595, %mul3A_2699 : vector<16xf32>
        %slice3A_2701 = vector.extract_strided_slice %get3A_2148 {offsets = [4], sizes = [1], strides = [1]} : vector<16xf32> to vector<1xf32>
        %squeeze3A_2702 = vector.extract %slice3A_2701[0] : f32 from vector<1xf32>
        %mul3A_2703 = vector.broadcast %squeeze3A_2702 : f32 to vector<16xf32>
        %mul3A_2704 = arith.mulf %get3A_2645, %mul3A_2703 : vector<16xf32>
        %add3A_2705 = arith.addf %add3A_2600, %mul3A_2704 : vector<16xf32>
        %slice3A_2706 = vector.extract_strided_slice %get3A_2157 {offsets = [4], sizes = [1], strides = [1]} : vector<16xf32> to vector<1xf32>
        %squeeze3A_2707 = vector.extract %slice3A_2706[0] : f32 from vector<1xf32>
        %mul3A_2708 = vector.broadcast %squeeze3A_2707 : f32 to vector<16xf32>
        %mul3A_2709 = arith.mulf %get3A_2645, %mul3A_2708 : vector<16xf32>
        %add3A_2710 = arith.addf %add3A_2605, %mul3A_2709 : vector<16xf32>
        %slice3A_2711 = vector.extract_strided_slice %get3A_2166 {offsets = [4], sizes = [1], strides = [1]} : vector<16xf32> to vector<1xf32>
        %squeeze3A_2712 = vector.extract %slice3A_2711[0] : f32 from vector<1xf32>
        %mul3A_2713 = vector.broadcast %squeeze3A_2712 : f32 to vector<16xf32>
        %mul3A_2714 = arith.mulf %get3A_2645, %mul3A_2713 : vector<16xf32>
        %add3A_2715 = arith.addf %add3A_2610, %mul3A_2714 : vector<16xf32>
        %slice3A_2716 = vector.extract_strided_slice %get3A_2175 {offsets = [4], sizes = [1], strides = [1]} : vector<16xf32> to vector<1xf32>
        %squeeze3A_2717 = vector.extract %slice3A_2716[0] : f32 from vector<1xf32>
        %mul3A_2718 = vector.broadcast %squeeze3A_2717 : f32 to vector<16xf32>
        %mul3A_2719 = arith.mulf %get3A_2645, %mul3A_2718 : vector<16xf32>
        %add3A_2720 = arith.addf %add3A_2615, %mul3A_2719 : vector<16xf32>
        %slice3A_2721 = vector.extract_strided_slice %get3A_2184 {offsets = [4], sizes = [1], strides = [1]} : vector<16xf32> to vector<1xf32>
        %squeeze3A_2722 = vector.extract %slice3A_2721[0] : f32 from vector<1xf32>
        %mul3A_2723 = vector.broadcast %squeeze3A_2722 : f32 to vector<16xf32>
        %mul3A_2724 = arith.mulf %get3A_2645, %mul3A_2723 : vector<16xf32>
        %add3A_2725 = arith.addf %add3A_2620, %mul3A_2724 : vector<16xf32>
        %slice3A_2726 = vector.extract_strided_slice %get3A_2193 {offsets = [4], sizes = [1], strides = [1]} : vector<16xf32> to vector<1xf32>
        %squeeze3A_2727 = vector.extract %slice3A_2726[0] : f32 from vector<1xf32>
        %mul3A_2728 = vector.broadcast %squeeze3A_2727 : f32 to vector<16xf32>
        %mul3A_2729 = arith.mulf %get3A_2645, %mul3A_2728 : vector<16xf32>
        %add3A_2730 = arith.addf %add3A_2625, %mul3A_2729 : vector<16xf32>
        %slice3A_2731 = vector.extract_strided_slice %get3A_2202 {offsets = [4], sizes = [1], strides = [1]} : vector<16xf32> to vector<1xf32>
        %squeeze3A_2732 = vector.extract %slice3A_2731[0] : f32 from vector<1xf32>
        %mul3A_2733 = vector.broadcast %squeeze3A_2732 : f32 to vector<16xf32>
        %mul3A_2734 = arith.mulf %get3A_2645, %mul3A_2733 : vector<16xf32>
        %add3A_2735 = arith.addf %add3A_2630, %mul3A_2734 : vector<16xf32>
        %slice3A_2736 = vector.extract_strided_slice %get3A_2211 {offsets = [4], sizes = [1], strides = [1]} : vector<16xf32> to vector<1xf32>
        %squeeze3A_2737 = vector.extract %slice3A_2736[0] : f32 from vector<1xf32>
        %mul3A_2738 = vector.broadcast %squeeze3A_2737 : f32 to vector<16xf32>
        %mul3A_2739 = arith.mulf %get3A_2645, %mul3A_2738 : vector<16xf32>
        %add3A_2740 = arith.addf %add3A_2635, %mul3A_2739 : vector<16xf32>
        %slice3A_2741 = vector.extract_strided_slice %get3A_2220 {offsets = [4], sizes = [1], strides = [1]} : vector<16xf32> to vector<1xf32>
        %squeeze3A_2742 = vector.extract %slice3A_2741[0] : f32 from vector<1xf32>
        %mul3A_2743 = vector.broadcast %squeeze3A_2742 : f32 to vector<16xf32>
        %mul3A_2744 = arith.mulf %get3A_2645, %mul3A_2743 : vector<16xf32>
        %add3A_2745 = arith.addf %add3A_2640, %mul3A_2744 : vector<16xf32>
        %get3A_2746 = arith.constant 21 : i32
        %get3A_2747 = arith.index_cast %get3A_2746 : i32 to index
        %get3A_2748 = arith.index_cast %mul3A_26 : i32 to index
        %get3A_2749 = tpu.vector_load %arg5[%get3A_2747, %get3A_2748] {strides = array<i32>} : memref<32x1024xf32, #tpu.memory_space<vmem>>, vector<1x16xf32>,
        %get3A_2750 = vector.shape_cast %get3A_2749 : vector<1x16xf32> to vector<16xf32>
        %slice3A_2751 = vector.extract_strided_slice %get3A_2049 {offsets = [5], sizes = [1], strides = [1]} : vector<16xf32> to vector<1xf32>
        %squeeze3A_2752 = vector.extract %slice3A_2751[0] : f32 from vector<1xf32>
        %mul3A_2753 = vector.broadcast %squeeze3A_2752 : f32 to vector<16xf32>
        %mul3A_2754 = arith.mulf %get3A_2750, %mul3A_2753 : vector<16xf32>
        %add3A_2755 = arith.addf %add3A_2650, %mul3A_2754 : vector<16xf32>
        %slice3A_2756 = vector.extract_strided_slice %get3A_2058 {offsets = [5], sizes = [1], strides = [1]} : vector<16xf32> to vector<1xf32>
        %squeeze3A_2757 = vector.extract %slice3A_2756[0] : f32 from vector<1xf32>
        %mul3A_2758 = vector.broadcast %squeeze3A_2757 : f32 to vector<16xf32>
        %mul3A_2759 = arith.mulf %get3A_2750, %mul3A_2758 : vector<16xf32>
        %add3A_2760 = arith.addf %add3A_2655, %mul3A_2759 : vector<16xf32>
        %slice3A_2761 = vector.extract_strided_slice %get3A_2067 {offsets = [5], sizes = [1], strides = [1]} : vector<16xf32> to vector<1xf32>
        %squeeze3A_2762 = vector.extract %slice3A_2761[0] : f32 from vector<1xf32>
        %mul3A_2763 = vector.broadcast %squeeze3A_2762 : f32 to vector<16xf32>
        %mul3A_2764 = arith.mulf %get3A_2750, %mul3A_2763 : vector<16xf32>
        %add3A_2765 = arith.addf %add3A_2660, %mul3A_2764 : vector<16xf32>
        %slice3A_2766 = vector.extract_strided_slice %get3A_2076 {offsets = [5], sizes = [1], strides = [1]} : vector<16xf32> to vector<1xf32>
        %squeeze3A_2767 = vector.extract %slice3A_2766[0] : f32 from vector<1xf32>
        %mul3A_2768 = vector.broadcast %squeeze3A_2767 : f32 to vector<16xf32>
        %mul3A_2769 = arith.mulf %get3A_2750, %mul3A_2768 : vector<16xf32>
        %add3A_2770 = arith.addf %add3A_2665, %mul3A_2769 : vector<16xf32>
        %slice3A_2771 = vector.extract_strided_slice %get3A_2085 {offsets = [5], sizes = [1], strides = [1]} : vector<16xf32> to vector<1xf32>
        %squeeze3A_2772 = vector.extract %slice3A_2771[0] : f32 from vector<1xf32>
        %mul3A_2773 = vector.broadcast %squeeze3A_2772 : f32 to vector<16xf32>
        %mul3A_2774 = arith.mulf %get3A_2750, %mul3A_2773 : vector<16xf32>
        %add3A_2775 = arith.addf %add3A_2670, %mul3A_2774 : vector<16xf32>
        %slice3A_2776 = vector.extract_strided_slice %get3A_2094 {offsets = [5], sizes = [1], strides = [1]} : vector<16xf32> to vector<1xf32>
        %squeeze3A_2777 = vector.extract %slice3A_2776[0] : f32 from vector<1xf32>
        %mul3A_2778 = vector.broadcast %squeeze3A_2777 : f32 to vector<16xf32>
        %mul3A_2779 = arith.mulf %get3A_2750, %mul3A_2778 : vector<16xf32>
        %add3A_2780 = arith.addf %add3A_2675, %mul3A_2779 : vector<16xf32>
        %slice3A_2781 = vector.extract_strided_slice %get3A_2103 {offsets = [5], sizes = [1], strides = [1]} : vector<16xf32> to vector<1xf32>
        %squeeze3A_2782 = vector.extract %slice3A_2781[0] : f32 from vector<1xf32>
        %mul3A_2783 = vector.broadcast %squeeze3A_2782 : f32 to vector<16xf32>
        %mul3A_2784 = arith.mulf %get3A_2750, %mul3A_2783 : vector<16xf32>
        %add3A_2785 = arith.addf %add3A_2680, %mul3A_2784 : vector<16xf32>
        %slice3A_2786 = vector.extract_strided_slice %get3A_2112 {offsets = [5], sizes = [1], strides = [1]} : vector<16xf32> to vector<1xf32>
        %squeeze3A_2787 = vector.extract %slice3A_2786[0] : f32 from vector<1xf32>
        %mul3A_2788 = vector.broadcast %squeeze3A_2787 : f32 to vector<16xf32>
        %mul3A_2789 = arith.mulf %get3A_2750, %mul3A_2788 : vector<16xf32>
        %add3A_2790 = arith.addf %add3A_2685, %mul3A_2789 : vector<16xf32>
        %slice3A_2791 = vector.extract_strided_slice %get3A_2121 {offsets = [5], sizes = [1], strides = [1]} : vector<16xf32> to vector<1xf32>
        %squeeze3A_2792 = vector.extract %slice3A_2791[0] : f32 from vector<1xf32>
        %mul3A_2793 = vector.broadcast %squeeze3A_2792 : f32 to vector<16xf32>
        %mul3A_2794 = arith.mulf %get3A_2750, %mul3A_2793 : vector<16xf32>
        %add3A_2795 = arith.addf %add3A_2690, %mul3A_2794 : vector<16xf32>
        %slice3A_2796 = vector.extract_strided_slice %get3A_2130 {offsets = [5], sizes = [1], strides = [1]} : vector<16xf32> to vector<1xf32>
        %squeeze3A_2797 = vector.extract %slice3A_2796[0] : f32 from vector<1xf32>
        %mul3A_2798 = vector.broadcast %squeeze3A_2797 : f32 to vector<16xf32>
        %mul3A_2799 = arith.mulf %get3A_2750, %mul3A_2798 : vector<16xf32>
        %add3A_2800 = arith.addf %add3A_2695, %mul3A_2799 : vector<16xf32>
        %slice3A_2801 = vector.extract_strided_slice %get3A_2139 {offsets = [5], sizes = [1], strides = [1]} : vector<16xf32> to vector<1xf32>
        %squeeze3A_2802 = vector.extract %slice3A_2801[0] : f32 from vector<1xf32>
        %mul3A_2803 = vector.broadcast %squeeze3A_2802 : f32 to vector<16xf32>
        %mul3A_2804 = arith.mulf %get3A_2750, %mul3A_2803 : vector<16xf32>
        %add3A_2805 = arith.addf %add3A_2700, %mul3A_2804 : vector<16xf32>
        %slice3A_2806 = vector.extract_strided_slice %get3A_2148 {offsets = [5], sizes = [1], strides = [1]} : vector<16xf32> to vector<1xf32>
        %squeeze3A_2807 = vector.extract %slice3A_2806[0] : f32 from vector<1xf32>
        %mul3A_2808 = vector.broadcast %squeeze3A_2807 : f32 to vector<16xf32>
        %mul3A_2809 = arith.mulf %get3A_2750, %mul3A_2808 : vector<16xf32>
        %add3A_2810 = arith.addf %add3A_2705, %mul3A_2809 : vector<16xf32>
        %slice3A_2811 = vector.extract_strided_slice %get3A_2157 {offsets = [5], sizes = [1], strides = [1]} : vector<16xf32> to vector<1xf32>
        %squeeze3A_2812 = vector.extract %slice3A_2811[0] : f32 from vector<1xf32>
        %mul3A_2813 = vector.broadcast %squeeze3A_2812 : f32 to vector<16xf32>
        %mul3A_2814 = arith.mulf %get3A_2750, %mul3A_2813 : vector<16xf32>
        %add3A_2815 = arith.addf %add3A_2710, %mul3A_2814 : vector<16xf32>
        %slice3A_2816 = vector.extract_strided_slice %get3A_2166 {offsets = [5], sizes = [1], strides = [1]} : vector<16xf32> to vector<1xf32>
        %squeeze3A_2817 = vector.extract %slice3A_2816[0] : f32 from vector<1xf32>
        %mul3A_2818 = vector.broadcast %squeeze3A_2817 : f32 to vector<16xf32>
        %mul3A_2819 = arith.mulf %get3A_2750, %mul3A_2818 : vector<16xf32>
        %add3A_2820 = arith.addf %add3A_2715, %mul3A_2819 : vector<16xf32>
        %slice3A_2821 = vector.extract_strided_slice %get3A_2175 {offsets = [5], sizes = [1], strides = [1]} : vector<16xf32> to vector<1xf32>
        %squeeze3A_2822 = vector.extract %slice3A_2821[0] : f32 from vector<1xf32>
        %mul3A_2823 = vector.broadcast %squeeze3A_2822 : f32 to vector<16xf32>
        %mul3A_2824 = arith.mulf %get3A_2750, %mul3A_2823 : vector<16xf32>
        %add3A_2825 = arith.addf %add3A_2720, %mul3A_2824 : vector<16xf32>
        %slice3A_2826 = vector.extract_strided_slice %get3A_2184 {offsets = [5], sizes = [1], strides = [1]} : vector<16xf32> to vector<1xf32>
        %squeeze3A_2827 = vector.extract %slice3A_2826[0] : f32 from vector<1xf32>
        %mul3A_2828 = vector.broadcast %squeeze3A_2827 : f32 to vector<16xf32>
        %mul3A_2829 = arith.mulf %get3A_2750, %mul3A_2828 : vector<16xf32>
        %add3A_2830 = arith.addf %add3A_2725, %mul3A_2829 : vector<16xf32>
        %slice3A_2831 = vector.extract_strided_slice %get3A_2193 {offsets = [5], sizes = [1], strides = [1]} : vector<16xf32> to vector<1xf32>
        %squeeze3A_2832 = vector.extract %slice3A_2831[0] : f32 from vector<1xf32>
        %mul3A_2833 = vector.broadcast %squeeze3A_2832 : f32 to vector<16xf32>
        %mul3A_2834 = arith.mulf %get3A_2750, %mul3A_2833 : vector<16xf32>
        %add3A_2835 = arith.addf %add3A_2730, %mul3A_2834 : vector<16xf32>
        %slice3A_2836 = vector.extract_strided_slice %get3A_2202 {offsets = [5], sizes = [1], strides = [1]} : vector<16xf32> to vector<1xf32>
        %squeeze3A_2837 = vector.extract %slice3A_2836[0] : f32 from vector<1xf32>
        %mul3A_2838 = vector.broadcast %squeeze3A_2837 : f32 to vector<16xf32>
        %mul3A_2839 = arith.mulf %get3A_2750, %mul3A_2838 : vector<16xf32>
        %add3A_2840 = arith.addf %add3A_2735, %mul3A_2839 : vector<16xf32>
        %slice3A_2841 = vector.extract_strided_slice %get3A_2211 {offsets = [5], sizes = [1], strides = [1]} : vector<16xf32> to vector<1xf32>
        %squeeze3A_2842 = vector.extract %slice3A_2841[0] : f32 from vector<1xf32>
        %mul3A_2843 = vector.broadcast %squeeze3A_2842 : f32 to vector<16xf32>
        %mul3A_2844 = arith.mulf %get3A_2750, %mul3A_2843 : vector<16xf32>
        %add3A_2845 = arith.addf %add3A_2740, %mul3A_2844 : vector<16xf32>
        %slice3A_2846 = vector.extract_strided_slice %get3A_2220 {offsets = [5], sizes = [1], strides = [1]} : vector<16xf32> to vector<1xf32>
        %squeeze3A_2847 = vector.extract %slice3A_2846[0] : f32 from vector<1xf32>
        %mul3A_2848 = vector.broadcast %squeeze3A_2847 : f32 to vector<16xf32>
        %mul3A_2849 = arith.mulf %get3A_2750, %mul3A_2848 : vector<16xf32>
        %add3A_2850 = arith.addf %add3A_2745, %mul3A_2849 : vector<16xf32>
        %get3A_2851 = arith.constant 22 : i32
        %get3A_2852 = arith.index_cast %get3A_2851 : i32 to index
        %get3A_2853 = arith.index_cast %mul3A_26 : i32 to index
        %get3A_2854 = tpu.vector_load %arg5[%get3A_2852, %get3A_2853] {strides = array<i32>} : memref<32x1024xf32, #tpu.memory_space<vmem>>, vector<1x16xf32>,
        %get3A_2855 = vector.shape_cast %get3A_2854 : vector<1x16xf32> to vector<16xf32>
        %slice3A_2856 = vector.extract_strided_slice %get3A_2049 {offsets = [6], sizes = [1], strides = [1]} : vector<16xf32> to vector<1xf32>
        %squeeze3A_2857 = vector.extract %slice3A_2856[0] : f32 from vector<1xf32>
        %mul3A_2858 = vector.broadcast %squeeze3A_2857 : f32 to vector<16xf32>
        %mul3A_2859 = arith.mulf %get3A_2855, %mul3A_2858 : vector<16xf32>
        %add3A_2860 = arith.addf %add3A_2755, %mul3A_2859 : vector<16xf32>
        %slice3A_2861 = vector.extract_strided_slice %get3A_2058 {offsets = [6], sizes = [1], strides = [1]} : vector<16xf32> to vector<1xf32>
        %squeeze3A_2862 = vector.extract %slice3A_2861[0] : f32 from vector<1xf32>
        %mul3A_2863 = vector.broadcast %squeeze3A_2862 : f32 to vector<16xf32>
        %mul3A_2864 = arith.mulf %get3A_2855, %mul3A_2863 : vector<16xf32>
        %add3A_2865 = arith.addf %add3A_2760, %mul3A_2864 : vector<16xf32>
        %slice3A_2866 = vector.extract_strided_slice %get3A_2067 {offsets = [6], sizes = [1], strides = [1]} : vector<16xf32> to vector<1xf32>
        %squeeze3A_2867 = vector.extract %slice3A_2866[0] : f32 from vector<1xf32>
        %mul3A_2868 = vector.broadcast %squeeze3A_2867 : f32 to vector<16xf32>
        %mul3A_2869 = arith.mulf %get3A_2855, %mul3A_2868 : vector<16xf32>
        %add3A_2870 = arith.addf %add3A_2765, %mul3A_2869 : vector<16xf32>
        %slice3A_2871 = vector.extract_strided_slice %get3A_2076 {offsets = [6], sizes = [1], strides = [1]} : vector<16xf32> to vector<1xf32>
        %squeeze3A_2872 = vector.extract %slice3A_2871[0] : f32 from vector<1xf32>
        %mul3A_2873 = vector.broadcast %squeeze3A_2872 : f32 to vector<16xf32>
        %mul3A_2874 = arith.mulf %get3A_2855, %mul3A_2873 : vector<16xf32>
        %add3A_2875 = arith.addf %add3A_2770, %mul3A_2874 : vector<16xf32>
        %slice3A_2876 = vector.extract_strided_slice %get3A_2085 {offsets = [6], sizes = [1], strides = [1]} : vector<16xf32> to vector<1xf32>
        %squeeze3A_2877 = vector.extract %slice3A_2876[0] : f32 from vector<1xf32>
        %mul3A_2878 = vector.broadcast %squeeze3A_2877 : f32 to vector<16xf32>
        %mul3A_2879 = arith.mulf %get3A_2855, %mul3A_2878 : vector<16xf32>
        %add3A_2880 = arith.addf %add3A_2775, %mul3A_2879 : vector<16xf32>
        %slice3A_2881 = vector.extract_strided_slice %get3A_2094 {offsets = [6], sizes = [1], strides = [1]} : vector<16xf32> to vector<1xf32>
        %squeeze3A_2882 = vector.extract %slice3A_2881[0] : f32 from vector<1xf32>
        %mul3A_2883 = vector.broadcast %squeeze3A_2882 : f32 to vector<16xf32>
        %mul3A_2884 = arith.mulf %get3A_2855, %mul3A_2883 : vector<16xf32>
        %add3A_2885 = arith.addf %add3A_2780, %mul3A_2884 : vector<16xf32>
        %slice3A_2886 = vector.extract_strided_slice %get3A_2103 {offsets = [6], sizes = [1], strides = [1]} : vector<16xf32> to vector<1xf32>
        %squeeze3A_2887 = vector.extract %slice3A_2886[0] : f32 from vector<1xf32>
        %mul3A_2888 = vector.broadcast %squeeze3A_2887 : f32 to vector<16xf32>
        %mul3A_2889 = arith.mulf %get3A_2855, %mul3A_2888 : vector<16xf32>
        %add3A_2890 = arith.addf %add3A_2785, %mul3A_2889 : vector<16xf32>
        %slice3A_2891 = vector.extract_strided_slice %get3A_2112 {offsets = [6], sizes = [1], strides = [1]} : vector<16xf32> to vector<1xf32>
        %squeeze3A_2892 = vector.extract %slice3A_2891[0] : f32 from vector<1xf32>
        %mul3A_2893 = vector.broadcast %squeeze3A_2892 : f32 to vector<16xf32>
        %mul3A_2894 = arith.mulf %get3A_2855, %mul3A_2893 : vector<16xf32>
        %add3A_2895 = arith.addf %add3A_2790, %mul3A_2894 : vector<16xf32>
        %slice3A_2896 = vector.extract_strided_slice %get3A_2121 {offsets = [6], sizes = [1], strides = [1]} : vector<16xf32> to vector<1xf32>
        %squeeze3A_2897 = vector.extract %slice3A_2896[0] : f32 from vector<1xf32>
        %mul3A_2898 = vector.broadcast %squeeze3A_2897 : f32 to vector<16xf32>
        %mul3A_2899 = arith.mulf %get3A_2855, %mul3A_2898 : vector<16xf32>
        %add3A_2900 = arith.addf %add3A_2795, %mul3A_2899 : vector<16xf32>
        %slice3A_2901 = vector.extract_strided_slice %get3A_2130 {offsets = [6], sizes = [1], strides = [1]} : vector<16xf32> to vector<1xf32>
        %squeeze3A_2902 = vector.extract %slice3A_2901[0] : f32 from vector<1xf32>
        %mul3A_2903 = vector.broadcast %squeeze3A_2902 : f32 to vector<16xf32>
        %mul3A_2904 = arith.mulf %get3A_2855, %mul3A_2903 : vector<16xf32>
        %add3A_2905 = arith.addf %add3A_2800, %mul3A_2904 : vector<16xf32>
        %slice3A_2906 = vector.extract_strided_slice %get3A_2139 {offsets = [6], sizes = [1], strides = [1]} : vector<16xf32> to vector<1xf32>
        %squeeze3A_2907 = vector.extract %slice3A_2906[0] : f32 from vector<1xf32>
        %mul3A_2908 = vector.broadcast %squeeze3A_2907 : f32 to vector<16xf32>
        %mul3A_2909 = arith.mulf %get3A_2855, %mul3A_2908 : vector<16xf32>
        %add3A_2910 = arith.addf %add3A_2805, %mul3A_2909 : vector<16xf32>
        %slice3A_2911 = vector.extract_strided_slice %get3A_2148 {offsets = [6], sizes = [1], strides = [1]} : vector<16xf32> to vector<1xf32>
        %squeeze3A_2912 = vector.extract %slice3A_2911[0] : f32 from vector<1xf32>
        %mul3A_2913 = vector.broadcast %squeeze3A_2912 : f32 to vector<16xf32>
        %mul3A_2914 = arith.mulf %get3A_2855, %mul3A_2913 : vector<16xf32>
        %add3A_2915 = arith.addf %add3A_2810, %mul3A_2914 : vector<16xf32>
        %slice3A_2916 = vector.extract_strided_slice %get3A_2157 {offsets = [6], sizes = [1], strides = [1]} : vector<16xf32> to vector<1xf32>
        %squeeze3A_2917 = vector.extract %slice3A_2916[0] : f32 from vector<1xf32>
        %mul3A_2918 = vector.broadcast %squeeze3A_2917 : f32 to vector<16xf32>
        %mul3A_2919 = arith.mulf %get3A_2855, %mul3A_2918 : vector<16xf32>
        %add3A_2920 = arith.addf %add3A_2815, %mul3A_2919 : vector<16xf32>
        %slice3A_2921 = vector.extract_strided_slice %get3A_2166 {offsets = [6], sizes = [1], strides = [1]} : vector<16xf32> to vector<1xf32>
        %squeeze3A_2922 = vector.extract %slice3A_2921[0] : f32 from vector<1xf32>
        %mul3A_2923 = vector.broadcast %squeeze3A_2922 : f32 to vector<16xf32>
        %mul3A_2924 = arith.mulf %get3A_2855, %mul3A_2923 : vector<16xf32>
        %add3A_2925 = arith.addf %add3A_2820, %mul3A_2924 : vector<16xf32>
        %slice3A_2926 = vector.extract_strided_slice %get3A_2175 {offsets = [6], sizes = [1], strides = [1]} : vector<16xf32> to vector<1xf32>
        %squeeze3A_2927 = vector.extract %slice3A_2926[0] : f32 from vector<1xf32>
        %mul3A_2928 = vector.broadcast %squeeze3A_2927 : f32 to vector<16xf32>
        %mul3A_2929 = arith.mulf %get3A_2855, %mul3A_2928 : vector<16xf32>
        %add3A_2930 = arith.addf %add3A_2825, %mul3A_2929 : vector<16xf32>
        %slice3A_2931 = vector.extract_strided_slice %get3A_2184 {offsets = [6], sizes = [1], strides = [1]} : vector<16xf32> to vector<1xf32>
        %squeeze3A_2932 = vector.extract %slice3A_2931[0] : f32 from vector<1xf32>
        %mul3A_2933 = vector.broadcast %squeeze3A_2932 : f32 to vector<16xf32>
        %mul3A_2934 = arith.mulf %get3A_2855, %mul3A_2933 : vector<16xf32>
        %add3A_2935 = arith.addf %add3A_2830, %mul3A_2934 : vector<16xf32>
        %slice3A_2936 = vector.extract_strided_slice %get3A_2193 {offsets = [6], sizes = [1], strides = [1]} : vector<16xf32> to vector<1xf32>
        %squeeze3A_2937 = vector.extract %slice3A_2936[0] : f32 from vector<1xf32>
        %mul3A_2938 = vector.broadcast %squeeze3A_2937 : f32 to vector<16xf32>
        %mul3A_2939 = arith.mulf %get3A_2855, %mul3A_2938 : vector<16xf32>
        %add3A_2940 = arith.addf %add3A_2835, %mul3A_2939 : vector<16xf32>
        %slice3A_2941 = vector.extract_strided_slice %get3A_2202 {offsets = [6], sizes = [1], strides = [1]} : vector<16xf32> to vector<1xf32>
        %squeeze3A_2942 = vector.extract %slice3A_2941[0] : f32 from vector<1xf32>
        %mul3A_2943 = vector.broadcast %squeeze3A_2942 : f32 to vector<16xf32>
        %mul3A_2944 = arith.mulf %get3A_2855, %mul3A_2943 : vector<16xf32>
        %add3A_2945 = arith.addf %add3A_2840, %mul3A_2944 : vector<16xf32>
        %slice3A_2946 = vector.extract_strided_slice %get3A_2211 {offsets = [6], sizes = [1], strides = [1]} : vector<16xf32> to vector<1xf32>
        %squeeze3A_2947 = vector.extract %slice3A_2946[0] : f32 from vector<1xf32>
        %mul3A_2948 = vector.broadcast %squeeze3A_2947 : f32 to vector<16xf32>
        %mul3A_2949 = arith.mulf %get3A_2855, %mul3A_2948 : vector<16xf32>
        %add3A_2950 = arith.addf %add3A_2845, %mul3A_2949 : vector<16xf32>
        %slice3A_2951 = vector.extract_strided_slice %get3A_2220 {offsets = [6], sizes = [1], strides = [1]} : vector<16xf32> to vector<1xf32>
        %squeeze3A_2952 = vector.extract %slice3A_2951[0] : f32 from vector<1xf32>
        %mul3A_2953 = vector.broadcast %squeeze3A_2952 : f32 to vector<16xf32>
        %mul3A_2954 = arith.mulf %get3A_2855, %mul3A_2953 : vector<16xf32>
        %add3A_2955 = arith.addf %add3A_2850, %mul3A_2954 : vector<16xf32>
        %get3A_2956 = arith.constant 23 : i32
        %get3A_2957 = arith.index_cast %get3A_2956 : i32 to index
        %get3A_2958 = arith.index_cast %mul3A_26 : i32 to index
        %get3A_2959 = tpu.vector_load %arg5[%get3A_2957, %get3A_2958] {strides = array<i32>} : memref<32x1024xf32, #tpu.memory_space<vmem>>, vector<1x16xf32>,
        %get3A_2960 = vector.shape_cast %get3A_2959 : vector<1x16xf32> to vector<16xf32>
        %slice3A_2961 = vector.extract_strided_slice %get3A_2049 {offsets = [7], sizes = [1], strides = [1]} : vector<16xf32> to vector<1xf32>
        %squeeze3A_2962 = vector.extract %slice3A_2961[0] : f32 from vector<1xf32>
        %mul3A_2963 = vector.broadcast %squeeze3A_2962 : f32 to vector<16xf32>
        %mul3A_2964 = arith.mulf %get3A_2960, %mul3A_2963 : vector<16xf32>
        %add3A_2965 = arith.addf %add3A_2860, %mul3A_2964 : vector<16xf32>
        %slice3A_2966 = vector.extract_strided_slice %get3A_2058 {offsets = [7], sizes = [1], strides = [1]} : vector<16xf32> to vector<1xf32>
        %squeeze3A_2967 = vector.extract %slice3A_2966[0] : f32 from vector<1xf32>
        %mul3A_2968 = vector.broadcast %squeeze3A_2967 : f32 to vector<16xf32>
        %mul3A_2969 = arith.mulf %get3A_2960, %mul3A_2968 : vector<16xf32>
        %add3A_2970 = arith.addf %add3A_2865, %mul3A_2969 : vector<16xf32>
        %slice3A_2971 = vector.extract_strided_slice %get3A_2067 {offsets = [7], sizes = [1], strides = [1]} : vector<16xf32> to vector<1xf32>
        %squeeze3A_2972 = vector.extract %slice3A_2971[0] : f32 from vector<1xf32>
        %mul3A_2973 = vector.broadcast %squeeze3A_2972 : f32 to vector<16xf32>
        %mul3A_2974 = arith.mulf %get3A_2960, %mul3A_2973 : vector<16xf32>
        %add3A_2975 = arith.addf %add3A_2870, %mul3A_2974 : vector<16xf32>
        %slice3A_2976 = vector.extract_strided_slice %get3A_2076 {offsets = [7], sizes = [1], strides = [1]} : vector<16xf32> to vector<1xf32>
        %squeeze3A_2977 = vector.extract %slice3A_2976[0] : f32 from vector<1xf32>
        %mul3A_2978 = vector.broadcast %squeeze3A_2977 : f32 to vector<16xf32>
        %mul3A_2979 = arith.mulf %get3A_2960, %mul3A_2978 : vector<16xf32>
        %add3A_2980 = arith.addf %add3A_2875, %mul3A_2979 : vector<16xf32>
        %slice3A_2981 = vector.extract_strided_slice %get3A_2085 {offsets = [7], sizes = [1], strides = [1]} : vector<16xf32> to vector<1xf32>
        %squeeze3A_2982 = vector.extract %slice3A_2981[0] : f32 from vector<1xf32>
        %mul3A_2983 = vector.broadcast %squeeze3A_2982 : f32 to vector<16xf32>
        %mul3A_2984 = arith.mulf %get3A_2960, %mul3A_2983 : vector<16xf32>
        %add3A_2985 = arith.addf %add3A_2880, %mul3A_2984 : vector<16xf32>
        %slice3A_2986 = vector.extract_strided_slice %get3A_2094 {offsets = [7], sizes = [1], strides = [1]} : vector<16xf32> to vector<1xf32>
        %squeeze3A_2987 = vector.extract %slice3A_2986[0] : f32 from vector<1xf32>
        %mul3A_2988 = vector.broadcast %squeeze3A_2987 : f32 to vector<16xf32>
        %mul3A_2989 = arith.mulf %get3A_2960, %mul3A_2988 : vector<16xf32>
        %add3A_2990 = arith.addf %add3A_2885, %mul3A_2989 : vector<16xf32>
        %slice3A_2991 = vector.extract_strided_slice %get3A_2103 {offsets = [7], sizes = [1], strides = [1]} : vector<16xf32> to vector<1xf32>
        %squeeze3A_2992 = vector.extract %slice3A_2991[0] : f32 from vector<1xf32>
        %mul3A_2993 = vector.broadcast %squeeze3A_2992 : f32 to vector<16xf32>
        %mul3A_2994 = arith.mulf %get3A_2960, %mul3A_2993 : vector<16xf32>
        %add3A_2995 = arith.addf %add3A_2890, %mul3A_2994 : vector<16xf32>
        %slice3A_2996 = vector.extract_strided_slice %get3A_2112 {offsets = [7], sizes = [1], strides = [1]} : vector<16xf32> to vector<1xf32>
        %squeeze3A_2997 = vector.extract %slice3A_2996[0] : f32 from vector<1xf32>
        %mul3A_2998 = vector.broadcast %squeeze3A_2997 : f32 to vector<16xf32>
        %mul3A_2999 = arith.mulf %get3A_2960, %mul3A_2998 : vector<16xf32>
        %add3A_3000 = arith.addf %add3A_2895, %mul3A_2999 : vector<16xf32>
        %slice3A_3001 = vector.extract_strided_slice %get3A_2121 {offsets = [7], sizes = [1], strides = [1]} : vector<16xf32> to vector<1xf32>
        %squeeze3A_3002 = vector.extract %slice3A_3001[0] : f32 from vector<1xf32>
        %mul3A_3003 = vector.broadcast %squeeze3A_3002 : f32 to vector<16xf32>
        %mul3A_3004 = arith.mulf %get3A_2960, %mul3A_3003 : vector<16xf32>
        %add3A_3005 = arith.addf %add3A_2900, %mul3A_3004 : vector<16xf32>
        %slice3A_3006 = vector.extract_strided_slice %get3A_2130 {offsets = [7], sizes = [1], strides = [1]} : vector<16xf32> to vector<1xf32>
        %squeeze3A_3007 = vector.extract %slice3A_3006[0] : f32 from vector<1xf32>
        %mul3A_3008 = vector.broadcast %squeeze3A_3007 : f32 to vector<16xf32>
        %mul3A_3009 = arith.mulf %get3A_2960, %mul3A_3008 : vector<16xf32>
        %add3A_3010 = arith.addf %add3A_2905, %mul3A_3009 : vector<16xf32>
        %slice3A_3011 = vector.extract_strided_slice %get3A_2139 {offsets = [7], sizes = [1], strides = [1]} : vector<16xf32> to vector<1xf32>
        %squeeze3A_3012 = vector.extract %slice3A_3011[0] : f32 from vector<1xf32>
        %mul3A_3013 = vector.broadcast %squeeze3A_3012 : f32 to vector<16xf32>
        %mul3A_3014 = arith.mulf %get3A_2960, %mul3A_3013 : vector<16xf32>
        %add3A_3015 = arith.addf %add3A_2910, %mul3A_3014 : vector<16xf32>
        %slice3A_3016 = vector.extract_strided_slice %get3A_2148 {offsets = [7], sizes = [1], strides = [1]} : vector<16xf32> to vector<1xf32>
        %squeeze3A_3017 = vector.extract %slice3A_3016[0] : f32 from vector<1xf32>
        %mul3A_3018 = vector.broadcast %squeeze3A_3017 : f32 to vector<16xf32>
        %mul3A_3019 = arith.mulf %get3A_2960, %mul3A_3018 : vector<16xf32>
        %add3A_3020 = arith.addf %add3A_2915, %mul3A_3019 : vector<16xf32>
        %slice3A_3021 = vector.extract_strided_slice %get3A_2157 {offsets = [7], sizes = [1], strides = [1]} : vector<16xf32> to vector<1xf32>
        %squeeze3A_3022 = vector.extract %slice3A_3021[0] : f32 from vector<1xf32>
        %mul3A_3023 = vector.broadcast %squeeze3A_3022 : f32 to vector<16xf32>
        %mul3A_3024 = arith.mulf %get3A_2960, %mul3A_3023 : vector<16xf32>
        %add3A_3025 = arith.addf %add3A_2920, %mul3A_3024 : vector<16xf32>
        %slice3A_3026 = vector.extract_strided_slice %get3A_2166 {offsets = [7], sizes = [1], strides = [1]} : vector<16xf32> to vector<1xf32>
        %squeeze3A_3027 = vector.extract %slice3A_3026[0] : f32 from vector<1xf32>
        %mul3A_3028 = vector.broadcast %squeeze3A_3027 : f32 to vector<16xf32>
        %mul3A_3029 = arith.mulf %get3A_2960, %mul3A_3028 : vector<16xf32>
        %add3A_3030 = arith.addf %add3A_2925, %mul3A_3029 : vector<16xf32>
        %slice3A_3031 = vector.extract_strided_slice %get3A_2175 {offsets = [7], sizes = [1], strides = [1]} : vector<16xf32> to vector<1xf32>
        %squeeze3A_3032 = vector.extract %slice3A_3031[0] : f32 from vector<1xf32>
        %mul3A_3033 = vector.broadcast %squeeze3A_3032 : f32 to vector<16xf32>
        %mul3A_3034 = arith.mulf %get3A_2960, %mul3A_3033 : vector<16xf32>
        %add3A_3035 = arith.addf %add3A_2930, %mul3A_3034 : vector<16xf32>
        %slice3A_3036 = vector.extract_strided_slice %get3A_2184 {offsets = [7], sizes = [1], strides = [1]} : vector<16xf32> to vector<1xf32>
        %squeeze3A_3037 = vector.extract %slice3A_3036[0] : f32 from vector<1xf32>
        %mul3A_3038 = vector.broadcast %squeeze3A_3037 : f32 to vector<16xf32>
        %mul3A_3039 = arith.mulf %get3A_2960, %mul3A_3038 : vector<16xf32>
        %add3A_3040 = arith.addf %add3A_2935, %mul3A_3039 : vector<16xf32>
        %slice3A_3041 = vector.extract_strided_slice %get3A_2193 {offsets = [7], sizes = [1], strides = [1]} : vector<16xf32> to vector<1xf32>
        %squeeze3A_3042 = vector.extract %slice3A_3041[0] : f32 from vector<1xf32>
        %mul3A_3043 = vector.broadcast %squeeze3A_3042 : f32 to vector<16xf32>
        %mul3A_3044 = arith.mulf %get3A_2960, %mul3A_3043 : vector<16xf32>
        %add3A_3045 = arith.addf %add3A_2940, %mul3A_3044 : vector<16xf32>
        %slice3A_3046 = vector.extract_strided_slice %get3A_2202 {offsets = [7], sizes = [1], strides = [1]} : vector<16xf32> to vector<1xf32>
        %squeeze3A_3047 = vector.extract %slice3A_3046[0] : f32 from vector<1xf32>
        %mul3A_3048 = vector.broadcast %squeeze3A_3047 : f32 to vector<16xf32>
        %mul3A_3049 = arith.mulf %get3A_2960, %mul3A_3048 : vector<16xf32>
        %add3A_3050 = arith.addf %add3A_2945, %mul3A_3049 : vector<16xf32>
        %slice3A_3051 = vector.extract_strided_slice %get3A_2211 {offsets = [7], sizes = [1], strides = [1]} : vector<16xf32> to vector<1xf32>
        %squeeze3A_3052 = vector.extract %slice3A_3051[0] : f32 from vector<1xf32>
        %mul3A_3053 = vector.broadcast %squeeze3A_3052 : f32 to vector<16xf32>
        %mul3A_3054 = arith.mulf %get3A_2960, %mul3A_3053 : vector<16xf32>
        %add3A_3055 = arith.addf %add3A_2950, %mul3A_3054 : vector<16xf32>
        %slice3A_3056 = vector.extract_strided_slice %get3A_2220 {offsets = [7], sizes = [1], strides = [1]} : vector<16xf32> to vector<1xf32>
        %squeeze3A_3057 = vector.extract %slice3A_3056[0] : f32 from vector<1xf32>
        %mul3A_3058 = vector.broadcast %squeeze3A_3057 : f32 to vector<16xf32>
        %mul3A_3059 = arith.mulf %get3A_2960, %mul3A_3058 : vector<16xf32>
        %add3A_3060 = arith.addf %add3A_2955, %mul3A_3059 : vector<16xf32>
        %get3A_3061 = arith.constant 24 : i32
        %get3A_3062 = arith.index_cast %get3A_3061 : i32 to index
        %get3A_3063 = arith.index_cast %mul3A_26 : i32 to index
        %get3A_3064 = tpu.vector_load %arg5[%get3A_3062, %get3A_3063] {strides = array<i32>} : memref<32x1024xf32, #tpu.memory_space<vmem>>, vector<1x16xf32>,
        %get3A_3065 = vector.shape_cast %get3A_3064 : vector<1x16xf32> to vector<16xf32>
        %slice3A_3066 = vector.extract_strided_slice %get3A_2049 {offsets = [8], sizes = [1], strides = [1]} : vector<16xf32> to vector<1xf32>
        %squeeze3A_3067 = vector.extract %slice3A_3066[0] : f32 from vector<1xf32>
        %mul3A_3068 = vector.broadcast %squeeze3A_3067 : f32 to vector<16xf32>
        %mul3A_3069 = arith.mulf %get3A_3065, %mul3A_3068 : vector<16xf32>
        %add3A_3070 = arith.addf %add3A_2965, %mul3A_3069 : vector<16xf32>
        %slice3A_3071 = vector.extract_strided_slice %get3A_2058 {offsets = [8], sizes = [1], strides = [1]} : vector<16xf32> to vector<1xf32>
        %squeeze3A_3072 = vector.extract %slice3A_3071[0] : f32 from vector<1xf32>
        %mul3A_3073 = vector.broadcast %squeeze3A_3072 : f32 to vector<16xf32>
        %mul3A_3074 = arith.mulf %get3A_3065, %mul3A_3073 : vector<16xf32>
        %add3A_3075 = arith.addf %add3A_2970, %mul3A_3074 : vector<16xf32>
        %slice3A_3076 = vector.extract_strided_slice %get3A_2067 {offsets = [8], sizes = [1], strides = [1]} : vector<16xf32> to vector<1xf32>
        %squeeze3A_3077 = vector.extract %slice3A_3076[0] : f32 from vector<1xf32>
        %mul3A_3078 = vector.broadcast %squeeze3A_3077 : f32 to vector<16xf32>
        %mul3A_3079 = arith.mulf %get3A_3065, %mul3A_3078 : vector<16xf32>
        %add3A_3080 = arith.addf %add3A_2975, %mul3A_3079 : vector<16xf32>
        %slice3A_3081 = vector.extract_strided_slice %get3A_2076 {offsets = [8], sizes = [1], strides = [1]} : vector<16xf32> to vector<1xf32>
        %squeeze3A_3082 = vector.extract %slice3A_3081[0] : f32 from vector<1xf32>
        %mul3A_3083 = vector.broadcast %squeeze3A_3082 : f32 to vector<16xf32>
        %mul3A_3084 = arith.mulf %get3A_3065, %mul3A_3083 : vector<16xf32>
        %add3A_3085 = arith.addf %add3A_2980, %mul3A_3084 : vector<16xf32>
        %slice3A_3086 = vector.extract_strided_slice %get3A_2085 {offsets = [8], sizes = [1], strides = [1]} : vector<16xf32> to vector<1xf32>
        %squeeze3A_3087 = vector.extract %slice3A_3086[0] : f32 from vector<1xf32>
        %mul3A_3088 = vector.broadcast %squeeze3A_3087 : f32 to vector<16xf32>
        %mul3A_3089 = arith.mulf %get3A_3065, %mul3A_3088 : vector<16xf32>
        %add3A_3090 = arith.addf %add3A_2985, %mul3A_3089 : vector<16xf32>
        %slice3A_3091 = vector.extract_strided_slice %get3A_2094 {offsets = [8], sizes = [1], strides = [1]} : vector<16xf32> to vector<1xf32>
        %squeeze3A_3092 = vector.extract %slice3A_3091[0] : f32 from vector<1xf32>
        %mul3A_3093 = vector.broadcast %squeeze3A_3092 : f32 to vector<16xf32>
        %mul3A_3094 = arith.mulf %get3A_3065, %mul3A_3093 : vector<16xf32>
        %add3A_3095 = arith.addf %add3A_2990, %mul3A_3094 : vector<16xf32>
        %slice3A_3096 = vector.extract_strided_slice %get3A_2103 {offsets = [8], sizes = [1], strides = [1]} : vector<16xf32> to vector<1xf32>
        %squeeze3A_3097 = vector.extract %slice3A_3096[0] : f32 from vector<1xf32>
        %mul3A_3098 = vector.broadcast %squeeze3A_3097 : f32 to vector<16xf32>
        %mul3A_3099 = arith.mulf %get3A_3065, %mul3A_3098 : vector<16xf32>
        %add3A_3100 = arith.addf %add3A_2995, %mul3A_3099 : vector<16xf32>
        %slice3A_3101 = vector.extract_strided_slice %get3A_2112 {offsets = [8], sizes = [1], strides = [1]} : vector<16xf32> to vector<1xf32>
        %squeeze3A_3102 = vector.extract %slice3A_3101[0] : f32 from vector<1xf32>
        %mul3A_3103 = vector.broadcast %squeeze3A_3102 : f32 to vector<16xf32>
        %mul3A_3104 = arith.mulf %get3A_3065, %mul3A_3103 : vector<16xf32>
        %add3A_3105 = arith.addf %add3A_3000, %mul3A_3104 : vector<16xf32>
        %slice3A_3106 = vector.extract_strided_slice %get3A_2121 {offsets = [8], sizes = [1], strides = [1]} : vector<16xf32> to vector<1xf32>
        %squeeze3A_3107 = vector.extract %slice3A_3106[0] : f32 from vector<1xf32>
        %mul3A_3108 = vector.broadcast %squeeze3A_3107 : f32 to vector<16xf32>
        %mul3A_3109 = arith.mulf %get3A_3065, %mul3A_3108 : vector<16xf32>
        %add3A_3110 = arith.addf %add3A_3005, %mul3A_3109 : vector<16xf32>
        %slice3A_3111 = vector.extract_strided_slice %get3A_2130 {offsets = [8], sizes = [1], strides = [1]} : vector<16xf32> to vector<1xf32>
        %squeeze3A_3112 = vector.extract %slice3A_3111[0] : f32 from vector<1xf32>
        %mul3A_3113 = vector.broadcast %squeeze3A_3112 : f32 to vector<16xf32>
        %mul3A_3114 = arith.mulf %get3A_3065, %mul3A_3113 : vector<16xf32>
        %add3A_3115 = arith.addf %add3A_3010, %mul3A_3114 : vector<16xf32>
        %slice3A_3116 = vector.extract_strided_slice %get3A_2139 {offsets = [8], sizes = [1], strides = [1]} : vector<16xf32> to vector<1xf32>
        %squeeze3A_3117 = vector.extract %slice3A_3116[0] : f32 from vector<1xf32>
        %mul3A_3118 = vector.broadcast %squeeze3A_3117 : f32 to vector<16xf32>
        %mul3A_3119 = arith.mulf %get3A_3065, %mul3A_3118 : vector<16xf32>
        %add3A_3120 = arith.addf %add3A_3015, %mul3A_3119 : vector<16xf32>
        %slice3A_3121 = vector.extract_strided_slice %get3A_2148 {offsets = [8], sizes = [1], strides = [1]} : vector<16xf32> to vector<1xf32>
        %squeeze3A_3122 = vector.extract %slice3A_3121[0] : f32 from vector<1xf32>
        %mul3A_3123 = vector.broadcast %squeeze3A_3122 : f32 to vector<16xf32>
        %mul3A_3124 = arith.mulf %get3A_3065, %mul3A_3123 : vector<16xf32>
        %add3A_3125 = arith.addf %add3A_3020, %mul3A_3124 : vector<16xf32>
        %slice3A_3126 = vector.extract_strided_slice %get3A_2157 {offsets = [8], sizes = [1], strides = [1]} : vector<16xf32> to vector<1xf32>
        %squeeze3A_3127 = vector.extract %slice3A_3126[0] : f32 from vector<1xf32>
        %mul3A_3128 = vector.broadcast %squeeze3A_3127 : f32 to vector<16xf32>
        %mul3A_3129 = arith.mulf %get3A_3065, %mul3A_3128 : vector<16xf32>
        %add3A_3130 = arith.addf %add3A_3025, %mul3A_3129 : vector<16xf32>
        %slice3A_3131 = vector.extract_strided_slice %get3A_2166 {offsets = [8], sizes = [1], strides = [1]} : vector<16xf32> to vector<1xf32>
        %squeeze3A_3132 = vector.extract %slice3A_3131[0] : f32 from vector<1xf32>
        %mul3A_3133 = vector.broadcast %squeeze3A_3132 : f32 to vector<16xf32>
        %mul3A_3134 = arith.mulf %get3A_3065, %mul3A_3133 : vector<16xf32>
        %add3A_3135 = arith.addf %add3A_3030, %mul3A_3134 : vector<16xf32>
        %slice3A_3136 = vector.extract_strided_slice %get3A_2175 {offsets = [8], sizes = [1], strides = [1]} : vector<16xf32> to vector<1xf32>
        %squeeze3A_3137 = vector.extract %slice3A_3136[0] : f32 from vector<1xf32>
        %mul3A_3138 = vector.broadcast %squeeze3A_3137 : f32 to vector<16xf32>
        %mul3A_3139 = arith.mulf %get3A_3065, %mul3A_3138 : vector<16xf32>
        %add3A_3140 = arith.addf %add3A_3035, %mul3A_3139 : vector<16xf32>
        %slice3A_3141 = vector.extract_strided_slice %get3A_2184 {offsets = [8], sizes = [1], strides = [1]} : vector<16xf32> to vector<1xf32>
        %squeeze3A_3142 = vector.extract %slice3A_3141[0] : f32 from vector<1xf32>
        %mul3A_3143 = vector.broadcast %squeeze3A_3142 : f32 to vector<16xf32>
        %mul3A_3144 = arith.mulf %get3A_3065, %mul3A_3143 : vector<16xf32>
        %add3A_3145 = arith.addf %add3A_3040, %mul3A_3144 : vector<16xf32>
        %slice3A_3146 = vector.extract_strided_slice %get3A_2193 {offsets = [8], sizes = [1], strides = [1]} : vector<16xf32> to vector<1xf32>
        %squeeze3A_3147 = vector.extract %slice3A_3146[0] : f32 from vector<1xf32>
        %mul3A_3148 = vector.broadcast %squeeze3A_3147 : f32 to vector<16xf32>
        %mul3A_3149 = arith.mulf %get3A_3065, %mul3A_3148 : vector<16xf32>
        %add3A_3150 = arith.addf %add3A_3045, %mul3A_3149 : vector<16xf32>
        %slice3A_3151 = vector.extract_strided_slice %get3A_2202 {offsets = [8], sizes = [1], strides = [1]} : vector<16xf32> to vector<1xf32>
        %squeeze3A_3152 = vector.extract %slice3A_3151[0] : f32 from vector<1xf32>
        %mul3A_3153 = vector.broadcast %squeeze3A_3152 : f32 to vector<16xf32>
        %mul3A_3154 = arith.mulf %get3A_3065, %mul3A_3153 : vector<16xf32>
        %add3A_3155 = arith.addf %add3A_3050, %mul3A_3154 : vector<16xf32>
        %slice3A_3156 = vector.extract_strided_slice %get3A_2211 {offsets = [8], sizes = [1], strides = [1]} : vector<16xf32> to vector<1xf32>
        %squeeze3A_3157 = vector.extract %slice3A_3156[0] : f32 from vector<1xf32>
        %mul3A_3158 = vector.broadcast %squeeze3A_3157 : f32 to vector<16xf32>
        %mul3A_3159 = arith.mulf %get3A_3065, %mul3A_3158 : vector<16xf32>
        %add3A_3160 = arith.addf %add3A_3055, %mul3A_3159 : vector<16xf32>
        %slice3A_3161 = vector.extract_strided_slice %get3A_2220 {offsets = [8], sizes = [1], strides = [1]} : vector<16xf32> to vector<1xf32>
        %squeeze3A_3162 = vector.extract %slice3A_3161[0] : f32 from vector<1xf32>
        %mul3A_3163 = vector.broadcast %squeeze3A_3162 : f32 to vector<16xf32>
        %mul3A_3164 = arith.mulf %get3A_3065, %mul3A_3163 : vector<16xf32>
        %add3A_3165 = arith.addf %add3A_3060, %mul3A_3164 : vector<16xf32>
        %get3A_3166 = arith.constant 25 : i32
        %get3A_3167 = arith.index_cast %get3A_3166 : i32 to index
        %get3A_3168 = arith.index_cast %mul3A_26 : i32 to index
        %get3A_3169 = tpu.vector_load %arg5[%get3A_3167, %get3A_3168] {strides = array<i32>} : memref<32x1024xf32, #tpu.memory_space<vmem>>, vector<1x16xf32>,
        %get3A_3170 = vector.shape_cast %get3A_3169 : vector<1x16xf32> to vector<16xf32>
        %slice3A_3171 = vector.extract_strided_slice %get3A_2049 {offsets = [9], sizes = [1], strides = [1]} : vector<16xf32> to vector<1xf32>
        %squeeze3A_3172 = vector.extract %slice3A_3171[0] : f32 from vector<1xf32>
        %mul3A_3173 = vector.broadcast %squeeze3A_3172 : f32 to vector<16xf32>
        %mul3A_3174 = arith.mulf %get3A_3170, %mul3A_3173 : vector<16xf32>
        %add3A_3175 = arith.addf %add3A_3070, %mul3A_3174 : vector<16xf32>
        %slice3A_3176 = vector.extract_strided_slice %get3A_2058 {offsets = [9], sizes = [1], strides = [1]} : vector<16xf32> to vector<1xf32>
        %squeeze3A_3177 = vector.extract %slice3A_3176[0] : f32 from vector<1xf32>
        %mul3A_3178 = vector.broadcast %squeeze3A_3177 : f32 to vector<16xf32>
        %mul3A_3179 = arith.mulf %get3A_3170, %mul3A_3178 : vector<16xf32>
        %add3A_3180 = arith.addf %add3A_3075, %mul3A_3179 : vector<16xf32>
        %slice3A_3181 = vector.extract_strided_slice %get3A_2067 {offsets = [9], sizes = [1], strides = [1]} : vector<16xf32> to vector<1xf32>
        %squeeze3A_3182 = vector.extract %slice3A_3181[0] : f32 from vector<1xf32>
        %mul3A_3183 = vector.broadcast %squeeze3A_3182 : f32 to vector<16xf32>
        %mul3A_3184 = arith.mulf %get3A_3170, %mul3A_3183 : vector<16xf32>
        %add3A_3185 = arith.addf %add3A_3080, %mul3A_3184 : vector<16xf32>
        %slice3A_3186 = vector.extract_strided_slice %get3A_2076 {offsets = [9], sizes = [1], strides = [1]} : vector<16xf32> to vector<1xf32>
        %squeeze3A_3187 = vector.extract %slice3A_3186[0] : f32 from vector<1xf32>
        %mul3A_3188 = vector.broadcast %squeeze3A_3187 : f32 to vector<16xf32>
        %mul3A_3189 = arith.mulf %get3A_3170, %mul3A_3188 : vector<16xf32>
        %add3A_3190 = arith.addf %add3A_3085, %mul3A_3189 : vector<16xf32>
        %slice3A_3191 = vector.extract_strided_slice %get3A_2085 {offsets = [9], sizes = [1], strides = [1]} : vector<16xf32> to vector<1xf32>
        %squeeze3A_3192 = vector.extract %slice3A_3191[0] : f32 from vector<1xf32>
        %mul3A_3193 = vector.broadcast %squeeze3A_3192 : f32 to vector<16xf32>
        %mul3A_3194 = arith.mulf %get3A_3170, %mul3A_3193 : vector<16xf32>
        %add3A_3195 = arith.addf %add3A_3090, %mul3A_3194 : vector<16xf32>
        %slice3A_3196 = vector.extract_strided_slice %get3A_2094 {offsets = [9], sizes = [1], strides = [1]} : vector<16xf32> to vector<1xf32>
        %squeeze3A_3197 = vector.extract %slice3A_3196[0] : f32 from vector<1xf32>
        %mul3A_3198 = vector.broadcast %squeeze3A_3197 : f32 to vector<16xf32>
        %mul3A_3199 = arith.mulf %get3A_3170, %mul3A_3198 : vector<16xf32>
        %add3A_3200 = arith.addf %add3A_3095, %mul3A_3199 : vector<16xf32>
        %slice3A_3201 = vector.extract_strided_slice %get3A_2103 {offsets = [9], sizes = [1], strides = [1]} : vector<16xf32> to vector<1xf32>
        %squeeze3A_3202 = vector.extract %slice3A_3201[0] : f32 from vector<1xf32>
        %mul3A_3203 = vector.broadcast %squeeze3A_3202 : f32 to vector<16xf32>
        %mul3A_3204 = arith.mulf %get3A_3170, %mul3A_3203 : vector<16xf32>
        %add3A_3205 = arith.addf %add3A_3100, %mul3A_3204 : vector<16xf32>
        %slice3A_3206 = vector.extract_strided_slice %get3A_2112 {offsets = [9], sizes = [1], strides = [1]} : vector<16xf32> to vector<1xf32>
        %squeeze3A_3207 = vector.extract %slice3A_3206[0] : f32 from vector<1xf32>
        %mul3A_3208 = vector.broadcast %squeeze3A_3207 : f32 to vector<16xf32>
        %mul3A_3209 = arith.mulf %get3A_3170, %mul3A_3208 : vector<16xf32>
        %add3A_3210 = arith.addf %add3A_3105, %mul3A_3209 : vector<16xf32>
        %slice3A_3211 = vector.extract_strided_slice %get3A_2121 {offsets = [9], sizes = [1], strides = [1]} : vector<16xf32> to vector<1xf32>
        %squeeze3A_3212 = vector.extract %slice3A_3211[0] : f32 from vector<1xf32>
        %mul3A_3213 = vector.broadcast %squeeze3A_3212 : f32 to vector<16xf32>
        %mul3A_3214 = arith.mulf %get3A_3170, %mul3A_3213 : vector<16xf32>
        %add3A_3215 = arith.addf %add3A_3110, %mul3A_3214 : vector<16xf32>
        %slice3A_3216 = vector.extract_strided_slice %get3A_2130 {offsets = [9], sizes = [1], strides = [1]} : vector<16xf32> to vector<1xf32>
        %squeeze3A_3217 = vector.extract %slice3A_3216[0] : f32 from vector<1xf32>
        %mul3A_3218 = vector.broadcast %squeeze3A_3217 : f32 to vector<16xf32>
        %mul3A_3219 = arith.mulf %get3A_3170, %mul3A_3218 : vector<16xf32>
        %add3A_3220 = arith.addf %add3A_3115, %mul3A_3219 : vector<16xf32>
        %slice3A_3221 = vector.extract_strided_slice %get3A_2139 {offsets = [9], sizes = [1], strides = [1]} : vector<16xf32> to vector<1xf32>
        %squeeze3A_3222 = vector.extract %slice3A_3221[0] : f32 from vector<1xf32>
        %mul3A_3223 = vector.broadcast %squeeze3A_3222 : f32 to vector<16xf32>
        %mul3A_3224 = arith.mulf %get3A_3170, %mul3A_3223 : vector<16xf32>
        %add3A_3225 = arith.addf %add3A_3120, %mul3A_3224 : vector<16xf32>
        %slice3A_3226 = vector.extract_strided_slice %get3A_2148 {offsets = [9], sizes = [1], strides = [1]} : vector<16xf32> to vector<1xf32>
        %squeeze3A_3227 = vector.extract %slice3A_3226[0] : f32 from vector<1xf32>
        %mul3A_3228 = vector.broadcast %squeeze3A_3227 : f32 to vector<16xf32>
        %mul3A_3229 = arith.mulf %get3A_3170, %mul3A_3228 : vector<16xf32>
        %add3A_3230 = arith.addf %add3A_3125, %mul3A_3229 : vector<16xf32>
        %slice3A_3231 = vector.extract_strided_slice %get3A_2157 {offsets = [9], sizes = [1], strides = [1]} : vector<16xf32> to vector<1xf32>
        %squeeze3A_3232 = vector.extract %slice3A_3231[0] : f32 from vector<1xf32>
        %mul3A_3233 = vector.broadcast %squeeze3A_3232 : f32 to vector<16xf32>
        %mul3A_3234 = arith.mulf %get3A_3170, %mul3A_3233 : vector<16xf32>
        %add3A_3235 = arith.addf %add3A_3130, %mul3A_3234 : vector<16xf32>
        %slice3A_3236 = vector.extract_strided_slice %get3A_2166 {offsets = [9], sizes = [1], strides = [1]} : vector<16xf32> to vector<1xf32>
        %squeeze3A_3237 = vector.extract %slice3A_3236[0] : f32 from vector<1xf32>
        %mul3A_3238 = vector.broadcast %squeeze3A_3237 : f32 to vector<16xf32>
        %mul3A_3239 = arith.mulf %get3A_3170, %mul3A_3238 : vector<16xf32>
        %add3A_3240 = arith.addf %add3A_3135, %mul3A_3239 : vector<16xf32>
        %slice3A_3241 = vector.extract_strided_slice %get3A_2175 {offsets = [9], sizes = [1], strides = [1]} : vector<16xf32> to vector<1xf32>
        %squeeze3A_3242 = vector.extract %slice3A_3241[0] : f32 from vector<1xf32>
        %mul3A_3243 = vector.broadcast %squeeze3A_3242 : f32 to vector<16xf32>
        %mul3A_3244 = arith.mulf %get3A_3170, %mul3A_3243 : vector<16xf32>
        %add3A_3245 = arith.addf %add3A_3140, %mul3A_3244 : vector<16xf32>
        %slice3A_3246 = vector.extract_strided_slice %get3A_2184 {offsets = [9], sizes = [1], strides = [1]} : vector<16xf32> to vector<1xf32>
        %squeeze3A_3247 = vector.extract %slice3A_3246[0] : f32 from vector<1xf32>
        %mul3A_3248 = vector.broadcast %squeeze3A_3247 : f32 to vector<16xf32>
        %mul3A_3249 = arith.mulf %get3A_3170, %mul3A_3248 : vector<16xf32>
        %add3A_3250 = arith.addf %add3A_3145, %mul3A_3249 : vector<16xf32>
        %slice3A_3251 = vector.extract_strided_slice %get3A_2193 {offsets = [9], sizes = [1], strides = [1]} : vector<16xf32> to vector<1xf32>
        %squeeze3A_3252 = vector.extract %slice3A_3251[0] : f32 from vector<1xf32>
        %mul3A_3253 = vector.broadcast %squeeze3A_3252 : f32 to vector<16xf32>
        %mul3A_3254 = arith.mulf %get3A_3170, %mul3A_3253 : vector<16xf32>
        %add3A_3255 = arith.addf %add3A_3150, %mul3A_3254 : vector<16xf32>
        %slice3A_3256 = vector.extract_strided_slice %get3A_2202 {offsets = [9], sizes = [1], strides = [1]} : vector<16xf32> to vector<1xf32>
        %squeeze3A_3257 = vector.extract %slice3A_3256[0] : f32 from vector<1xf32>
        %mul3A_3258 = vector.broadcast %squeeze3A_3257 : f32 to vector<16xf32>
        %mul3A_3259 = arith.mulf %get3A_3170, %mul3A_3258 : vector<16xf32>
        %add3A_3260 = arith.addf %add3A_3155, %mul3A_3259 : vector<16xf32>
        %slice3A_3261 = vector.extract_strided_slice %get3A_2211 {offsets = [9], sizes = [1], strides = [1]} : vector<16xf32> to vector<1xf32>
        %squeeze3A_3262 = vector.extract %slice3A_3261[0] : f32 from vector<1xf32>
        %mul3A_3263 = vector.broadcast %squeeze3A_3262 : f32 to vector<16xf32>
        %mul3A_3264 = arith.mulf %get3A_3170, %mul3A_3263 : vector<16xf32>
        %add3A_3265 = arith.addf %add3A_3160, %mul3A_3264 : vector<16xf32>
        %slice3A_3266 = vector.extract_strided_slice %get3A_2220 {offsets = [9], sizes = [1], strides = [1]} : vector<16xf32> to vector<1xf32>
        %squeeze3A_3267 = vector.extract %slice3A_3266[0] : f32 from vector<1xf32>
        %mul3A_3268 = vector.broadcast %squeeze3A_3267 : f32 to vector<16xf32>
        %mul3A_3269 = arith.mulf %get3A_3170, %mul3A_3268 : vector<16xf32>
        %add3A_3270 = arith.addf %add3A_3165, %mul3A_3269 : vector<16xf32>
        %get3A_3271 = arith.constant 26 : i32
        %get3A_3272 = arith.index_cast %get3A_3271 : i32 to index
        %get3A_3273 = arith.index_cast %mul3A_26 : i32 to index
        %get3A_3274 = tpu.vector_load %arg5[%get3A_3272, %get3A_3273] {strides = array<i32>} : memref<32x1024xf32, #tpu.memory_space<vmem>>, vector<1x16xf32>,
        %get3A_3275 = vector.shape_cast %get3A_3274 : vector<1x16xf32> to vector<16xf32>
        %slice3A_3276 = vector.extract_strided_slice %get3A_2049 {offsets = [10], sizes = [1], strides = [1]} : vector<16xf32> to vector<1xf32>
        %squeeze3A_3277 = vector.extract %slice3A_3276[0] : f32 from vector<1xf32>
        %mul3A_3278 = vector.broadcast %squeeze3A_3277 : f32 to vector<16xf32>
        %mul3A_3279 = arith.mulf %get3A_3275, %mul3A_3278 : vector<16xf32>
        %add3A_3280 = arith.addf %add3A_3175, %mul3A_3279 : vector<16xf32>
        %slice3A_3281 = vector.extract_strided_slice %get3A_2058 {offsets = [10], sizes = [1], strides = [1]} : vector<16xf32> to vector<1xf32>
        %squeeze3A_3282 = vector.extract %slice3A_3281[0] : f32 from vector<1xf32>
        %mul3A_3283 = vector.broadcast %squeeze3A_3282 : f32 to vector<16xf32>
        %mul3A_3284 = arith.mulf %get3A_3275, %mul3A_3283 : vector<16xf32>
        %add3A_3285 = arith.addf %add3A_3180, %mul3A_3284 : vector<16xf32>
        %slice3A_3286 = vector.extract_strided_slice %get3A_2067 {offsets = [10], sizes = [1], strides = [1]} : vector<16xf32> to vector<1xf32>
        %squeeze3A_3287 = vector.extract %slice3A_3286[0] : f32 from vector<1xf32>
        %mul3A_3288 = vector.broadcast %squeeze3A_3287 : f32 to vector<16xf32>
        %mul3A_3289 = arith.mulf %get3A_3275, %mul3A_3288 : vector<16xf32>
        %add3A_3290 = arith.addf %add3A_3185, %mul3A_3289 : vector<16xf32>
        %slice3A_3291 = vector.extract_strided_slice %get3A_2076 {offsets = [10], sizes = [1], strides = [1]} : vector<16xf32> to vector<1xf32>
        %squeeze3A_3292 = vector.extract %slice3A_3291[0] : f32 from vector<1xf32>
        %mul3A_3293 = vector.broadcast %squeeze3A_3292 : f32 to vector<16xf32>
        %mul3A_3294 = arith.mulf %get3A_3275, %mul3A_3293 : vector<16xf32>
        %add3A_3295 = arith.addf %add3A_3190, %mul3A_3294 : vector<16xf32>
        %slice3A_3296 = vector.extract_strided_slice %get3A_2085 {offsets = [10], sizes = [1], strides = [1]} : vector<16xf32> to vector<1xf32>
        %squeeze3A_3297 = vector.extract %slice3A_3296[0] : f32 from vector<1xf32>
        %mul3A_3298 = vector.broadcast %squeeze3A_3297 : f32 to vector<16xf32>
        %mul3A_3299 = arith.mulf %get3A_3275, %mul3A_3298 : vector<16xf32>
        %add3A_3300 = arith.addf %add3A_3195, %mul3A_3299 : vector<16xf32>
        %slice3A_3301 = vector.extract_strided_slice %get3A_2094 {offsets = [10], sizes = [1], strides = [1]} : vector<16xf32> to vector<1xf32>
        %squeeze3A_3302 = vector.extract %slice3A_3301[0] : f32 from vector<1xf32>
        %mul3A_3303 = vector.broadcast %squeeze3A_3302 : f32 to vector<16xf32>
        %mul3A_3304 = arith.mulf %get3A_3275, %mul3A_3303 : vector<16xf32>
        %add3A_3305 = arith.addf %add3A_3200, %mul3A_3304 : vector<16xf32>
        %slice3A_3306 = vector.extract_strided_slice %get3A_2103 {offsets = [10], sizes = [1], strides = [1]} : vector<16xf32> to vector<1xf32>
        %squeeze3A_3307 = vector.extract %slice3A_3306[0] : f32 from vector<1xf32>
        %mul3A_3308 = vector.broadcast %squeeze3A_3307 : f32 to vector<16xf32>
        %mul3A_3309 = arith.mulf %get3A_3275, %mul3A_3308 : vector<16xf32>
        %add3A_3310 = arith.addf %add3A_3205, %mul3A_3309 : vector<16xf32>
        %slice3A_3311 = vector.extract_strided_slice %get3A_2112 {offsets = [10], sizes = [1], strides = [1]} : vector<16xf32> to vector<1xf32>
        %squeeze3A_3312 = vector.extract %slice3A_3311[0] : f32 from vector<1xf32>
        %mul3A_3313 = vector.broadcast %squeeze3A_3312 : f32 to vector<16xf32>
        %mul3A_3314 = arith.mulf %get3A_3275, %mul3A_3313 : vector<16xf32>
        %add3A_3315 = arith.addf %add3A_3210, %mul3A_3314 : vector<16xf32>
        %slice3A_3316 = vector.extract_strided_slice %get3A_2121 {offsets = [10], sizes = [1], strides = [1]} : vector<16xf32> to vector<1xf32>
        %squeeze3A_3317 = vector.extract %slice3A_3316[0] : f32 from vector<1xf32>
        %mul3A_3318 = vector.broadcast %squeeze3A_3317 : f32 to vector<16xf32>
        %mul3A_3319 = arith.mulf %get3A_3275, %mul3A_3318 : vector<16xf32>
        %add3A_3320 = arith.addf %add3A_3215, %mul3A_3319 : vector<16xf32>
        %slice3A_3321 = vector.extract_strided_slice %get3A_2130 {offsets = [10], sizes = [1], strides = [1]} : vector<16xf32> to vector<1xf32>
        %squeeze3A_3322 = vector.extract %slice3A_3321[0] : f32 from vector<1xf32>
        %mul3A_3323 = vector.broadcast %squeeze3A_3322 : f32 to vector<16xf32>
        %mul3A_3324 = arith.mulf %get3A_3275, %mul3A_3323 : vector<16xf32>
        %add3A_3325 = arith.addf %add3A_3220, %mul3A_3324 : vector<16xf32>
        %slice3A_3326 = vector.extract_strided_slice %get3A_2139 {offsets = [10], sizes = [1], strides = [1]} : vector<16xf32> to vector<1xf32>
        %squeeze3A_3327 = vector.extract %slice3A_3326[0] : f32 from vector<1xf32>
        %mul3A_3328 = vector.broadcast %squeeze3A_3327 : f32 to vector<16xf32>
        %mul3A_3329 = arith.mulf %get3A_3275, %mul3A_3328 : vector<16xf32>
        %add3A_3330 = arith.addf %add3A_3225, %mul3A_3329 : vector<16xf32>
        %slice3A_3331 = vector.extract_strided_slice %get3A_2148 {offsets = [10], sizes = [1], strides = [1]} : vector<16xf32> to vector<1xf32>
        %squeeze3A_3332 = vector.extract %slice3A_3331[0] : f32 from vector<1xf32>
        %mul3A_3333 = vector.broadcast %squeeze3A_3332 : f32 to vector<16xf32>
        %mul3A_3334 = arith.mulf %get3A_3275, %mul3A_3333 : vector<16xf32>
        %add3A_3335 = arith.addf %add3A_3230, %mul3A_3334 : vector<16xf32>
        %slice3A_3336 = vector.extract_strided_slice %get3A_2157 {offsets = [10], sizes = [1], strides = [1]} : vector<16xf32> to vector<1xf32>
        %squeeze3A_3337 = vector.extract %slice3A_3336[0] : f32 from vector<1xf32>
        %mul3A_3338 = vector.broadcast %squeeze3A_3337 : f32 to vector<16xf32>
        %mul3A_3339 = arith.mulf %get3A_3275, %mul3A_3338 : vector<16xf32>
        %add3A_3340 = arith.addf %add3A_3235, %mul3A_3339 : vector<16xf32>
        %slice3A_3341 = vector.extract_strided_slice %get3A_2166 {offsets = [10], sizes = [1], strides = [1]} : vector<16xf32> to vector<1xf32>
        %squeeze3A_3342 = vector.extract %slice3A_3341[0] : f32 from vector<1xf32>
        %mul3A_3343 = vector.broadcast %squeeze3A_3342 : f32 to vector<16xf32>
        %mul3A_3344 = arith.mulf %get3A_3275, %mul3A_3343 : vector<16xf32>
        %add3A_3345 = arith.addf %add3A_3240, %mul3A_3344 : vector<16xf32>
        %slice3A_3346 = vector.extract_strided_slice %get3A_2175 {offsets = [10], sizes = [1], strides = [1]} : vector<16xf32> to vector<1xf32>
        %squeeze3A_3347 = vector.extract %slice3A_3346[0] : f32 from vector<1xf32>
        %mul3A_3348 = vector.broadcast %squeeze3A_3347 : f32 to vector<16xf32>
        %mul3A_3349 = arith.mulf %get3A_3275, %mul3A_3348 : vector<16xf32>
        %add3A_3350 = arith.addf %add3A_3245, %mul3A_3349 : vector<16xf32>
        %slice3A_3351 = vector.extract_strided_slice %get3A_2184 {offsets = [10], sizes = [1], strides = [1]} : vector<16xf32> to vector<1xf32>
        %squeeze3A_3352 = vector.extract %slice3A_3351[0] : f32 from vector<1xf32>
        %mul3A_3353 = vector.broadcast %squeeze3A_3352 : f32 to vector<16xf32>
        %mul3A_3354 = arith.mulf %get3A_3275, %mul3A_3353 : vector<16xf32>
        %add3A_3355 = arith.addf %add3A_3250, %mul3A_3354 : vector<16xf32>
        %slice3A_3356 = vector.extract_strided_slice %get3A_2193 {offsets = [10], sizes = [1], strides = [1]} : vector<16xf32> to vector<1xf32>
        %squeeze3A_3357 = vector.extract %slice3A_3356[0] : f32 from vector<1xf32>
        %mul3A_3358 = vector.broadcast %squeeze3A_3357 : f32 to vector<16xf32>
        %mul3A_3359 = arith.mulf %get3A_3275, %mul3A_3358 : vector<16xf32>
        %add3A_3360 = arith.addf %add3A_3255, %mul3A_3359 : vector<16xf32>
        %slice3A_3361 = vector.extract_strided_slice %get3A_2202 {offsets = [10], sizes = [1], strides = [1]} : vector<16xf32> to vector<1xf32>
        %squeeze3A_3362 = vector.extract %slice3A_3361[0] : f32 from vector<1xf32>
        %mul3A_3363 = vector.broadcast %squeeze3A_3362 : f32 to vector<16xf32>
        %mul3A_3364 = arith.mulf %get3A_3275, %mul3A_3363 : vector<16xf32>
        %add3A_3365 = arith.addf %add3A_3260, %mul3A_3364 : vector<16xf32>
        %slice3A_3366 = vector.extract_strided_slice %get3A_2211 {offsets = [10], sizes = [1], strides = [1]} : vector<16xf32> to vector<1xf32>
        %squeeze3A_3367 = vector.extract %slice3A_3366[0] : f32 from vector<1xf32>
        %mul3A_3368 = vector.broadcast %squeeze3A_3367 : f32 to vector<16xf32>
        %mul3A_3369 = arith.mulf %get3A_3275, %mul3A_3368 : vector<16xf32>
        %add3A_3370 = arith.addf %add3A_3265, %mul3A_3369 : vector<16xf32>
        %slice3A_3371 = vector.extract_strided_slice %get3A_2220 {offsets = [10], sizes = [1], strides = [1]} : vector<16xf32> to vector<1xf32>
        %squeeze3A_3372 = vector.extract %slice3A_3371[0] : f32 from vector<1xf32>
        %mul3A_3373 = vector.broadcast %squeeze3A_3372 : f32 to vector<16xf32>
        %mul3A_3374 = arith.mulf %get3A_3275, %mul3A_3373 : vector<16xf32>
        %add3A_3375 = arith.addf %add3A_3270, %mul3A_3374 : vector<16xf32>
        %get3A_3376 = arith.constant 27 : i32
        %get3A_3377 = arith.index_cast %get3A_3376 : i32 to index
        %get3A_3378 = arith.index_cast %mul3A_26 : i32 to index
        %get3A_3379 = tpu.vector_load %arg5[%get3A_3377, %get3A_3378] {strides = array<i32>} : memref<32x1024xf32, #tpu.memory_space<vmem>>, vector<1x16xf32>,
        %get3A_3380 = vector.shape_cast %get3A_3379 : vector<1x16xf32> to vector<16xf32>
        %slice3A_3381 = vector.extract_strided_slice %get3A_2049 {offsets = [11], sizes = [1], strides = [1]} : vector<16xf32> to vector<1xf32>
        %squeeze3A_3382 = vector.extract %slice3A_3381[0] : f32 from vector<1xf32>
        %mul3A_3383 = vector.broadcast %squeeze3A_3382 : f32 to vector<16xf32>
        %mul3A_3384 = arith.mulf %get3A_3380, %mul3A_3383 : vector<16xf32>
        %add3A_3385 = arith.addf %add3A_3280, %mul3A_3384 : vector<16xf32>
        %slice3A_3386 = vector.extract_strided_slice %get3A_2058 {offsets = [11], sizes = [1], strides = [1]} : vector<16xf32> to vector<1xf32>
        %squeeze3A_3387 = vector.extract %slice3A_3386[0] : f32 from vector<1xf32>
        %mul3A_3388 = vector.broadcast %squeeze3A_3387 : f32 to vector<16xf32>
        %mul3A_3389 = arith.mulf %get3A_3380, %mul3A_3388 : vector<16xf32>
        %add3A_3390 = arith.addf %add3A_3285, %mul3A_3389 : vector<16xf32>
        %slice3A_3391 = vector.extract_strided_slice %get3A_2067 {offsets = [11], sizes = [1], strides = [1]} : vector<16xf32> to vector<1xf32>
        %squeeze3A_3392 = vector.extract %slice3A_3391[0] : f32 from vector<1xf32>
        %mul3A_3393 = vector.broadcast %squeeze3A_3392 : f32 to vector<16xf32>
        %mul3A_3394 = arith.mulf %get3A_3380, %mul3A_3393 : vector<16xf32>
        %add3A_3395 = arith.addf %add3A_3290, %mul3A_3394 : vector<16xf32>
        %slice3A_3396 = vector.extract_strided_slice %get3A_2076 {offsets = [11], sizes = [1], strides = [1]} : vector<16xf32> to vector<1xf32>
        %squeeze3A_3397 = vector.extract %slice3A_3396[0] : f32 from vector<1xf32>
        %mul3A_3398 = vector.broadcast %squeeze3A_3397 : f32 to vector<16xf32>
        %mul3A_3399 = arith.mulf %get3A_3380, %mul3A_3398 : vector<16xf32>
        %add3A_3400 = arith.addf %add3A_3295, %mul3A_3399 : vector<16xf32>
        %slice3A_3401 = vector.extract_strided_slice %get3A_2085 {offsets = [11], sizes = [1], strides = [1]} : vector<16xf32> to vector<1xf32>
        %squeeze3A_3402 = vector.extract %slice3A_3401[0] : f32 from vector<1xf32>
        %mul3A_3403 = vector.broadcast %squeeze3A_3402 : f32 to vector<16xf32>
        %mul3A_3404 = arith.mulf %get3A_3380, %mul3A_3403 : vector<16xf32>
        %add3A_3405 = arith.addf %add3A_3300, %mul3A_3404 : vector<16xf32>
        %slice3A_3406 = vector.extract_strided_slice %get3A_2094 {offsets = [11], sizes = [1], strides = [1]} : vector<16xf32> to vector<1xf32>
        %squeeze3A_3407 = vector.extract %slice3A_3406[0] : f32 from vector<1xf32>
        %mul3A_3408 = vector.broadcast %squeeze3A_3407 : f32 to vector<16xf32>
        %mul3A_3409 = arith.mulf %get3A_3380, %mul3A_3408 : vector<16xf32>
        %add3A_3410 = arith.addf %add3A_3305, %mul3A_3409 : vector<16xf32>
        %slice3A_3411 = vector.extract_strided_slice %get3A_2103 {offsets = [11], sizes = [1], strides = [1]} : vector<16xf32> to vector<1xf32>
        %squeeze3A_3412 = vector.extract %slice3A_3411[0] : f32 from vector<1xf32>
        %mul3A_3413 = vector.broadcast %squeeze3A_3412 : f32 to vector<16xf32>
        %mul3A_3414 = arith.mulf %get3A_3380, %mul3A_3413 : vector<16xf32>
        %add3A_3415 = arith.addf %add3A_3310, %mul3A_3414 : vector<16xf32>
        %slice3A_3416 = vector.extract_strided_slice %get3A_2112 {offsets = [11], sizes = [1], strides = [1]} : vector<16xf32> to vector<1xf32>
        %squeeze3A_3417 = vector.extract %slice3A_3416[0] : f32 from vector<1xf32>
        %mul3A_3418 = vector.broadcast %squeeze3A_3417 : f32 to vector<16xf32>
        %mul3A_3419 = arith.mulf %get3A_3380, %mul3A_3418 : vector<16xf32>
        %add3A_3420 = arith.addf %add3A_3315, %mul3A_3419 : vector<16xf32>
        %slice3A_3421 = vector.extract_strided_slice %get3A_2121 {offsets = [11], sizes = [1], strides = [1]} : vector<16xf32> to vector<1xf32>
        %squeeze3A_3422 = vector.extract %slice3A_3421[0] : f32 from vector<1xf32>
        %mul3A_3423 = vector.broadcast %squeeze3A_3422 : f32 to vector<16xf32>
        %mul3A_3424 = arith.mulf %get3A_3380, %mul3A_3423 : vector<16xf32>
        %add3A_3425 = arith.addf %add3A_3320, %mul3A_3424 : vector<16xf32>
        %slice3A_3426 = vector.extract_strided_slice %get3A_2130 {offsets = [11], sizes = [1], strides = [1]} : vector<16xf32> to vector<1xf32>
        %squeeze3A_3427 = vector.extract %slice3A_3426[0] : f32 from vector<1xf32>
        %mul3A_3428 = vector.broadcast %squeeze3A_3427 : f32 to vector<16xf32>
        %mul3A_3429 = arith.mulf %get3A_3380, %mul3A_3428 : vector<16xf32>
        %add3A_3430 = arith.addf %add3A_3325, %mul3A_3429 : vector<16xf32>
        %slice3A_3431 = vector.extract_strided_slice %get3A_2139 {offsets = [11], sizes = [1], strides = [1]} : vector<16xf32> to vector<1xf32>
        %squeeze3A_3432 = vector.extract %slice3A_3431[0] : f32 from vector<1xf32>
        %mul3A_3433 = vector.broadcast %squeeze3A_3432 : f32 to vector<16xf32>
        %mul3A_3434 = arith.mulf %get3A_3380, %mul3A_3433 : vector<16xf32>
        %add3A_3435 = arith.addf %add3A_3330, %mul3A_3434 : vector<16xf32>
        %slice3A_3436 = vector.extract_strided_slice %get3A_2148 {offsets = [11], sizes = [1], strides = [1]} : vector<16xf32> to vector<1xf32>
        %squeeze3A_3437 = vector.extract %slice3A_3436[0] : f32 from vector<1xf32>
        %mul3A_3438 = vector.broadcast %squeeze3A_3437 : f32 to vector<16xf32>
        %mul3A_3439 = arith.mulf %get3A_3380, %mul3A_3438 : vector<16xf32>
        %add3A_3440 = arith.addf %add3A_3335, %mul3A_3439 : vector<16xf32>
        %slice3A_3441 = vector.extract_strided_slice %get3A_2157 {offsets = [11], sizes = [1], strides = [1]} : vector<16xf32> to vector<1xf32>
        %squeeze3A_3442 = vector.extract %slice3A_3441[0] : f32 from vector<1xf32>
        %mul3A_3443 = vector.broadcast %squeeze3A_3442 : f32 to vector<16xf32>
        %mul3A_3444 = arith.mulf %get3A_3380, %mul3A_3443 : vector<16xf32>
        %add3A_3445 = arith.addf %add3A_3340, %mul3A_3444 : vector<16xf32>
        %slice3A_3446 = vector.extract_strided_slice %get3A_2166 {offsets = [11], sizes = [1], strides = [1]} : vector<16xf32> to vector<1xf32>
        %squeeze3A_3447 = vector.extract %slice3A_3446[0] : f32 from vector<1xf32>
        %mul3A_3448 = vector.broadcast %squeeze3A_3447 : f32 to vector<16xf32>
        %mul3A_3449 = arith.mulf %get3A_3380, %mul3A_3448 : vector<16xf32>
        %add3A_3450 = arith.addf %add3A_3345, %mul3A_3449 : vector<16xf32>
        %slice3A_3451 = vector.extract_strided_slice %get3A_2175 {offsets = [11], sizes = [1], strides = [1]} : vector<16xf32> to vector<1xf32>
        %squeeze3A_3452 = vector.extract %slice3A_3451[0] : f32 from vector<1xf32>
        %mul3A_3453 = vector.broadcast %squeeze3A_3452 : f32 to vector<16xf32>
        %mul3A_3454 = arith.mulf %get3A_3380, %mul3A_3453 : vector<16xf32>
        %add3A_3455 = arith.addf %add3A_3350, %mul3A_3454 : vector<16xf32>
        %slice3A_3456 = vector.extract_strided_slice %get3A_2184 {offsets = [11], sizes = [1], strides = [1]} : vector<16xf32> to vector<1xf32>
        %squeeze3A_3457 = vector.extract %slice3A_3456[0] : f32 from vector<1xf32>
        %mul3A_3458 = vector.broadcast %squeeze3A_3457 : f32 to vector<16xf32>
        %mul3A_3459 = arith.mulf %get3A_3380, %mul3A_3458 : vector<16xf32>
        %add3A_3460 = arith.addf %add3A_3355, %mul3A_3459 : vector<16xf32>
        %slice3A_3461 = vector.extract_strided_slice %get3A_2193 {offsets = [11], sizes = [1], strides = [1]} : vector<16xf32> to vector<1xf32>
        %squeeze3A_3462 = vector.extract %slice3A_3461[0] : f32 from vector<1xf32>
        %mul3A_3463 = vector.broadcast %squeeze3A_3462 : f32 to vector<16xf32>
        %mul3A_3464 = arith.mulf %get3A_3380, %mul3A_3463 : vector<16xf32>
        %add3A_3465 = arith.addf %add3A_3360, %mul3A_3464 : vector<16xf32>
        %slice3A_3466 = vector.extract_strided_slice %get3A_2202 {offsets = [11], sizes = [1], strides = [1]} : vector<16xf32> to vector<1xf32>
        %squeeze3A_3467 = vector.extract %slice3A_3466[0] : f32 from vector<1xf32>
        %mul3A_3468 = vector.broadcast %squeeze3A_3467 : f32 to vector<16xf32>
        %mul3A_3469 = arith.mulf %get3A_3380, %mul3A_3468 : vector<16xf32>
        %add3A_3470 = arith.addf %add3A_3365, %mul3A_3469 : vector<16xf32>
        %slice3A_3471 = vector.extract_strided_slice %get3A_2211 {offsets = [11], sizes = [1], strides = [1]} : vector<16xf32> to vector<1xf32>
        %squeeze3A_3472 = vector.extract %slice3A_3471[0] : f32 from vector<1xf32>
        %mul3A_3473 = vector.broadcast %squeeze3A_3472 : f32 to vector<16xf32>
        %mul3A_3474 = arith.mulf %get3A_3380, %mul3A_3473 : vector<16xf32>
        %add3A_3475 = arith.addf %add3A_3370, %mul3A_3474 : vector<16xf32>
        %slice3A_3476 = vector.extract_strided_slice %get3A_2220 {offsets = [11], sizes = [1], strides = [1]} : vector<16xf32> to vector<1xf32>
        %squeeze3A_3477 = vector.extract %slice3A_3476[0] : f32 from vector<1xf32>
        %mul3A_3478 = vector.broadcast %squeeze3A_3477 : f32 to vector<16xf32>
        %mul3A_3479 = arith.mulf %get3A_3380, %mul3A_3478 : vector<16xf32>
        %add3A_3480 = arith.addf %add3A_3375, %mul3A_3479 : vector<16xf32>
        %get3A_3481 = arith.constant 28 : i32
        %get3A_3482 = arith.index_cast %get3A_3481 : i32 to index
        %get3A_3483 = arith.index_cast %mul3A_26 : i32 to index
        %get3A_3484 = tpu.vector_load %arg5[%get3A_3482, %get3A_3483] {strides = array<i32>} : memref<32x1024xf32, #tpu.memory_space<vmem>>, vector<1x16xf32>,
        %get3A_3485 = vector.shape_cast %get3A_3484 : vector<1x16xf32> to vector<16xf32>
        %slice3A_3486 = vector.extract_strided_slice %get3A_2049 {offsets = [12], sizes = [1], strides = [1]} : vector<16xf32> to vector<1xf32>
        %squeeze3A_3487 = vector.extract %slice3A_3486[0] : f32 from vector<1xf32>
        %mul3A_3488 = vector.broadcast %squeeze3A_3487 : f32 to vector<16xf32>
        %mul3A_3489 = arith.mulf %get3A_3485, %mul3A_3488 : vector<16xf32>
        %add3A_3490 = arith.addf %add3A_3385, %mul3A_3489 : vector<16xf32>
        %slice3A_3491 = vector.extract_strided_slice %get3A_2058 {offsets = [12], sizes = [1], strides = [1]} : vector<16xf32> to vector<1xf32>
        %squeeze3A_3492 = vector.extract %slice3A_3491[0] : f32 from vector<1xf32>
        %mul3A_3493 = vector.broadcast %squeeze3A_3492 : f32 to vector<16xf32>
        %mul3A_3494 = arith.mulf %get3A_3485, %mul3A_3493 : vector<16xf32>
        %add3A_3495 = arith.addf %add3A_3390, %mul3A_3494 : vector<16xf32>
        %slice3A_3496 = vector.extract_strided_slice %get3A_2067 {offsets = [12], sizes = [1], strides = [1]} : vector<16xf32> to vector<1xf32>
        %squeeze3A_3497 = vector.extract %slice3A_3496[0] : f32 from vector<1xf32>
        %mul3A_3498 = vector.broadcast %squeeze3A_3497 : f32 to vector<16xf32>
        %mul3A_3499 = arith.mulf %get3A_3485, %mul3A_3498 : vector<16xf32>
        %add3A_3500 = arith.addf %add3A_3395, %mul3A_3499 : vector<16xf32>
        %slice3A_3501 = vector.extract_strided_slice %get3A_2076 {offsets = [12], sizes = [1], strides = [1]} : vector<16xf32> to vector<1xf32>
        %squeeze3A_3502 = vector.extract %slice3A_3501[0] : f32 from vector<1xf32>
        %mul3A_3503 = vector.broadcast %squeeze3A_3502 : f32 to vector<16xf32>
        %mul3A_3504 = arith.mulf %get3A_3485, %mul3A_3503 : vector<16xf32>
        %add3A_3505 = arith.addf %add3A_3400, %mul3A_3504 : vector<16xf32>
        %slice3A_3506 = vector.extract_strided_slice %get3A_2085 {offsets = [12], sizes = [1], strides = [1]} : vector<16xf32> to vector<1xf32>
        %squeeze3A_3507 = vector.extract %slice3A_3506[0] : f32 from vector<1xf32>
        %mul3A_3508 = vector.broadcast %squeeze3A_3507 : f32 to vector<16xf32>
        %mul3A_3509 = arith.mulf %get3A_3485, %mul3A_3508 : vector<16xf32>
        %add3A_3510 = arith.addf %add3A_3405, %mul3A_3509 : vector<16xf32>
        %slice3A_3511 = vector.extract_strided_slice %get3A_2094 {offsets = [12], sizes = [1], strides = [1]} : vector<16xf32> to vector<1xf32>
        %squeeze3A_3512 = vector.extract %slice3A_3511[0] : f32 from vector<1xf32>
        %mul3A_3513 = vector.broadcast %squeeze3A_3512 : f32 to vector<16xf32>
        %mul3A_3514 = arith.mulf %get3A_3485, %mul3A_3513 : vector<16xf32>
        %add3A_3515 = arith.addf %add3A_3410, %mul3A_3514 : vector<16xf32>
        %slice3A_3516 = vector.extract_strided_slice %get3A_2103 {offsets = [12], sizes = [1], strides = [1]} : vector<16xf32> to vector<1xf32>
        %squeeze3A_3517 = vector.extract %slice3A_3516[0] : f32 from vector<1xf32>
        %mul3A_3518 = vector.broadcast %squeeze3A_3517 : f32 to vector<16xf32>
        %mul3A_3519 = arith.mulf %get3A_3485, %mul3A_3518 : vector<16xf32>
        %add3A_3520 = arith.addf %add3A_3415, %mul3A_3519 : vector<16xf32>
        %slice3A_3521 = vector.extract_strided_slice %get3A_2112 {offsets = [12], sizes = [1], strides = [1]} : vector<16xf32> to vector<1xf32>
        %squeeze3A_3522 = vector.extract %slice3A_3521[0] : f32 from vector<1xf32>
        %mul3A_3523 = vector.broadcast %squeeze3A_3522 : f32 to vector<16xf32>
        %mul3A_3524 = arith.mulf %get3A_3485, %mul3A_3523 : vector<16xf32>
        %add3A_3525 = arith.addf %add3A_3420, %mul3A_3524 : vector<16xf32>
        %slice3A_3526 = vector.extract_strided_slice %get3A_2121 {offsets = [12], sizes = [1], strides = [1]} : vector<16xf32> to vector<1xf32>
        %squeeze3A_3527 = vector.extract %slice3A_3526[0] : f32 from vector<1xf32>
        %mul3A_3528 = vector.broadcast %squeeze3A_3527 : f32 to vector<16xf32>
        %mul3A_3529 = arith.mulf %get3A_3485, %mul3A_3528 : vector<16xf32>
        %add3A_3530 = arith.addf %add3A_3425, %mul3A_3529 : vector<16xf32>
        %slice3A_3531 = vector.extract_strided_slice %get3A_2130 {offsets = [12], sizes = [1], strides = [1]} : vector<16xf32> to vector<1xf32>
        %squeeze3A_3532 = vector.extract %slice3A_3531[0] : f32 from vector<1xf32>
        %mul3A_3533 = vector.broadcast %squeeze3A_3532 : f32 to vector<16xf32>
        %mul3A_3534 = arith.mulf %get3A_3485, %mul3A_3533 : vector<16xf32>
        %add3A_3535 = arith.addf %add3A_3430, %mul3A_3534 : vector<16xf32>
        %slice3A_3536 = vector.extract_strided_slice %get3A_2139 {offsets = [12], sizes = [1], strides = [1]} : vector<16xf32> to vector<1xf32>
        %squeeze3A_3537 = vector.extract %slice3A_3536[0] : f32 from vector<1xf32>
        %mul3A_3538 = vector.broadcast %squeeze3A_3537 : f32 to vector<16xf32>
        %mul3A_3539 = arith.mulf %get3A_3485, %mul3A_3538 : vector<16xf32>
        %add3A_3540 = arith.addf %add3A_3435, %mul3A_3539 : vector<16xf32>
        %slice3A_3541 = vector.extract_strided_slice %get3A_2148 {offsets = [12], sizes = [1], strides = [1]} : vector<16xf32> to vector<1xf32>
        %squeeze3A_3542 = vector.extract %slice3A_3541[0] : f32 from vector<1xf32>
        %mul3A_3543 = vector.broadcast %squeeze3A_3542 : f32 to vector<16xf32>
        %mul3A_3544 = arith.mulf %get3A_3485, %mul3A_3543 : vector<16xf32>
        %add3A_3545 = arith.addf %add3A_3440, %mul3A_3544 : vector<16xf32>
        %slice3A_3546 = vector.extract_strided_slice %get3A_2157 {offsets = [12], sizes = [1], strides = [1]} : vector<16xf32> to vector<1xf32>
        %squeeze3A_3547 = vector.extract %slice3A_3546[0] : f32 from vector<1xf32>
        %mul3A_3548 = vector.broadcast %squeeze3A_3547 : f32 to vector<16xf32>
        %mul3A_3549 = arith.mulf %get3A_3485, %mul3A_3548 : vector<16xf32>
        %add3A_3550 = arith.addf %add3A_3445, %mul3A_3549 : vector<16xf32>
        %slice3A_3551 = vector.extract_strided_slice %get3A_2166 {offsets = [12], sizes = [1], strides = [1]} : vector<16xf32> to vector<1xf32>
        %squeeze3A_3552 = vector.extract %slice3A_3551[0] : f32 from vector<1xf32>
        %mul3A_3553 = vector.broadcast %squeeze3A_3552 : f32 to vector<16xf32>
        %mul3A_3554 = arith.mulf %get3A_3485, %mul3A_3553 : vector<16xf32>
        %add3A_3555 = arith.addf %add3A_3450, %mul3A_3554 : vector<16xf32>
        %slice3A_3556 = vector.extract_strided_slice %get3A_2175 {offsets = [12], sizes = [1], strides = [1]} : vector<16xf32> to vector<1xf32>
        %squeeze3A_3557 = vector.extract %slice3A_3556[0] : f32 from vector<1xf32>
        %mul3A_3558 = vector.broadcast %squeeze3A_3557 : f32 to vector<16xf32>
        %mul3A_3559 = arith.mulf %get3A_3485, %mul3A_3558 : vector<16xf32>
        %add3A_3560 = arith.addf %add3A_3455, %mul3A_3559 : vector<16xf32>
        %slice3A_3561 = vector.extract_strided_slice %get3A_2184 {offsets = [12], sizes = [1], strides = [1]} : vector<16xf32> to vector<1xf32>
        %squeeze3A_3562 = vector.extract %slice3A_3561[0] : f32 from vector<1xf32>
        %mul3A_3563 = vector.broadcast %squeeze3A_3562 : f32 to vector<16xf32>
        %mul3A_3564 = arith.mulf %get3A_3485, %mul3A_3563 : vector<16xf32>
        %add3A_3565 = arith.addf %add3A_3460, %mul3A_3564 : vector<16xf32>
        %slice3A_3566 = vector.extract_strided_slice %get3A_2193 {offsets = [12], sizes = [1], strides = [1]} : vector<16xf32> to vector<1xf32>
        %squeeze3A_3567 = vector.extract %slice3A_3566[0] : f32 from vector<1xf32>
        %mul3A_3568 = vector.broadcast %squeeze3A_3567 : f32 to vector<16xf32>
        %mul3A_3569 = arith.mulf %get3A_3485, %mul3A_3568 : vector<16xf32>
        %add3A_3570 = arith.addf %add3A_3465, %mul3A_3569 : vector<16xf32>
        %slice3A_3571 = vector.extract_strided_slice %get3A_2202 {offsets = [12], sizes = [1], strides = [1]} : vector<16xf32> to vector<1xf32>
        %squeeze3A_3572 = vector.extract %slice3A_3571[0] : f32 from vector<1xf32>
        %mul3A_3573 = vector.broadcast %squeeze3A_3572 : f32 to vector<16xf32>
        %mul3A_3574 = arith.mulf %get3A_3485, %mul3A_3573 : vector<16xf32>
        %add3A_3575 = arith.addf %add3A_3470, %mul3A_3574 : vector<16xf32>
        %slice3A_3576 = vector.extract_strided_slice %get3A_2211 {offsets = [12], sizes = [1], strides = [1]} : vector<16xf32> to vector<1xf32>
        %squeeze3A_3577 = vector.extract %slice3A_3576[0] : f32 from vector<1xf32>
        %mul3A_3578 = vector.broadcast %squeeze3A_3577 : f32 to vector<16xf32>
        %mul3A_3579 = arith.mulf %get3A_3485, %mul3A_3578 : vector<16xf32>
        %add3A_3580 = arith.addf %add3A_3475, %mul3A_3579 : vector<16xf32>
        %slice3A_3581 = vector.extract_strided_slice %get3A_2220 {offsets = [12], sizes = [1], strides = [1]} : vector<16xf32> to vector<1xf32>
        %squeeze3A_3582 = vector.extract %slice3A_3581[0] : f32 from vector<1xf32>
        %mul3A_3583 = vector.broadcast %squeeze3A_3582 : f32 to vector<16xf32>
        %mul3A_3584 = arith.mulf %get3A_3485, %mul3A_3583 : vector<16xf32>
        %add3A_3585 = arith.addf %add3A_3480, %mul3A_3584 : vector<16xf32>
        %get3A_3586 = arith.constant 29 : i32
        %get3A_3587 = arith.index_cast %get3A_3586 : i32 to index
        %get3A_3588 = arith.index_cast %mul3A_26 : i32 to index
        %get3A_3589 = tpu.vector_load %arg5[%get3A_3587, %get3A_3588] {strides = array<i32>} : memref<32x1024xf32, #tpu.memory_space<vmem>>, vector<1x16xf32>,
        %get3A_3590 = vector.shape_cast %get3A_3589 : vector<1x16xf32> to vector<16xf32>
        %slice3A_3591 = vector.extract_strided_slice %get3A_2049 {offsets = [13], sizes = [1], strides = [1]} : vector<16xf32> to vector<1xf32>
        %squeeze3A_3592 = vector.extract %slice3A_3591[0] : f32 from vector<1xf32>
        %mul3A_3593 = vector.broadcast %squeeze3A_3592 : f32 to vector<16xf32>
        %mul3A_3594 = arith.mulf %get3A_3590, %mul3A_3593 : vector<16xf32>
        %add3A_3595 = arith.addf %add3A_3490, %mul3A_3594 : vector<16xf32>
        %slice3A_3596 = vector.extract_strided_slice %get3A_2058 {offsets = [13], sizes = [1], strides = [1]} : vector<16xf32> to vector<1xf32>
        %squeeze3A_3597 = vector.extract %slice3A_3596[0] : f32 from vector<1xf32>
        %mul3A_3598 = vector.broadcast %squeeze3A_3597 : f32 to vector<16xf32>
        %mul3A_3599 = arith.mulf %get3A_3590, %mul3A_3598 : vector<16xf32>
        %add3A_3600 = arith.addf %add3A_3495, %mul3A_3599 : vector<16xf32>
        %slice3A_3601 = vector.extract_strided_slice %get3A_2067 {offsets = [13], sizes = [1], strides = [1]} : vector<16xf32> to vector<1xf32>
        %squeeze3A_3602 = vector.extract %slice3A_3601[0] : f32 from vector<1xf32>
        %mul3A_3603 = vector.broadcast %squeeze3A_3602 : f32 to vector<16xf32>
        %mul3A_3604 = arith.mulf %get3A_3590, %mul3A_3603 : vector<16xf32>
        %add3A_3605 = arith.addf %add3A_3500, %mul3A_3604 : vector<16xf32>
        %slice3A_3606 = vector.extract_strided_slice %get3A_2076 {offsets = [13], sizes = [1], strides = [1]} : vector<16xf32> to vector<1xf32>
        %squeeze3A_3607 = vector.extract %slice3A_3606[0] : f32 from vector<1xf32>
        %mul3A_3608 = vector.broadcast %squeeze3A_3607 : f32 to vector<16xf32>
        %mul3A_3609 = arith.mulf %get3A_3590, %mul3A_3608 : vector<16xf32>
        %add3A_3610 = arith.addf %add3A_3505, %mul3A_3609 : vector<16xf32>
        %slice3A_3611 = vector.extract_strided_slice %get3A_2085 {offsets = [13], sizes = [1], strides = [1]} : vector<16xf32> to vector<1xf32>
        %squeeze3A_3612 = vector.extract %slice3A_3611[0] : f32 from vector<1xf32>
        %mul3A_3613 = vector.broadcast %squeeze3A_3612 : f32 to vector<16xf32>
        %mul3A_3614 = arith.mulf %get3A_3590, %mul3A_3613 : vector<16xf32>
        %add3A_3615 = arith.addf %add3A_3510, %mul3A_3614 : vector<16xf32>
        %slice3A_3616 = vector.extract_strided_slice %get3A_2094 {offsets = [13], sizes = [1], strides = [1]} : vector<16xf32> to vector<1xf32>
        %squeeze3A_3617 = vector.extract %slice3A_3616[0] : f32 from vector<1xf32>
        %mul3A_3618 = vector.broadcast %squeeze3A_3617 : f32 to vector<16xf32>
        %mul3A_3619 = arith.mulf %get3A_3590, %mul3A_3618 : vector<16xf32>
        %add3A_3620 = arith.addf %add3A_3515, %mul3A_3619 : vector<16xf32>
        %slice3A_3621 = vector.extract_strided_slice %get3A_2103 {offsets = [13], sizes = [1], strides = [1]} : vector<16xf32> to vector<1xf32>
        %squeeze3A_3622 = vector.extract %slice3A_3621[0] : f32 from vector<1xf32>
        %mul3A_3623 = vector.broadcast %squeeze3A_3622 : f32 to vector<16xf32>
        %mul3A_3624 = arith.mulf %get3A_3590, %mul3A_3623 : vector<16xf32>
        %add3A_3625 = arith.addf %add3A_3520, %mul3A_3624 : vector<16xf32>
        %slice3A_3626 = vector.extract_strided_slice %get3A_2112 {offsets = [13], sizes = [1], strides = [1]} : vector<16xf32> to vector<1xf32>
        %squeeze3A_3627 = vector.extract %slice3A_3626[0] : f32 from vector<1xf32>
        %mul3A_3628 = vector.broadcast %squeeze3A_3627 : f32 to vector<16xf32>
        %mul3A_3629 = arith.mulf %get3A_3590, %mul3A_3628 : vector<16xf32>
        %add3A_3630 = arith.addf %add3A_3525, %mul3A_3629 : vector<16xf32>
        %slice3A_3631 = vector.extract_strided_slice %get3A_2121 {offsets = [13], sizes = [1], strides = [1]} : vector<16xf32> to vector<1xf32>
        %squeeze3A_3632 = vector.extract %slice3A_3631[0] : f32 from vector<1xf32>
        %mul3A_3633 = vector.broadcast %squeeze3A_3632 : f32 to vector<16xf32>
        %mul3A_3634 = arith.mulf %get3A_3590, %mul3A_3633 : vector<16xf32>
        %add3A_3635 = arith.addf %add3A_3530, %mul3A_3634 : vector<16xf32>
        %slice3A_3636 = vector.extract_strided_slice %get3A_2130 {offsets = [13], sizes = [1], strides = [1]} : vector<16xf32> to vector<1xf32>
        %squeeze3A_3637 = vector.extract %slice3A_3636[0] : f32 from vector<1xf32>
        %mul3A_3638 = vector.broadcast %squeeze3A_3637 : f32 to vector<16xf32>
        %mul3A_3639 = arith.mulf %get3A_3590, %mul3A_3638 : vector<16xf32>
        %add3A_3640 = arith.addf %add3A_3535, %mul3A_3639 : vector<16xf32>
        %slice3A_3641 = vector.extract_strided_slice %get3A_2139 {offsets = [13], sizes = [1], strides = [1]} : vector<16xf32> to vector<1xf32>
        %squeeze3A_3642 = vector.extract %slice3A_3641[0] : f32 from vector<1xf32>
        %mul3A_3643 = vector.broadcast %squeeze3A_3642 : f32 to vector<16xf32>
        %mul3A_3644 = arith.mulf %get3A_3590, %mul3A_3643 : vector<16xf32>
        %add3A_3645 = arith.addf %add3A_3540, %mul3A_3644 : vector<16xf32>
        %slice3A_3646 = vector.extract_strided_slice %get3A_2148 {offsets = [13], sizes = [1], strides = [1]} : vector<16xf32> to vector<1xf32>
        %squeeze3A_3647 = vector.extract %slice3A_3646[0] : f32 from vector<1xf32>
        %mul3A_3648 = vector.broadcast %squeeze3A_3647 : f32 to vector<16xf32>
        %mul3A_3649 = arith.mulf %get3A_3590, %mul3A_3648 : vector<16xf32>
        %add3A_3650 = arith.addf %add3A_3545, %mul3A_3649 : vector<16xf32>
        %slice3A_3651 = vector.extract_strided_slice %get3A_2157 {offsets = [13], sizes = [1], strides = [1]} : vector<16xf32> to vector<1xf32>
        %squeeze3A_3652 = vector.extract %slice3A_3651[0] : f32 from vector<1xf32>
        %mul3A_3653 = vector.broadcast %squeeze3A_3652 : f32 to vector<16xf32>
        %mul3A_3654 = arith.mulf %get3A_3590, %mul3A_3653 : vector<16xf32>
        %add3A_3655 = arith.addf %add3A_3550, %mul3A_3654 : vector<16xf32>
        %slice3A_3656 = vector.extract_strided_slice %get3A_2166 {offsets = [13], sizes = [1], strides = [1]} : vector<16xf32> to vector<1xf32>
        %squeeze3A_3657 = vector.extract %slice3A_3656[0] : f32 from vector<1xf32>
        %mul3A_3658 = vector.broadcast %squeeze3A_3657 : f32 to vector<16xf32>
        %mul3A_3659 = arith.mulf %get3A_3590, %mul3A_3658 : vector<16xf32>
        %add3A_3660 = arith.addf %add3A_3555, %mul3A_3659 : vector<16xf32>
        %slice3A_3661 = vector.extract_strided_slice %get3A_2175 {offsets = [13], sizes = [1], strides = [1]} : vector<16xf32> to vector<1xf32>
        %squeeze3A_3662 = vector.extract %slice3A_3661[0] : f32 from vector<1xf32>
        %mul3A_3663 = vector.broadcast %squeeze3A_3662 : f32 to vector<16xf32>
        %mul3A_3664 = arith.mulf %get3A_3590, %mul3A_3663 : vector<16xf32>
        %add3A_3665 = arith.addf %add3A_3560, %mul3A_3664 : vector<16xf32>
        %slice3A_3666 = vector.extract_strided_slice %get3A_2184 {offsets = [13], sizes = [1], strides = [1]} : vector<16xf32> to vector<1xf32>
        %squeeze3A_3667 = vector.extract %slice3A_3666[0] : f32 from vector<1xf32>
        %mul3A_3668 = vector.broadcast %squeeze3A_3667 : f32 to vector<16xf32>
        %mul3A_3669 = arith.mulf %get3A_3590, %mul3A_3668 : vector<16xf32>
        %add3A_3670 = arith.addf %add3A_3565, %mul3A_3669 : vector<16xf32>
        %slice3A_3671 = vector.extract_strided_slice %get3A_2193 {offsets = [13], sizes = [1], strides = [1]} : vector<16xf32> to vector<1xf32>
        %squeeze3A_3672 = vector.extract %slice3A_3671[0] : f32 from vector<1xf32>
        %mul3A_3673 = vector.broadcast %squeeze3A_3672 : f32 to vector<16xf32>
        %mul3A_3674 = arith.mulf %get3A_3590, %mul3A_3673 : vector<16xf32>
        %add3A_3675 = arith.addf %add3A_3570, %mul3A_3674 : vector<16xf32>
        %slice3A_3676 = vector.extract_strided_slice %get3A_2202 {offsets = [13], sizes = [1], strides = [1]} : vector<16xf32> to vector<1xf32>
        %squeeze3A_3677 = vector.extract %slice3A_3676[0] : f32 from vector<1xf32>
        %mul3A_3678 = vector.broadcast %squeeze3A_3677 : f32 to vector<16xf32>
        %mul3A_3679 = arith.mulf %get3A_3590, %mul3A_3678 : vector<16xf32>
        %add3A_3680 = arith.addf %add3A_3575, %mul3A_3679 : vector<16xf32>
        %slice3A_3681 = vector.extract_strided_slice %get3A_2211 {offsets = [13], sizes = [1], strides = [1]} : vector<16xf32> to vector<1xf32>
        %squeeze3A_3682 = vector.extract %slice3A_3681[0] : f32 from vector<1xf32>
        %mul3A_3683 = vector.broadcast %squeeze3A_3682 : f32 to vector<16xf32>
        %mul3A_3684 = arith.mulf %get3A_3590, %mul3A_3683 : vector<16xf32>
        %add3A_3685 = arith.addf %add3A_3580, %mul3A_3684 : vector<16xf32>
        %slice3A_3686 = vector.extract_strided_slice %get3A_2220 {offsets = [13], sizes = [1], strides = [1]} : vector<16xf32> to vector<1xf32>
        %squeeze3A_3687 = vector.extract %slice3A_3686[0] : f32 from vector<1xf32>
        %mul3A_3688 = vector.broadcast %squeeze3A_3687 : f32 to vector<16xf32>
        %mul3A_3689 = arith.mulf %get3A_3590, %mul3A_3688 : vector<16xf32>
        %add3A_3690 = arith.addf %add3A_3585, %mul3A_3689 : vector<16xf32>
        %get3A_3691 = arith.constant 30 : i32
        %get3A_3692 = arith.index_cast %get3A_3691 : i32 to index
        %get3A_3693 = arith.index_cast %mul3A_26 : i32 to index
        %get3A_3694 = tpu.vector_load %arg5[%get3A_3692, %get3A_3693] {strides = array<i32>} : memref<32x1024xf32, #tpu.memory_space<vmem>>, vector<1x16xf32>,
        %get3A_3695 = vector.shape_cast %get3A_3694 : vector<1x16xf32> to vector<16xf32>
        %slice3A_3696 = vector.extract_strided_slice %get3A_2049 {offsets = [14], sizes = [1], strides = [1]} : vector<16xf32> to vector<1xf32>
        %squeeze3A_3697 = vector.extract %slice3A_3696[0] : f32 from vector<1xf32>
        %mul3A_3698 = vector.broadcast %squeeze3A_3697 : f32 to vector<16xf32>
        %mul3A_3699 = arith.mulf %get3A_3695, %mul3A_3698 : vector<16xf32>
        %add3A_3700 = arith.addf %add3A_3595, %mul3A_3699 : vector<16xf32>
        %slice3A_3701 = vector.extract_strided_slice %get3A_2058 {offsets = [14], sizes = [1], strides = [1]} : vector<16xf32> to vector<1xf32>
        %squeeze3A_3702 = vector.extract %slice3A_3701[0] : f32 from vector<1xf32>
        %mul3A_3703 = vector.broadcast %squeeze3A_3702 : f32 to vector<16xf32>
        %mul3A_3704 = arith.mulf %get3A_3695, %mul3A_3703 : vector<16xf32>
        %add3A_3705 = arith.addf %add3A_3600, %mul3A_3704 : vector<16xf32>
        %slice3A_3706 = vector.extract_strided_slice %get3A_2067 {offsets = [14], sizes = [1], strides = [1]} : vector<16xf32> to vector<1xf32>
        %squeeze3A_3707 = vector.extract %slice3A_3706[0] : f32 from vector<1xf32>
        %mul3A_3708 = vector.broadcast %squeeze3A_3707 : f32 to vector<16xf32>
        %mul3A_3709 = arith.mulf %get3A_3695, %mul3A_3708 : vector<16xf32>
        %add3A_3710 = arith.addf %add3A_3605, %mul3A_3709 : vector<16xf32>
        %slice3A_3711 = vector.extract_strided_slice %get3A_2076 {offsets = [14], sizes = [1], strides = [1]} : vector<16xf32> to vector<1xf32>
        %squeeze3A_3712 = vector.extract %slice3A_3711[0] : f32 from vector<1xf32>
        %mul3A_3713 = vector.broadcast %squeeze3A_3712 : f32 to vector<16xf32>
        %mul3A_3714 = arith.mulf %get3A_3695, %mul3A_3713 : vector<16xf32>
        %add3A_3715 = arith.addf %add3A_3610, %mul3A_3714 : vector<16xf32>
        %slice3A_3716 = vector.extract_strided_slice %get3A_2085 {offsets = [14], sizes = [1], strides = [1]} : vector<16xf32> to vector<1xf32>
        %squeeze3A_3717 = vector.extract %slice3A_3716[0] : f32 from vector<1xf32>
        %mul3A_3718 = vector.broadcast %squeeze3A_3717 : f32 to vector<16xf32>
        %mul3A_3719 = arith.mulf %get3A_3695, %mul3A_3718 : vector<16xf32>
        %add3A_3720 = arith.addf %add3A_3615, %mul3A_3719 : vector<16xf32>
        %slice3A_3721 = vector.extract_strided_slice %get3A_2094 {offsets = [14], sizes = [1], strides = [1]} : vector<16xf32> to vector<1xf32>
        %squeeze3A_3722 = vector.extract %slice3A_3721[0] : f32 from vector<1xf32>
        %mul3A_3723 = vector.broadcast %squeeze3A_3722 : f32 to vector<16xf32>
        %mul3A_3724 = arith.mulf %get3A_3695, %mul3A_3723 : vector<16xf32>
        %add3A_3725 = arith.addf %add3A_3620, %mul3A_3724 : vector<16xf32>
        %slice3A_3726 = vector.extract_strided_slice %get3A_2103 {offsets = [14], sizes = [1], strides = [1]} : vector<16xf32> to vector<1xf32>
        %squeeze3A_3727 = vector.extract %slice3A_3726[0] : f32 from vector<1xf32>
        %mul3A_3728 = vector.broadcast %squeeze3A_3727 : f32 to vector<16xf32>
        %mul3A_3729 = arith.mulf %get3A_3695, %mul3A_3728 : vector<16xf32>
        %add3A_3730 = arith.addf %add3A_3625, %mul3A_3729 : vector<16xf32>
        %slice3A_3731 = vector.extract_strided_slice %get3A_2112 {offsets = [14], sizes = [1], strides = [1]} : vector<16xf32> to vector<1xf32>
        %squeeze3A_3732 = vector.extract %slice3A_3731[0] : f32 from vector<1xf32>
        %mul3A_3733 = vector.broadcast %squeeze3A_3732 : f32 to vector<16xf32>
        %mul3A_3734 = arith.mulf %get3A_3695, %mul3A_3733 : vector<16xf32>
        %add3A_3735 = arith.addf %add3A_3630, %mul3A_3734 : vector<16xf32>
        %slice3A_3736 = vector.extract_strided_slice %get3A_2121 {offsets = [14], sizes = [1], strides = [1]} : vector<16xf32> to vector<1xf32>
        %squeeze3A_3737 = vector.extract %slice3A_3736[0] : f32 from vector<1xf32>
        %mul3A_3738 = vector.broadcast %squeeze3A_3737 : f32 to vector<16xf32>
        %mul3A_3739 = arith.mulf %get3A_3695, %mul3A_3738 : vector<16xf32>
        %add3A_3740 = arith.addf %add3A_3635, %mul3A_3739 : vector<16xf32>
        %slice3A_3741 = vector.extract_strided_slice %get3A_2130 {offsets = [14], sizes = [1], strides = [1]} : vector<16xf32> to vector<1xf32>
        %squeeze3A_3742 = vector.extract %slice3A_3741[0] : f32 from vector<1xf32>
        %mul3A_3743 = vector.broadcast %squeeze3A_3742 : f32 to vector<16xf32>
        %mul3A_3744 = arith.mulf %get3A_3695, %mul3A_3743 : vector<16xf32>
        %add3A_3745 = arith.addf %add3A_3640, %mul3A_3744 : vector<16xf32>
        %slice3A_3746 = vector.extract_strided_slice %get3A_2139 {offsets = [14], sizes = [1], strides = [1]} : vector<16xf32> to vector<1xf32>
        %squeeze3A_3747 = vector.extract %slice3A_3746[0] : f32 from vector<1xf32>
        %mul3A_3748 = vector.broadcast %squeeze3A_3747 : f32 to vector<16xf32>
        %mul3A_3749 = arith.mulf %get3A_3695, %mul3A_3748 : vector<16xf32>
        %add3A_3750 = arith.addf %add3A_3645, %mul3A_3749 : vector<16xf32>
        %slice3A_3751 = vector.extract_strided_slice %get3A_2148 {offsets = [14], sizes = [1], strides = [1]} : vector<16xf32> to vector<1xf32>
        %squeeze3A_3752 = vector.extract %slice3A_3751[0] : f32 from vector<1xf32>
        %mul3A_3753 = vector.broadcast %squeeze3A_3752 : f32 to vector<16xf32>
        %mul3A_3754 = arith.mulf %get3A_3695, %mul3A_3753 : vector<16xf32>
        %add3A_3755 = arith.addf %add3A_3650, %mul3A_3754 : vector<16xf32>
        %slice3A_3756 = vector.extract_strided_slice %get3A_2157 {offsets = [14], sizes = [1], strides = [1]} : vector<16xf32> to vector<1xf32>
        %squeeze3A_3757 = vector.extract %slice3A_3756[0] : f32 from vector<1xf32>
        %mul3A_3758 = vector.broadcast %squeeze3A_3757 : f32 to vector<16xf32>
        %mul3A_3759 = arith.mulf %get3A_3695, %mul3A_3758 : vector<16xf32>
        %add3A_3760 = arith.addf %add3A_3655, %mul3A_3759 : vector<16xf32>
        %slice3A_3761 = vector.extract_strided_slice %get3A_2166 {offsets = [14], sizes = [1], strides = [1]} : vector<16xf32> to vector<1xf32>
        %squeeze3A_3762 = vector.extract %slice3A_3761[0] : f32 from vector<1xf32>
        %mul3A_3763 = vector.broadcast %squeeze3A_3762 : f32 to vector<16xf32>
        %mul3A_3764 = arith.mulf %get3A_3695, %mul3A_3763 : vector<16xf32>
        %add3A_3765 = arith.addf %add3A_3660, %mul3A_3764 : vector<16xf32>
        %slice3A_3766 = vector.extract_strided_slice %get3A_2175 {offsets = [14], sizes = [1], strides = [1]} : vector<16xf32> to vector<1xf32>
        %squeeze3A_3767 = vector.extract %slice3A_3766[0] : f32 from vector<1xf32>
        %mul3A_3768 = vector.broadcast %squeeze3A_3767 : f32 to vector<16xf32>
        %mul3A_3769 = arith.mulf %get3A_3695, %mul3A_3768 : vector<16xf32>
        %add3A_3770 = arith.addf %add3A_3665, %mul3A_3769 : vector<16xf32>
        %slice3A_3771 = vector.extract_strided_slice %get3A_2184 {offsets = [14], sizes = [1], strides = [1]} : vector<16xf32> to vector<1xf32>
        %squeeze3A_3772 = vector.extract %slice3A_3771[0] : f32 from vector<1xf32>
        %mul3A_3773 = vector.broadcast %squeeze3A_3772 : f32 to vector<16xf32>
        %mul3A_3774 = arith.mulf %get3A_3695, %mul3A_3773 : vector<16xf32>
        %add3A_3775 = arith.addf %add3A_3670, %mul3A_3774 : vector<16xf32>
        %slice3A_3776 = vector.extract_strided_slice %get3A_2193 {offsets = [14], sizes = [1], strides = [1]} : vector<16xf32> to vector<1xf32>
        %squeeze3A_3777 = vector.extract %slice3A_3776[0] : f32 from vector<1xf32>
        %mul3A_3778 = vector.broadcast %squeeze3A_3777 : f32 to vector<16xf32>
        %mul3A_3779 = arith.mulf %get3A_3695, %mul3A_3778 : vector<16xf32>
        %add3A_3780 = arith.addf %add3A_3675, %mul3A_3779 : vector<16xf32>
        %slice3A_3781 = vector.extract_strided_slice %get3A_2202 {offsets = [14], sizes = [1], strides = [1]} : vector<16xf32> to vector<1xf32>
        %squeeze3A_3782 = vector.extract %slice3A_3781[0] : f32 from vector<1xf32>
        %mul3A_3783 = vector.broadcast %squeeze3A_3782 : f32 to vector<16xf32>
        %mul3A_3784 = arith.mulf %get3A_3695, %mul3A_3783 : vector<16xf32>
        %add3A_3785 = arith.addf %add3A_3680, %mul3A_3784 : vector<16xf32>
        %slice3A_3786 = vector.extract_strided_slice %get3A_2211 {offsets = [14], sizes = [1], strides = [1]} : vector<16xf32> to vector<1xf32>
        %squeeze3A_3787 = vector.extract %slice3A_3786[0] : f32 from vector<1xf32>
        %mul3A_3788 = vector.broadcast %squeeze3A_3787 : f32 to vector<16xf32>
        %mul3A_3789 = arith.mulf %get3A_3695, %mul3A_3788 : vector<16xf32>
        %add3A_3790 = arith.addf %add3A_3685, %mul3A_3789 : vector<16xf32>
        %slice3A_3791 = vector.extract_strided_slice %get3A_2220 {offsets = [14], sizes = [1], strides = [1]} : vector<16xf32> to vector<1xf32>
        %squeeze3A_3792 = vector.extract %slice3A_3791[0] : f32 from vector<1xf32>
        %mul3A_3793 = vector.broadcast %squeeze3A_3792 : f32 to vector<16xf32>
        %mul3A_3794 = arith.mulf %get3A_3695, %mul3A_3793 : vector<16xf32>
        %add3A_3795 = arith.addf %add3A_3690, %mul3A_3794 : vector<16xf32>
        %get3A_3796 = arith.constant 31 : i32
        %get3A_3797 = arith.index_cast %get3A_3796 : i32 to index
        %get3A_3798 = arith.index_cast %mul3A_26 : i32 to index
        %get3A_3799 = tpu.vector_load %arg5[%get3A_3797, %get3A_3798] {strides = array<i32>} : memref<32x1024xf32, #tpu.memory_space<vmem>>, vector<1x16xf32>,
        %get3A_3800 = vector.shape_cast %get3A_3799 : vector<1x16xf32> to vector<16xf32>
        %slice3A_3801 = vector.extract_strided_slice %get3A_2049 {offsets = [15], sizes = [1], strides = [1]} : vector<16xf32> to vector<1xf32>
        %squeeze3A_3802 = vector.extract %slice3A_3801[0] : f32 from vector<1xf32>
        %mul3A_3803 = vector.broadcast %squeeze3A_3802 : f32 to vector<16xf32>
        %mul3A_3804 = arith.mulf %get3A_3800, %mul3A_3803 : vector<16xf32>
        %add3A_3805 = arith.addf %add3A_3700, %mul3A_3804 : vector<16xf32>
        %slice3A_3806 = vector.extract_strided_slice %get3A_2058 {offsets = [15], sizes = [1], strides = [1]} : vector<16xf32> to vector<1xf32>
        %squeeze3A_3807 = vector.extract %slice3A_3806[0] : f32 from vector<1xf32>
        %mul3A_3808 = vector.broadcast %squeeze3A_3807 : f32 to vector<16xf32>
        %mul3A_3809 = arith.mulf %get3A_3800, %mul3A_3808 : vector<16xf32>
        %add3A_3810 = arith.addf %add3A_3705, %mul3A_3809 : vector<16xf32>
        %slice3A_3811 = vector.extract_strided_slice %get3A_2067 {offsets = [15], sizes = [1], strides = [1]} : vector<16xf32> to vector<1xf32>
        %squeeze3A_3812 = vector.extract %slice3A_3811[0] : f32 from vector<1xf32>
        %mul3A_3813 = vector.broadcast %squeeze3A_3812 : f32 to vector<16xf32>
        %mul3A_3814 = arith.mulf %get3A_3800, %mul3A_3813 : vector<16xf32>
        %add3A_3815 = arith.addf %add3A_3710, %mul3A_3814 : vector<16xf32>
        %slice3A_3816 = vector.extract_strided_slice %get3A_2076 {offsets = [15], sizes = [1], strides = [1]} : vector<16xf32> to vector<1xf32>
        %squeeze3A_3817 = vector.extract %slice3A_3816[0] : f32 from vector<1xf32>
        %mul3A_3818 = vector.broadcast %squeeze3A_3817 : f32 to vector<16xf32>
        %mul3A_3819 = arith.mulf %get3A_3800, %mul3A_3818 : vector<16xf32>
        %add3A_3820 = arith.addf %add3A_3715, %mul3A_3819 : vector<16xf32>
        %slice3A_3821 = vector.extract_strided_slice %get3A_2085 {offsets = [15], sizes = [1], strides = [1]} : vector<16xf32> to vector<1xf32>
        %squeeze3A_3822 = vector.extract %slice3A_3821[0] : f32 from vector<1xf32>
        %mul3A_3823 = vector.broadcast %squeeze3A_3822 : f32 to vector<16xf32>
        %mul3A_3824 = arith.mulf %get3A_3800, %mul3A_3823 : vector<16xf32>
        %add3A_3825 = arith.addf %add3A_3720, %mul3A_3824 : vector<16xf32>
        %slice3A_3826 = vector.extract_strided_slice %get3A_2094 {offsets = [15], sizes = [1], strides = [1]} : vector<16xf32> to vector<1xf32>
        %squeeze3A_3827 = vector.extract %slice3A_3826[0] : f32 from vector<1xf32>
        %mul3A_3828 = vector.broadcast %squeeze3A_3827 : f32 to vector<16xf32>
        %mul3A_3829 = arith.mulf %get3A_3800, %mul3A_3828 : vector<16xf32>
        %add3A_3830 = arith.addf %add3A_3725, %mul3A_3829 : vector<16xf32>
        %slice3A_3831 = vector.extract_strided_slice %get3A_2103 {offsets = [15], sizes = [1], strides = [1]} : vector<16xf32> to vector<1xf32>
        %squeeze3A_3832 = vector.extract %slice3A_3831[0] : f32 from vector<1xf32>
        %mul3A_3833 = vector.broadcast %squeeze3A_3832 : f32 to vector<16xf32>
        %mul3A_3834 = arith.mulf %get3A_3800, %mul3A_3833 : vector<16xf32>
        %add3A_3835 = arith.addf %add3A_3730, %mul3A_3834 : vector<16xf32>
        %slice3A_3836 = vector.extract_strided_slice %get3A_2112 {offsets = [15], sizes = [1], strides = [1]} : vector<16xf32> to vector<1xf32>
        %squeeze3A_3837 = vector.extract %slice3A_3836[0] : f32 from vector<1xf32>
        %mul3A_3838 = vector.broadcast %squeeze3A_3837 : f32 to vector<16xf32>
        %mul3A_3839 = arith.mulf %get3A_3800, %mul3A_3838 : vector<16xf32>
        %add3A_3840 = arith.addf %add3A_3735, %mul3A_3839 : vector<16xf32>
        %slice3A_3841 = vector.extract_strided_slice %get3A_2121 {offsets = [15], sizes = [1], strides = [1]} : vector<16xf32> to vector<1xf32>
        %squeeze3A_3842 = vector.extract %slice3A_3841[0] : f32 from vector<1xf32>
        %mul3A_3843 = vector.broadcast %squeeze3A_3842 : f32 to vector<16xf32>
        %mul3A_3844 = arith.mulf %get3A_3800, %mul3A_3843 : vector<16xf32>
        %add3A_3845 = arith.addf %add3A_3740, %mul3A_3844 : vector<16xf32>
        %slice3A_3846 = vector.extract_strided_slice %get3A_2130 {offsets = [15], sizes = [1], strides = [1]} : vector<16xf32> to vector<1xf32>
        %squeeze3A_3847 = vector.extract %slice3A_3846[0] : f32 from vector<1xf32>
        %mul3A_3848 = vector.broadcast %squeeze3A_3847 : f32 to vector<16xf32>
        %mul3A_3849 = arith.mulf %get3A_3800, %mul3A_3848 : vector<16xf32>
        %add3A_3850 = arith.addf %add3A_3745, %mul3A_3849 : vector<16xf32>
        %slice3A_3851 = vector.extract_strided_slice %get3A_2139 {offsets = [15], sizes = [1], strides = [1]} : vector<16xf32> to vector<1xf32>
        %squeeze3A_3852 = vector.extract %slice3A_3851[0] : f32 from vector<1xf32>
        %mul3A_3853 = vector.broadcast %squeeze3A_3852 : f32 to vector<16xf32>
        %mul3A_3854 = arith.mulf %get3A_3800, %mul3A_3853 : vector<16xf32>
        %add3A_3855 = arith.addf %add3A_3750, %mul3A_3854 : vector<16xf32>
        %slice3A_3856 = vector.extract_strided_slice %get3A_2148 {offsets = [15], sizes = [1], strides = [1]} : vector<16xf32> to vector<1xf32>
        %squeeze3A_3857 = vector.extract %slice3A_3856[0] : f32 from vector<1xf32>
        %mul3A_3858 = vector.broadcast %squeeze3A_3857 : f32 to vector<16xf32>
        %mul3A_3859 = arith.mulf %get3A_3800, %mul3A_3858 : vector<16xf32>
        %add3A_3860 = arith.addf %add3A_3755, %mul3A_3859 : vector<16xf32>
        %slice3A_3861 = vector.extract_strided_slice %get3A_2157 {offsets = [15], sizes = [1], strides = [1]} : vector<16xf32> to vector<1xf32>
        %squeeze3A_3862 = vector.extract %slice3A_3861[0] : f32 from vector<1xf32>
        %mul3A_3863 = vector.broadcast %squeeze3A_3862 : f32 to vector<16xf32>
        %mul3A_3864 = arith.mulf %get3A_3800, %mul3A_3863 : vector<16xf32>
        %add3A_3865 = arith.addf %add3A_3760, %mul3A_3864 : vector<16xf32>
        %slice3A_3866 = vector.extract_strided_slice %get3A_2166 {offsets = [15], sizes = [1], strides = [1]} : vector<16xf32> to vector<1xf32>
        %squeeze3A_3867 = vector.extract %slice3A_3866[0] : f32 from vector<1xf32>
        %mul3A_3868 = vector.broadcast %squeeze3A_3867 : f32 to vector<16xf32>
        %mul3A_3869 = arith.mulf %get3A_3800, %mul3A_3868 : vector<16xf32>
        %add3A_3870 = arith.addf %add3A_3765, %mul3A_3869 : vector<16xf32>
        %slice3A_3871 = vector.extract_strided_slice %get3A_2175 {offsets = [15], sizes = [1], strides = [1]} : vector<16xf32> to vector<1xf32>
        %squeeze3A_3872 = vector.extract %slice3A_3871[0] : f32 from vector<1xf32>
        %mul3A_3873 = vector.broadcast %squeeze3A_3872 : f32 to vector<16xf32>
        %mul3A_3874 = arith.mulf %get3A_3800, %mul3A_3873 : vector<16xf32>
        %add3A_3875 = arith.addf %add3A_3770, %mul3A_3874 : vector<16xf32>
        %slice3A_3876 = vector.extract_strided_slice %get3A_2184 {offsets = [15], sizes = [1], strides = [1]} : vector<16xf32> to vector<1xf32>
        %squeeze3A_3877 = vector.extract %slice3A_3876[0] : f32 from vector<1xf32>
        %mul3A_3878 = vector.broadcast %squeeze3A_3877 : f32 to vector<16xf32>
        %mul3A_3879 = arith.mulf %get3A_3800, %mul3A_3878 : vector<16xf32>
        %add3A_3880 = arith.addf %add3A_3775, %mul3A_3879 : vector<16xf32>
        %slice3A_3881 = vector.extract_strided_slice %get3A_2193 {offsets = [15], sizes = [1], strides = [1]} : vector<16xf32> to vector<1xf32>
        %squeeze3A_3882 = vector.extract %slice3A_3881[0] : f32 from vector<1xf32>
        %mul3A_3883 = vector.broadcast %squeeze3A_3882 : f32 to vector<16xf32>
        %mul3A_3884 = arith.mulf %get3A_3800, %mul3A_3883 : vector<16xf32>
        %add3A_3885 = arith.addf %add3A_3780, %mul3A_3884 : vector<16xf32>
        %slice3A_3886 = vector.extract_strided_slice %get3A_2202 {offsets = [15], sizes = [1], strides = [1]} : vector<16xf32> to vector<1xf32>
        %squeeze3A_3887 = vector.extract %slice3A_3886[0] : f32 from vector<1xf32>
        %mul3A_3888 = vector.broadcast %squeeze3A_3887 : f32 to vector<16xf32>
        %mul3A_3889 = arith.mulf %get3A_3800, %mul3A_3888 : vector<16xf32>
        %add3A_3890 = arith.addf %add3A_3785, %mul3A_3889 : vector<16xf32>
        %slice3A_3891 = vector.extract_strided_slice %get3A_2211 {offsets = [15], sizes = [1], strides = [1]} : vector<16xf32> to vector<1xf32>
        %squeeze3A_3892 = vector.extract %slice3A_3891[0] : f32 from vector<1xf32>
        %mul3A_3893 = vector.broadcast %squeeze3A_3892 : f32 to vector<16xf32>
        %mul3A_3894 = arith.mulf %get3A_3800, %mul3A_3893 : vector<16xf32>
        %add3A_3895 = arith.addf %add3A_3790, %mul3A_3894 : vector<16xf32>
        %slice3A_3896 = vector.extract_strided_slice %get3A_2220 {offsets = [15], sizes = [1], strides = [1]} : vector<16xf32> to vector<1xf32>
        %squeeze3A_3897 = vector.extract %slice3A_3896[0] : f32 from vector<1xf32>
        %mul3A_3898 = vector.broadcast %squeeze3A_3897 : f32 to vector<16xf32>
        %mul3A_3899 = arith.mulf %get3A_3800, %mul3A_3898 : vector<16xf32>
        %add3A_3900 = arith.addf %add3A_3795, %mul3A_3899 : vector<16xf32>
        %swap3A = arith.constant 0 : i32
        %swap3A_3901 = arith.index_cast %swap3A : i32 to index
        %swap3A_3902 = arith.index_cast %mul3A_26 : i32 to index
        %swap3A_3903 = tpu.vector_load %arg7[%swap3A_3901, %swap3A_3902] {strides = array<i32>} : memref<20x1024xf32, #tpu.memory_space<vmem>>, vector<1x16xf32>,
        %swap3A_3904 = vector.shape_cast %swap3A_3903 : vector<1x16xf32> to vector<16xf32>
        %swap3A_3905 = vector.shape_cast %add3A_3805 : vector<16xf32> to vector<1x16xf32>
        tpu.vector_store %arg7[%swap3A_3901, %swap3A_3902], %swap3A_3905 {strides = array<i32>} : memref<20x1024xf32, #tpu.memory_space<vmem>>, vector<1x16xf32>,
        %swap3A_3906 = arith.constant 1 : i32
        %swap3A_3907 = arith.index_cast %swap3A_3906 : i32 to index
        %swap3A_3908 = arith.index_cast %mul3A_26 : i32 to index
        %swap3A_3909 = tpu.vector_load %arg7[%swap3A_3907, %swap3A_3908] {strides = array<i32>} : memref<20x1024xf32, #tpu.memory_space<vmem>>, vector<1x16xf32>,
        %swap3A_3910 = vector.shape_cast %swap3A_3909 : vector<1x16xf32> to vector<16xf32>
        %swap3A_3911 = vector.shape_cast %add3A_3810 : vector<16xf32> to vector<1x16xf32>
        tpu.vector_store %arg7[%swap3A_3907, %swap3A_3908], %swap3A_3911 {strides = array<i32>} : memref<20x1024xf32, #tpu.memory_space<vmem>>, vector<1x16xf32>,
        %swap3A_3912 = arith.constant 2 : i32
        %swap3A_3913 = arith.index_cast %swap3A_3912 : i32 to index
        %swap3A_3914 = arith.index_cast %mul3A_26 : i32 to index
        %swap3A_3915 = tpu.vector_load %arg7[%swap3A_3913, %swap3A_3914] {strides = array<i32>} : memref<20x1024xf32, #tpu.memory_space<vmem>>, vector<1x16xf32>,
        %swap3A_3916 = vector.shape_cast %swap3A_3915 : vector<1x16xf32> to vector<16xf32>
        %swap3A_3917 = vector.shape_cast %add3A_3815 : vector<16xf32> to vector<1x16xf32>
        tpu.vector_store %arg7[%swap3A_3913, %swap3A_3914], %swap3A_3917 {strides = array<i32>} : memref<20x1024xf32, #tpu.memory_space<vmem>>, vector<1x16xf32>,
        %swap3A_3918 = arith.constant 3 : i32
        %swap3A_3919 = arith.index_cast %swap3A_3918 : i32 to index
        %swap3A_3920 = arith.index_cast %mul3A_26 : i32 to index
        %swap3A_3921 = tpu.vector_load %arg7[%swap3A_3919, %swap3A_3920] {strides = array<i32>} : memref<20x1024xf32, #tpu.memory_space<vmem>>, vector<1x16xf32>,
        %swap3A_3922 = vector.shape_cast %swap3A_3921 : vector<1x16xf32> to vector<16xf32>
        %swap3A_3923 = vector.shape_cast %add3A_3820 : vector<16xf32> to vector<1x16xf32>
        tpu.vector_store %arg7[%swap3A_3919, %swap3A_3920], %swap3A_3923 {strides = array<i32>} : memref<20x1024xf32, #tpu.memory_space<vmem>>, vector<1x16xf32>,
        %swap3A_3924 = arith.constant 4 : i32
        %swap3A_3925 = arith.index_cast %swap3A_3924 : i32 to index
        %swap3A_3926 = arith.index_cast %mul3A_26 : i32 to index
        %swap3A_3927 = tpu.vector_load %arg7[%swap3A_3925, %swap3A_3926] {strides = array<i32>} : memref<20x1024xf32, #tpu.memory_space<vmem>>, vector<1x16xf32>,
        %swap3A_3928 = vector.shape_cast %swap3A_3927 : vector<1x16xf32> to vector<16xf32>
        %swap3A_3929 = vector.shape_cast %add3A_3825 : vector<16xf32> to vector<1x16xf32>
        tpu.vector_store %arg7[%swap3A_3925, %swap3A_3926], %swap3A_3929 {strides = array<i32>} : memref<20x1024xf32, #tpu.memory_space<vmem>>, vector<1x16xf32>,
        %swap3A_3930 = arith.constant 5 : i32
        %swap3A_3931 = arith.index_cast %swap3A_3930 : i32 to index
        %swap3A_3932 = arith.index_cast %mul3A_26 : i32 to index
        %swap3A_3933 = tpu.vector_load %arg7[%swap3A_3931, %swap3A_3932] {strides = array<i32>} : memref<20x1024xf32, #tpu.memory_space<vmem>>, vector<1x16xf32>,
        %swap3A_3934 = vector.shape_cast %swap3A_3933 : vector<1x16xf32> to vector<16xf32>
        %swap3A_3935 = vector.shape_cast %add3A_3830 : vector<16xf32> to vector<1x16xf32>
        tpu.vector_store %arg7[%swap3A_3931, %swap3A_3932], %swap3A_3935 {strides = array<i32>} : memref<20x1024xf32, #tpu.memory_space<vmem>>, vector<1x16xf32>,
        %swap3A_3936 = arith.constant 6 : i32
        %swap3A_3937 = arith.index_cast %swap3A_3936 : i32 to index
        %swap3A_3938 = arith.index_cast %mul3A_26 : i32 to index
        %swap3A_3939 = tpu.vector_load %arg7[%swap3A_3937, %swap3A_3938] {strides = array<i32>} : memref<20x1024xf32, #tpu.memory_space<vmem>>, vector<1x16xf32>,
        %swap3A_3940 = vector.shape_cast %swap3A_3939 : vector<1x16xf32> to vector<16xf32>
        %swap3A_3941 = vector.shape_cast %add3A_3835 : vector<16xf32> to vector<1x16xf32>
        tpu.vector_store %arg7[%swap3A_3937, %swap3A_3938], %swap3A_3941 {strides = array<i32>} : memref<20x1024xf32, #tpu.memory_space<vmem>>, vector<1x16xf32>,
        %swap3A_3942 = arith.constant 7 : i32
        %swap3A_3943 = arith.index_cast %swap3A_3942 : i32 to index
        %swap3A_3944 = arith.index_cast %mul3A_26 : i32 to index
        %swap3A_3945 = tpu.vector_load %arg7[%swap3A_3943, %swap3A_3944] {strides = array<i32>} : memref<20x1024xf32, #tpu.memory_space<vmem>>, vector<1x16xf32>,
        %swap3A_3946 = vector.shape_cast %swap3A_3945 : vector<1x16xf32> to vector<16xf32>
        %swap3A_3947 = vector.shape_cast %add3A_3840 : vector<16xf32> to vector<1x16xf32>
        tpu.vector_store %arg7[%swap3A_3943, %swap3A_3944], %swap3A_3947 {strides = array<i32>} : memref<20x1024xf32, #tpu.memory_space<vmem>>, vector<1x16xf32>,
        %swap3A_3948 = arith.constant 8 : i32
        %swap3A_3949 = arith.index_cast %swap3A_3948 : i32 to index
        %swap3A_3950 = arith.index_cast %mul3A_26 : i32 to index
        %swap3A_3951 = tpu.vector_load %arg7[%swap3A_3949, %swap3A_3950] {strides = array<i32>} : memref<20x1024xf32, #tpu.memory_space<vmem>>, vector<1x16xf32>,
        %swap3A_3952 = vector.shape_cast %swap3A_3951 : vector<1x16xf32> to vector<16xf32>
        %swap3A_3953 = vector.shape_cast %add3A_3845 : vector<16xf32> to vector<1x16xf32>
        tpu.vector_store %arg7[%swap3A_3949, %swap3A_3950], %swap3A_3953 {strides = array<i32>} : memref<20x1024xf32, #tpu.memory_space<vmem>>, vector<1x16xf32>,
        %swap3A_3954 = arith.constant 9 : i32
        %swap3A_3955 = arith.index_cast %swap3A_3954 : i32 to index
        %swap3A_3956 = arith.index_cast %mul3A_26 : i32 to index
        %swap3A_3957 = tpu.vector_load %arg7[%swap3A_3955, %swap3A_3956] {strides = array<i32>} : memref<20x1024xf32, #tpu.memory_space<vmem>>, vector<1x16xf32>,
        %swap3A_3958 = vector.shape_cast %swap3A_3957 : vector<1x16xf32> to vector<16xf32>
        %swap3A_3959 = vector.shape_cast %add3A_3850 : vector<16xf32> to vector<1x16xf32>
        tpu.vector_store %arg7[%swap3A_3955, %swap3A_3956], %swap3A_3959 {strides = array<i32>} : memref<20x1024xf32, #tpu.memory_space<vmem>>, vector<1x16xf32>,
        %swap3A_3960 = arith.constant 10 : i32
        %swap3A_3961 = arith.index_cast %swap3A_3960 : i32 to index
        %swap3A_3962 = arith.index_cast %mul3A_26 : i32 to index
        %swap3A_3963 = tpu.vector_load %arg7[%swap3A_3961, %swap3A_3962] {strides = array<i32>} : memref<20x1024xf32, #tpu.memory_space<vmem>>, vector<1x16xf32>,
        %swap3A_3964 = vector.shape_cast %swap3A_3963 : vector<1x16xf32> to vector<16xf32>
        %swap3A_3965 = vector.shape_cast %add3A_3855 : vector<16xf32> to vector<1x16xf32>
        tpu.vector_store %arg7[%swap3A_3961, %swap3A_3962], %swap3A_3965 {strides = array<i32>} : memref<20x1024xf32, #tpu.memory_space<vmem>>, vector<1x16xf32>,
        %swap3A_3966 = arith.constant 11 : i32
        %swap3A_3967 = arith.index_cast %swap3A_3966 : i32 to index
        %swap3A_3968 = arith.index_cast %mul3A_26 : i32 to index
        %swap3A_3969 = tpu.vector_load %arg7[%swap3A_3967, %swap3A_3968] {strides = array<i32>} : memref<20x1024xf32, #tpu.memory_space<vmem>>, vector<1x16xf32>,
        %swap3A_3970 = vector.shape_cast %swap3A_3969 : vector<1x16xf32> to vector<16xf32>
        %swap3A_3971 = vector.shape_cast %add3A_3860 : vector<16xf32> to vector<1x16xf32>
        tpu.vector_store %arg7[%swap3A_3967, %swap3A_3968], %swap3A_3971 {strides = array<i32>} : memref<20x1024xf32, #tpu.memory_space<vmem>>, vector<1x16xf32>,
        %swap3A_3972 = arith.constant 12 : i32
        %swap3A_3973 = arith.index_cast %swap3A_3972 : i32 to index
        %swap3A_3974 = arith.index_cast %mul3A_26 : i32 to index
        %swap3A_3975 = tpu.vector_load %arg7[%swap3A_3973, %swap3A_3974] {strides = array<i32>} : memref<20x1024xf32, #tpu.memory_space<vmem>>, vector<1x16xf32>,
        %swap3A_3976 = vector.shape_cast %swap3A_3975 : vector<1x16xf32> to vector<16xf32>
        %swap3A_3977 = vector.shape_cast %add3A_3865 : vector<16xf32> to vector<1x16xf32>
        tpu.vector_store %arg7[%swap3A_3973, %swap3A_3974], %swap3A_3977 {strides = array<i32>} : memref<20x1024xf32, #tpu.memory_space<vmem>>, vector<1x16xf32>,
        %swap3A_3978 = arith.constant 13 : i32
        %swap3A_3979 = arith.index_cast %swap3A_3978 : i32 to index
        %swap3A_3980 = arith.index_cast %mul3A_26 : i32 to index
        %swap3A_3981 = tpu.vector_load %arg7[%swap3A_3979, %swap3A_3980] {strides = array<i32>} : memref<20x1024xf32, #tpu.memory_space<vmem>>, vector<1x16xf32>,
        %swap3A_3982 = vector.shape_cast %swap3A_3981 : vector<1x16xf32> to vector<16xf32>
        %swap3A_3983 = vector.shape_cast %add3A_3870 : vector<16xf32> to vector<1x16xf32>
        tpu.vector_store %arg7[%swap3A_3979, %swap3A_3980], %swap3A_3983 {strides = array<i32>} : memref<20x1024xf32, #tpu.memory_space<vmem>>, vector<1x16xf32>,
        %swap3A_3984 = arith.constant 14 : i32
        %swap3A_3985 = arith.index_cast %swap3A_3984 : i32 to index
        %swap3A_3986 = arith.index_cast %mul3A_26 : i32 to index
        %swap3A_3987 = tpu.vector_load %arg7[%swap3A_3985, %swap3A_3986] {strides = array<i32>} : memref<20x1024xf32, #tpu.memory_space<vmem>>, vector<1x16xf32>,
        %swap3A_3988 = vector.shape_cast %swap3A_3987 : vector<1x16xf32> to vector<16xf32>
        %swap3A_3989 = vector.shape_cast %add3A_3875 : vector<16xf32> to vector<1x16xf32>
        tpu.vector_store %arg7[%swap3A_3985, %swap3A_3986], %swap3A_3989 {strides = array<i32>} : memref<20x1024xf32, #tpu.memory_space<vmem>>, vector<1x16xf32>,
        %swap3A_3990 = arith.constant 15 : i32
        %swap3A_3991 = arith.index_cast %swap3A_3990 : i32 to index
        %swap3A_3992 = arith.index_cast %mul3A_26 : i32 to index
        %swap3A_3993 = tpu.vector_load %arg7[%swap3A_3991, %swap3A_3992] {strides = array<i32>} : memref<20x1024xf32, #tpu.memory_space<vmem>>, vector<1x16xf32>,
        %swap3A_3994 = vector.shape_cast %swap3A_3993 : vector<1x16xf32> to vector<16xf32>
        %swap3A_3995 = vector.shape_cast %add3A_3880 : vector<16xf32> to vector<1x16xf32>
        tpu.vector_store %arg7[%swap3A_3991, %swap3A_3992], %swap3A_3995 {strides = array<i32>} : memref<20x1024xf32, #tpu.memory_space<vmem>>, vector<1x16xf32>,
        %swap3A_3996 = arith.constant 16 : i32
        %swap3A_3997 = arith.index_cast %swap3A_3996 : i32 to index
        %swap3A_3998 = arith.index_cast %mul3A_26 : i32 to index
        %swap3A_3999 = tpu.vector_load %arg7[%swap3A_3997, %swap3A_3998] {strides = array<i32>} : memref<20x1024xf32, #tpu.memory_space<vmem>>, vector<1x16xf32>,
        %swap3A_4000 = vector.shape_cast %swap3A_3999 : vector<1x16xf32> to vector<16xf32>
        %swap3A_4001 = vector.shape_cast %add3A_3885 : vector<16xf32> to vector<1x16xf32>
        tpu.vector_store %arg7[%swap3A_3997, %swap3A_3998], %swap3A_4001 {strides = array<i32>} : memref<20x1024xf32, #tpu.memory_space<vmem>>, vector<1x16xf32>,
        %swap3A_4002 = arith.constant 17 : i32
        %swap3A_4003 = arith.index_cast %swap3A_4002 : i32 to index
        %swap3A_4004 = arith.index_cast %mul3A_26 : i32 to index
        %swap3A_4005 = tpu.vector_load %arg7[%swap3A_4003, %swap3A_4004] {strides = array<i32>} : memref<20x1024xf32, #tpu.memory_space<vmem>>, vector<1x16xf32>,
        %swap3A_4006 = vector.shape_cast %swap3A_4005 : vector<1x16xf32> to vector<16xf32>
        %swap3A_4007 = vector.shape_cast %add3A_3890 : vector<16xf32> to vector<1x16xf32>
        tpu.vector_store %arg7[%swap3A_4003, %swap3A_4004], %swap3A_4007 {strides = array<i32>} : memref<20x1024xf32, #tpu.memory_space<vmem>>, vector<1x16xf32>,
        %swap3A_4008 = arith.constant 18 : i32
        %swap3A_4009 = arith.index_cast %swap3A_4008 : i32 to index
        %swap3A_4010 = arith.index_cast %mul3A_26 : i32 to index
        %swap3A_4011 = tpu.vector_load %arg7[%swap3A_4009, %swap3A_4010] {strides = array<i32>} : memref<20x1024xf32, #tpu.memory_space<vmem>>, vector<1x16xf32>,
        %swap3A_4012 = vector.shape_cast %swap3A_4011 : vector<1x16xf32> to vector<16xf32>
        %swap3A_4013 = vector.shape_cast %add3A_3895 : vector<16xf32> to vector<1x16xf32>
        tpu.vector_store %arg7[%swap3A_4009, %swap3A_4010], %swap3A_4013 {strides = array<i32>} : memref<20x1024xf32, #tpu.memory_space<vmem>>, vector<1x16xf32>,
        %swap3A_4014 = arith.constant 19 : i32
        %swap3A_4015 = arith.index_cast %swap3A_4014 : i32 to index
        %swap3A_4016 = arith.index_cast %mul3A_26 : i32 to index
        %swap3A_4017 = tpu.vector_load %arg7[%swap3A_4015, %swap3A_4016] {strides = array<i32>} : memref<20x1024xf32, #tpu.memory_space<vmem>>, vector<1x16xf32>,
        %swap3A_4018 = vector.shape_cast %swap3A_4017 : vector<1x16xf32> to vector<16xf32>
        %swap3A_4019 = vector.shape_cast %add3A_3900 : vector<16xf32> to vector<1x16xf32>
        tpu.vector_store %arg7[%swap3A_4015, %swap3A_4016], %swap3A_4019 {strides = array<i32>} : memref<20x1024xf32, #tpu.memory_space<vmem>>, vector<1x16xf32>,
        %scan3A_4020 = arith.constant 0 : i32
        scf.yield %scan3A_4020 : i32
      }
      %scan3A_21 = arith.constant 64 : i32
      %scan3A_22 = arith.constant 0 : i32
      scf.yield %scan3A_22 : i32
    }
    %scan3A_8 = arith.constant 4 : i32
    "tpu.region"() ({
      %run_scoped3A = tpu.sem_alloc : memref<!tpu.dma_semaphore, #tpu.memory_space<semaphore_mem>>
      %dma_start3A = arith.constant 0 : i32
      %dma_start3A_9 = arith.constant 0 : i32
      %dma_start3A_10 = tpu.memref_slice %arg4[%add3A, %dma_start3A, %dma_start3A_9] : memref<32x20x1024xf32, #tpu.memory_space<hbm>> -> memref<1x20x1024xf32, #tpu.memory_space<hbm>>
      %dma_start3A_11 = tpu.memref_squeeze %dma_start3A_10 : memref<1x20x1024xf32, #tpu.memory_space<hbm>> -> memref<20x1024xf32, #tpu.memory_space<hbm>>
      %dma_start3A_12 = arith.constant 0 : i32
      %dma_start3A_13 = arith.constant 0 : i32
      %dma_start3A_14 = tpu.memref_slice %arg4[%add3A, %dma_start3A_12, %dma_start3A_13] : memref<32x20x1024xf32, #tpu.memory_space<hbm>> -> memref<1x20x1024xf32, #tpu.memory_space<hbm>>
      %dma_start3A_15 = tpu.memref_squeeze %dma_start3A_14 : memref<1x20x1024xf32, #tpu.memory_space<hbm>> -> memref<20x1024xf32, #tpu.memory_space<hbm>>
      tpu.enqueue_dma source(%arg7 : memref<20x1024xf32, #tpu.memory_space<vmem>>) target(%dma_start3A_15 : memref<20x1024xf32, #tpu.memory_space<hbm>>) target_semaphore(%run_scoped3A : memref<!tpu.dma_semaphore, #tpu.memory_space<semaphore_mem>>)
      %dma_wait3A = arith.constant 0 : i32
      %dma_wait3A_16 = arith.constant 0 : i32
      %dma_wait3A_17 = tpu.memref_slice %arg4[%add3A, %dma_wait3A, %dma_wait3A_16] : memref<32x20x1024xf32, #tpu.memory_space<hbm>> -> memref<1x20x1024xf32, #tpu.memory_space<hbm>>
      %dma_wait3A_18 = tpu.memref_squeeze %dma_wait3A_17 : memref<1x20x1024xf32, #tpu.memory_space<hbm>> -> memref<20x1024xf32, #tpu.memory_space<hbm>>
      %dma_wait3A_19 = arith.constant 0 : i32
      %dma_wait3A_20 = arith.constant 0 : i32
      %dma_wait3A_21 = tpu.memref_slice %arg4[%add3A, %dma_wait3A_19, %dma_wait3A_20] : memref<32x20x1024xf32, #tpu.memory_space<hbm>> -> memref<1x20x1024xf32, #tpu.memory_space<hbm>>
      %dma_wait3A_22 = tpu.memref_squeeze %dma_wait3A_21 : memref<1x20x1024xf32, #tpu.memory_space<hbm>> -> memref<20x1024xf32, #tpu.memory_space<hbm>>
      tpu.wait_dma2 semaphore(%run_scoped3A : memref<!tpu.dma_semaphore, #tpu.memory_space<semaphore_mem>>) src(%arg7 : memref<20x1024xf32, #tpu.memory_space<vmem>>) dst(%dma_wait3A_22 : memref<20x1024xf32, #tpu.memory_space<hbm>>)
      tpu.yield
    }) : () -> ()
    return
  }
}

module attributes {stable_mosaic.version = 14 : i64} {
  func.func @_tc_body(%arg0: i32, %arg1: memref<2048x1024xf32, #tpu.memory_space<vmem>>, %arg2: memref<20x2048xf32, #tpu.memory_space<vmem>>, %arg3: memref<20x1024xf32, #tpu.memory_space<vmem>>) attributes {dimension_semantics = [#tpu.dimension_semantics<arbitrary>], iteration_bounds = array<i64: 62>, scalar_prefetch = 0 : i64, scratch_operands = 0 : i64, tpu.core_type = #tpu.core_type<tc>, window_params = [{transform_indices = @transform_0, window_bounds = array<i64: 2048, 1024>}, {transform_indices = @transform_1, window_bounds = array<i64: 20, 2048>}, {pipeline_mode = #tpu.pipeline_mode<synchronous>, transform_indices = @transform_2, window_bounds = array<i64: 20, 1024>}]} {
    %eq3A = arith.constant 0 : i32
    %eq3A_0 = arith.cmpi eq, %arg0, %eq3A : i32
    %convert_element_type3A = arith.extui %eq3A_0 : i1 to i32
    %cond3A = arith.constant 0 : i32
    %cond3A_1 = arith.cmpi ne, %convert_element_type3A, %cond3A : i32
    scf.if %cond3A_1 {
      %broadcast_in_dim3A = arith.constant 0.000000e+00 : f32
      %broadcast_in_dim3A_11 = vector.broadcast %broadcast_in_dim3A : f32 to vector<20x1024xf32>
      %swap3A = arith.constant 0 : index
      %swap3A_12 = arith.constant 0 : index
      %swap3A_13 = vector.load %arg3[%swap3A, %swap3A_12] : memref<20x1024xf32, #tpu.memory_space<vmem>>, vector<20x1024xf32>
      tpu.vector_store %arg3[%swap3A, %swap3A_12], %broadcast_in_dim3A_11 {strides = array<i32>} : memref<20x1024xf32, #tpu.memory_space<vmem>>, vector<20x1024xf32>,
    } else {
    }
    %lt3A = arith.constant 61 : i32
    %lt3A_2 = arith.cmpi slt, %arg0, %lt3A : i32
    %convert_element_type3A_3 = arith.extui %lt3A_2 : i1 to i32
    %cond3A_4 = arith.constant 0 : i32
    %cond3A_5 = arith.cmpi ne, %convert_element_type3A_3, %cond3A_4 : i32
    scf.if %cond3A_5 {
      %get3A = arith.constant 0 : index
      %get3A_11 = arith.constant 0 : index
      %get3A_12 = vector.load %arg3[%get3A, %get3A_11] : memref<20x1024xf32, #tpu.memory_space<vmem>>, vector<20x1024xf32>
      %get3A_13 = arith.constant 0 : index
      %get3A_14 = arith.constant 0 : index
      %get3A_15 = vector.load %arg2[%get3A_13, %get3A_14] : memref<20x2048xf32, #tpu.memory_space<vmem>>, vector<20x2048xf32>
      %get3A_16 = arith.constant 0 : index
      %get3A_17 = arith.constant 0 : index
      %get3A_18 = vector.load %arg1[%get3A_16, %get3A_17] : memref<2048x1024xf32, #tpu.memory_space<vmem>>, vector<2048x1024xf32>
      %dot_general3A = arith.constant dense<0.000000e+00> : vector<20x1024xf32>
      %dot_general3A_19 = tpu.matmul %get3A_15, %get3A_18, %dot_general3A {dimension_numbers = #tpu.dot_dimension_numbers<[1], [0], [0], [1], [0, 0, 1, 1], [], []>, transpose_lhs_hint = false} : vector<20x2048xf32>, vector<2048x1024xf32>, vector<20x1024xf32> -> vector<20x1024xf32>
      %add3A = arith.addf %get3A_12, %dot_general3A_19 : vector<20x1024xf32>
      %swap3A = arith.constant 0 : index
      %swap3A_20 = arith.constant 0 : index
      %swap3A_21 = vector.load %arg3[%swap3A, %swap3A_20] : memref<20x1024xf32, #tpu.memory_space<vmem>>, vector<20x1024xf32>
      tpu.vector_store %arg3[%swap3A, %swap3A_20], %add3A {strides = array<i32>} : memref<20x1024xf32, #tpu.memory_space<vmem>>, vector<20x1024xf32>,
    } else {
    }
    %eq3A_6 = arith.constant 61 : i32
    %eq3A_7 = arith.cmpi eq, %arg0, %eq3A_6 : i32
    %convert_element_type3A_8 = arith.extui %eq3A_7 : i1 to i32
    %cond3A_9 = arith.constant 0 : i32
    %cond3A_10 = arith.cmpi ne, %convert_element_type3A_8, %cond3A_9 : i32
    scf.if %cond3A_10 {
      %iota3A = tpu.iota {dimensions = array<i32: 0>} : vector<2048x1024xi32>
      %lt3A_11 = arith.constant 1083 : i32
      %lt3A_12 = vector.broadcast %lt3A_11 : i32 to vector<2048x1024xi32>
      %lt3A_13 = arith.cmpi slt, %iota3A, %lt3A_12 : vector<2048x1024xi32>
      %iota3A_14 = tpu.iota {dimensions = array<i32: 1>} : vector<20x2048xi32>
      %lt3A_15 = arith.constant 1083 : i32
      %lt3A_16 = vector.broadcast %lt3A_15 : i32 to vector<20x2048xi32>
      %lt3A_17 = arith.cmpi slt, %iota3A_14, %lt3A_16 : vector<20x2048xi32>
      %get3A = arith.constant 0 : index
      %get3A_18 = arith.constant 0 : index
      %get3A_19 = vector.load %arg1[%get3A, %get3A_18] : memref<2048x1024xf32, #tpu.memory_space<vmem>>, vector<2048x1024xf32>
      %jit3A = arith.constant 0.000000e+00 : f32
      %broadcast_in_dim3A = vector.broadcast %jit3A : f32 to vector<2048x1024xf32>
      %select_n3A = arith.select %lt3A_13, %get3A_19, %broadcast_in_dim3A : vector<2048x1024xi1>, vector<2048x1024xf32>
      %get3A_20 = arith.constant 0 : index
      %get3A_21 = arith.constant 0 : index
      %get3A_22 = vector.load %arg2[%get3A_20, %get3A_21] : memref<20x2048xf32, #tpu.memory_space<vmem>>, vector<20x2048xf32>
      %jit3A_23 = arith.constant 0.000000e+00 : f32
      %broadcast_in_dim3A_24 = vector.broadcast %jit3A_23 : f32 to vector<20x2048xf32>
      %select_n3A_25 = arith.select %lt3A_17, %get3A_22, %broadcast_in_dim3A_24 : vector<20x2048xi1>, vector<20x2048xf32>
      %get3A_26 = arith.constant 0 : index
      %get3A_27 = arith.constant 0 : index
      %get3A_28 = vector.load %arg3[%get3A_26, %get3A_27] : memref<20x1024xf32, #tpu.memory_space<vmem>>, vector<20x1024xf32>
      %dot_general3A = arith.constant dense<0.000000e+00> : vector<20x1024xf32>
      %dot_general3A_29 = tpu.matmul %select_n3A_25, %select_n3A, %dot_general3A {dimension_numbers = #tpu.dot_dimension_numbers<[1], [0], [0], [1], [0, 0, 1, 1], [], []>, transpose_lhs_hint = false} : vector<20x2048xf32>, vector<2048x1024xf32>, vector<20x1024xf32> -> vector<20x1024xf32>
      %add3A = arith.addf %get3A_28, %dot_general3A_29 : vector<20x1024xf32>
      %swap3A = arith.constant 0 : index
      %swap3A_30 = arith.constant 0 : index
      %swap3A_31 = vector.load %arg3[%swap3A, %swap3A_30] : memref<20x1024xf32, #tpu.memory_space<vmem>>, vector<20x1024xf32>
      tpu.vector_store %arg3[%swap3A, %swap3A_30], %add3A {strides = array<i32>} : memref<20x1024xf32, #tpu.memory_space<vmem>>, vector<20x1024xf32>,
    } else {
    }
    return
  }
  func.func @transform_0(%arg0: i32) -> (i32, i32) {
    %add3A = arith.constant 2 : i32
    %add3A_0 = arith.addi %arg0, %add3A : i32
    %c0_i32 = arith.constant 0 : i32
    %c0_i32_1 = arith.constant 0 : i32
    return %add3A_0, %c0_i32 : i32, i32
  }
  func.func @transform_1(%arg0: i32) -> (i32, i32) {
    %add3A = arith.constant 2 : i32
    %add3A_0 = arith.addi %arg0, %add3A : i32
    %c0_i32 = arith.constant 0 : i32
    %c0_i32_1 = arith.constant 0 : i32
    return %c0_i32, %add3A_0 : i32, i32
  }
  func.func @transform_2(%arg0: i32) -> (i32, i32) {
    %c0_i32 = arith.constant 0 : i32
    %c0_i32_0 = arith.constant 0 : i32
    %c0_i32_1 = arith.constant 0 : i32
    return %c0_i32, %c0_i32_0 : i32, i32
  }
}

module attributes {stable_mosaic.version = 14 : i64} {
  func.func @_ep_body(%arg0: memref<20x1024xf32, #tpu.memory_space<vmem>>, %arg1: memref<32x20x1024xf32, #tpu.memory_space<vmem>>, %arg2: memref<20x1xf32, #tpu.memory_space<vmem>>, %arg3: memref<20x1024xf32, #tpu.memory_space<vmem>>) attributes {dimension_semantics = [], scalar_prefetch = 0 : i64, scratch_operands = 0 : i64, tpu.core_type = #tpu.core_type<tc>} {
    %get3A = arith.constant 0 : index
    %get3A_0 = arith.constant 0 : index
    %get3A_1 = vector.load %arg0[%get3A, %get3A_0] : memref<20x1024xf32, #tpu.memory_space<vmem>>, vector<20x1024xf32>
    %get3A_2 = arith.constant 0 : index
    %get3A_3 = arith.constant 0 : index
    %get3A_4 = arith.constant 0 : index
    %get3A_5 = vector.load %arg1[%get3A_2, %get3A_3, %get3A_4] : memref<32x20x1024xf32, #tpu.memory_space<vmem>>, vector<32x20x1024xf32>
    %reduce_sum3A = arith.constant dense<0.000000e+00> : vector<20x1024xf32>
    %reduce_sum3A_6 = vector.multi_reduction <add>, %get3A_5, %reduce_sum3A [0] : vector<32x20x1024xf32> to vector<20x1024xf32>
    %add3A = arith.addf %get3A_1, %reduce_sum3A_6 : vector<20x1024xf32>
    %get3A_7 = arith.constant 0 : index
    %get3A_8 = arith.constant 0 : index
    %get3A_9 = vector.load %arg2[%get3A_7, %get3A_8] : memref<20x1xf32, #tpu.memory_space<vmem>>, vector<20x1xf32>
    %add3A_10 = vector.broadcast %get3A_9 : vector<20x1xf32> to vector<20x1024xf32>
    %add3A_11 = arith.addf %add3A, %add3A_10 : vector<20x1024xf32>
    %reduce_max3A = arith.constant dense<0xFF800000> : vector<1024xf32>
    %reduce_max3A_12 = vector.multi_reduction <maximumf>, %add3A_11, %reduce_max3A [0] : vector<20x1024xf32> to vector<1024xf32>
    %broadcast_in_dim3A = vector.shape_cast %reduce_max3A_12 : vector<1024xf32> to vector<1x1024xf32>
    %sub3A = vector.broadcast %broadcast_in_dim3A : vector<1x1024xf32> to vector<20x1024xf32>
    %sub3A_13 = arith.subf %add3A_11, %sub3A : vector<20x1024xf32>
    %exp3A = math.exp %sub3A_13 : vector<20x1024xf32>
    %reduce_sum3A_14 = arith.constant dense<0.000000e+00> : vector<1024xf32>
    %reduce_sum3A_15 = vector.multi_reduction <add>, %exp3A, %reduce_sum3A_14 [0] : vector<20x1024xf32> to vector<1024xf32>
    %broadcast_in_dim3A_16 = vector.shape_cast %reduce_sum3A_15 : vector<1024xf32> to vector<1x1024xf32>
    %div3A = vector.broadcast %broadcast_in_dim3A_16 : vector<1x1024xf32> to vector<20x1024xf32>
    %div3A_17 = arith.divf %exp3A, %div3A : vector<20x1024xf32>
    %swap3A = arith.constant 0 : index
    %swap3A_18 = arith.constant 0 : index
    %swap3A_19 = vector.load %arg3[%swap3A, %swap3A_18] : memref<20x1024xf32, #tpu.memory_space<vmem>>, vector<20x1024xf32>
    tpu.vector_store %arg3[%swap3A, %swap3A_18], %div3A_17 {strides = array<i32>} : memref<20x1024xf32, #tpu.memory_space<vmem>>, vector<20x1024xf32>,
    return
  }
}

</mosaic_0001>

<sc_bundles>
// kernel: kernel.5.cloned.1.call-start
scs
__scs_entry_jumppad:
0x0: {  	(pc) =	sbr.rel $0x88, $3  }
0x1: {  	(tag) =	ssettag $0x0;
	lr =	simm.s32 $0x1  }
0x2: {  	[smem:$0x3F9E] =	sst lr;
	_ =	strace $0xD0000000  }
0x3: {  	_ = 	snop  }
0x4: {  	_ = 	snop  }
0x5: {  	_ = 	snop  }
0x6: {  	_ = 	snop  }
0x7: {  	_ = 	snop  }
__scs_overlays_trampoline_lowered:
0x8: {  	[smem:$0x3FAD] =	sst s0  }
0x9: {  	[smem:$0x3FAE] =	sst s1  }
0xa: {  	[smem:$0x3FAF] =	sst s2  }
0xb: {  	[smem:$0x3FB0] =	sst s3  }
0xc: {  	[smem:$0x3FB1] =	sst s4  }
0xd: {  	[smem:$0x3FB2] =	sst s5  }
0xe: {  	[smem:$0x3FB3] =	sst s6  }
0xf: {  	[smem:$0x3FB4] =	sst s7  }
0x10: {  	[smem:$0x3FB5] =	sst s8  }
0x11: {  	[smem:$0x3FB6] =	sst s9;
	s0 =	simm.s32 @!p0 $0x0  }
0x12: {  	s1 =	sld [smem:$0x3F9C];
	s0 =	simm.s32 @p0 $0x1  }
0x13: {  	[smem:$0x3FB7] =	sst s0;
	s0 =	simm.s32 @!p1 $0x0  }
0x14: {  	s2 =	sld [smem:$0x3F9B];
	s0 =	simm.s32 @p1 $0x1  }
0x15: {  	[smem:$0x3FB8] =	sst s0;
	s0 =	simm.s32 @!p2 $0x0  }
0x16: {  	s3 =	sld [smem:$0x3FDB];
	s0 =	simm.s32 @p2 $0x1  }
0x17: {  	s4 =	simm.s32 $0x1BF5;
	[smem:$0x3FBA] =	sst s0  }
0x18: {  	s0 =	sld [smem:$0x3F9D];
	_ =	swait.ge [sflag:s4], $0x0  }
0x19: {  	s7 =	sld [smem:$0x3F9E]  }
0x1a: {  	s8 =	sadd.s32 $0xFFFFE003, lr  }
0x1b: {  	s9 =	sadd.s32 $0xFFFFFEF7, lr;
	s5 =	simm.s32 $0xFFFFFFFF;
	p2 =	slt.u32 s8, $0xFFFFF086  }
0x1c: {  	p1 =	slt.u32 s9, $0xF7A;
	s5 =	simm.s32 @!p2 $0x0  }
0x1d: {  	s5 =	simm.s32 @p1 $0x1;
	p0 =	seq.s32 s7, s2  }
0x1e: {  	s7 =	smul.u32 @!p0 $0xF7A, s2;
	p2 =	seq.s32 @!p0 s5, $0x0  }
0x1f: {  	s9 =	smul.u32 $0xF7A, s1;
	s8 =	simm.s32 @!p0 $0x1BF5;
	p2 =	por !p2, p0  }
0x20: {  	[sflag:s8] =	ssyncset.s32 @!p0 $0xFFFFF086;
	s6 =	sadd.s32 @!p0 s3, s7;
	s7 =	simm.s32 @!p0 $0x108  }
0x21: {  	s3 =	sadd.s32 s3, s9;
	s6 =	sadd.s32 @!p0 $0x88, s6;
	s7 =	simm.s32 @p2 $0x1082  }
0x22: {  	[simem:s7], [sflag:s8] =	dma.local @!p0 [hbm:s6], $0xF7A  }
0x23: {  	s9 =	sor.u32 $0xD0000000, s2;
	s6 =	simm.s32 $0x108;
	_ =	swait.ge @!p0 [sflag:s8], $0x0  }
0x24: {  	s3 =	sadd.s32 $0x88, s3;
	s6 =	simm.s32 @!p1 $0x1082;
	[sflag:s4] =	ssyncset.s32 $0xFFFFF086  }
0x25: {  	[simem:s6], [sflag:s4] =	dma.local [hbm:s3], $0xF7A  }
0x26: {  	[smem:$0x3F9E] =	sst s1;
	(tag) =	ssettag s2;
	_ =	strace s9  }
0x27: {  	s1 =	sld [smem:$0x3FAE]  }
0x28: {  	s2 =	sld [smem:$0x3FAF]  }
0x29: {  	s4 =	sld [smem:$0x3FB1]  }
0x2a: {  	p0 =	seq.s32 s5, $0x0;
	s5 =	sld [smem:$0x3FB2]  }
0x2b: {  	s6 =	sld [smem:$0x3FB3]  }
0x2c: {  	s7 =	sld [smem:$0x3FB4]  }
0x2d: {  	s3 =	simm.s32 $0x108;
	s8 =	sld [smem:$0x3FB5]  }
0x2e: {  	s3 =	simm.s32 @!p0 $0x1082;
	s9 =	sld [smem:$0x3FB6]  }
0x2f: {  	lr =	sadd.s32 s0, s3;
	s0 =	sld [smem:$0x3FAD]  }
0x30: {  	s3 =	sld [smem:$0x3FB0]  }
0x31: {  	[smem:$0x3FB9] =	sst s10  }
0x32: {  	s10 =	sld [smem:$0x3FB7];
	_ =	sdelay $0x3  }
0x33: {  	p0 =	seq.s32 s10, $0x1;
	s10 =	sld [smem:$0x3FB9];
	_ =	sdelay $0x3  }
0x34: {  	[smem:$0x3FB9] =	sst s10  }
0x35: {  	s10 =	sld [smem:$0x3FB8];
	_ =	sdelay $0x3  }
0x36: {  	p1 =	seq.s32 s10, $0x1;
	s10 =	sld [smem:$0x3FB9];
	_ =	sdelay $0x3  }
0x37: {  	[smem:$0x3FB9] =	sst s10  }
0x38: {  	s10 =	sld [smem:$0x3FBA]  }
0x39: {  	_ = 	snop;
	(pc) =	sbr.ind lr, $3  }
0x3a: {  	_ = 	snop  }
0x3b: {  	_ = 	snop  }
0x3c: {  	p2 =	seq.s32 s10, $0x1;
	s10 =	sld [smem:$0x3FB9]  }
0x3d: {  	_ =	shalt  }
0x3e: {  	_ =	shalt  }
0x3f: {  	_ =	shalt  }
0x40: {  	_ =	shalt  }
0x41: {  	_ =	shalt  }
0x42: {  	_ =	shalt  }
0x43: {  	_ =	shalt  }
0x44: {  	_ =	shalt  }
0x45: {  	_ =	shalt  }
0x46: {  	_ =	shalt  }
0x47: {  	_ =	shalt  }
0x48: {  	_ =	shalt  }
0x49: {  	_ =	shalt  }
0x4a: {  	_ =	shalt  }
0x4b: {  	_ =	shalt  }
0x4c: {  	_ =	shalt  }
0x4d: {  	_ =	shalt  }
0x4e: {  	_ =	shalt  }
0x4f: {  	_ =	shalt  }
0x50: {  	_ =	shalt  }
0x51: {  	_ =	shalt  }
0x52: {  	_ =	shalt  }
0x53: {  	_ =	shalt  }
0x54: {  	_ =	shalt  }
0x55: {  	_ =	shalt  }
0x56: {  	_ =	shalt  }
0x57: {  	_ =	shalt  }
0x58: {  	_ =	shalt  }
0x59: {  	_ =	shalt  }
0x5a: {  	_ =	shalt  }
0x5b: {  	_ =	shalt  }
0x5c: {  	_ =	shalt  }
0x5d: {  	_ =	shalt  }
0x5e: {  	_ =	shalt  }
0x5f: {  	_ =	shalt  }
0x60: {  	_ =	shalt  }
0x61: {  	_ =	shalt  }
0x62: {  	_ =	shalt  }
0x63: {  	_ =	shalt  }
0x64: {  	_ =	shalt  }
0x65: {  	_ =	shalt  }
0x66: {  	_ =	shalt  }
0x67: {  	_ =	shalt  }
0x68: {  	_ =	shalt  }
0x69: {  	_ =	shalt  }
0x6a: {  	_ =	shalt  }
0x6b: {  	_ =	shalt  }
0x6c: {  	_ =	shalt  }
0x6d: {  	_ =	shalt  }
0x6e: {  	_ =	shalt  }
0x6f: {  	_ =	shalt  }
0x70: {  	_ =	shalt  }
0x71: {  	_ =	shalt  }
0x72: {  	_ =	shalt  }
0x73: {  	_ =	shalt  }
0x74: {  	_ =	shalt  }
0x75: {  	_ =	shalt  }
0x76: {  	_ =	shalt  }
0x77: {  	_ =	shalt  }
0x78: {  	_ =	shalt  }
0x79: {  	_ =	shalt  }
0x7a: {  	_ =	shalt  }
0x7b: {  	_ =	shalt  }
0x7c: {  	_ =	shalt  }
0x7d: {  	_ =	shalt  }
0x7e: {  	_ =	shalt  }
0x7f: {  	_ =	shalt  }
0x80: {  	_ =	shalt  }
0x81: {  	_ =	shalt  }
0x82: {  	_ =	shalt  }
0x83: {  	_ =	shalt  }
0x84: {  	_ =	shalt  }
0x85: {  	_ =	shalt  }
0x86: {  	_ =	shalt  }
0x87: {  	_ =	shalt  }
.Lfunc_end0:
.L_simem_size_0:
called_computation_lowered:
.L_overlay_start_0:
0x88: {  	s2 =	sld [smem:$0x3FD9]  }
0x89: {  	s3 =	sld [smem:$0x3FFE];
	_ =	sdelay $0x1  }
0x8a: {  	s1 =	srdreg.scid  }
0x8b: {  	s0 =	sand.u32 $0x1, s1  }
0x8c: {  	s17 =	sshll.u32 s0, $0xA;
	s2 =	sadd.s32 s3, s2  }
0x8d: {  	s2 =	sadd.s32 s2, s17  }
0x8e: {  	[smem:$0x3FC5] =	sst s2  }
0x8f: {  	_ = 	snop  }
0x90: {  	s2 =	sld [smem:$0x3FC9]  }
0x91: {  	s18 =	sld [smem:$0x3FC8];
	(tm) =	ssettm $0x1  }
0x92: {  	s4 =	sld [smem:$0x3FFB];
	_ =	sdelay $0x3  }
0x93: {  	_ =	strace s4  }
0x94: {  	s4 =	sld [smem:$0x3FFC];
	_ =	sdelay $0x3  }
0x95: {  	_ =	strace s4  }
0x96: {  	s4 =	sld [smem:$0x3FFD];
	_ =	sdelay $0x3  }
0x97: {  	_ =	strace s4  }
0x98: {  	_ =	strace $0x8FFFFFFF  }
0x99: {  	s19 =	sld [smem:$0x3FDB];
	_ =	sdelay $0x1  }
0x9a: {  	s5 =	simm.s32 $_scs_section_size  }
0x9b: {  	s6 =	simm.s32 $_size__tile_overlayer_lowered;
	s7 =	simm.s32 $_tile_overlayer_lowered  }
0x9c: {  	s22 =	simm.s32 $0x1BFF;
	s21 =	sshll.u32 s7, $0x1;
	s4 =	sadd.s32 s5, s19  }
0x9d: {  	s8 =	simm.s32 $0x0;
	s20 =	sshll.u32 s6, $0x1;
	s6 =	sadd.s32 s21, s4  }
0x9e: {  	[timem:s8], [sflag:s22] =	dma.local [hbm:s6], s20  }
0x9f: {  	_ =	swait.ge [sflag:s22], s20  }
0xa0: {  	s5 =	ssub.s32 $0x0, s20;
	[sflag:s22] =	ssyncset.done $0x0  }
0xa1: {  	[sflag:s22] =	ssyncadd.s32 s5;
	_ =	sdelay $0x1  }
0xa2: {  	s23 =	simm.s32 $0x1B8B  }
0xa3: {  	_ =	swait.ge [sflag:s23], $0x1  }
0xa4: {  	[sflag:s23] =	ssyncset.done $0x0  }
0xa5: {  	s25 =	simm.s32 $0x1B8E;
	s24 =	sld [smem:$0x3FFE];
	[sflag:s23] =	ssyncadd.s32 $0xFFFFFFFF  }
0xa6: {  	s26 =	simm.s32 $execute0_lowered;
	[smem:$0x3FD2] =	sst s25  }
0xa7: {  	s6 =	sshll.u32 s26, $0x1;
	_ =	strace $0x80000046;
	[dreg:$0x1] =	wrdreg $0xFFFFFFFF  }
0xa8: {  	s28 =	simm.s32 $_size_execute0_lowered;
	s4 =	sadd.s32 s4, s6;
	[dreg:$0x0] =	wrdreg $0x0  }
0xa9: {  	s6 =	sshll.u32 s28, $0x1;
	[dreg:$0x2] =	wrdreg s4  }
0xaa: {  	[dreg:$0x3] =	wrdreg s6  }
0xab: {  	[dreg:$0x4] =	wrdreg $0xC0  }
0xac: {  	_ =	task [dreg:s8], $0x5FFFF  }
0xad: {  	[dreg:$0x1] =	wrdreg $0xFFFFFFFF  }
0xae: {  	[dreg:$0x0] =	wrdreg $0x60  }
0xaf: {  	[dreg:$0x2] =	wrdreg s2  }
0xb0: {  	[dreg:$0x3] =	wrdreg s18  }
0xb1: {  	[dreg:$0x4] =	wrdreg s24  }
0xb2: {  	[dreg:$0x5] =	wrdreg $0x9  }
0xb3: {  	_ =	task.clear_ibuf [dreg:s8], $0x6FFFF;
	_ =	strace $0x90000046  }
0xb4: {  	s29 =	simm.s32 $0x9;
	_ =	strace $0x80000048  }
0xb5: {  	_ =	swait.ge [sflag:s29], $0x1  }
0xb6: {  	[sflag:s29] =	ssyncadd.s32 $0xFFFFFFFF  }
0xb7: {  	_ =	strace $0x90000048  }
0xb8: {  	_ =	sfence  }
0xb9: {  	s30 =	sld [smem:$0x0];
	_ =	sdelay $0x2  }
0xba: {  	s31 =	sshll.u32 s1, $0xD;
	s1 =	sshrl.u32 s1, $0x2  }
0xbb: {  	s3 =	sand.u32 $0x4000, s31;
	s1 =	sadd.s32 s1, s30  }
0xbc: {  	s0 =	sor.u32 s3, s0;
	s1 =	sshll.u32 s1, $0x11  }
0xbd: {  	s0 =	sor.u32 s1, s0  }
0xbe: {  	s0 =	sadd.s32 $0x8F2B, s0  }
0xbf: {  	[sflag:s0] =	ssyncadd.remote.s32 $0x1  }
0xc0: {  	_ =	sfence.sel $0xFFFF  }
0xc1: {  	[dreg:$0x0] =	wrdreg $0xFFFFFFFF;
	(pc) =	sbr.abs _section_cstart, $3  }
0xc2: {  	[dreg:$0x1] =	wrdreg $0xFFFFFFFF  }
0xc3: {  	_ =	task.clear_ibuf [dreg:s8], $0x2FFFF;
	_ =	strace $0x9FFFFFFF  }
0xc4: {  	(tm) =	ssettm $0x7FFFFFFF  }
0xc5: {  	_ =	shalt  }
tec
execute0_lowered:
.L_overlay_start_1:
0x0: {  	(tag) =	ssettag $0x1  }
0x1: {  	s5 =	rddreg [dreg:$0x0]  }
0x2: {  	s3 =	rddreg [dreg:$0x1]  }
0x3: {  	s1 =	srdreg.scid;
	s0 =	stileid.u32  }
0x4: {  	s4 =	rddreg [dreg:$0x2];
	s2 =	simm.s32 $0x0;
	s10 =	simm.s32 $0x8000  }
0x5: {  	s11 =	simm.s32 $0x8800;
	s12 =	simm.s32 $0x1;
	s13 =	simm.s32 $0x8C00  }
0x6: {  	s6 =	sand.u32 $0x1, s1;
	s7 =	sshll.u32 s0, $0x1;
	s1 =	rddreg [dreg:$0x3]  }
0x7: {  	s14 =	simm.s32 $0x0;
	[smem:$0x7FF] =	sst s2;
	s7 =	sor.u32 s6, s7  }
0x8: {  	_ =	strace $0x80000047;
	s28 =	ssub.s32 $0x2, s6;
	s8 =	smul.u32 $0xC00, s7  }
0x9: {  	s29 =	sshll.u32 s7, $0x7;
	s9 =	sshrl.u32 s28, $0x1;
	s30 =	sshll.u32 s7, $0xE  }
0xa: {  	s3 =	sadd.s32 s3, s29;
	s31 =	ssub.s32 s28, s9;
	s5 =	sadd.s32 s5, s30  }
0xb: {  	s9 =	simm.s32 $0xFE400;
	s8 =	sadd.s32 s8, s4;
	s4 =	sadd.s32 $0x3F900, s3  }
0xc: {  	s7 =	smax.u32 s31, $0x1;
	s6 =	sadd.s32 $0xA00, s8;
	s8 =	simm.s32 $0x400  }
.LBB2_1:
0xd: {  	[tilespmem:s10], [sflag:$0x1] =	stream.strided.gather [hbm4b:s3+s8], $0x800, s9, s8, $0x38;
	[tilespmem:$0xEC00] =	vst v63  }
0xe: {  	_ = 	snop  }
0xf: {  	[tilespmem:s11], [sflag:$0x1] =	stream.linear.gather [hbm4b:s4+s2], $0x200, $0x38;
	[tilespmem:$0xEC00] =	vst v63  }
0x10: {  	_ =	swait.ge [sflag:s12], $0xA00  }
0x11: {  	[sflag:s12] =	ssyncset.done $0x0  }
0x12: {  	s15 =	simm.s32 $0x0;
	[sflag:s12] =	ssyncadd.s32 $0xFFFFF600  }
.LBB2_2:
0x13: {  	s16 =	sshll.u32 s15, $0xC  }
0x14: {  	s17 =	sadd.s32 s16, s5;
	s16 =	simm.s32 $0x0  }
0x15: {  	[tilespmem:s16], [sflag:$0x1] =	stream.linear.gather [hbm4b:s17+s16], $0x8000, $0x38;
	[tilespmem:$0xEC00] =	vst v63  }
0x16: {  	_ =	swait.ge [sflag:s12], $0x8000  }
0x17: {  	p0 =	seq.s32 s15, $0x0;
	[sflag:s12] =	ssyncset.done $0x0  }
0x18: {  	s18 =	simm.s32 $0x0;
	s17 =	sshll.u32 s15, $0x5;
	[sflag:s12] =	ssyncadd.s32 $0xFFFF8000  }
.LBB2_3:
0x19: {  	s19 =	sand.u32 $0x70, s18;
	s20 =	sand.u32 $0x1C00, s16;
	v2 =	vld [tilespmem:s17+$0x8000]  }
0x1a: {  	v0 =	vld [tilespmem:s17+$0x8080];
	s19 =	sor.u32 s19, s20  }
0x1b: {  	v1 =	vld [tilespmem:s19+$0x8C00]  }
0x1c: {  	v3 =	vld [tilespmem:s19+$0x8C80]  }
0x1d: {  	v4 =	vld [tilespmem:s19+$0x8D00]  }
0x1e: {  	v5 =	vld [tilespmem:s19+$0x8D80]  }
0x1f: {  	v6 =	vld [tilespmem:s19+$0x8E00]  }
0x20: {  	s31 =	sor.u32 s18, s16;
	v7 =	vld [tilespmem:s19+$0x8E80]  }
0x21: {  	s21 =	sor.u32 $0x380, s31;
	v8 =	vld [tilespmem:s19+$0x8F00]  }
0x22: {  	v9 =	vld [tilespmem:s21+$0x8C00]  }
0x23: {  	v10 =	vld [tilespmem:s19+$0xAC00]  }
0x24: {  	v11 =	vld [tilespmem:s19+$0xAC80]  }
0x25: {  	v12 =	vld [tilespmem:s19+$0xAD00]  }
0x26: {  	v13 =	vld [tilespmem:s19+$0xAD80]  }
0x27: {  	v14 =	vld [tilespmem:s19+$0xAE00]  }
0x28: {  	v15 =	vld [tilespmem:s19+$0xAE80]  }
0x29: {  	v16 =	vld [tilespmem:s19+$0xAF00]  }
0x2a: {  	v28 =	vld [tilespmem:s19+$0x0]  }
0x2b: {  	v22 =	vpsel p0, $0x0, v1;
	v1 =	vld [tilespmem:s17+$0x8100]  }
0x2c: {  	v23 =	vpsel p0, $0x0, v3;
	v3 =	vld [tilespmem:s17+$0x8180]  }
0x2d: {  	v24 =	vpsel p0, $0x0, v4;
	v4 =	vld [tilespmem:s17+$0x8200]  }
0x2e: {  	v25 =	vpsel p0, $0x0, v5;
	v5 =	vld [tilespmem:s17+$0x8280]  }
0x2f: {  	v26 =	vpsel p0, $0x0, v6;
	v6 =	vld [tilespmem:s17+$0x8300]  }
0x30: {  	v27 =	vpsel p0, $0x0, v7;
	v7 =	vld [tilespmem:s17+$0x8380]  }
0x31: {  	v29 =	vpsel p0, $0x0, v8;
	v8 =	vld [tilespmem:s17+$0x8400]  }
0x32: {  	v30 =	vpsel p0, $0x0, v9;
	v9 =	vld [tilespmem:s17+$0x8480]  }
0x33: {  	v31 =	vpsel p0, $0x0, v10;
	v10 =	vld [tilespmem:s17+$0x8500]  }
0x34: {  	v50 =	vbroadcast v2, $0x0;
	v51 =	vbroadcast v0, $0x0;
	v32 =	vpsel p0, $0x0, v11;
	v11 =	vld [tilespmem:s17+$0x8580]  }
0x35: {  	v33 =	vpsel p0, $0x0, v12;
	v12 =	vld [tilespmem:s17+$0x8600]  }
0x36: {  	v34 =	vpsel p0, $0x0, v13;
	v52 =	vmul.f32 v28, v50;
	v54 =	vmul.f32 v28, v51;
	v13 =	vld [tilespmem:s17+$0x8680]  }
0x37: {  	v35 =	vpsel p0, $0x0, v14;
	v14 =	vld [tilespmem:s17+$0x8700];
	v53 =	vbroadcast v1, $0x0;
	v55 =	vbroadcast v3, $0x0  }
0x38: {  	v36 =	vpsel p0, $0x0, v15;
	v15 =	vld [tilespmem:s17+$0x8780];
	v57 =	vbroadcast v4, $0x0;
	v59 =	vbroadcast v5, $0x0  }
0x39: {  	v37 =	vpsel p0, $0x0, v16;
	v16 =	vld [tilespmem:s17+$0x8800];
	v61 =	vbroadcast v6, $0x0;
	v62 =	vbroadcast v7, $0x0  }
0x3a: {  	s20 =	sor.u32 $0x2380, s31;
	v42 =	vbroadcast v8, $0x0;
	v43 =	vbroadcast v9, $0x0  }
0x3b: {  	v17 =	vld [tilespmem:s20+$0x8C00];
	v63 =	vbroadcast v10, $0x0;
	v44 =	vbroadcast v11, $0x0  }
0x3c: {  	v19 =	vld [tilespmem:s19+$0xCC80];
	v45 =	vbroadcast v12, $0x0;
	v46 =	vbroadcast v13, $0x0  }
0x3d: {  	v22 =	vadd.f32 v52, v22;
	v50 =	vbroadcast v14, $0x0;
	v52 =	vbroadcast v15, $0x0  }
0x3e: {  	v18 =	vld [tilespmem:s19+$0xCC00];
	v23 =	vadd.f32 v54, v23;
	v54 =	vbroadcast v16, $0x0;
	v56 =	vmul.f32 v28, v53  }
0x3f: {  	v58 =	vmul.f32 v28, v55;
	v60 =	vmul.f32 v28, v57  }
0x40: {  	v20 =	vld [tilespmem:s19+$0xCD00];
	v38 =	vpsel p0, $0x0, v17;
	v17 =	vmul.f32 v28, v59;
	v41 =	vmul.f32 v28, v61  }
0x41: {  	v40 =	vpsel p0, $0x0, v19;
	v19 =	vmul.f32 v28, v62;
	v42 =	vmul.f32 v28, v42  }
0x42: {  	v47 =	vld [tilespmem:s19+$0x80];
	v43 =	vmul.f32 v28, v43;
	v48 =	vmul.f32 v28, v63  }
0x43: {  	v39 =	vpsel p0, $0x0, v18;
	v18 =	vld [tilespmem:s17+$0x8900];
	v44 =	vmul.f32 v28, v44;
	v49 =	vmul.f32 v28, v45  }
0x44: {  	v51 =	vmul.f32 v28, v46;
	v53 =	vmul.f32 v28, v50  }
0x45: {  	v20 =	vpsel p0, $0x0, v20;
	v55 =	vmul.f32 v28, v52;
	v57 =	vmul.f32 v28, v54  }
0x46: {  	v62 =	vbroadcast v2, $0x1;
	v24 =	vadd.f32 v56, v24;
	v25 =	vadd.f32 v58, v25  }
0x47: {  	v63 =	vbroadcast v0, $0x1;
	v33 =	vadd.f32 v48, v33;
	v35 =	vadd.f32 v49, v35  }
0x48: {  	v58 =	vbroadcast v18, $0x0;
	v36 =	vadd.f32 v51, v36;
	v48 =	vmul.f32 v47, v62  }
0x49: {  	v37 =	vadd.f32 v53, v37;
	v49 =	vbroadcast v1, $0x1;
	v50 =	vmul.f32 v47, v63  }
0x4a: {  	v38 =	vadd.f32 v55, v38;
	v51 =	vbroadcast v3, $0x1;
	v53 =	vbroadcast v4, $0x1  }
0x4b: {  	v39 =	vadd.f32 v57, v39;
	v55 =	vbroadcast v5, $0x1;
	v57 =	vbroadcast v6, $0x1  }
0x4c: {  	v31 =	vadd.f32 v42, v31;
	v63 =	vbroadcast v9, $0x1;
	v42 =	vbroadcast v8, $0xF  }
0x4d: {  	v34 =	vadd.f32 v44, v34;
	v44 =	vbroadcast v9, $0xF;
	v61 =	vmul.f32 v28, v58  }
0x4e: {  	v27 =	vadd.f32 v17, v27;
	v52 =	vmul.f32 v47, v49;
	v54 =	vmul.f32 v47, v51  }
0x4f: {  	v17 =	vld [tilespmem:s17+$0x8880];
	v30 =	vadd.f32 v19, v30;
	v58 =	vmul.f32 v47, v55;
	v49 =	vbroadcast v10, $0x1  }
0x50: {  	v19 =	vld [tilespmem:s17+$0x8980];
	v23 =	vadd.f32 v50, v23;
	v50 =	vmul.f32 v47, v63;
	v51 =	vbroadcast v11, $0x1  }
0x51: {  	v55 =	vbroadcast v13, $0x1;
	v20 =	vadd.f32 v61, v20;
	v24 =	vadd.f32 v52, v24  }
0x52: {  	v61 =	vbroadcast v8, $0x1;
	v25 =	vadd.f32 v54, v25;
	v52 =	vmul.f32 v47, v49  }
0x53: {  	v46 =	vld [tilespmem:s19+$0x100];
	v27 =	vadd.f32 v58, v27;
	v54 =	vmul.f32 v47, v51;
	v58 =	vmul.f32 v47, v55  }
0x54: {  	v49 =	vbroadcast v18, $0x1;
	v55 =	vbroadcast v0, $0x2  }
0x55: {  	v26 =	vadd.f32 v60, v26;
	v56 =	vbroadcast v17, $0x0;
	v60 =	vbroadcast v19, $0x0  }
0x56: {  	v21 =	vld [tilespmem:s19+$0xCD80];
	v22 =	vadd.f32 v48, v22;
	v63 =	vbroadcast v17, $0x1;
	v51 =	vbroadcast v19, $0x1  }
0x57: {  	v48 =	vmul.f32 v47, v61;
	v33 =	vadd.f32 v52, v33;
	v61 =	vbroadcast v16, $0x1  }
0x58: {  	v36 =	vadd.f32 v58, v36;
	v52 =	vmul.f32 v47, v49;
	v58 =	vmul.f32 v46, v55  }
0x59: {  	v49 =	vbroadcast v6, $0x2;
	v55 =	vbroadcast v9, $0x2  }
0x5a: {  	v32 =	vadd.f32 v43, v32;
	v59 =	vmul.f32 v28, v56;
	v28 =	vmul.f32 v60, v28  }
0x5b: {  	v21 =	vpsel p0, $0x0, v21;
	v56 =	vmul.f32 v47, v53;
	v60 =	vmul.f32 v47, v57  }
0x5c: {  	v32 =	vadd.f32 v50, v32;
	v53 =	vbroadcast v12, $0x1;
	v57 =	vbroadcast v14, $0x1  }
0x5d: {  	v50 =	vmul.f32 v47, v63;
	v63 =	vbroadcast v5, $0x2;
	v31 =	vadd.f32 v48, v31  }
0x5e: {  	v48 =	vmul.f32 v47, v61;
	v20 =	vadd.f32 v52, v20;
	v61 =	vbroadcast v4, $0x2  }
0x5f: {  	v23 =	vadd.f32 v58, v23;
	v52 =	vmul.f32 v46, v49;
	v58 =	vmul.f32 v46, v55  }
0x60: {  	v29 =	vadd.f32 v41, v29;
	v49 =	vbroadcast v14, $0x2;
	v55 =	vbroadcast v17, $0x2  }
0x61: {  	v40 =	vadd.f32 v59, v40;
	v59 =	vbroadcast v7, $0x1;
	v26 =	vadd.f32 v56, v26  }
0x62: {  	v29 =	vadd.f32 v60, v29;
	v56 =	vmul.f32 v47, v53;
	v60 =	vmul.f32 v47, v57  }
0x63: {  	v21 =	vadd.f32 v28, v21;
	v53 =	vbroadcast v2, $0x2;
	v57 =	vbroadcast v1, $0x2  }
0x64: {  	v39 =	vadd.f32 v48, v39;
	v48 =	vmul.f32 v46, v61;
	v61 =	vbroadcast v12, $0x2  }
0x65: {  	v32 =	vadd.f32 v58, v32;
	v58 =	vmul.f32 v46, v55;
	v55 =	vbroadcast v5, $0x3  }
0x66: {  	v62 =	vmul.f32 v47, v59;
	v59 =	vbroadcast v15, $0x1;
	v35 =	vadd.f32 v56, v35  }
0x67: {  	v37 =	vadd.f32 v60, v37;
	v56 =	vmul.f32 v46, v53;
	v60 =	vmul.f32 v46, v57  }
0x68: {  	v40 =	vadd.f32 v50, v40;
	v50 =	vmul.f32 v46, v63;
	v53 =	vbroadcast v8, $0x2  }
0x69: {  	v57 =	vbroadcast v10, $0x2;
	v29 =	vadd.f32 v52, v29;
	v63 =	vbroadcast v13, $0x2  }
0x6a: {  	v52 =	vmul.f32 v46, v49;
	v49 =	vbroadcast v1, $0x3;
	v26 =	vadd.f32 v48, v26  }
0x6b: {  	v48 =	vmul.f32 v46, v61;
	v61 =	vbroadcast v2, $0x3;
	v28 =	vadd.f32 v62, v30  }
0x6c: {  	v30 =	vadd.f32 v54, v34;
	v62 =	vmul.f32 v47, v59;
	v54 =	vmul.f32 v47, v51  }
0x6d: {  	v59 =	vbroadcast v3, $0x2;
	v22 =	vadd.f32 v56, v22;
	v51 =	vbroadcast v7, $0x2  }
0x6e: {  	v24 =	vadd.f32 v60, v24;
	v56 =	vmul.f32 v46, v53;
	v60 =	vmul.f32 v46, v57  }
0x6f: {  	v27 =	vadd.f32 v50, v27;
	v50 =	vmul.f32 v46, v63;
	v53 =	vbroadcast v16, $0x2  }
0x70: {  	v57 =	vbroadcast v18, $0x2;
	v37 =	vadd.f32 v52, v37;
	v63 =	vbroadcast v0, $0x3  }
0x71: {  	v40 =	vadd.f32 v58, v40;
	v34 =	vadd.f32 v62, v38;
	v62 =	vmul.f32 v46, v59  }
0x72: {  	v21 =	vadd.f32 v54, v21;
	v54 =	vmul.f32 v46, v51;
	v59 =	vbroadcast v11, $0x2  }
0x73: {  	v47 =	vld [tilespmem:s19+$0x180];
	v31 =	vadd.f32 v56, v31;
	v51 =	vbroadcast v15, $0x2;
	v56 =	vmul.f32 v46, v53  }
0x74: {  	v33 =	vadd.f32 v60, v33;
	v60 =	vmul.f32 v46, v57;
	v53 =	vbroadcast v4, $0x3  }
0x75: {  	v57 =	vbroadcast v6, $0x3;
	v38 =	vbroadcast v7, $0xF;
	v25 =	vadd.f32 v62, v25  }
0x76: {  	v28 =	vadd.f32 v54, v28;
	v62 =	vmul.f32 v46, v59;
	v54 =	vmul.f32 v46, v51  }
0x77: {  	v35 =	vadd.f32 v48, v35;
	v59 =	vbroadcast v19, $0x2;
	v51 =	vbroadcast v3, $0x3  }
0x78: {  	v36 =	vadd.f32 v50, v36;
	v48 =	vmul.f32 v47, v61;
	v50 =	vmul.f32 v47, v63  }
0x79: {  	v39 =	vadd.f32 v56, v39;
	v52 =	vmul.f32 v47, v49;
	v56 =	vmul.f32 v47, v53  }
0x7a: {  	v20 =	vadd.f32 v60, v20;
	v58 =	vmul.f32 v47, v55;
	v60 =	vmul.f32 v47, v57  }
0x7b: {  	v61 =	vbroadcast v8, $0x3;
	v63 =	vbroadcast v9, $0x3  }
0x7c: {  	v49 =	vbroadcast v10, $0x3;
	v53 =	vbroadcast v12, $0x3  }
0x7d: {  	v55 =	vbroadcast v13, $0x3;
	v57 =	vbroadcast v14, $0x3  }
0x7e: {  	v30 =	vadd.f32 v62, v30;
	v34 =	vadd.f32 v54, v34;
	v62 =	vmul.f32 v46, v59  }
0x7f: {  	v54 =	vmul.f32 v47, v51;
	v59 =	vbroadcast v7, $0x3;
	v22 =	vadd.f32 v48, v22  }
0x80: {  	v51 =	vbroadcast v11, $0x3;
	v23 =	vadd.f32 v50, v23;
	v24 =	vadd.f32 v52, v24  }
0x81: {  	v26 =	vadd.f32 v56, v26;
	v48 =	vmul.f32 v47, v61;
	v50 =	vmul.f32 v47, v63  }
0x82: {  	v27 =	vadd.f32 v58, v27;
	v52 =	vmul.f32 v47, v49;
	v56 =	vmul.f32 v47, v53  }
0x83: {  	v29 =	vadd.f32 v60, v29;
	v58 =	vmul.f32 v47, v55;
	v60 =	vmul.f32 v47, v57  }
0x84: {  	v61 =	vbroadcast v16, $0x3;
	v63 =	vbroadcast v17, $0x3  }
0x85: {  	v49 =	vbroadcast v18, $0x3;
	v53 =	vbroadcast v2, $0x4  }
0x86: {  	v55 =	vbroadcast v0, $0x4;
	v57 =	vbroadcast v1, $0x4  }
0x87: {  	v21 =	vadd.f32 v62, v21;
	v25 =	vadd.f32 v54, v25;
	v62 =	vmul.f32 v47, v59  }
0x88: {  	v54 =	vmul.f32 v47, v51;
	v59 =	vbroadcast v15, $0x3;
	v31 =	vadd.f32 v48, v31  }
0x89: {  	v51 =	vbroadcast v19, $0x3;
	v32 =	vadd.f32 v50, v32;
	v33 =	vadd.f32 v52, v33  }
0x8a: {  	v46 =	vld [tilespmem:s19+$0x200];
	v35 =	vadd.f32 v56, v35;
	v48 =	vmul.f32 v47, v61;
	v50 =	vmul.f32 v47, v63  }
0x8b: {  	v36 =	vadd.f32 v58, v36;
	v52 =	vmul.f32 v47, v49;
	v61 =	vbroadcast v4, $0x4  }
0x8c: {  	v63 =	vbroadcast v5, $0x4;
	v49 =	vbroadcast v6, $0x4;
	v28 =	vadd.f32 v62, v28  }
0x8d: {  	v30 =	vadd.f32 v54, v30;
	v62 =	vmul.f32 v47, v59;
	v54 =	vmul.f32 v47, v51  }
0x8e: {  	v37 =	vadd.f32 v60, v37;
	v59 =	vbroadcast v3, $0x4;
	v51 =	vbroadcast v7, $0x4  }
0x8f: {  	v39 =	vadd.f32 v48, v39;
	v56 =	vmul.f32 v46, v53;
	v58 =	vmul.f32 v46, v55  }
0x90: {  	v40 =	vadd.f32 v50, v40;
	v60 =	vmul.f32 v46, v57;
	v48 =	vmul.f32 v46, v61  }
0x91: {  	v20 =	vadd.f32 v52, v20;
	v50 =	vmul.f32 v46, v63;
	v52 =	vmul.f32 v46, v49  }
0x92: {  	v53 =	vbroadcast v8, $0x4;
	v55 =	vbroadcast v9, $0x4  }
0x93: {  	v57 =	vbroadcast v10, $0x4;
	v61 =	vbroadcast v12, $0x4  }
0x94: {  	v63 =	vbroadcast v13, $0x4;
	v49 =	vbroadcast v14, $0x4  }
0x95: {  	v34 =	vadd.f32 v62, v34;
	v21 =	vadd.f32 v54, v21;
	v62 =	vmul.f32 v46, v59  }
0x96: {  	v54 =	vmul.f32 v46, v51;
	v59 =	vbroadcast v11, $0x4;
	v22 =	vadd.f32 v56, v22  }
0x97: {  	v51 =	vbroadcast v15, $0x4;
	v23 =	vadd.f32 v58, v23;
	v24 =	vadd.f32 v60, v24  }
0x98: {  	v26 =	vadd.f32 v48, v26;
	v56 =	vmul.f32 v46, v53;
	v58 =	vmul.f32 v46, v55  }
0x99: {  	v27 =	vadd.f32 v50, v27;
	v60 =	vmul.f32 v46, v57;
	v48 =	vmul.f32 v46, v61  }
0x9a: {  	v29 =	vadd.f32 v52, v29;
	v50 =	vmul.f32 v46, v63;
	v52 =	vmul.f32 v46, v49  }
0x9b: {  	v53 =	vbroadcast v16, $0x4;
	v55 =	vbroadcast v17, $0x4  }
0x9c: {  	v57 =	vbroadcast v18, $0x4;
	v61 =	vbroadcast v2, $0x5  }
0x9d: {  	v47 =	vld [tilespmem:s19+$0x280];
	v63 =	vbroadcast v0, $0x5;
	v49 =	vbroadcast v1, $0x5  }
0x9e: {  	v25 =	vadd.f32 v62, v25;
	v28 =	vadd.f32 v54, v28;
	v62 =	vmul.f32 v46, v59  }
0x9f: {  	v54 =	vmul.f32 v46, v51;
	v59 =	vbroadcast v19, $0x4;
	v31 =	vadd.f32 v56, v31  }
0xa0: {  	v51 =	vbroadcast v3, $0x5;
	v32 =	vadd.f32 v58, v32;
	v33 =	vadd.f32 v60, v33  }
0xa1: {  	v35 =	vadd.f32 v48, v35;
	v56 =	vmul.f32 v46, v53;
	v58 =	vmul.f32 v46, v55  }
0xa2: {  	v36 =	vadd.f32 v50, v36;
	v60 =	vmul.f32 v46, v57;
	v48 =	vmul.f32 v47, v61  }
0xa3: {  	v37 =	vadd.f32 v52, v37;
	v50 =	vmul.f32 v47, v63;
	v52 =	vmul.f32 v47, v49  }
0xa4: {  	v53 =	vbroadcast v4, $0x5;
	v55 =	vbroadcast v5, $0x5  }
0xa5: {  	v57 =	vbroadcast v6, $0x5;
	v61 =	vbroadcast v8, $0x5  }
0xa6: {  	v63 =	vbroadcast v9, $0x5;
	v49 =	vbroadcast v10, $0x5  }
0xa7: {  	v30 =	vadd.f32 v62, v30;
	v34 =	vadd.f32 v54, v34;
	v62 =	vmul.f32 v46, v59  }
0xa8: {  	v54 =	vmul.f32 v47, v51;
	v59 =	vbroadcast v7, $0x5;
	v39 =	vadd.f32 v56, v39  }
0xa9: {  	v51 =	vbroadcast v11, $0x5;
	v40 =	vadd.f32 v58, v40;
	v20 =	vadd.f32 v60, v20  }
0xaa: {  	v22 =	vadd.f32 v48, v22;
	v56 =	vmul.f32 v47, v53;
	v58 =	vmul.f32 v47, v55  }
0xab: {  	v23 =	vadd.f32 v50, v23;
	v60 =	vmul.f32 v47, v57;
	v48 =	vmul.f32 v47, v61  }
0xac: {  	v24 =	vadd.f32 v52, v24;
	v50 =	vmul.f32 v47, v63;
	v52 =	vmul.f32 v47, v49  }
0xad: {  	v53 =	vbroadcast v12, $0x5;
	v55 =	vbroadcast v13, $0x5  }
0xae: {  	v57 =	vbroadcast v14, $0x5;
	v61 =	vbroadcast v16, $0x5  }
0xaf: {  	v63 =	vbroadcast v17, $0x5;
	v49 =	vbroadcast v18, $0x5  }
0xb0: {  	v21 =	vadd.f32 v62, v21;
	v25 =	vadd.f32 v54, v25;
	v62 =	vmul.f32 v47, v59  }
0xb1: {  	v54 =	vmul.f32 v47, v51;
	v59 =	vbroadcast v15, $0x5;
	v26 =	vadd.f32 v56, v26  }
0xb2: {  	v51 =	vbroadcast v19, $0x5;
	v27 =	vadd.f32 v58, v27;
	v29 =	vadd.f32 v60, v29  }
0xb3: {  	v31 =	vadd.f32 v48, v31;
	v56 =	vmul.f32 v47, v53;
	v58 =	vmul.f32 v47, v55  }
0xb4: {  	v32 =	vadd.f32 v50, v32;
	v60 =	vmul.f32 v47, v57;
	v48 =	vmul.f32 v47, v61  }
0xb5: {  	v33 =	vadd.f32 v52, v33;
	v50 =	vmul.f32 v47, v63;
	v52 =	vmul.f32 v47, v49  }
0xb6: {  	v53 =	vbroadcast v2, $0x6;
	v55 =	vbroadcast v0, $0x6  }
0xb7: {  	v46 =	vld [tilespmem:s19+$0x300];
	v57 =	vbroadcast v1, $0x6;
	v61 =	vbroadcast v4, $0x6  }
0xb8: {  	v63 =	vbroadcast v5, $0x6;
	v49 =	vbroadcast v6, $0x6  }
0xb9: {  	v28 =	vadd.f32 v62, v28;
	v30 =	vadd.f32 v54, v30;
	v62 =	vmul.f32 v47, v59  }
0xba: {  	v54 =	vmul.f32 v47, v51;
	v59 =	vbroadcast v3, $0x6;
	v35 =	vadd.f32 v56, v35  }
0xbb: {  	v51 =	vbroadcast v7, $0x6;
	v36 =	vadd.f32 v58, v36;
	v37 =	vadd.f32 v60, v37  }
0xbc: {  	v39 =	vadd.f32 v48, v39;
	v56 =	vmul.f32 v46, v53;
	v58 =	vmul.f32 v46, v55  }
0xbd: {  	v40 =	vadd.f32 v50, v40;
	v60 =	vmul.f32 v46, v57;
	v48 =	vmul.f32 v46, v61  }
0xbe: {  	v20 =	vadd.f32 v52, v20;
	v50 =	vmul.f32 v46, v63;
	v52 =	vmul.f32 v46, v49  }
0xbf: {  	v53 =	vbroadcast v8, $0x6;
	v55 =	vbroadcast v9, $0x6  }
0xc0: {  	v57 =	vbroadcast v10, $0x6;
	v61 =	vbroadcast v12, $0x6  }
0xc1: {  	v63 =	vbroadcast v13, $0x6;
	v49 =	vbroadcast v14, $0x6  }
0xc2: {  	v34 =	vadd.f32 v62, v34;
	v21 =	vadd.f32 v54, v21;
	v62 =	vmul.f32 v46, v59  }
0xc3: {  	v54 =	vmul.f32 v46, v51;
	v59 =	vbroadcast v11, $0x6;
	v22 =	vadd.f32 v56, v22  }
0xc4: {  	v51 =	vbroadcast v15, $0x6;
	v23 =	vadd.f32 v58, v23;
	v24 =	vadd.f32 v60, v24  }
0xc5: {  	v26 =	vadd.f32 v48, v26;
	v56 =	vmul.f32 v46, v53;
	v58 =	vmul.f32 v46, v55  }
0xc6: {  	v27 =	vadd.f32 v50, v27;
	v60 =	vmul.f32 v46, v57;
	v48 =	vmul.f32 v46, v61  }
0xc7: {  	v29 =	vadd.f32 v52, v29;
	v50 =	vmul.f32 v46, v63;
	v52 =	vmul.f32 v46, v49  }
0xc8: {  	v53 =	vbroadcast v16, $0x6;
	v55 =	vbroadcast v17, $0x6  }
0xc9: {  	v57 =	vbroadcast v18, $0x6;
	v61 =	vbroadcast v2, $0x7  }
0xca: {  	v47 =	vld [tilespmem:s21+$0x0];
	v63 =	vbroadcast v0, $0x7;
	v49 =	vbroadcast v1, $0x7  }
0xcb: {  	v25 =	vadd.f32 v62, v25;
	v28 =	vadd.f32 v54, v28;
	v62 =	vmul.f32 v46, v59  }
0xcc: {  	v54 =	vmul.f32 v46, v51;
	v59 =	vbroadcast v19, $0x6;
	v31 =	vadd.f32 v56, v31  }
0xcd: {  	v51 =	vbroadcast v3, $0x7;
	v32 =	vadd.f32 v58, v32;
	v33 =	vadd.f32 v60, v33  }
0xce: {  	v35 =	vadd.f32 v48, v35;
	v56 =	vmul.f32 v46, v53;
	v58 =	vmul.f32 v46, v55  }
0xcf: {  	v36 =	vadd.f32 v50, v36;
	v60 =	vmul.f32 v46, v57;
	v48 =	vmul.f32 v47, v61  }
0xd0: {  	v37 =	vadd.f32 v52, v37;
	v50 =	vmul.f32 v47, v63;
	v52 =	vmul.f32 v47, v49  }
0xd1: {  	v53 =	vbroadcast v4, $0x7;
	v55 =	vbroadcast v5, $0x7  }
0xd2: {  	v57 =	vbroadcast v6, $0x7;
	v61 =	vbroadcast v8, $0x7  }
0xd3: {  	v63 =	vbroadcast v9, $0x7;
	v49 =	vbroadcast v10, $0x7  }
0xd4: {  	v30 =	vadd.f32 v62, v30;
	v34 =	vadd.f32 v54, v34;
	v62 =	vmul.f32 v46, v59  }
0xd5: {  	v54 =	vmul.f32 v47, v51;
	v59 =	vbroadcast v7, $0x7;
	v39 =	vadd.f32 v56, v39  }
0xd6: {  	v51 =	vbroadcast v11, $0x7;
	v40 =	vadd.f32 v58, v40;
	v20 =	vadd.f32 v60, v20  }
0xd7: {  	v22 =	vadd.f32 v48, v22;
	v56 =	vmul.f32 v47, v53;
	v58 =	vmul.f32 v47, v55  }
0xd8: {  	v23 =	vadd.f32 v50, v23;
	v60 =	vmul.f32 v47, v57;
	v48 =	vmul.f32 v47, v61  }
0xd9: {  	v24 =	vadd.f32 v52, v24;
	v50 =	vmul.f32 v47, v63;
	v52 =	vmul.f32 v47, v49  }
0xda: {  	v53 =	vbroadcast v12, $0x7;
	v55 =	vbroadcast v13, $0x7  }
0xdb: {  	v57 =	vbroadcast v14, $0x7;
	v61 =	vbroadcast v16, $0x7  }
0xdc: {  	v63 =	vbroadcast v17, $0x7;
	v49 =	vbroadcast v18, $0x7  }
0xdd: {  	v21 =	vadd.f32 v62, v21;
	v25 =	vadd.f32 v54, v25;
	v62 =	vmul.f32 v47, v59  }
0xde: {  	v54 =	vmul.f32 v47, v51;
	v59 =	vbroadcast v15, $0x7;
	v26 =	vadd.f32 v56, v26  }
0xdf: {  	v51 =	vbroadcast v19, $0x7;
	v27 =	vadd.f32 v58, v27;
	v29 =	vadd.f32 v60, v29  }
0xe0: {  	v31 =	vadd.f32 v48, v31;
	v56 =	vmul.f32 v47, v53;
	v58 =	vmul.f32 v47, v55  }
0xe1: {  	v32 =	vadd.f32 v50, v32;
	v60 =	vmul.f32 v47, v57;
	v48 =	vmul.f32 v47, v61  }
0xe2: {  	v33 =	vadd.f32 v52, v33;
	v50 =	vmul.f32 v47, v63;
	v52 =	vmul.f32 v47, v49  }
0xe3: {  	v53 =	vbroadcast v2, $0x8;
	v55 =	vbroadcast v0, $0x8  }
0xe4: {  	v46 =	vld [tilespmem:s19+$0x2000];
	v57 =	vbroadcast v1, $0x8;
	v61 =	vbroadcast v4, $0x8  }
0xe5: {  	v63 =	vbroadcast v5, $0x8;
	v49 =	vbroadcast v6, $0x8  }
0xe6: {  	v28 =	vadd.f32 v62, v28;
	v30 =	vadd.f32 v54, v30;
	v62 =	vmul.f32 v47, v59  }
0xe7: {  	v54 =	vmul.f32 v47, v51;
	v59 =	vbroadcast v3, $0x8;
	v35 =	vadd.f32 v56, v35  }
0xe8: {  	v51 =	vbroadcast v7, $0x8;
	v36 =	vadd.f32 v58, v36;
	v37 =	vadd.f32 v60, v37  }
0xe9: {  	v39 =	vadd.f32 v48, v39;
	v56 =	vmul.f32 v46, v53;
	v58 =	vmul.f32 v46, v55  }
0xea: {  	v40 =	vadd.f32 v50, v40;
	v60 =	vmul.f32 v46, v57;
	v48 =	vmul.f32 v46, v61  }
0xeb: {  	v20 =	vadd.f32 v52, v20;
	v50 =	vmul.f32 v46, v63;
	v52 =	vmul.f32 v46, v49  }
0xec: {  	v53 =	vbroadcast v8, $0x8;
	v55 =	vbroadcast v9, $0x8  }
0xed: {  	v57 =	vbroadcast v10, $0x8;
	v61 =	vbroadcast v12, $0x8  }
0xee: {  	v63 =	vbroadcast v13, $0x8;
	v49 =	vbroadcast v14, $0x8  }
0xef: {  	v34 =	vadd.f32 v62, v34;
	v21 =	vadd.f32 v54, v21;
	v62 =	vmul.f32 v46, v59  }
0xf0: {  	v54 =	vmul.f32 v46, v51;
	v59 =	vbroadcast v11, $0x8;
	v22 =	vadd.f32 v56, v22  }
0xf1: {  	v51 =	vbroadcast v15, $0x8;
	v23 =	vadd.f32 v58, v23;
	v24 =	vadd.f32 v60, v24  }
0xf2: {  	v26 =	vadd.f32 v48, v26;
	v56 =	vmul.f32 v46, v53;
	v58 =	vmul.f32 v46, v55  }
0xf3: {  	v27 =	vadd.f32 v50, v27;
	v60 =	vmul.f32 v46, v57;
	v48 =	vmul.f32 v46, v61  }
0xf4: {  	v29 =	vadd.f32 v52, v29;
	v50 =	vmul.f32 v46, v63;
	v52 =	vmul.f32 v46, v49  }
0xf5: {  	v53 =	vbroadcast v16, $0x8;
	v55 =	vbroadcast v17, $0x8  }
0xf6: {  	v57 =	vbroadcast v18, $0x8;
	v61 =	vbroadcast v2, $0x9  }
0xf7: {  	v47 =	vld [tilespmem:s19+$0x2080];
	v63 =	vbroadcast v0, $0x9;
	v49 =	vbroadcast v1, $0x9  }
0xf8: {  	v25 =	vadd.f32 v62, v25;
	v28 =	vadd.f32 v54, v28;
	v62 =	vmul.f32 v46, v59  }
0xf9: {  	v54 =	vmul.f32 v46, v51;
	v59 =	vbroadcast v19, $0x8;
	v31 =	vadd.f32 v56, v31  }
0xfa: {  	v51 =	vbroadcast v3, $0x9;
	v32 =	vadd.f32 v58, v32;
	v33 =	vadd.f32 v60, v33  }
0xfb: {  	v35 =	vadd.f32 v48, v35;
	v56 =	vmul.f32 v46, v53;
	v58 =	vmul.f32 v46, v55  }
0xfc: {  	v36 =	vadd.f32 v50, v36;
	v60 =	vmul.f32 v46, v57;
	v48 =	vmul.f32 v47, v61  }
0xfd: {  	v37 =	vadd.f32 v52, v37;
	v50 =	vmul.f32 v47, v63;
	v52 =	vmul.f32 v47, v49  }
0xfe: {  	v53 =	vbroadcast v4, $0x9;
	v55 =	vbroadcast v5, $0x9  }
0xff: {  	v57 =	vbroadcast v6, $0x9;
	v61 =	vbroadcast v8, $0x9  }
0x100: {  	v63 =	vbroadcast v9, $0x9;
	v49 =	vbroadcast v10, $0x9  }
0x101: {  	v30 =	vadd.f32 v62, v30;
	v34 =	vadd.f32 v54, v34;
	v62 =	vmul.f32 v46, v59  }
0x102: {  	v54 =	vmul.f32 v47, v51;
	v59 =	vbroadcast v7, $0x9;
	v39 =	vadd.f32 v56, v39  }
0x103: {  	v51 =	vbroadcast v11, $0x9;
	v40 =	vadd.f32 v58, v40;
	v20 =	vadd.f32 v60, v20  }
0x104: {  	v22 =	vadd.f32 v48, v22;
	v56 =	vmul.f32 v47, v53;
	v58 =	vmul.f32 v47, v55  }
0x105: {  	v23 =	vadd.f32 v50, v23;
	v60 =	vmul.f32 v47, v57;
	v48 =	vmul.f32 v47, v61  }
0x106: {  	v24 =	vadd.f32 v52, v24;
	v50 =	vmul.f32 v47, v63;
	v52 =	vmul.f32 v47, v49  }
0x107: {  	v53 =	vbroadcast v12, $0x9;
	v55 =	vbroadcast v13, $0x9  }
0x108: {  	v57 =	vbroadcast v14, $0x9;
	v61 =	vbroadcast v16, $0x9  }
0x109: {  	v63 =	vbroadcast v17, $0x9;
	v49 =	vbroadcast v18, $0x9  }
0x10a: {  	v21 =	vadd.f32 v62, v21;
	v25 =	vadd.f32 v54, v25;
	v62 =	vmul.f32 v47, v59  }
0x10b: {  	v54 =	vmul.f32 v47, v51;
	v59 =	vbroadcast v15, $0x9;
	v26 =	vadd.f32 v56, v26  }
0x10c: {  	v51 =	vbroadcast v19, $0x9;
	v27 =	vadd.f32 v58, v27;
	v29 =	vadd.f32 v60, v29  }
0x10d: {  	v31 =	vadd.f32 v48, v31;
	v56 =	vmul.f32 v47, v53;
	v58 =	vmul.f32 v47, v55  }
0x10e: {  	v32 =	vadd.f32 v50, v32;
	v60 =	vmul.f32 v47, v57;
	v48 =	vmul.f32 v47, v61  }
0x10f: {  	v33 =	vadd.f32 v52, v33;
	v50 =	vmul.f32 v47, v63;
	v52 =	vmul.f32 v47, v49  }
0x110: {  	v53 =	vbroadcast v2, $0xA;
	v55 =	vbroadcast v0, $0xA  }
0x111: {  	v46 =	vld [tilespmem:s19+$0x2100];
	v57 =	vbroadcast v1, $0xA;
	v61 =	vbroadcast v4, $0xA  }
0x112: {  	v63 =	vbroadcast v5, $0xA;
	v49 =	vbroadcast v6, $0xA  }
0x113: {  	v28 =	vadd.f32 v62, v28;
	v30 =	vadd.f32 v54, v30;
	v62 =	vmul.f32 v47, v59  }
0x114: {  	v54 =	vmul.f32 v47, v51;
	v59 =	vbroadcast v3, $0xA;
	v35 =	vadd.f32 v56, v35  }
0x115: {  	v51 =	vbroadcast v7, $0xA;
	v36 =	vadd.f32 v58, v36;
	v37 =	vadd.f32 v60, v37  }
0x116: {  	v39 =	vadd.f32 v48, v39;
	v56 =	vmul.f32 v46, v53;
	v58 =	vmul.f32 v46, v55  }
0x117: {  	v40 =	vadd.f32 v50, v40;
	v60 =	vmul.f32 v46, v57;
	v48 =	vmul.f32 v46, v61  }
0x118: {  	v20 =	vadd.f32 v52, v20;
	v50 =	vmul.f32 v46, v63;
	v52 =	vmul.f32 v46, v49  }
0x119: {  	v53 =	vbroadcast v8, $0xA;
	v55 =	vbroadcast v9, $0xA  }
0x11a: {  	v57 =	vbroadcast v10, $0xA;
	v61 =	vbroadcast v12, $0xA  }
0x11b: {  	v63 =	vbroadcast v13, $0xA;
	v49 =	vbroadcast v14, $0xA  }
0x11c: {  	v34 =	vadd.f32 v62, v34;
	v21 =	vadd.f32 v54, v21;
	v62 =	vmul.f32 v46, v59  }
0x11d: {  	v54 =	vmul.f32 v46, v51;
	v59 =	vbroadcast v11, $0xA;
	v22 =	vadd.f32 v56, v22  }
0x11e: {  	v51 =	vbroadcast v15, $0xA;
	v23 =	vadd.f32 v58, v23;
	v24 =	vadd.f32 v60, v24  }
0x11f: {  	v26 =	vadd.f32 v48, v26;
	v56 =	vmul.f32 v46, v53;
	v58 =	vmul.f32 v46, v55  }
0x120: {  	v27 =	vadd.f32 v50, v27;
	v60 =	vmul.f32 v46, v57;
	v48 =	vmul.f32 v46, v61  }
0x121: {  	v29 =	vadd.f32 v52, v29;
	v50 =	vmul.f32 v46, v63;
	v52 =	vmul.f32 v46, v49  }
0x122: {  	v53 =	vbroadcast v16, $0xA;
	v55 =	vbroadcast v17, $0xA  }
0x123: {  	v57 =	vbroadcast v18, $0xA;
	v61 =	vbroadcast v2, $0xB  }
0x124: {  	v47 =	vld [tilespmem:s19+$0x2180];
	v63 =	vbroadcast v0, $0xB;
	v49 =	vbroadcast v1, $0xB  }
0x125: {  	v25 =	vadd.f32 v62, v25;
	v28 =	vadd.f32 v54, v28;
	v62 =	vmul.f32 v46, v59  }
0x126: {  	v54 =	vmul.f32 v46, v51;
	v59 =	vbroadcast v19, $0xA;
	v31 =	vadd.f32 v56, v31  }
0x127: {  	v51 =	vbroadcast v3, $0xB;
	v32 =	vadd.f32 v58, v32;
	v33 =	vadd.f32 v60, v33  }
0x128: {  	v35 =	vadd.f32 v48, v35;
	v56 =	vmul.f32 v46, v53;
	v58 =	vmul.f32 v46, v55  }
0x129: {  	v36 =	vadd.f32 v50, v36;
	v60 =	vmul.f32 v46, v57;
	v48 =	vmul.f32 v47, v61  }
0x12a: {  	v37 =	vadd.f32 v52, v37;
	v50 =	vmul.f32 v47, v63;
	v52 =	vmul.f32 v47, v49  }
0x12b: {  	v53 =	vbroadcast v4, $0xB;
	v55 =	vbroadcast v5, $0xB  }
0x12c: {  	v57 =	vbroadcast v6, $0xB;
	v61 =	vbroadcast v8, $0xB  }
0x12d: {  	v63 =	vbroadcast v9, $0xB;
	v49 =	vbroadcast v10, $0xB  }
0x12e: {  	v30 =	vadd.f32 v62, v30;
	v34 =	vadd.f32 v54, v34;
	v62 =	vmul.f32 v46, v59  }
0x12f: {  	v54 =	vmul.f32 v47, v51;
	v59 =	vbroadcast v7, $0xB;
	v39 =	vadd.f32 v56, v39  }
0x130: {  	v51 =	vbroadcast v11, $0xB;
	v40 =	vadd.f32 v58, v40;
	v20 =	vadd.f32 v60, v20  }
0x131: {  	v22 =	vadd.f32 v48, v22;
	v56 =	vmul.f32 v47, v53;
	v58 =	vmul.f32 v47, v55  }
0x132: {  	v23 =	vadd.f32 v50, v23;
	v60 =	vmul.f32 v47, v57;
	v48 =	vmul.f32 v47, v61  }
0x133: {  	v24 =	vadd.f32 v52, v24;
	v50 =	vmul.f32 v47, v63;
	v52 =	vmul.f32 v47, v49  }
0x134: {  	v53 =	vbroadcast v12, $0xB;
	v55 =	vbroadcast v13, $0xB  }
0x135: {  	v57 =	vbroadcast v14, $0xB;
	v61 =	vbroadcast v16, $0xB  }
0x136: {  	v63 =	vbroadcast v17, $0xB;
	v49 =	vbroadcast v18, $0xB  }
0x137: {  	v21 =	vadd.f32 v62, v21;
	v25 =	vadd.f32 v54, v25;
	v62 =	vmul.f32 v47, v59  }
0x138: {  	v54 =	vmul.f32 v47, v51;
	v59 =	vbroadcast v15, $0xB;
	v26 =	vadd.f32 v56, v26  }
0x139: {  	v51 =	vbroadcast v19, $0xB;
	v27 =	vadd.f32 v58, v27;
	v29 =	vadd.f32 v60, v29  }
0x13a: {  	v31 =	vadd.f32 v48, v31;
	v56 =	vmul.f32 v47, v53;
	v58 =	vmul.f32 v47, v55  }
0x13b: {  	v32 =	vadd.f32 v50, v32;
	v60 =	vmul.f32 v47, v57;
	v48 =	vmul.f32 v47, v61  }
0x13c: {  	v33 =	vadd.f32 v52, v33;
	v50 =	vmul.f32 v47, v63;
	v52 =	vmul.f32 v47, v49  }
0x13d: {  	v53 =	vbroadcast v2, $0xC;
	v55 =	vbroadcast v0, $0xC  }
0x13e: {  	v46 =	vld [tilespmem:s19+$0x2200];
	v57 =	vbroadcast v1, $0xC;
	v61 =	vbroadcast v4, $0xC  }
0x13f: {  	v63 =	vbroadcast v5, $0xC;
	v49 =	vbroadcast v6, $0xC  }
0x140: {  	v28 =	vadd.f32 v62, v28;
	v30 =	vadd.f32 v54, v30;
	v62 =	vmul.f32 v47, v59  }
0x141: {  	v54 =	vmul.f32 v47, v51;
	v59 =	vbroadcast v3, $0xC;
	v35 =	vadd.f32 v56, v35  }
0x142: {  	v51 =	vbroadcast v7, $0xC;
	v36 =	vadd.f32 v58, v36;
	v37 =	vadd.f32 v60, v37  }
0x143: {  	v39 =	vadd.f32 v48, v39;
	v56 =	vmul.f32 v46, v53;
	v58 =	vmul.f32 v46, v55  }
0x144: {  	v40 =	vadd.f32 v50, v40;
	v60 =	vmul.f32 v46, v57;
	v48 =	vmul.f32 v46, v61  }
0x145: {  	v20 =	vadd.f32 v52, v20;
	v50 =	vmul.f32 v46, v63;
	v52 =	vmul.f32 v46, v49  }
0x146: {  	v53 =	vbroadcast v8, $0xC;
	v55 =	vbroadcast v9, $0xC  }
0x147: {  	v57 =	vbroadcast v10, $0xC;
	v61 =	vbroadcast v12, $0xC  }
0x148: {  	v63 =	vbroadcast v13, $0xC;
	v49 =	vbroadcast v14, $0xC  }
0x149: {  	v34 =	vadd.f32 v62, v34;
	v21 =	vadd.f32 v54, v21;
	v62 =	vmul.f32 v46, v59  }
0x14a: {  	v54 =	vmul.f32 v46, v51;
	v59 =	vbroadcast v11, $0xC;
	v22 =	vadd.f32 v56, v22  }
0x14b: {  	v51 =	vbroadcast v15, $0xC;
	v23 =	vadd.f32 v58, v23;
	v24 =	vadd.f32 v60, v24  }
0x14c: {  	v26 =	vadd.f32 v48, v26;
	v56 =	vmul.f32 v46, v53;
	v58 =	vmul.f32 v46, v55  }
0x14d: {  	v27 =	vadd.f32 v50, v27;
	v60 =	vmul.f32 v46, v57;
	v48 =	vmul.f32 v46, v61  }
0x14e: {  	v29 =	vadd.f32 v52, v29;
	v50 =	vmul.f32 v46, v63;
	v52 =	vmul.f32 v46, v49  }
0x14f: {  	v53 =	vbroadcast v16, $0xC;
	v55 =	vbroadcast v17, $0xC  }
0x150: {  	v57 =	vbroadcast v18, $0xC;
	v61 =	vbroadcast v2, $0xD  }
0x151: {  	v47 =	vld [tilespmem:s19+$0x2280];
	v63 =	vbroadcast v0, $0xD;
	v49 =	vbroadcast v1, $0xD  }
0x152: {  	v25 =	vadd.f32 v62, v25;
	v28 =	vadd.f32 v54, v28;
	v62 =	vmul.f32 v46, v59  }
0x153: {  	v54 =	vmul.f32 v46, v51;
	v59 =	vbroadcast v19, $0xC;
	v31 =	vadd.f32 v56, v31  }
0x154: {  	v51 =	vbroadcast v3, $0xD;
	v32 =	vadd.f32 v58, v32;
	v33 =	vadd.f32 v60, v33  }
0x155: {  	v35 =	vadd.f32 v48, v35;
	v56 =	vmul.f32 v46, v53;
	v58 =	vmul.f32 v46, v55  }
0x156: {  	v36 =	vadd.f32 v50, v36;
	v60 =	vmul.f32 v46, v57;
	v48 =	vmul.f32 v47, v61  }
0x157: {  	v37 =	vadd.f32 v52, v37;
	v50 =	vmul.f32 v47, v63;
	v52 =	vmul.f32 v47, v49  }
0x158: {  	v53 =	vbroadcast v4, $0xD;
	v55 =	vbroadcast v5, $0xD  }
0x159: {  	v57 =	vbroadcast v6, $0xD;
	v61 =	vbroadcast v8, $0xD  }
0x15a: {  	v63 =	vbroadcast v9, $0xD;
	v49 =	vbroadcast v10, $0xD  }
0x15b: {  	v30 =	vadd.f32 v62, v30;
	v34 =	vadd.f32 v54, v34;
	v62 =	vmul.f32 v46, v59  }
0x15c: {  	v54 =	vmul.f32 v47, v51;
	v59 =	vbroadcast v7, $0xD;
	v39 =	vadd.f32 v56, v39  }
0x15d: {  	v51 =	vbroadcast v11, $0xD;
	v40 =	vadd.f32 v58, v40;
	v20 =	vadd.f32 v60, v20  }
0x15e: {  	v22 =	vadd.f32 v48, v22;
	v56 =	vmul.f32 v47, v53;
	v58 =	vmul.f32 v47, v55  }
0x15f: {  	v23 =	vadd.f32 v50, v23;
	v60 =	vmul.f32 v47, v57;
	v48 =	vmul.f32 v47, v61  }
0x160: {  	v24 =	vadd.f32 v52, v24;
	v50 =	vmul.f32 v47, v63;
	v52 =	vmul.f32 v47, v49  }
0x161: {  	v53 =	vbroadcast v12, $0xD;
	v55 =	vbroadcast v13, $0xD  }
0x162: {  	v57 =	vbroadcast v14, $0xD;
	v61 =	vbroadcast v16, $0xD  }
0x163: {  	v63 =	vbroadcast v17, $0xD;
	v49 =	vbroadcast v18, $0xD  }
0x164: {  	v21 =	vadd.f32 v62, v21;
	v25 =	vadd.f32 v54, v25;
	v62 =	vmul.f32 v47, v59  }
0x165: {  	v54 =	vmul.f32 v47, v51;
	v59 =	vbroadcast v15, $0xD;
	v26 =	vadd.f32 v56, v26  }
0x166: {  	v51 =	vbroadcast v19, $0xD;
	v27 =	vadd.f32 v58, v27;
	v29 =	vadd.f32 v60, v29  }
0x167: {  	v31 =	vadd.f32 v48, v31;
	v56 =	vmul.f32 v47, v53;
	v58 =	vmul.f32 v47, v55  }
0x168: {  	v32 =	vadd.f32 v50, v32;
	v60 =	vmul.f32 v47, v57;
	v48 =	vmul.f32 v47, v61  }
0x169: {  	v33 =	vadd.f32 v52, v33;
	v50 =	vmul.f32 v47, v63;
	v52 =	vmul.f32 v47, v49  }
0x16a: {  	v53 =	vbroadcast v2, $0xE;
	v55 =	vbroadcast v0, $0xE  }
0x16b: {  	v57 =	vbroadcast v1, $0xE;
	v61 =	vbroadcast v4, $0xE  }
0x16c: {  	v63 =	vbroadcast v5, $0xE;
	v49 =	vbroadcast v6, $0xE  }
0x16d: {  	v46 =	vld [tilespmem:s19+$0x2300];
	v2 =	vbroadcast v2, $0xF;
	v0 =	vbroadcast v0, $0xF  }
0x16e: {  	v1 =	vbroadcast v1, $0xF;
	v4 =	vbroadcast v4, $0xF  }
0x16f: {  	v5 =	vbroadcast v5, $0xF;
	v28 =	vadd.f32 v62, v28;
	v62 =	vmul.f32 v47, v59  }
0x170: {  	v30 =	vadd.f32 v54, v30;
	v54 =	vmul.f32 v47, v51;
	v59 =	vbroadcast v3, $0xE  }
0x171: {  	v51 =	vbroadcast v7, $0xE;
	v3 =	vbroadcast v3, $0xF;
	v35 =	vadd.f32 v56, v35  }
0x172: {  	v36 =	vadd.f32 v58, v36;
	v37 =	vadd.f32 v60, v37;
	v56 =	vmul.f32 v46, v53  }
0x173: {  	v39 =	vadd.f32 v48, v39;
	v58 =	vmul.f32 v46, v55;
	v60 =	vmul.f32 v46, v57  }
0x174: {  	v40 =	vadd.f32 v50, v40;
	v48 =	vmul.f32 v46, v61;
	v50 =	vmul.f32 v46, v63  }
0x175: {  	v20 =	vadd.f32 v52, v20;
	v52 =	vmul.f32 v46, v49;
	v53 =	vbroadcast v8, $0xE  }
0x176: {  	v55 =	vbroadcast v9, $0xE;
	v57 =	vbroadcast v10, $0xE  }
0x177: {  	v61 =	vbroadcast v12, $0xE;
	v63 =	vbroadcast v13, $0xE  }
0x178: {  	v49 =	vbroadcast v14, $0xE;
	v13 =	vbroadcast v13, $0xF  }
0x179: {  	v34 =	vadd.f32 v62, v34;
	v21 =	vadd.f32 v54, v21;
	v62 =	vmul.f32 v46, v59  }
0x17a: {  	v54 =	vmul.f32 v46, v51;
	v59 =	vbroadcast v11, $0xE;
	v22 =	vadd.f32 v56, v22  }
0x17b: {  	v51 =	vbroadcast v15, $0xE;
	v23 =	vadd.f32 v58, v23;
	v24 =	vadd.f32 v60, v24  }
0x17c: {  	v26 =	vadd.f32 v48, v26;
	v56 =	vmul.f32 v46, v53;
	v58 =	vmul.f32 v46, v55  }
0x17d: {  	v27 =	vadd.f32 v50, v27;
	v60 =	vmul.f32 v46, v57;
	v48 =	vmul.f32 v46, v61  }
0x17e: {  	v29 =	vadd.f32 v52, v29;
	v50 =	vmul.f32 v46, v63;
	v52 =	vmul.f32 v46, v49  }
0x17f: {  	v53 =	vbroadcast v16, $0xE;
	v55 =	vbroadcast v17, $0xE  }
0x180: {  	v47 =	vld [tilespmem:s20+$0x0];
	v57 =	vbroadcast v18, $0xE;
	v63 =	vbroadcast v6, $0xF  }
0x181: {  	v49 =	vbroadcast v12, $0xF;
	v25 =	vadd.f32 v62, v25;
	v62 =	vmul.f32 v46, v59  }
0x182: {  	v28 =	vadd.f32 v54, v28;
	v54 =	vmul.f32 v46, v51;
	v59 =	vbroadcast v19, $0xE  }
0x183: {  	v31 =	vadd.f32 v56, v31;
	v32 =	vadd.f32 v58, v32;
	v56 =	vmul.f32 v46, v53  }
0x184: {  	v33 =	vadd.f32 v60, v33;
	v58 =	vmul.f32 v46, v55;
	v60 =	vmul.f32 v46, v57  }
0x185: {  	v2 =	vmul.f32 v47, v2;
	v0 =	vmul.f32 v47, v0  }
0x186: {  	v1 =	vmul.f32 v47, v1;
	v3 =	vmul.f32 v47, v3  }
0x187: {  	v41 =	vmul.f32 v47, v63;
	v43 =	vmul.f32 v47, v38  }
0x188: {  	v35 =	vadd.f32 v48, v35;
	v45 =	vmul.f32 v47, v42;
	v48 =	vbroadcast v11, $0xF  }
0x189: {  	v37 =	vadd.f32 v52, v37;
	v51 =	vmul.f32 v47, v49;
	v52 =	vbroadcast v14, $0xF  }
0x18a: {  	v36 =	vadd.f32 v50, v36;
	v53 =	vmul.f32 v47, v13;
	v57 =	vbroadcast v17, $0xF  }
0x18b: {  	v30 =	vadd.f32 v62, v30;
	v34 =	vadd.f32 v54, v34;
	v61 =	vmul.f32 v46, v59  }
0x18c: {  	v62 =	vmul.f32 v47, v4;
	v46 =	vbroadcast v10, $0xF;
	v39 =	vadd.f32 v56, v39  }
0x18d: {  	v13 =	vld [tilespmem:s17+$0x8210];
	v54 =	vbroadcast v15, $0xF;
	v40 =	vadd.f32 v58, v40;
	v20 =	vadd.f32 v60, v20  }
0x18e: {  	v14 =	vld [tilespmem:s17+$0x8290];
	v22 =	vadd.f32 v2, v22;
	v6 =	vadd.f32 v0, v23;
	v23 =	vmul.f32 v47, v5  }
0x18f: {  	v17 =	vld [tilespmem:s17+$0x8490];
	v7 =	vadd.f32 v1, v24;
	v8 =	vadd.f32 v3, v25;
	v5 =	vmul.f32 v47, v44  }
0x190: {  	v11 =	vadd.f32 v41, v29;
	v50 =	vmul.f32 v47, v48;
	v0 =	vld [tilespmem:s17+$0x8010];
	v55 =	vmul.f32 v47, v52  }
0x191: {  	v12 =	vadd.f32 v43, v28;
	v1 =	vld [tilespmem:s17+$0x8090];
	v56 =	vbroadcast v16, $0xF;
	v58 =	vbroadcast v18, $0xF  }
0x192: {  	v2 =	vld [tilespmem:s17+$0x8110];
	v24 =	vadd.f32 v51, v35;
	v59 =	vmul.f32 v47, v57;
	v60 =	vbroadcast v19, $0xF  }
0x193: {  	v28 =	vld [tilespmem:s19+$0x4000];
	v21 =	vadd.f32 v61, v21;
	v9 =	vadd.f32 v62, v26;
	v4 =	vmul.f32 v47, v46  }
0x194: {  	v3 =	vld [tilespmem:s17+$0x8190];
	v15 =	vmul.f32 v47, v54;
	v10 =	vadd.f32 v23, v27;
	v16 =	vmul.f32 v47, v56  }
0x195: {  	v19 =	vld [tilespmem:s17+$0x8310];
	v23 =	vadd.f32 v45, v31;
	v61 =	vmul.f32 v47, v58;
	v63 =	vmul.f32 v47, v60  }
0x196: {  	v18 =	vld [tilespmem:s17+$0x8510];
	v25 =	vadd.f32 v5, v32;
	v47 =	vbroadcast v13, $0x0;
	v49 =	vbroadcast v14, $0x0  }
0x197: {  	v27 =	vadd.f32 v50, v30;
	v54 =	vbroadcast v17, $0x0;
	v62 =	vbroadcast v0, $0x0  }
0x198: {  	v5 =	vld [tilespmem:s17+$0x8610];
	v26 =	vadd.f32 v4, v33;
	v41 =	vbroadcast v1, $0x0;
	v43 =	vbroadcast v2, $0x0  }
0x199: {  	v31 =	vadd.f32 v15, v34;
	v15 =	vld [tilespmem:s17+$0x8390];
	v45 =	vbroadcast v3, $0x0;
	v50 =	vmul.f32 v28, v47  }
0x19a: {  	v4 =	vld [tilespmem:s17+$0x8590];
	v33 =	vadd.f32 v16, v39;
	v51 =	vbroadcast v19, $0x0;
	v39 =	vmul.f32 v28, v49  }
0x19b: {  	v30 =	vadd.f32 v55, v37;
	v16 =	vld [tilespmem:s17+$0x8410];
	v55 =	vbroadcast v18, $0x0;
	v42 =	vmul.f32 v28, v62  }
0x19c: {  	v29 =	vadd.f32 v53, v36;
	v44 =	vmul.f32 v28, v41;
	v46 =	vmul.f32 v28, v43  }
0x19d: {  	v35 =	vadd.f32 v59, v40;
	v48 =	vmul.f32 v28, v45;
	v38 =	vmul.f32 v28, v51  }
0x19e: {  	v34 =	vadd.f32 v50, v9;
	v9 =	vld [tilespmem:s17+$0x8810];
	v43 =	vmul.f32 v28, v55;
	v57 =	vbroadcast v5, $0x0  }
0x19f: {  	v39 =	vadd.f32 v39, v10;
	v10 =	vld [tilespmem:s17+$0x8890];
	v52 =	vbroadcast v15, $0x0;
	v56 =	vbroadcast v4, $0x0  }
0x1a0: {  	v22 =	vadd.f32 v42, v22;
	v36 =	vadd.f32 v44, v6;
	v6 =	vld [tilespmem:s17+$0x8690];
	v53 =	vbroadcast v16, $0x0  }
0x1a1: {  	v37 =	vadd.f32 v46, v7;
	v7 =	vld [tilespmem:s17+$0x8710];
	v42 =	vmul.f32 v28, v54;
	v59 =	vmul.f32 v28, v57  }
0x1a2: {  	v32 =	vadd.f32 v48, v8;
	v8 =	vld [tilespmem:s17+$0x8790];
	v57 =	vbroadcast v1, $0x1;
	v40 =	vmul.f32 v28, v52  }
0x1a3: {  	v38 =	vadd.f32 v38, v11;
	v11 =	vld [tilespmem:s17+$0x8910];
	v44 =	vmul.f32 v28, v56;
	v56 =	vbroadcast v0, $0x1  }
0x1a4: {  	v41 =	vmul.f32 v28, v53;
	v24 =	vadd.f32 v59, v24;
	v59 =	vbroadcast v2, $0x1  }
0x1a5: {  	v48 =	vbroadcast v9, $0x0;
	v50 =	vbroadcast v10, $0x0  }
0x1a6: {  	v47 =	vld [tilespmem:s19+$0x4080];
	v58 =	vbroadcast v6, $0x0;
	v60 =	vbroadcast v7, $0x0  }
0x1a7: {  	v20 =	vadd.f32 v61, v20;
	v62 =	vbroadcast v8, $0x0;
	v51 =	vmul.f32 v28, v48  }
0x1a8: {  	v21 =	vadd.f32 v63, v21;
	v52 =	vbroadcast v11, $0x0;
	v53 =	vmul.f32 v28, v50  }
0x1a9: {  	v25 =	vadd.f32 v42, v25;
	v42 =	vbroadcast v7, $0xF;
	v61 =	vmul.f32 v28, v58  }
0x1aa: {  	v40 =	vadd.f32 v40, v12;
	v12 =	vld [tilespmem:s17+$0x8990];
	v63 =	vmul.f32 v28, v60;
	v49 =	vmul.f32 v28, v62  }
0x1ab: {  	v55 =	vmul.f32 v28, v52;
	v58 =	vmul.f32 v47, v56  }
0x1ac: {  	v33 =	vadd.f32 v51, v33;
	v60 =	vmul.f32 v47, v57;
	v62 =	vmul.f32 v47, v59  }
0x1ad: {  	v35 =	vadd.f32 v53, v35;
	v51 =	vbroadcast v19, $0x1;
	v53 =	vbroadcast v15, $0x1  }
0x1ae: {  	v57 =	vbroadcast v17, $0x1;
	v59 =	vbroadcast v18, $0x1  }
0x1af: {  	v54 =	vbroadcast v12, $0x0;
	v29 =	vadd.f32 v61, v29;
	v30 =	vadd.f32 v63, v30  }
0x1b0: {  	v31 =	vadd.f32 v49, v31;
	v61 =	vbroadcast v3, $0x1;
	v63 =	vbroadcast v13, $0x1  }
0x1b1: {  	v20 =	vadd.f32 v55, v20;
	v49 =	vbroadcast v14, $0x1;
	v55 =	vbroadcast v16, $0x1  }
0x1b2: {  	v36 =	vadd.f32 v60, v36;
	v56 =	vmul.f32 v47, v53;
	v60 =	vmul.f32 v47, v57  }
0x1b3: {  	v37 =	vadd.f32 v62, v37;
	v62 =	vmul.f32 v47, v59;
	v53 =	vbroadcast v8, $0x1  }
0x1b4: {  	v57 =	vbroadcast v10, $0x1;
	v59 =	vbroadcast v11, $0x1  }
0x1b5: {  	v28 =	vmul.f32 v54, v28;
	v54 =	vmul.f32 v47, v51  }
0x1b6: {  	v51 =	vbroadcast v7, $0x1;
	v48 =	vmul.f32 v47, v61  }
0x1b7: {  	v26 =	vadd.f32 v43, v26;
	v50 =	vmul.f32 v47, v63;
	v52 =	vmul.f32 v47, v49  }
0x1b8: {  	v22 =	vadd.f32 v58, v22;
	v58 =	vmul.f32 v47, v55;
	v61 =	vbroadcast v4, $0x1  }
0x1b9: {  	v23 =	vadd.f32 v41, v23;
	v63 =	vbroadcast v5, $0x1;
	v49 =	vbroadcast v6, $0x1  }
0x1ba: {  	v25 =	vadd.f32 v60, v25;
	v55 =	vbroadcast v9, $0x1;
	v60 =	vmul.f32 v47, v57  }
0x1bb: {  	v26 =	vadd.f32 v62, v26;
	v62 =	vmul.f32 v47, v59;
	v57 =	vbroadcast v14, $0x2  }
0x1bc: {  	v59 =	vbroadcast v19, $0x2;
	v21 =	vadd.f32 v28, v21;
	v38 =	vadd.f32 v54, v38  }
0x1bd: {  	v54 =	vmul.f32 v47, v51;
	v51 =	vbroadcast v2, $0x2;
	v28 =	vadd.f32 v48, v32  }
0x1be: {  	v46 =	vld [tilespmem:s19+$0x4100];
	v34 =	vadd.f32 v50, v34;
	v39 =	vadd.f32 v52, v39;
	v48 =	vmul.f32 v47, v61  }
0x1bf: {  	v32 =	vadd.f32 v56, v40;
	v50 =	vmul.f32 v47, v63;
	v52 =	vmul.f32 v47, v49  }
0x1c0: {  	v23 =	vadd.f32 v58, v23;
	v56 =	vmul.f32 v47, v53;
	v58 =	vmul.f32 v47, v55  }
0x1c1: {  	v61 =	vbroadcast v12, $0x1;
	v63 =	vbroadcast v0, $0x2  }
0x1c2: {  	v27 =	vadd.f32 v44, v27;
	v49 =	vbroadcast v1, $0x2;
	v53 =	vbroadcast v3, $0x2  }
0x1c3: {  	v35 =	vadd.f32 v60, v35;
	v55 =	vbroadcast v13, $0x2;
	v60 =	vmul.f32 v46, v57  }
0x1c4: {  	v20 =	vadd.f32 v62, v20;
	v62 =	vmul.f32 v46, v59;
	v57 =	vbroadcast v6, $0x2  }
0x1c5: {  	v59 =	vbroadcast v7, $0x2;
	v30 =	vadd.f32 v54, v30;
	v54 =	vmul.f32 v46, v51  }
0x1c6: {  	v51 =	vbroadcast v18, $0x2;
	v27 =	vadd.f32 v48, v27;
	v24 =	vadd.f32 v50, v24  }
0x1c7: {  	v29 =	vadd.f32 v52, v29;
	v48 =	vmul.f32 v47, v61;
	v50 =	vmul.f32 v46, v63  }
0x1c8: {  	v31 =	vadd.f32 v56, v31;
	v52 =	vmul.f32 v46, v49;
	v56 =	vmul.f32 v46, v53  }
0x1c9: {  	v33 =	vadd.f32 v58, v33;
	v58 =	vmul.f32 v46, v55;
	v61 =	vbroadcast v15, $0x2  }
0x1ca: {  	v63 =	vbroadcast v16, $0x2;
	v49 =	vbroadcast v17, $0x2  }
0x1cb: {  	v39 =	vadd.f32 v60, v39;
	v53 =	vbroadcast v4, $0x2;
	v55 =	vbroadcast v5, $0x2  }
0x1cc: {  	v38 =	vadd.f32 v62, v38;
	v60 =	vmul.f32 v46, v57;
	v62 =	vmul.f32 v46, v59  }
0x1cd: {  	v57 =	vbroadcast v1, $0x3;
	v59 =	vbroadcast v2, $0x3;
	v37 =	vadd.f32 v54, v37  }
0x1ce: {  	v54 =	vmul.f32 v46, v51;
	v51 =	vbroadcast v11, $0x2;
	v21 =	vadd.f32 v48, v21  }
0x1cf: {  	v22 =	vadd.f32 v50, v22;
	v36 =	vadd.f32 v52, v36;
	v48 =	vmul.f32 v46, v61  }
0x1d0: {  	v28 =	vadd.f32 v56, v28;
	v50 =	vmul.f32 v46, v63;
	v52 =	vmul.f32 v46, v49  }
0x1d1: {  	v34 =	vadd.f32 v58, v34;
	v56 =	vmul.f32 v46, v53;
	v58 =	vmul.f32 v46, v55  }
0x1d2: {  	v61 =	vbroadcast v8, $0x2;
	v63 =	vbroadcast v9, $0x2  }
0x1d3: {  	v49 =	vbroadcast v10, $0x2;
	v53 =	vbroadcast v12, $0x2  }
0x1d4: {  	v55 =	vbroadcast v0, $0x3;
	v26 =	vadd.f32 v54, v26;
	v54 =	vmul.f32 v46, v51  }
0x1d5: {  	v47 =	vld [tilespmem:s19+$0x4180];
	v51 =	vbroadcast v19, $0x3;
	v32 =	vadd.f32 v48, v32;
	v23 =	vadd.f32 v50, v23  }
0x1d6: {  	v25 =	vadd.f32 v52, v25;
	v48 =	vmul.f32 v46, v61;
	v50 =	vmul.f32 v46, v63  }
0x1d7: {  	v27 =	vadd.f32 v56, v27;
	v52 =	vmul.f32 v46, v49;
	v56 =	vmul.f32 v46, v53  }
0x1d8: {  	v29 =	vadd.f32 v60, v29;
	v61 =	vbroadcast v3, $0x3;
	v63 =	vbroadcast v13, $0x3  }
0x1d9: {  	v30 =	vadd.f32 v62, v30;
	v49 =	vbroadcast v14, $0x3;
	v53 =	vbroadcast v15, $0x3  }
0x1da: {  	v24 =	vadd.f32 v58, v24;
	v58 =	vmul.f32 v47, v55;
	v60 =	vmul.f32 v47, v57  }
0x1db: {  	v20 =	vadd.f32 v54, v20;
	v62 =	vmul.f32 v47, v59;
	v54 =	vmul.f32 v47, v51  }
0x1dc: {  	v55 =	vbroadcast v16, $0x3;
	v57 =	vbroadcast v17, $0x3  }
0x1dd: {  	v59 =	vbroadcast v18, $0x3;
	v51 =	vbroadcast v7, $0x3  }
0x1de: {  	v31 =	vadd.f32 v48, v31;
	v33 =	vadd.f32 v50, v33;
	v48 =	vmul.f32 v47, v61  }
0x1df: {  	v35 =	vadd.f32 v52, v35;
	v50 =	vmul.f32 v47, v63;
	v52 =	vmul.f32 v47, v49  }
0x1e0: {  	v21 =	vadd.f32 v56, v21;
	v56 =	vmul.f32 v47, v53;
	v61 =	vbroadcast v4, $0x3  }
0x1e1: {  	v63 =	vbroadcast v5, $0x3;
	v49 =	vbroadcast v6, $0x3  }
0x1e2: {  	v53 =	vbroadcast v8, $0x3;
	v22 =	vadd.f32 v58, v22;
	v36 =	vadd.f32 v60, v36  }
0x1e3: {  	v37 =	vadd.f32 v62, v37;
	v58 =	vmul.f32 v47, v55;
	v60 =	vmul.f32 v47, v57  }
0x1e4: {  	v38 =	vadd.f32 v54, v38;
	v62 =	vmul.f32 v47, v59;
	v54 =	vmul.f32 v47, v51  }
0x1e5: {  	v55 =	vbroadcast v9, $0x3;
	v57 =	vbroadcast v10, $0x3  }
0x1e6: {  	v59 =	vbroadcast v11, $0x3;
	v51 =	vbroadcast v2, $0x4  }
0x1e7: {  	v28 =	vadd.f32 v48, v28;
	v34 =	vadd.f32 v50, v34;
	v48 =	vmul.f32 v47, v61  }
0x1e8: {  	v46 =	vld [tilespmem:s19+$0x4200];
	v39 =	vadd.f32 v52, v39;
	v50 =	vmul.f32 v47, v63;
	v52 =	vmul.f32 v47, v49  }
0x1e9: {  	v32 =	vadd.f32 v56, v32;
	v56 =	vmul.f32 v47, v53;
	v61 =	vbroadcast v12, $0x3  }
0x1ea: {  	v63 =	vbroadcast v0, $0x4;
	v49 =	vbroadcast v1, $0x4  }
0x1eb: {  	v53 =	vbroadcast v3, $0x4;
	v23 =	vadd.f32 v58, v23;
	v25 =	vadd.f32 v60, v25  }
0x1ec: {  	v26 =	vadd.f32 v62, v26;
	v58 =	vmul.f32 v47, v55;
	v60 =	vmul.f32 v47, v57  }
0x1ed: {  	v30 =	vadd.f32 v54, v30;
	v62 =	vmul.f32 v47, v59;
	v54 =	vmul.f32 v46, v51  }
0x1ee: {  	v55 =	vbroadcast v13, $0x4;
	v57 =	vbroadcast v14, $0x4  }
0x1ef: {  	v59 =	vbroadcast v19, $0x4;
	v51 =	vbroadcast v18, $0x4  }
0x1f0: {  	v27 =	vadd.f32 v48, v27;
	v24 =	vadd.f32 v50, v24;
	v48 =	vmul.f32 v47, v61  }
0x1f1: {  	v29 =	vadd.f32 v52, v29;
	v50 =	vmul.f32 v46, v63;
	v52 =	vmul.f32 v46, v49  }
0x1f2: {  	v31 =	vadd.f32 v56, v31;
	v56 =	vmul.f32 v46, v53;
	v61 =	vbroadcast v15, $0x4  }
0x1f3: {  	v63 =	vbroadcast v16, $0x4;
	v49 =	vbroadcast v17, $0x4  }
0x1f4: {  	v53 =	vbroadcast v4, $0x4;
	v33 =	vadd.f32 v58, v33;
	v35 =	vadd.f32 v60, v35  }
0x1f5: {  	v20 =	vadd.f32 v62, v20;
	v58 =	vmul.f32 v46, v55;
	v60 =	vmul.f32 v46, v57  }
0x1f6: {  	v37 =	vadd.f32 v54, v37;
	v62 =	vmul.f32 v46, v59;
	v54 =	vmul.f32 v46, v51  }
0x1f7: {  	v55 =	vbroadcast v5, $0x4;
	v57 =	vbroadcast v6, $0x4  }
0x1f8: {  	v59 =	vbroadcast v7, $0x4;
	v51 =	vbroadcast v11, $0x4  }
0x1f9: {  	v21 =	vadd.f32 v48, v21;
	v22 =	vadd.f32 v50, v22;
	v48 =	vmul.f32 v46, v61  }
0x1fa: {  	v36 =	vadd.f32 v52, v36;
	v50 =	vmul.f32 v46, v63;
	v52 =	vmul.f32 v46, v49  }
0x1fb: {  	v28 =	vadd.f32 v56, v28;
	v56 =	vmul.f32 v46, v53;
	v61 =	vbroadcast v8, $0x4  }
0x1fc: {  	v63 =	vbroadcast v9, $0x4;
	v49 =	vbroadcast v10, $0x4  }
0x1fd: {  	v53 =	vbroadcast v12, $0x4;
	v34 =	vadd.f32 v58, v34;
	v39 =	vadd.f32 v60, v39  }
0x1fe: {  	v38 =	vadd.f32 v62, v38;
	v58 =	vmul.f32 v46, v55;
	v60 =	vmul.f32 v46, v57  }
0x1ff: {  	v26 =	vadd.f32 v54, v26;
	v62 =	vmul.f32 v46, v59;
	v54 =	vmul.f32 v46, v51  }
0x200: {  	v55 =	vbroadcast v0, $0x5;
	v57 =	vbroadcast v1, $0x5  }
0x201: {  	v59 =	vbroadcast v2, $0x5;
	v51 =	vbroadcast v19, $0x5  }
0x202: {  	v47 =	vld [tilespmem:s19+$0x4280];
	v32 =	vadd.f32 v48, v32;
	v23 =	vadd.f32 v50, v23;
	v48 =	vmul.f32 v46, v61  }
0x203: {  	v25 =	vadd.f32 v52, v25;
	v50 =	vmul.f32 v46, v63;
	v52 =	vmul.f32 v46, v49  }
0x204: {  	v27 =	vadd.f32 v56, v27;
	v56 =	vmul.f32 v46, v53;
	v61 =	vbroadcast v3, $0x5  }
0x205: {  	v63 =	vbroadcast v13, $0x5;
	v49 =	vbroadcast v14, $0x5  }
0x206: {  	v53 =	vbroadcast v15, $0x5;
	v24 =	vadd.f32 v58, v24;
	v29 =	vadd.f32 v60, v29  }
0x207: {  	v30 =	vadd.f32 v62, v30;
	v58 =	vmul.f32 v47, v55;
	v60 =	vmul.f32 v47, v57  }
0x208: {  	v20 =	vadd.f32 v54, v20;
	v62 =	vmul.f32 v47, v59;
	v54 =	vmul.f32 v47, v51  }
0x209: {  	v55 =	vbroadcast v16, $0x5;
	v57 =	vbroadcast v17, $0x5  }
0x20a: {  	v59 =	vbroadcast v18, $0x5;
	v51 =	vbroadcast v7, $0x5  }
0x20b: {  	v31 =	vadd.f32 v48, v31;
	v33 =	vadd.f32 v50, v33;
	v48 =	vmul.f32 v47, v61  }
0x20c: {  	v35 =	vadd.f32 v52, v35;
	v50 =	vmul.f32 v47, v63;
	v52 =	vmul.f32 v47, v49  }
0x20d: {  	v21 =	vadd.f32 v56, v21;
	v56 =	vmul.f32 v47, v53;
	v61 =	vbroadcast v4, $0x5  }
0x20e: {  	v63 =	vbroadcast v5, $0x5;
	v49 =	vbroadcast v6, $0x5  }
0x20f: {  	v53 =	vbroadcast v8, $0x5;
	v22 =	vadd.f32 v58, v22;
	v36 =	vadd.f32 v60, v36  }
0x210: {  	v37 =	vadd.f32 v62, v37;
	v58 =	vmul.f32 v47, v55;
	v60 =	vmul.f32 v47, v57  }
0x211: {  	v38 =	vadd.f32 v54, v38;
	v62 =	vmul.f32 v47, v59;
	v54 =	vmul.f32 v47, v51  }
0x212: {  	v55 =	vbroadcast v9, $0x5;
	v57 =	vbroadcast v10, $0x5  }
0x213: {  	v59 =	vbroadcast v11, $0x5;
	v51 =	vbroadcast v2, $0x6  }
0x214: {  	v28 =	vadd.f32 v48, v28;
	v34 =	vadd.f32 v50, v34;
	v48 =	vmul.f32 v47, v61  }
0x215: {  	v46 =	vld [tilespmem:s19+$0x4300];
	v39 =	vadd.f32 v52, v39;
	v50 =	vmul.f32 v47, v63;
	v52 =	vmul.f32 v47, v49  }
0x216: {  	v32 =	vadd.f32 v56, v32;
	v56 =	vmul.f32 v47, v53;
	v61 =	vbroadcast v12, $0x5  }
0x217: {  	v63 =	vbroadcast v0, $0x6;
	v49 =	vbroadcast v1, $0x6  }
0x218: {  	v53 =	vbroadcast v3, $0x6;
	v23 =	vadd.f32 v58, v23;
	v25 =	vadd.f32 v60, v25  }
0x219: {  	v26 =	vadd.f32 v62, v26;
	v58 =	vmul.f32 v47, v55;
	v60 =	vmul.f32 v47, v57  }
0x21a: {  	v30 =	vadd.f32 v54, v30;
	v62 =	vmul.f32 v47, v59;
	v54 =	vmul.f32 v46, v51  }
0x21b: {  	v55 =	vbroadcast v13, $0x6;
	v57 =	vbroadcast v14, $0x6  }
0x21c: {  	v59 =	vbroadcast v19, $0x6;
	v51 =	vbroadcast v18, $0x6  }
0x21d: {  	v27 =	vadd.f32 v48, v27;
	v24 =	vadd.f32 v50, v24;
	v48 =	vmul.f32 v47, v61  }
0x21e: {  	v29 =	vadd.f32 v52, v29;
	v50 =	vmul.f32 v46, v63;
	v52 =	vmul.f32 v46, v49  }
0x21f: {  	v31 =	vadd.f32 v56, v31;
	v56 =	vmul.f32 v46, v53;
	v61 =	vbroadcast v15, $0x6  }
0x220: {  	v63 =	vbroadcast v16, $0x6;
	v49 =	vbroadcast v17, $0x6  }
0x221: {  	v53 =	vbroadcast v4, $0x6;
	v33 =	vadd.f32 v58, v33;
	v35 =	vadd.f32 v60, v35  }
0x222: {  	v20 =	vadd.f32 v62, v20;
	v58 =	vmul.f32 v46, v55;
	v60 =	vmul.f32 v46, v57  }
0x223: {  	v37 =	vadd.f32 v54, v37;
	v62 =	vmul.f32 v46, v59;
	v54 =	vmul.f32 v46, v51  }
0x224: {  	v55 =	vbroadcast v5, $0x6;
	v57 =	vbroadcast v6, $0x6  }
0x225: {  	v59 =	vbroadcast v7, $0x6;
	v51 =	vbroadcast v11, $0x6  }
0x226: {  	v21 =	vadd.f32 v48, v21;
	v22 =	vadd.f32 v50, v22;
	v48 =	vmul.f32 v46, v61  }
0x227: {  	v36 =	vadd.f32 v52, v36;
	v50 =	vmul.f32 v46, v63;
	v52 =	vmul.f32 v46, v49  }
0x228: {  	v28 =	vadd.f32 v56, v28;
	v56 =	vmul.f32 v46, v53;
	v61 =	vbroadcast v8, $0x6  }
0x229: {  	v63 =	vbroadcast v9, $0x6;
	v49 =	vbroadcast v10, $0x6  }
0x22a: {  	v53 =	vbroadcast v12, $0x6;
	v34 =	vadd.f32 v58, v34;
	v39 =	vadd.f32 v60, v39  }
0x22b: {  	v38 =	vadd.f32 v62, v38;
	v58 =	vmul.f32 v46, v55;
	v60 =	vmul.f32 v46, v57  }
0x22c: {  	v26 =	vadd.f32 v54, v26;
	v62 =	vmul.f32 v46, v59;
	v54 =	vmul.f32 v46, v51  }
0x22d: {  	v55 =	vbroadcast v0, $0x7;
	v57 =	vbroadcast v1, $0x7  }
0x22e: {  	v59 =	vbroadcast v2, $0x7;
	v51 =	vbroadcast v19, $0x7  }
0x22f: {  	v47 =	vld [tilespmem:s19+$0x4380];
	v32 =	vadd.f32 v48, v32;
	v23 =	vadd.f32 v50, v23;
	v48 =	vmul.f32 v46, v61  }
0x230: {  	v25 =	vadd.f32 v52, v25;
	v50 =	vmul.f32 v46, v63;
	v52 =	vmul.f32 v46, v49  }
0x231: {  	v27 =	vadd.f32 v56, v27;
	v56 =	vmul.f32 v46, v53;
	v61 =	vbroadcast v3, $0x7  }
0x232: {  	v63 =	vbroadcast v13, $0x7;
	v49 =	vbroadcast v14, $0x7  }
0x233: {  	v53 =	vbroadcast v15, $0x7;
	v24 =	vadd.f32 v58, v24;
	v29 =	vadd.f32 v60, v29  }
0x234: {  	v30 =	vadd.f32 v62, v30;
	v58 =	vmul.f32 v47, v55;
	v60 =	vmul.f32 v47, v57  }
0x235: {  	v20 =	vadd.f32 v54, v20;
	v62 =	vmul.f32 v47, v59;
	v54 =	vmul.f32 v47, v51  }
0x236: {  	v55 =	vbroadcast v16, $0x7;
	v57 =	vbroadcast v17, $0x7  }
0x237: {  	v59 =	vbroadcast v18, $0x7;
	v51 =	vbroadcast v7, $0x7  }
0x238: {  	v31 =	vadd.f32 v48, v31;
	v33 =	vadd.f32 v50, v33;
	v48 =	vmul.f32 v47, v61  }
0x239: {  	v35 =	vadd.f32 v52, v35;
	v50 =	vmul.f32 v47, v63;
	v52 =	vmul.f32 v47, v49  }
0x23a: {  	v21 =	vadd.f32 v56, v21;
	v56 =	vmul.f32 v47, v53;
	v61 =	vbroadcast v4, $0x7  }
0x23b: {  	v63 =	vbroadcast v5, $0x7;
	v49 =	vbroadcast v6, $0x7  }
0x23c: {  	v53 =	vbroadcast v8, $0x7;
	v22 =	vadd.f32 v58, v22;
	v36 =	vadd.f32 v60, v36  }
0x23d: {  	v37 =	vadd.f32 v62, v37;
	v58 =	vmul.f32 v47, v55;
	v60 =	vmul.f32 v47, v57  }
0x23e: {  	v38 =	vadd.f32 v54, v38;
	v62 =	vmul.f32 v47, v59;
	v54 =	vmul.f32 v47, v51  }
0x23f: {  	v55 =	vbroadcast v9, $0x7;
	v57 =	vbroadcast v10, $0x7  }
0x240: {  	v59 =	vbroadcast v11, $0x7;
	v51 =	vbroadcast v2, $0x8  }
0x241: {  	v28 =	vadd.f32 v48, v28;
	v34 =	vadd.f32 v50, v34;
	v48 =	vmul.f32 v47, v61  }
0x242: {  	v46 =	vld [tilespmem:s19+$0x6000];
	v39 =	vadd.f32 v52, v39;
	v50 =	vmul.f32 v47, v63;
	v52 =	vmul.f32 v47, v49  }
0x243: {  	v32 =	vadd.f32 v56, v32;
	v56 =	vmul.f32 v47, v53;
	v61 =	vbroadcast v12, $0x7  }
0x244: {  	v63 =	vbroadcast v0, $0x8;
	v49 =	vbroadcast v1, $0x8  }
0x245: {  	v53 =	vbroadcast v3, $0x8;
	v23 =	vadd.f32 v58, v23;
	v25 =	vadd.f32 v60, v25  }
0x246: {  	v26 =	vadd.f32 v62, v26;
	v58 =	vmul.f32 v47, v55;
	v60 =	vmul.f32 v47, v57  }
0x247: {  	v30 =	vadd.f32 v54, v30;
	v62 =	vmul.f32 v47, v59;
	v54 =	vmul.f32 v46, v51  }
0x248: {  	v55 =	vbroadcast v13, $0x8;
	v57 =	vbroadcast v14, $0x8  }
0x249: {  	v59 =	vbroadcast v19, $0x8;
	v51 =	vbroadcast v18, $0x8  }
0x24a: {  	v27 =	vadd.f32 v48, v27;
	v24 =	vadd.f32 v50, v24;
	v48 =	vmul.f32 v47, v61  }
0x24b: {  	v29 =	vadd.f32 v52, v29;
	v50 =	vmul.f32 v46, v63;
	v52 =	vmul.f32 v46, v49  }
0x24c: {  	v31 =	vadd.f32 v56, v31;
	v56 =	vmul.f32 v46, v53;
	v61 =	vbroadcast v15, $0x8  }
0x24d: {  	v63 =	vbroadcast v16, $0x8;
	v49 =	vbroadcast v17, $0x8  }
0x24e: {  	v53 =	vbroadcast v4, $0x8;
	v33 =	vadd.f32 v58, v33;
	v35 =	vadd.f32 v60, v35  }
0x24f: {  	v20 =	vadd.f32 v62, v20;
	v58 =	vmul.f32 v46, v55;
	v60 =	vmul.f32 v46, v57  }
0x250: {  	v37 =	vadd.f32 v54, v37;
	v62 =	vmul.f32 v46, v59;
	v54 =	vmul.f32 v46, v51  }
0x251: {  	v55 =	vbroadcast v5, $0x8;
	v57 =	vbroadcast v6, $0x8  }
0x252: {  	v59 =	vbroadcast v7, $0x8;
	v51 =	vbroadcast v11, $0x8  }
0x253: {  	v21 =	vadd.f32 v48, v21;
	v22 =	vadd.f32 v50, v22;
	v48 =	vmul.f32 v46, v61  }
0x254: {  	v36 =	vadd.f32 v52, v36;
	v50 =	vmul.f32 v46, v63;
	v52 =	vmul.f32 v46, v49  }
0x255: {  	v28 =	vadd.f32 v56, v28;
	v56 =	vmul.f32 v46, v53;
	v61 =	vbroadcast v8, $0x8  }
0x256: {  	v63 =	vbroadcast v9, $0x8;
	v49 =	vbroadcast v10, $0x8  }
0x257: {  	v53 =	vbroadcast v12, $0x8;
	v34 =	vadd.f32 v58, v34;
	v39 =	vadd.f32 v60, v39  }
0x258: {  	v38 =	vadd.f32 v62, v38;
	v58 =	vmul.f32 v46, v55;
	v60 =	vmul.f32 v46, v57  }
0x259: {  	v26 =	vadd.f32 v54, v26;
	v62 =	vmul.f32 v46, v59;
	v54 =	vmul.f32 v46, v51  }
0x25a: {  	v55 =	vbroadcast v0, $0x9;
	v57 =	vbroadcast v1, $0x9  }
0x25b: {  	v59 =	vbroadcast v2, $0x9;
	v51 =	vbroadcast v19, $0x9  }
0x25c: {  	v47 =	vld [tilespmem:s19+$0x6080];
	v32 =	vadd.f32 v48, v32;
	v23 =	vadd.f32 v50, v23;
	v48 =	vmul.f32 v46, v61  }
0x25d: {  	v25 =	vadd.f32 v52, v25;
	v50 =	vmul.f32 v46, v63;
	v52 =	vmul.f32 v46, v49  }
0x25e: {  	v27 =	vadd.f32 v56, v27;
	v56 =	vmul.f32 v46, v53;
	v61 =	vbroadcast v3, $0x9  }
0x25f: {  	v63 =	vbroadcast v13, $0x9;
	v49 =	vbroadcast v14, $0x9  }
0x260: {  	v53 =	vbroadcast v15, $0x9;
	v24 =	vadd.f32 v58, v24;
	v29 =	vadd.f32 v60, v29  }
0x261: {  	v30 =	vadd.f32 v62, v30;
	v58 =	vmul.f32 v47, v55;
	v60 =	vmul.f32 v47, v57  }
0x262: {  	v20 =	vadd.f32 v54, v20;
	v62 =	vmul.f32 v47, v59;
	v54 =	vmul.f32 v47, v51  }
0x263: {  	v55 =	vbroadcast v16, $0x9;
	v57 =	vbroadcast v17, $0x9  }
0x264: {  	v59 =	vbroadcast v18, $0x9;
	v51 =	vbroadcast v7, $0x9  }
0x265: {  	v31 =	vadd.f32 v48, v31;
	v33 =	vadd.f32 v50, v33;
	v48 =	vmul.f32 v47, v61  }
0x266: {  	v35 =	vadd.f32 v52, v35;
	v50 =	vmul.f32 v47, v63;
	v52 =	vmul.f32 v47, v49  }
0x267: {  	v21 =	vadd.f32 v56, v21;
	v56 =	vmul.f32 v47, v53;
	v61 =	vbroadcast v4, $0x9  }
0x268: {  	v63 =	vbroadcast v5, $0x9;
	v49 =	vbroadcast v6, $0x9  }
0x269: {  	v53 =	vbroadcast v8, $0x9;
	v22 =	vadd.f32 v58, v22;
	v36 =	vadd.f32 v60, v36  }
0x26a: {  	v37 =	vadd.f32 v62, v37;
	v58 =	vmul.f32 v47, v55;
	v60 =	vmul.f32 v47, v57  }
0x26b: {  	v38 =	vadd.f32 v54, v38;
	v62 =	vmul.f32 v47, v59;
	v54 =	vmul.f32 v47, v51  }
0x26c: {  	v55 =	vbroadcast v9, $0x9;
	v57 =	vbroadcast v10, $0x9  }
0x26d: {  	v59 =	vbroadcast v11, $0x9;
	v51 =	vbroadcast v2, $0xA  }
0x26e: {  	v28 =	vadd.f32 v48, v28;
	v34 =	vadd.f32 v50, v34;
	v48 =	vmul.f32 v47, v61  }
0x26f: {  	v46 =	vld [tilespmem:s19+$0x6100];
	v39 =	vadd.f32 v52, v39;
	v50 =	vmul.f32 v47, v63;
	v52 =	vmul.f32 v47, v49  }
0x270: {  	v32 =	vadd.f32 v56, v32;
	v56 =	vmul.f32 v47, v53;
	v61 =	vbroadcast v12, $0x9  }
0x271: {  	v63 =	vbroadcast v0, $0xA;
	v49 =	vbroadcast v1, $0xA  }
0x272: {  	v53 =	vbroadcast v3, $0xA;
	v23 =	vadd.f32 v58, v23;
	v25 =	vadd.f32 v60, v25  }
0x273: {  	v26 =	vadd.f32 v62, v26;
	v58 =	vmul.f32 v47, v55;
	v60 =	vmul.f32 v47, v57  }
0x274: {  	v30 =	vadd.f32 v54, v30;
	v62 =	vmul.f32 v47, v59;
	v54 =	vmul.f32 v46, v51  }
0x275: {  	v55 =	vbroadcast v13, $0xA;
	v57 =	vbroadcast v14, $0xA  }
0x276: {  	v59 =	vbroadcast v19, $0xA;
	v51 =	vbroadcast v18, $0xA  }
0x277: {  	v27 =	vadd.f32 v48, v27;
	v24 =	vadd.f32 v50, v24;
	v48 =	vmul.f32 v47, v61  }
0x278: {  	v29 =	vadd.f32 v52, v29;
	v50 =	vmul.f32 v46, v63;
	v52 =	vmul.f32 v46, v49  }
0x279: {  	v31 =	vadd.f32 v56, v31;
	v56 =	vmul.f32 v46, v53;
	v61 =	vbroadcast v15, $0xA  }
0x27a: {  	v63 =	vbroadcast v16, $0xA;
	v49 =	vbroadcast v17, $0xA  }
0x27b: {  	v53 =	vbroadcast v4, $0xA;
	v33 =	vadd.f32 v58, v33;
	v35 =	vadd.f32 v60, v35  }
0x27c: {  	v20 =	vadd.f32 v62, v20;
	v58 =	vmul.f32 v46, v55;
	v60 =	vmul.f32 v46, v57  }
0x27d: {  	v37 =	vadd.f32 v54, v37;
	v62 =	vmul.f32 v46, v59;
	v54 =	vmul.f32 v46, v51  }
0x27e: {  	v55 =	vbroadcast v5, $0xA;
	v57 =	vbroadcast v6, $0xA  }
0x27f: {  	v59 =	vbroadcast v7, $0xA;
	v51 =	vbroadcast v11, $0xA  }
0x280: {  	v21 =	vadd.f32 v48, v21;
	v22 =	vadd.f32 v50, v22;
	v48 =	vmul.f32 v46, v61  }
0x281: {  	v36 =	vadd.f32 v52, v36;
	v50 =	vmul.f32 v46, v63;
	v52 =	vmul.f32 v46, v49  }
0x282: {  	v28 =	vadd.f32 v56, v28;
	v56 =	vmul.f32 v46, v53;
	v61 =	vbroadcast v8, $0xA  }
0x283: {  	v63 =	vbroadcast v9, $0xA;
	v49 =	vbroadcast v10, $0xA  }
0x284: {  	v53 =	vbroadcast v12, $0xA;
	v34 =	vadd.f32 v58, v34;
	v39 =	vadd.f32 v60, v39  }
0x285: {  	v38 =	vadd.f32 v62, v38;
	v58 =	vmul.f32 v46, v55;
	v60 =	vmul.f32 v46, v57  }
0x286: {  	v26 =	vadd.f32 v54, v26;
	v62 =	vmul.f32 v46, v59;
	v54 =	vmul.f32 v46, v51  }
0x287: {  	v55 =	vbroadcast v0, $0xB;
	v57 =	vbroadcast v1, $0xB  }
0x288: {  	v59 =	vbroadcast v2, $0xB;
	v51 =	vbroadcast v19, $0xB  }
0x289: {  	v47 =	vld [tilespmem:s19+$0x6180];
	v32 =	vadd.f32 v48, v32;
	v23 =	vadd.f32 v50, v23;
	v48 =	vmul.f32 v46, v61  }
0x28a: {  	v25 =	vadd.f32 v52, v25;
	v50 =	vmul.f32 v46, v63;
	v52 =	vmul.f32 v46, v49  }
0x28b: {  	v27 =	vadd.f32 v56, v27;
	v56 =	vmul.f32 v46, v53;
	v61 =	vbroadcast v3, $0xB  }
0x28c: {  	v63 =	vbroadcast v13, $0xB;
	v49 =	vbroadcast v14, $0xB  }
0x28d: {  	v53 =	vbroadcast v15, $0xB;
	v24 =	vadd.f32 v58, v24;
	v29 =	vadd.f32 v60, v29  }
0x28e: {  	v30 =	vadd.f32 v62, v30;
	v58 =	vmul.f32 v47, v55;
	v60 =	vmul.f32 v47, v57  }
0x28f: {  	v20 =	vadd.f32 v54, v20;
	v62 =	vmul.f32 v47, v59;
	v54 =	vmul.f32 v47, v51  }
0x290: {  	v55 =	vbroadcast v16, $0xB;
	v57 =	vbroadcast v17, $0xB  }
0x291: {  	v59 =	vbroadcast v18, $0xB;
	v51 =	vbroadcast v7, $0xB  }
0x292: {  	v31 =	vadd.f32 v48, v31;
	v33 =	vadd.f32 v50, v33;
	v48 =	vmul.f32 v47, v61  }
0x293: {  	v35 =	vadd.f32 v52, v35;
	v50 =	vmul.f32 v47, v63;
	v52 =	vmul.f32 v47, v49  }
0x294: {  	v21 =	vadd.f32 v56, v21;
	v56 =	vmul.f32 v47, v53;
	v61 =	vbroadcast v4, $0xB  }
0x295: {  	v63 =	vbroadcast v5, $0xB;
	v49 =	vbroadcast v6, $0xB  }
0x296: {  	v53 =	vbroadcast v8, $0xB;
	v22 =	vadd.f32 v58, v22;
	v36 =	vadd.f32 v60, v36  }
0x297: {  	v37 =	vadd.f32 v62, v37;
	v58 =	vmul.f32 v47, v55;
	v60 =	vmul.f32 v47, v57  }
0x298: {  	v38 =	vadd.f32 v54, v38;
	v62 =	vmul.f32 v47, v59;
	v54 =	vmul.f32 v47, v51  }
0x299: {  	v55 =	vbroadcast v9, $0xB;
	v57 =	vbroadcast v10, $0xB  }
0x29a: {  	v59 =	vbroadcast v11, $0xB;
	v51 =	vbroadcast v2, $0xC  }
0x29b: {  	v28 =	vadd.f32 v48, v28;
	v34 =	vadd.f32 v50, v34;
	v48 =	vmul.f32 v47, v61  }
0x29c: {  	v46 =	vld [tilespmem:s19+$0x6200];
	v39 =	vadd.f32 v52, v39;
	v50 =	vmul.f32 v47, v63;
	v52 =	vmul.f32 v47, v49  }
0x29d: {  	v32 =	vadd.f32 v56, v32;
	v56 =	vmul.f32 v47, v53;
	v61 =	vbroadcast v12, $0xB  }
0x29e: {  	v63 =	vbroadcast v0, $0xC;
	v49 =	vbroadcast v1, $0xC  }
0x29f: {  	v53 =	vbroadcast v3, $0xC;
	v23 =	vadd.f32 v58, v23;
	v25 =	vadd.f32 v60, v25  }
0x2a0: {  	v26 =	vadd.f32 v62, v26;
	v58 =	vmul.f32 v47, v55;
	v60 =	vmul.f32 v47, v57  }
0x2a1: {  	v30 =	vadd.f32 v54, v30;
	v62 =	vmul.f32 v47, v59;
	v54 =	vmul.f32 v46, v51  }
0x2a2: {  	v55 =	vbroadcast v13, $0xC;
	v57 =	vbroadcast v14, $0xC  }
0x2a3: {  	v59 =	vbroadcast v19, $0xC;
	v51 =	vbroadcast v18, $0xC  }
0x2a4: {  	v27 =	vadd.f32 v48, v27;
	v24 =	vadd.f32 v50, v24;
	v48 =	vmul.f32 v47, v61  }
0x2a5: {  	v29 =	vadd.f32 v52, v29;
	v50 =	vmul.f32 v46, v63;
	v52 =	vmul.f32 v46, v49  }
0x2a6: {  	v31 =	vadd.f32 v56, v31;
	v56 =	vmul.f32 v46, v53;
	v61 =	vbroadcast v15, $0xC  }
0x2a7: {  	v63 =	vbroadcast v16, $0xC;
	v49 =	vbroadcast v17, $0xC  }
0x2a8: {  	v53 =	vbroadcast v4, $0xC;
	v33 =	vadd.f32 v58, v33;
	v35 =	vadd.f32 v60, v35  }
0x2a9: {  	v20 =	vadd.f32 v62, v20;
	v58 =	vmul.f32 v46, v55;
	v60 =	vmul.f32 v46, v57  }
0x2aa: {  	v37 =	vadd.f32 v54, v37;
	v62 =	vmul.f32 v46, v59;
	v54 =	vmul.f32 v46, v51  }
0x2ab: {  	v55 =	vbroadcast v5, $0xC;
	v57 =	vbroadcast v6, $0xC  }
0x2ac: {  	v59 =	vbroadcast v7, $0xC;
	v51 =	vbroadcast v11, $0xC  }
0x2ad: {  	v21 =	vadd.f32 v48, v21;
	v22 =	vadd.f32 v50, v22;
	v48 =	vmul.f32 v46, v61  }
0x2ae: {  	v36 =	vadd.f32 v52, v36;
	v50 =	vmul.f32 v46, v63;
	v52 =	vmul.f32 v46, v49  }
0x2af: {  	v28 =	vadd.f32 v56, v28;
	v56 =	vmul.f32 v46, v53;
	v61 =	vbroadcast v8, $0xC  }
0x2b0: {  	v63 =	vbroadcast v9, $0xC;
	v49 =	vbroadcast v10, $0xC  }
0x2b1: {  	v53 =	vbroadcast v12, $0xC;
	v34 =	vadd.f32 v58, v34;
	v39 =	vadd.f32 v60, v39  }
0x2b2: {  	v38 =	vadd.f32 v62, v38;
	v58 =	vmul.f32 v46, v55;
	v60 =	vmul.f32 v46, v57  }
0x2b3: {  	v26 =	vadd.f32 v54, v26;
	v62 =	vmul.f32 v46, v59;
	v54 =	vmul.f32 v46, v51  }
0x2b4: {  	v55 =	vbroadcast v0, $0xD;
	v57 =	vbroadcast v1, $0xD  }
0x2b5: {  	v59 =	vbroadcast v2, $0xD;
	v51 =	vbroadcast v19, $0xD  }
0x2b6: {  	v47 =	vld [tilespmem:s19+$0x6280];
	v32 =	vadd.f32 v48, v32;
	v23 =	vadd.f32 v50, v23;
	v48 =	vmul.f32 v46, v61  }
0x2b7: {  	v25 =	vadd.f32 v52, v25;
	v50 =	vmul.f32 v46, v63;
	v52 =	vmul.f32 v46, v49  }
0x2b8: {  	v27 =	vadd.f32 v56, v27;
	v56 =	vmul.f32 v46, v53;
	v61 =	vbroadcast v3, $0xD  }
0x2b9: {  	v63 =	vbroadcast v13, $0xD;
	v49 =	vbroadcast v14, $0xD  }
0x2ba: {  	v53 =	vbroadcast v15, $0xD;
	v24 =	vadd.f32 v58, v24;
	v29 =	vadd.f32 v60, v29  }
0x2bb: {  	v30 =	vadd.f32 v62, v30;
	v58 =	vmul.f32 v47, v55;
	v60 =	vmul.f32 v47, v57  }
0x2bc: {  	v20 =	vadd.f32 v54, v20;
	v62 =	vmul.f32 v47, v59;
	v54 =	vmul.f32 v47, v51  }
0x2bd: {  	v55 =	vbroadcast v16, $0xD;
	v57 =	vbroadcast v17, $0xD  }
0x2be: {  	v59 =	vbroadcast v18, $0xD;
	v51 =	vbroadcast v7, $0xD  }
0x2bf: {  	v31 =	vadd.f32 v48, v31;
	v33 =	vadd.f32 v50, v33;
	v48 =	vmul.f32 v47, v61  }
0x2c0: {  	v35 =	vadd.f32 v52, v35;
	v50 =	vmul.f32 v47, v63;
	v52 =	vmul.f32 v47, v49  }
0x2c1: {  	v21 =	vadd.f32 v56, v21;
	v56 =	vmul.f32 v47, v53;
	v61 =	vbroadcast v4, $0xD  }
0x2c2: {  	v63 =	vbroadcast v5, $0xD;
	v49 =	vbroadcast v6, $0xD  }
0x2c3: {  	v53 =	vbroadcast v8, $0xD;
	v22 =	vadd.f32 v58, v22;
	v36 =	vadd.f32 v60, v36  }
0x2c4: {  	v37 =	vadd.f32 v62, v37;
	v58 =	vmul.f32 v47, v55;
	v60 =	vmul.f32 v47, v57  }
0x2c5: {  	v38 =	vadd.f32 v54, v38;
	v62 =	vmul.f32 v47, v59;
	v54 =	vmul.f32 v47, v51  }
0x2c6: {  	v55 =	vbroadcast v9, $0xD;
	v57 =	vbroadcast v10, $0xD  }
0x2c7: {  	v59 =	vbroadcast v11, $0xD;
	v51 =	vbroadcast v2, $0xE  }
0x2c8: {  	v2 =	vbroadcast v2, $0xF;
	v28 =	vadd.f32 v48, v28;
	v34 =	vadd.f32 v50, v34  }
0x2c9: {  	v39 =	vadd.f32 v52, v39;
	v48 =	vmul.f32 v47, v61;
	v50 =	vmul.f32 v47, v63  }
0x2ca: {  	v32 =	vadd.f32 v56, v32;
	v52 =	vmul.f32 v47, v49;
	v56 =	vmul.f32 v47, v53  }
0x2cb: {  	v46 =	vld [tilespmem:s19+$0x6300];
	v61 =	vbroadcast v12, $0xD;
	v63 =	vbroadcast v0, $0xE  }
0x2cc: {  	v49 =	vbroadcast v1, $0xE;
	v53 =	vbroadcast v3, $0xE  }
0x2cd: {  	v0 =	vbroadcast v0, $0xF;
	v1 =	vbroadcast v1, $0xF  }
0x2ce: {  	v3 =	vbroadcast v3, $0xF;
	v23 =	vadd.f32 v58, v23;
	v25 =	vadd.f32 v60, v25  }
0x2cf: {  	v26 =	vadd.f32 v62, v26;
	v58 =	vmul.f32 v47, v55;
	v60 =	vmul.f32 v47, v57  }
0x2d0: {  	v30 =	vadd.f32 v54, v30;
	v62 =	vmul.f32 v47, v59;
	v54 =	vmul.f32 v46, v51  }
0x2d1: {  	v55 =	vbroadcast v13, $0xE;
	v57 =	vbroadcast v14, $0xE  }
0x2d2: {  	v59 =	vbroadcast v19, $0xE;
	v51 =	vbroadcast v18, $0xE  }
0x2d3: {  	v13 =	vbroadcast v13, $0xF;
	v14 =	vbroadcast v14, $0xF  }
0x2d4: {  	v19 =	vbroadcast v19, $0xF;
	v27 =	vadd.f32 v48, v27;
	v24 =	vadd.f32 v50, v24  }
0x2d5: {  	v29 =	vadd.f32 v52, v29;
	v48 =	vmul.f32 v47, v61;
	v50 =	vmul.f32 v46, v63  }
0x2d6: {  	v31 =	vadd.f32 v56, v31;
	v52 =	vmul.f32 v46, v49;
	v56 =	vmul.f32 v46, v53  }
0x2d7: {  	v61 =	vbroadcast v15, $0xE;
	v63 =	vbroadcast v16, $0xE  }
0x2d8: {  	v49 =	vbroadcast v17, $0xE;
	v53 =	vbroadcast v4, $0xE  }
0x2d9: {  	v4 =	vbroadcast v4, $0xF;
	v33 =	vadd.f32 v58, v33;
	v35 =	vadd.f32 v60, v35  }
0x2da: {  	v20 =	vadd.f32 v62, v20;
	v58 =	vmul.f32 v46, v55;
	v60 =	vmul.f32 v46, v57  }
0x2db: {  	v37 =	vadd.f32 v54, v37;
	v62 =	vmul.f32 v46, v59;
	v54 =	vmul.f32 v46, v51  }
0x2dc: {  	v55 =	vbroadcast v5, $0xE;
	v57 =	vbroadcast v6, $0xE  }
0x2dd: {  	v59 =	vbroadcast v7, $0xE;
	v51 =	vbroadcast v11, $0xE  }
0x2de: {  	v5 =	vbroadcast v5, $0xF;
	v21 =	vadd.f32 v48, v21;
	v22 =	vadd.f32 v50, v22  }
0x2df: {  	v36 =	vadd.f32 v52, v36;
	v48 =	vmul.f32 v46, v61;
	v50 =	vmul.f32 v46, v63  }
0x2e0: {  	v28 =	vadd.f32 v56, v28;
	v52 =	vmul.f32 v46, v49;
	v56 =	vmul.f32 v46, v53  }
0x2e1: {  	v61 =	vbroadcast v8, $0xE;
	v63 =	vbroadcast v9, $0xE  }
0x2e2: {  	v47 =	vld [tilespmem:s19+$0x6380];
	v49 =	vbroadcast v10, $0xE;
	v53 =	vbroadcast v12, $0xE  }
0x2e3: {  	v34 =	vadd.f32 v58, v34;
	v39 =	vadd.f32 v60, v39;
	v58 =	vmul.f32 v46, v55  }
0x2e4: {  	v38 =	vadd.f32 v62, v38;
	v60 =	vmul.f32 v46, v57;
	v62 =	vmul.f32 v46, v59  }
0x2e5: {  	v26 =	vadd.f32 v54, v26;
	v43 =	vmul.f32 v46, v51;
	v59 =	vbroadcast v16, $0xF  }
0x2e6: {  	v32 =	vadd.f32 v48, v32;
	v23 =	vadd.f32 v50, v23;
	v48 =	vmul.f32 v46, v61  }
0x2e7: {  	v25 =	vadd.f32 v52, v25;
	v50 =	vmul.f32 v46, v63;
	v0 =	vmul.f32 v47, v0  }
0x2e8: {  	v27 =	vadd.f32 v56, v27;
	v52 =	vmul.f32 v46, v49;
	v1 =	vmul.f32 v47, v1  }
0x2e9: {  	v40 =	vmul.f32 v46, v53;
	v2 =	vmul.f32 v47, v2;
	v0 =	vadd.f32 v0, v22  }
0x2ea: {  	v56 =	vbroadcast v15, $0xF;
	v3 =	vmul.f32 v47, v3;
	v1 =	vadd.f32 v1, v36  }
0x2eb: {  	v46 =	vbroadcast v8, $0xF;
	v13 =	vmul.f32 v47, v13;
	v2 =	vadd.f32 v2, v37;
	[tilespmem:s19+$0x8C00] =	vst v0  }
0x2ec: {  	v53 =	vbroadcast v10, $0xF;
	v55 =	vmul.f32 v47, v14;
	v54 =	vadd.f32 v3, v28;
	[tilespmem:s19+$0x8C80] =	vst v1  }
0x2ed: {  	v24 =	vadd.f32 v58, v24;
	v58 =	vmul.f32 v47, v19;
	v57 =	vadd.f32 v13, v34;
	[tilespmem:s19+$0x8D00] =	vst v2  }
0x2ee: {  	v29 =	vadd.f32 v60, v29;
	v61 =	vmul.f32 v47, v56;
	v60 =	vadd.f32 v55, v39;
	[tilespmem:s19+$0x8D80] =	vst v54  }
0x2ef: {  	v30 =	vadd.f32 v62, v30;
	v19 =	vmul.f32 v47, v59;
	v63 =	vadd.f32 v58, v38;
	[tilespmem:s19+$0x8E00] =	vst v57  }
0x2f0: {  	v62 =	vbroadcast v17, $0xF;
	v38 =	vmul.f32 v47, v4;
	v28 =	vadd.f32 v61, v32;
	[tilespmem:s19+$0x8E80] =	vst v60  }
0x2f1: {  	v5 =	vmul.f32 v47, v5;
	v49 =	vmul.f32 v47, v42;
	v34 =	vadd.f32 v19, v23;
	[tilespmem:s19+$0x8F00] =	vst v63  }
0x2f2: {  	v31 =	vadd.f32 v48, v31;
	v22 =	vbroadcast v18, $0xF;
	v44 =	vadd.f32 v38, v27;
	[tilespmem:s21+$0x8C00] =	vst v28  }
0x2f3: {  	v39 =	vbroadcast v6, $0xF;
	v48 =	vadd.f32 v5, v24;
	v32 =	vmul.f32 v47, v62;
	[tilespmem:s19+$0xAC00] =	vst v34  }
0x2f4: {  	v33 =	vadd.f32 v50, v33;
	v36 =	vmul.f32 v47, v22;
	v54 =	vadd.f32 v49, v30;
	[tilespmem:s19+$0xAD80] =	vst v44  }
0x2f5: {  	v50 =	vbroadcast v9, $0xF;
	v45 =	vmul.f32 v47, v39;
	v37 =	vadd.f32 v32, v25;
	[tilespmem:s19+$0xAE00] =	vst v48  }
0x2f6: {  	v35 =	vadd.f32 v52, v35;
	v52 =	vmul.f32 v47, v46;
	v41 =	vadd.f32 v36, v26;
	[tilespmem:s19+$0xAF00] =	vst v54  }
0x2f7: {  	v56 =	vbroadcast v11, $0xF;
	v55 =	vmul.f32 v47, v50;
	v51 =	vadd.f32 v45, v29;
	[tilespmem:s19+$0xAC80] =	vst v37  }
0x2f8: {  	v59 =	vbroadcast v12, $0xF;
	v58 =	vmul.f32 v47, v53;
	v57 =	vadd.f32 v52, v31;
	[tilespmem:s19+$0xAD00] =	vst v41  }
0x2f9: {  	p1 =	sne.s32 s18, $0x3F0;
	v6 =	vmul.f32 v47, v56;
	v60 =	vadd.f32 v43, v20;
	v5 =	vadd.f32 v55, v33;
	[tilespmem:s19+$0xAE80] =	vst v51  }
.Ltmp0:
0x2fa: {  	v4 =	vmul.f32 v47, v59;
	v61 =	vadd.f32 v40, v21;
	v3 =	vadd.f32 v58, v35;
	[tilespmem:s20+$0x8C00] =	vst v57;
	(pc) =	sbr.rel @p1 .LBB2_3-.Ltmp0, $4  }
0x2fb: {  	v62 =	vadd.f32 v6, v60;
	[tilespmem:s19+$0xCC00] =	vst v5  }
0x2fc: {  	v63 =	vadd.f32 v4, v61;
	[tilespmem:s19+$0xCC80] =	vst v3  }
0x2fd: {  	[tilespmem:s19+$0xCD00] =	vst v62  }
0x2fe: {  	s16 =	sadd.s32 $0x80, s16;
	s18 =	sadd.s32 $0x10, s18;
	[tilespmem:s19+$0xCD80] =	vst v63  }
0x2ff: {  	s15 =	sadd.s32 $0x1, s15  }
0x300: {  	p0 =	sne.s32 s15, $0x4  }
.Ltmp1:
0x301: {  	_ = 	snop;
	(pc) =	sbr.rel @p0 .LBB2_2-.Ltmp1, $1  }
0x302: {  	_ =	sdelay $0x3  }
0x303: {  	s14 =	sadd.s32 $0x1, s14  }
0x304: {  	p0 =	sne.s32 s14, s7  }
.Ltmp2:
0x305: {  	_ = 	snop;
	(pc) =	sbr.rel @p0 .LBB2_1-.Ltmp2, $4  }
0x306: {  	[hbm4b:s6+s2] =	stream.linear.scatter [tilespmem:s13], [sflag:$0x1], $0x6000, $0x38;
	[tilespmem:$0xEC00] =	vst v63  }
0x307: {  	_ =	swait.ge [sflag:s12], $0x6000  }
0x308: {  	[sflag:s12] =	ssyncset.done $0x0  }
0x309: {  	[sflag:s12] =	ssyncadd.s32 $0xFFFFA000  }
0x30a: {  	_ =	sfence.sel $0x180000  }
0x30b: {  	[bflag:$0x0] =	sbarrier.arrive $0xFFFF  }
0x30c: {  	p0 =	sne.s32 s0, $0x0;
	_ =	strace $0x90000047  }
0x30d: {  	s0 =	sadd.s32 @!p0 $0x100000, s1;
	[bflag:$0x2] =	sbarrier.arrive $0xFFFF  }
0x30e: {  	[sflag:s0] =	ssyncadd.tile.s32 @!p0 $0x1;
	_ =	shalt  }
.Lfunc_end2:
_tile_overlayer_lowered:
.L_overlay_start_2:
0x30f: {  	(tag) =	ssettag $0x2  }
0x310: {  	s0 =	rddreg [dreg:$0x0];
	s2 =	stileid.u32  }
0x311: {  	s1 =	rddreg [dreg:$0x1];
	p0 =	sne.s32 s2, $0x0  }
0x312: {  	s3 =	rddreg [dreg:$0x2];
	[bflag:$0x3] =	sbarrier.arrive $0xFFFF;
	s2 =	simm.s32 @!p0 $0x1C01  }
0x313: {  	[timem:s3], [sflag:s2] =	dma.local @!p0 [hbm:s0], s1  }
0x314: {  	s0 =	simm.s32 @!p0 $0x1  }
0x315: {  	_ =	swait.ge @!p0 [sflag:s0], s1  }
0x316: {  	s1 =	ssub.s32 @!p0 $0x0, s1;
	[sflag:s0] =	ssyncset.done @!p0 $0x0  }
0x317: {  	[sflag:s0] =	ssyncadd.s32 @!p0 s1  }
0x318: {  	[bflag:$0x3] =	sbarrier.arrive $0xFFFF  }
0x319: {  	_ =	shalt  }

</sc_bundles>
